<compile_context>
chip_gen: v7x
topology: tpu7x:2x2x1
jax: 0.10.2.dev20260603
libtpu: 0.0.44.dev20260713+nightly
codegen_flags: <defaults>
</compile_context>

<pallas_src>
import functools

import jax
import jax.numpy as jnp
import numpy as np
from jax import lax
from jax.experimental import pallas as pl
from jax.experimental.pallas import tpu as pltpu
from jax.experimental.pallas import tpu_sc as plsc

_N_NODES = 10000
_N_EDGES = 320000
_D_FEAT = 128
_SCALAR_DIM = 64
_R_PREV = 16
_OUT_DIM = _R_PREV + 2 * _SCALAR_DIM

_CHUNK = 128
_KSUB = 4
_SUPER = _KSUB * _CHUNK
_NC = 2
_NS = 16
_NW = _NC * _NS

_UNIT = 12800
_BLOCK_UNITS = [5, 5, 5, 5, 5]
_BLOCK_EDGES = [u * _UNIT for u in _BLOCK_UNITS]
_BLOCK_BASE = [sum(_BLOCK_EDGES[:b]) for b in range(len(_BLOCK_EDGES))]
_NB = len(_BLOCK_EDGES)

_INV_SQRT_FAN_IN = np.float32(1.0 / np.sqrt(np.float32(_D_FEAT)))


def _matmul_body(x_ref, w_ref, o_ref):
    o_ref[...] = jax.lax.dot_general(
        x_ref[...], w_ref[...],
        dimension_numbers=(((1,), (0,)), ((), ())),
        preferred_element_type=jnp.float32,
    ) * _INV_SQRT_FAN_IN


_node_linear = pl.pallas_call(
    _matmul_body,
    out_shape=jax.ShapeDtypeStruct((_N_NODES, _SCALAR_DIM), jnp.float32),
)


def _gather_body(base, n_supers, feat, esrc, edst, gb, isrc_v, idst_v, rsrc_v,
                 rdst_v, sem_idx, sem_g, sem_wr):
    wid = lax.axis_index("s") * _NC + lax.axis_index("c")

    def body(s, carry):
        sid = s * _NW + wid

        @pl.when(sid < n_supers)
        def _():
            r0 = sid * _SUPER
            e0 = base + r0
            cin = []
            for j in range(_KSUB):
                cin.append(pltpu.make_async_copy(
                    esrc.at[pl.ds(e0 + j * _CHUNK, _CHUNK)], isrc_v.at[j], sem_idx))
                cin.append(pltpu.make_async_copy(
                    edst.at[pl.ds(e0 + j * _CHUNK, _CHUNK)], idst_v.at[j], sem_idx))
            for c in cin:
                c.start()
            for c in cin:
                c.wait()
            cg = []
            for j in range(_KSUB):
                rows = pl.ds(j * _CHUNK, _CHUNK)
                cg.append(pltpu.make_async_copy(
                    feat.at[isrc_v.at[j]], rsrc_v.at[rows, :], sem_g))
                cg.append(pltpu.make_async_copy(
                    feat.at[idst_v.at[j]], rdst_v.at[rows, :], sem_g))
            for c in cg:
                c.start()
            for c in cg:
                c.wait()
            cw = [
                pltpu.make_async_copy(
                    rsrc_v, gb.at[pl.ds(r0, _SUPER), pl.ds(0, _SCALAR_DIM)], sem_wr),
                pltpu.make_async_copy(
                    rdst_v, gb.at[pl.ds(r0, _SUPER), pl.ds(_SCALAR_DIM, _SCALAR_DIM)], sem_wr),
            ]
            for c in cw:
                c.start()
            for c in cw:
                c.wait()

        return carry

    iters = (n_supers + _NW - 1) // _NW
    lax.fori_loop(0, iters, body, 0)


def _make_gather(b):
    n_supers = _BLOCK_EDGES[b] // _SUPER
    return functools.partial(
        pl.kernel,
        out_type=jax.ShapeDtypeStruct((_BLOCK_EDGES[b], 2 * _SCALAR_DIM), jnp.float32),
        mesh=plsc.VectorSubcoreMesh(
            core_axis_name="c", subcore_axis_name="s", num_cores=_NC, num_subcores=_NS
        ),
        scratch_types=[
            pltpu.VMEM((_KSUB, _CHUNK), jnp.int32),
            pltpu.VMEM((_KSUB, _CHUNK), jnp.int32),
            pltpu.VMEM((_SUPER, _SCALAR_DIM), jnp.float32),
            pltpu.VMEM((_SUPER, _SCALAR_DIM), jnp.float32),
            pltpu.SemaphoreType.DMA,
            pltpu.SemaphoreType.DMA,
            pltpu.SemaphoreType.DMA,
        ],
        compiler_params=pltpu.CompilerParams(use_tc_tiling_on_sc=False),
    )(functools.partial(_gather_body, _BLOCK_BASE[b], n_supers))


_gathers = [_make_gather(b) for b in range(_NB)]


_CB = 6400


def _concat_body(p_ref, b_ref, o_ref):
    o_ref[0:_R_PREV, :] = p_ref[...]
    o_ref[_R_PREV:_OUT_DIM, :] = b_ref[...].T


def _concat_body_alias(a_ref, p_ref, b_ref, o_ref):
    del a_ref
    o_ref[0:_R_PREV, :] = p_ref[...]
    o_ref[_R_PREV:_OUT_DIM, :] = b_ref[...].T


def _make_concat(b):
    base = _BLOCK_BASE[b] // _CB
    gsteps = _BLOCK_EDGES[b] // _CB
    if b == 0:
        return pl.pallas_call(
            _concat_body,
            grid=(gsteps,),
            in_specs=[
                pl.BlockSpec((_R_PREV, _CB), lambda i: (0, base + i)),
                pl.BlockSpec((_CB, 2 * _SCALAR_DIM), lambda i: (i, 0)),
            ],
            out_specs=pl.BlockSpec((_OUT_DIM, _CB), lambda i: (0, base + i)),
            out_shape=jax.ShapeDtypeStruct((_OUT_DIM, _N_EDGES), jnp.float32),
        )
    return pl.pallas_call(
        _concat_body_alias,
        grid=(gsteps,),
        in_specs=[
            pl.BlockSpec(memory_space=pl.ANY),
            pl.BlockSpec((_R_PREV, _CB), lambda i: (0, base + i)),
            pl.BlockSpec((_CB, 2 * _SCALAR_DIM), lambda i: (i, 0)),
        ],
        out_specs=pl.BlockSpec((_OUT_DIM, _CB), lambda i: (0, base + i)),
        out_shape=jax.ShapeDtypeStruct((_OUT_DIM, _N_EDGES), jnp.float32),
        input_output_aliases={0: 0},
    )


_concats = [_make_concat(b) for b in range(_NB)]


@jax.jit
def kernel(x, radial_weights_prev, edge_index, W):
    feat = _node_linear(x, W)
    edge_src = edge_index[1]
    edge_dst = edge_index[0]
    prev_t = radial_weights_prev.T
    gbs = [_gathers[b](feat, edge_src, edge_dst) for b in range(_NB)]
    out_t = _concats[0](prev_t, gbs[0])
    for b in range(1, _NB):
        out_t = _concats[b](out_t, prev_t, gbs[b])
    return out_t.T

# --- scband reference (transcript-rebuilt; emitter-appended) ---
"""Pipeline reference for scband-element-dependent-radial-weights-86251533238573 (READ-ONLY COPY).

The authoritative reference and input builder live on the scoring server;
editing this copy changes nothing except your own understanding.
"""

import jax, jax.numpy as jnp
import numpy as np

N_NODES = 10000
N_EDGES = 320000
D_FEAT = 128
SCALAR_DIM = 64
R_PREV = 16


def setup_inputs(seed: int = 0) -> dict:
    key = jax.random.key(seed)
    k1, k2, k3, k4 = jax.random.split(key, 4)
    x = jax.random.normal(k1, (N_NODES, D_FEAT), dtype=jnp.float32)
    radial_weights_prev = jax.random.normal(k2, (N_EDGES, R_PREV), dtype=jnp.float32)
    edge_index = jax.random.randint(k3, (2, N_EDGES), 0, N_NODES, dtype=jnp.int32)
    # e3nn Linear on '128x0e' -> '64x0e' is a plain dense matrix, path-normalized by sqrt(fan_in)
    W = jax.random.normal(k4, (D_FEAT, SCALAR_DIM), dtype=jnp.float32)
    return {"x": x, "radial_weights_prev": radial_weights_prev, "edge_index": edge_index, "W": W}


def reference(x, radial_weights_prev, edge_index, W):
    # Linear(irreps_x -> scalar irreps), e3nn normalizes by 1/sqrt(fan_in)
    scalar_node_features = (x @ W) / jnp.sqrt(jnp.asarray(D_FEAT, dtype=x.dtype))
    edge_src = edge_index[1]
    edge_dst = edge_index[0]
    gathered_src = jnp.take(scalar_node_features, edge_src, axis=0)
    gathered_dst = jnp.take(scalar_node_features, edge_dst, axis=0)
    radial_weights_new = jnp.concatenate([radial_weights_prev, gathered_src, gathered_dst], axis=-1)
    return radial_weights_new

if __name__ == "__main__":
    import jax
    _d = setup_inputs()
    print(jax.jit(kernel)(*tuple(_d.values())))

</pallas_src>

<mosaic_0001>
#map = affine_map<(d0, d1) -> (0, 0)>
#map1 = affine_map<(d0, d1) -> (0)>
module attributes {stable_mosaic.version = 14 : i64} {
  func.func @_gather_body(%arg0: i32, %arg1: i32, %arg2: memref<10000x64xf32, #tpu.memory_space<hbm>>, %arg3: memref<320000xi32, #tpu.memory_space<hbm>>, %arg4: memref<320000xi32, #tpu.memory_space<hbm>>, %arg5: memref<64000x128xf32, #tpu.memory_space<hbm>>, %arg6: memref<4x128xi32, #tpu.memory_space<vmem>>, %arg7: memref<4x128xi32, #tpu.memory_space<vmem>>, %arg8: memref<512x64xf32, #tpu.memory_space<vmem>>, %arg9: memref<512x64xf32, #tpu.memory_space<vmem>>, %arg10: memref<!tpu.dma_semaphore, #tpu.memory_space<semaphore_mem>>, %arg11: memref<!tpu.dma_semaphore, #tpu.memory_space<semaphore_mem>>, %arg12: memref<!tpu.dma_semaphore, #tpu.memory_space<semaphore_mem>>) attributes {dimension_semantics = [#tpu.dimension_semantics<core_parallel>, #tpu.dimension_semantics<subcore_parallel>], iteration_bounds = array<i64: 2, 16>, scalar_prefetch = 0 : i64, scratch_operands = 7 : i64, tpu.core_type = #tpu.core_type<sc_vector_subcore>, window_params = [{transform_indices = #map}, {transform_indices = #map1}, {transform_indices = #map1}, {transform_indices = #map}]} {
    %mul3A = arith.constant 2 : i32
    %mul3A_0 = arith.muli %arg1, %mul3A : i32
    %add3A = arith.addi %mul3A_0, %arg0 : i32
    %scan3A = arith.constant 0 : i32
    %scan3A_1 = arith.constant 0 : i32
    %scan3A_2 = arith.constant 4 : i32
    %scan3A_3 = arith.addi %scan3A_1, %scan3A_2 : i32
    %scan3A_4 = arith.constant 1 : i32
    scf.for %scan3A_6 = %scan3A_1 to %scan3A_3 step %scan3A_4  : i32 {
      %mul3A_7 = arith.constant 32 : i32
      %mul3A_8 = arith.muli %scan3A_6, %mul3A_7 : i32
      %add3A_9 = arith.addi %mul3A_8, %add3A : i32
      %lt3A = arith.constant 125 : i32
      %lt3A_10 = arith.cmpi slt, %add3A_9, %lt3A : i32
      %convert_element_type3A = arith.extui %lt3A_10 : i1 to i32
      %cond3A = arith.constant 0 : i32
      %cond3A_11 = arith.cmpi ne, %convert_element_type3A, %cond3A : i32
      scf.if %cond3A_11 {
        %mul3A_12 = arith.constant 512 : i32
        %mul3A_13 = arith.muli %add3A_9, %mul3A_12 : i32
        %add3A_14 = arith.constant 0 : i32
        %add3A_15 = arith.addi %add3A_14, %mul3A_13 : i32
        %add3A_16 = arith.constant 0 : i32
        %add3A_17 = arith.addi %add3A_15, %add3A_16 : i32
        %add3A_18 = arith.constant 0 : i32
        %add3A_19 = arith.addi %add3A_15, %add3A_18 : i32
        %add3A_20 = arith.constant 128 : i32
        %add3A_21 = arith.addi %add3A_15, %add3A_20 : i32
        %add3A_22 = arith.constant 128 : i32
        %add3A_23 = arith.addi %add3A_15, %add3A_22 : i32
        %add3A_24 = arith.constant 256 : i32
        %add3A_25 = arith.addi %add3A_15, %add3A_24 : i32
        %add3A_26 = arith.constant 256 : i32
        %add3A_27 = arith.addi %add3A_15, %add3A_26 : i32
        %add3A_28 = arith.constant 384 : i32
        %add3A_29 = arith.addi %add3A_15, %add3A_28 : i32
        %add3A_30 = arith.constant 384 : i32
        %add3A_31 = arith.addi %add3A_15, %add3A_30 : i32
        %dma_start3A = arith.constant 0 : i32
        %dma_start3A_32 = arith.constant 0 : i32
        %dma_start3A_33 = tpu.memref_slice %arg6[%dma_start3A, %dma_start3A_32] : memref<4x128xi32, #tpu.memory_space<vmem>> -> memref<1x128xi32, #tpu.memory_space<vmem>>
        %dma_start3A_34 = tpu.memref_squeeze %dma_start3A_33 : memref<1x128xi32, #tpu.memory_space<vmem>> -> memref<128xi32, #tpu.memory_space<vmem>>
        %dma_start3A_35 = tpu.memref_slice %arg3[%add3A_17] : memref<320000xi32, #tpu.memory_space<hbm>> -> memref<128xi32, #tpu.memory_space<hbm>>
        %dma_start3A_36 = arith.constant 0 : i32
        %dma_start3A_37 = tpu.memref_slice %arg6[%dma_start3A, %dma_start3A_36] : memref<4x128xi32, #tpu.memory_space<vmem>> -> memref<1x128xi32, #tpu.memory_space<vmem>>
        %dma_start3A_38 = tpu.memref_squeeze %dma_start3A_37 : memref<1x128xi32, #tpu.memory_space<vmem>> -> memref<128xi32, #tpu.memory_space<vmem>>
        %dma_start3A_39 = tpu.memref_slice %arg3[%add3A_17] : memref<320000xi32, #tpu.memory_space<hbm>> -> memref<128xi32, #tpu.memory_space<hbm>>
        tpu.enqueue_dma source(%dma_start3A_39 : memref<128xi32, #tpu.memory_space<hbm>>) target(%dma_start3A_38 : memref<128xi32, #tpu.memory_space<vmem>>) target_semaphore(%arg10 : memref<!tpu.dma_semaphore, #tpu.memory_space<semaphore_mem>>)
        %dma_start3A_40 = arith.constant 0 : i32
        %dma_start3A_41 = arith.constant 0 : i32
        %dma_start3A_42 = tpu.memref_slice %arg7[%dma_start3A_40, %dma_start3A_41] : memref<4x128xi32, #tpu.memory_space<vmem>> -> memref<1x128xi32, #tpu.memory_space<vmem>>
        %dma_start3A_43 = tpu.memref_squeeze %dma_start3A_42 : memref<1x128xi32, #tpu.memory_space<vmem>> -> memref<128xi32, #tpu.memory_space<vmem>>
        %dma_start3A_44 = tpu.memref_slice %arg4[%add3A_19] : memref<320000xi32, #tpu.memory_space<hbm>> -> memref<128xi32, #tpu.memory_space<hbm>>
        %dma_start3A_45 = arith.constant 0 : i32
        %dma_start3A_46 = tpu.memref_slice %arg7[%dma_start3A_40, %dma_start3A_45] : memref<4x128xi32, #tpu.memory_space<vmem>> -> memref<1x128xi32, #tpu.memory_space<vmem>>
        %dma_start3A_47 = tpu.memref_squeeze %dma_start3A_46 : memref<1x128xi32, #tpu.memory_space<vmem>> -> memref<128xi32, #tpu.memory_space<vmem>>
        %dma_start3A_48 = tpu.memref_slice %arg4[%add3A_19] : memref<320000xi32, #tpu.memory_space<hbm>> -> memref<128xi32, #tpu.memory_space<hbm>>
        tpu.enqueue_dma source(%dma_start3A_48 : memref<128xi32, #tpu.memory_space<hbm>>) target(%dma_start3A_47 : memref<128xi32, #tpu.memory_space<vmem>>) target_semaphore(%arg10 : memref<!tpu.dma_semaphore, #tpu.memory_space<semaphore_mem>>)
        %dma_start3A_49 = arith.constant 1 : i32
        %dma_start3A_50 = arith.constant 0 : i32
        %dma_start3A_51 = tpu.memref_slice %arg6[%dma_start3A_49, %dma_start3A_50] : memref<4x128xi32, #tpu.memory_space<vmem>> -> memref<1x128xi32, #tpu.memory_space<vmem>>
        %dma_start3A_52 = tpu.memref_squeeze %dma_start3A_51 : memref<1x128xi32, #tpu.memory_space<vmem>> -> memref<128xi32, #tpu.memory_space<vmem>>
        %dma_start3A_53 = tpu.memref_slice %arg3[%add3A_21] : memref<320000xi32, #tpu.memory_space<hbm>> -> memref<128xi32, #tpu.memory_space<hbm>>
        %dma_start3A_54 = arith.constant 0 : i32
        %dma_start3A_55 = tpu.memref_slice %arg6[%dma_start3A_49, %dma_start3A_54] : memref<4x128xi32, #tpu.memory_space<vmem>> -> memref<1x128xi32, #tpu.memory_space<vmem>>
        %dma_start3A_56 = tpu.memref_squeeze %dma_start3A_55 : memref<1x128xi32, #tpu.memory_space<vmem>> -> memref<128xi32, #tpu.memory_space<vmem>>
        %dma_start3A_57 = tpu.memref_slice %arg3[%add3A_21] : memref<320000xi32, #tpu.memory_space<hbm>> -> memref<128xi32, #tpu.memory_space<hbm>>
        tpu.enqueue_dma source(%dma_start3A_57 : memref<128xi32, #tpu.memory_space<hbm>>) target(%dma_start3A_56 : memref<128xi32, #tpu.memory_space<vmem>>) target_semaphore(%arg10 : memref<!tpu.dma_semaphore, #tpu.memory_space<semaphore_mem>>)
        %dma_start3A_58 = arith.constant 1 : i32
        %dma_start3A_59 = arith.constant 0 : i32
        %dma_start3A_60 = tpu.memref_slice %arg7[%dma_start3A_58, %dma_start3A_59] : memref<4x128xi32, #tpu.memory_space<vmem>> -> memref<1x128xi32, #tpu.memory_space<vmem>>
        %dma_start3A_61 = tpu.memref_squeeze %dma_start3A_60 : memref<1x128xi32, #tpu.memory_space<vmem>> -> memref<128xi32, #tpu.memory_space<vmem>>
        %dma_start3A_62 = tpu.memref_slice %arg4[%add3A_23] : memref<320000xi32, #tpu.memory_space<hbm>> -> memref<128xi32, #tpu.memory_space<hbm>>
        %dma_start3A_63 = arith.constant 0 : i32
        %dma_start3A_64 = tpu.memref_slice %arg7[%dma_start3A_58, %dma_start3A_63] : memref<4x128xi32, #tpu.memory_space<vmem>> -> memref<1x128xi32, #tpu.memory_space<vmem>>
        %dma_start3A_65 = tpu.memref_squeeze %dma_start3A_64 : memref<1x128xi32, #tpu.memory_space<vmem>> -> memref<128xi32, #tpu.memory_space<vmem>>
        %dma_start3A_66 = tpu.memref_slice %arg4[%add3A_23] : memref<320000xi32, #tpu.memory_space<hbm>> -> memref<128xi32, #tpu.memory_space<hbm>>
        tpu.enqueue_dma source(%dma_start3A_66 : memref<128xi32, #tpu.memory_space<hbm>>) target(%dma_start3A_65 : memref<128xi32, #tpu.memory_space<vmem>>) target_semaphore(%arg10 : memref<!tpu.dma_semaphore, #tpu.memory_space<semaphore_mem>>)
        %dma_start3A_67 = arith.constant 2 : i32
        %dma_start3A_68 = arith.constant 0 : i32
        %dma_start3A_69 = tpu.memref_slice %arg6[%dma_start3A_67, %dma_start3A_68] : memref<4x128xi32, #tpu.memory_space<vmem>> -> memref<1x128xi32, #tpu.memory_space<vmem>>
        %dma_start3A_70 = tpu.memref_squeeze %dma_start3A_69 : memref<1x128xi32, #tpu.memory_space<vmem>> -> memref<128xi32, #tpu.memory_space<vmem>>
        %dma_start3A_71 = tpu.memref_slice %arg3[%add3A_25] : memref<320000xi32, #tpu.memory_space<hbm>> -> memref<128xi32, #tpu.memory_space<hbm>>
        %dma_start3A_72 = arith.constant 0 : i32
        %dma_start3A_73 = tpu.memref_slice %arg6[%dma_start3A_67, %dma_start3A_72] : memref<4x128xi32, #tpu.memory_space<vmem>> -> memref<1x128xi32, #tpu.memory_space<vmem>>
        %dma_start3A_74 = tpu.memref_squeeze %dma_start3A_73 : memref<1x128xi32, #tpu.memory_space<vmem>> -> memref<128xi32, #tpu.memory_space<vmem>>
        %dma_start3A_75 = tpu.memref_slice %arg3[%add3A_25] : memref<320000xi32, #tpu.memory_space<hbm>> -> memref<128xi32, #tpu.memory_space<hbm>>
        tpu.enqueue_dma source(%dma_start3A_75 : memref<128xi32, #tpu.memory_space<hbm>>) target(%dma_start3A_74 : memref<128xi32, #tpu.memory_space<vmem>>) target_semaphore(%arg10 : memref<!tpu.dma_semaphore, #tpu.memory_space<semaphore_mem>>)
        %dma_start3A_76 = arith.constant 2 : i32
        %dma_start3A_77 = arith.constant 0 : i32
        %dma_start3A_78 = tpu.memref_slice %arg7[%dma_start3A_76, %dma_start3A_77] : memref<4x128xi32, #tpu.memory_space<vmem>> -> memref<1x128xi32, #tpu.memory_space<vmem>>
        %dma_start3A_79 = tpu.memref_squeeze %dma_start3A_78 : memref<1x128xi32, #tpu.memory_space<vmem>> -> memref<128xi32, #tpu.memory_space<vmem>>
        %dma_start3A_80 = tpu.memref_slice %arg4[%add3A_27] : memref<320000xi32, #tpu.memory_space<hbm>> -> memref<128xi32, #tpu.memory_space<hbm>>
        %dma_start3A_81 = arith.constant 0 : i32
        %dma_start3A_82 = tpu.memref_slice %arg7[%dma_start3A_76, %dma_start3A_81] : memref<4x128xi32, #tpu.memory_space<vmem>> -> memref<1x128xi32, #tpu.memory_space<vmem>>
        %dma_start3A_83 = tpu.memref_squeeze %dma_start3A_82 : memref<1x128xi32, #tpu.memory_space<vmem>> -> memref<128xi32, #tpu.memory_space<vmem>>
        %dma_start3A_84 = tpu.memref_slice %arg4[%add3A_27] : memref<320000xi32, #tpu.memory_space<hbm>> -> memref<128xi32, #tpu.memory_space<hbm>>
        tpu.enqueue_dma source(%dma_start3A_84 : memref<128xi32, #tpu.memory_space<hbm>>) target(%dma_start3A_83 : memref<128xi32, #tpu.memory_space<vmem>>) target_semaphore(%arg10 : memref<!tpu.dma_semaphore, #tpu.memory_space<semaphore_mem>>)
        %dma_start3A_85 = arith.constant 3 : i32
        %dma_start3A_86 = arith.constant 0 : i32
        %dma_start3A_87 = tpu.memref_slice %arg6[%dma_start3A_85, %dma_start3A_86] : memref<4x128xi32, #tpu.memory_space<vmem>> -> memref<1x128xi32, #tpu.memory_space<vmem>>
        %dma_start3A_88 = tpu.memref_squeeze %dma_start3A_87 : memref<1x128xi32, #tpu.memory_space<vmem>> -> memref<128xi32, #tpu.memory_space<vmem>>
        %dma_start3A_89 = tpu.memref_slice %arg3[%add3A_29] : memref<320000xi32, #tpu.memory_space<hbm>> -> memref<128xi32, #tpu.memory_space<hbm>>
        %dma_start3A_90 = arith.constant 0 : i32
        %dma_start3A_91 = tpu.memref_slice %arg6[%dma_start3A_85, %dma_start3A_90] : memref<4x128xi32, #tpu.memory_space<vmem>> -> memref<1x128xi32, #tpu.memory_space<vmem>>
        %dma_start3A_92 = tpu.memref_squeeze %dma_start3A_91 : memref<1x128xi32, #tpu.memory_space<vmem>> -> memref<128xi32, #tpu.memory_space<vmem>>
        %dma_start3A_93 = tpu.memref_slice %arg3[%add3A_29] : memref<320000xi32, #tpu.memory_space<hbm>> -> memref<128xi32, #tpu.memory_space<hbm>>
        tpu.enqueue_dma source(%dma_start3A_93 : memref<128xi32, #tpu.memory_space<hbm>>) target(%dma_start3A_92 : memref<128xi32, #tpu.memory_space<vmem>>) target_semaphore(%arg10 : memref<!tpu.dma_semaphore, #tpu.memory_space<semaphore_mem>>)
        %dma_start3A_94 = arith.constant 3 : i32
        %dma_start3A_95 = arith.constant 0 : i32
        %dma_start3A_96 = tpu.memref_slice %arg7[%dma_start3A_94, %dma_start3A_95] : memref<4x128xi32, #tpu.memory_space<vmem>> -> memref<1x128xi32, #tpu.memory_space<vmem>>
        %dma_start3A_97 = tpu.memref_squeeze %dma_start3A_96 : memref<1x128xi32, #tpu.memory_space<vmem>> -> memref<128xi32, #tpu.memory_space<vmem>>
        %dma_start3A_98 = tpu.memref_slice %arg4[%add3A_31] : memref<320000xi32, #tpu.memory_space<hbm>> -> memref<128xi32, #tpu.memory_space<hbm>>
        %dma_start3A_99 = arith.constant 0 : i32
        %dma_start3A_100 = tpu.memref_slice %arg7[%dma_start3A_94, %dma_start3A_99] : memref<4x128xi32, #tpu.memory_space<vmem>> -> memref<1x128xi32, #tpu.memory_space<vmem>>
        %dma_start3A_101 = tpu.memref_squeeze %dma_start3A_100 : memref<1x128xi32, #tpu.memory_space<vmem>> -> memref<128xi32, #tpu.memory_space<vmem>>
        %dma_start3A_102 = tpu.memref_slice %arg4[%add3A_31] : memref<320000xi32, #tpu.memory_space<hbm>> -> memref<128xi32, #tpu.memory_space<hbm>>
        tpu.enqueue_dma source(%dma_start3A_102 : memref<128xi32, #tpu.memory_space<hbm>>) target(%dma_start3A_101 : memref<128xi32, #tpu.memory_space<vmem>>) target_semaphore(%arg10 : memref<!tpu.dma_semaphore, #tpu.memory_space<semaphore_mem>>)
        %dma_wait3A = arith.constant 0 : i32
        %dma_wait3A_103 = arith.constant 0 : i32
        %dma_wait3A_104 = tpu.memref_slice %arg6[%dma_wait3A, %dma_wait3A_103] : memref<4x128xi32, #tpu.memory_space<vmem>> -> memref<1x128xi32, #tpu.memory_space<vmem>>
        %dma_wait3A_105 = tpu.memref_squeeze %dma_wait3A_104 : memref<1x128xi32, #tpu.memory_space<vmem>> -> memref<128xi32, #tpu.memory_space<vmem>>
        %dma_wait3A_106 = tpu.memref_slice %arg3[%add3A_17] : memref<320000xi32, #tpu.memory_space<hbm>> -> memref<128xi32, #tpu.memory_space<hbm>>
        %dma_wait3A_107 = arith.constant 0 : i32
        %dma_wait3A_108 = tpu.memref_slice %arg6[%dma_wait3A, %dma_wait3A_107] : memref<4x128xi32, #tpu.memory_space<vmem>> -> memref<1x128xi32, #tpu.memory_space<vmem>>
        %dma_wait3A_109 = tpu.memref_squeeze %dma_wait3A_108 : memref<1x128xi32, #tpu.memory_space<vmem>> -> memref<128xi32, #tpu.memory_space<vmem>>
        %dma_wait3A_110 = tpu.memref_slice %arg3[%add3A_17] : memref<320000xi32, #tpu.memory_space<hbm>> -> memref<128xi32, #tpu.memory_space<hbm>>
        tpu.wait_dma2 semaphore(%arg10 : memref<!tpu.dma_semaphore, #tpu.memory_space<semaphore_mem>>) src(%dma_wait3A_110 : memref<128xi32, #tpu.memory_space<hbm>>) dst(%dma_wait3A_109 : memref<128xi32, #tpu.memory_space<vmem>>)
        %dma_wait3A_111 = arith.constant 0 : i32
        %dma_wait3A_112 = arith.constant 0 : i32
        %dma_wait3A_113 = tpu.memref_slice %arg7[%dma_wait3A_111, %dma_wait3A_112] : memref<4x128xi32, #tpu.memory_space<vmem>> -> memref<1x128xi32, #tpu.memory_space<vmem>>
        %dma_wait3A_114 = tpu.memref_squeeze %dma_wait3A_113 : memref<1x128xi32, #tpu.memory_space<vmem>> -> memref<128xi32, #tpu.memory_space<vmem>>
        %dma_wait3A_115 = tpu.memref_slice %arg4[%add3A_19] : memref<320000xi32, #tpu.memory_space<hbm>> -> memref<128xi32, #tpu.memory_space<hbm>>
        %dma_wait3A_116 = arith.constant 0 : i32
        %dma_wait3A_117 = tpu.memref_slice %arg7[%dma_wait3A_111, %dma_wait3A_116] : memref<4x128xi32, #tpu.memory_space<vmem>> -> memref<1x128xi32, #tpu.memory_space<vmem>>
        %dma_wait3A_118 = tpu.memref_squeeze %dma_wait3A_117 : memref<1x128xi32, #tpu.memory_space<vmem>> -> memref<128xi32, #tpu.memory_space<vmem>>
        %dma_wait3A_119 = tpu.memref_slice %arg4[%add3A_19] : memref<320000xi32, #tpu.memory_space<hbm>> -> memref<128xi32, #tpu.memory_space<hbm>>
        tpu.wait_dma2 semaphore(%arg10 : memref<!tpu.dma_semaphore, #tpu.memory_space<semaphore_mem>>) src(%dma_wait3A_119 : memref<128xi32, #tpu.memory_space<hbm>>) dst(%dma_wait3A_118 : memref<128xi32, #tpu.memory_space<vmem>>)
        %dma_wait3A_120 = arith.constant 1 : i32
        %dma_wait3A_121 = arith.constant 0 : i32
        %dma_wait3A_122 = tpu.memref_slice %arg6[%dma_wait3A_120, %dma_wait3A_121] : memref<4x128xi32, #tpu.memory_space<vmem>> -> memref<1x128xi32, #tpu.memory_space<vmem>>
        %dma_wait3A_123 = tpu.memref_squeeze %dma_wait3A_122 : memref<1x128xi32, #tpu.memory_space<vmem>> -> memref<128xi32, #tpu.memory_space<vmem>>
        %dma_wait3A_124 = tpu.memref_slice %arg3[%add3A_21] : memref<320000xi32, #tpu.memory_space<hbm>> -> memref<128xi32, #tpu.memory_space<hbm>>
        %dma_wait3A_125 = arith.constant 0 : i32
        %dma_wait3A_126 = tpu.memref_slice %arg6[%dma_wait3A_120, %dma_wait3A_125] : memref<4x128xi32, #tpu.memory_space<vmem>> -> memref<1x128xi32, #tpu.memory_space<vmem>>
        %dma_wait3A_127 = tpu.memref_squeeze %dma_wait3A_126 : memref<1x128xi32, #tpu.memory_space<vmem>> -> memref<128xi32, #tpu.memory_space<vmem>>
        %dma_wait3A_128 = tpu.memref_slice %arg3[%add3A_21] : memref<320000xi32, #tpu.memory_space<hbm>> -> memref<128xi32, #tpu.memory_space<hbm>>
        tpu.wait_dma2 semaphore(%arg10 : memref<!tpu.dma_semaphore, #tpu.memory_space<semaphore_mem>>) src(%dma_wait3A_128 : memref<128xi32, #tpu.memory_space<hbm>>) dst(%dma_wait3A_127 : memref<128xi32, #tpu.memory_space<vmem>>)
        %dma_wait3A_129 = arith.constant 1 : i32
        %dma_wait3A_130 = arith.constant 0 : i32
        %dma_wait3A_131 = tpu.memref_slice %arg7[%dma_wait3A_129, %dma_wait3A_130] : memref<4x128xi32, #tpu.memory_space<vmem>> -> memref<1x128xi32, #tpu.memory_space<vmem>>
        %dma_wait3A_132 = tpu.memref_squeeze %dma_wait3A_131 : memref<1x128xi32, #tpu.memory_space<vmem>> -> memref<128xi32, #tpu.memory_space<vmem>>
        %dma_wait3A_133 = tpu.memref_slice %arg4[%add3A_23] : memref<320000xi32, #tpu.memory_space<hbm>> -> memref<128xi32, #tpu.memory_space<hbm>>
        %dma_wait3A_134 = arith.constant 0 : i32
        %dma_wait3A_135 = tpu.memref_slice %arg7[%dma_wait3A_129, %dma_wait3A_134] : memref<4x128xi32, #tpu.memory_space<vmem>> -> memref<1x128xi32, #tpu.memory_space<vmem>>
        %dma_wait3A_136 = tpu.memref_squeeze %dma_wait3A_135 : memref<1x128xi32, #tpu.memory_space<vmem>> -> memref<128xi32, #tpu.memory_space<vmem>>
        %dma_wait3A_137 = tpu.memref_slice %arg4[%add3A_23] : memref<320000xi32, #tpu.memory_space<hbm>> -> memref<128xi32, #tpu.memory_space<hbm>>
        tpu.wait_dma2 semaphore(%arg10 : memref<!tpu.dma_semaphore, #tpu.memory_space<semaphore_mem>>) src(%dma_wait3A_137 : memref<128xi32, #tpu.memory_space<hbm>>) dst(%dma_wait3A_136 : memref<128xi32, #tpu.memory_space<vmem>>)
        %dma_wait3A_138 = arith.constant 2 : i32
        %dma_wait3A_139 = arith.constant 0 : i32
        %dma_wait3A_140 = tpu.memref_slice %arg6[%dma_wait3A_138, %dma_wait3A_139] : memref<4x128xi32, #tpu.memory_space<vmem>> -> memref<1x128xi32, #tpu.memory_space<vmem>>
        %dma_wait3A_141 = tpu.memref_squeeze %dma_wait3A_140 : memref<1x128xi32, #tpu.memory_space<vmem>> -> memref<128xi32, #tpu.memory_space<vmem>>
        %dma_wait3A_142 = tpu.memref_slice %arg3[%add3A_25] : memref<320000xi32, #tpu.memory_space<hbm>> -> memref<128xi32, #tpu.memory_space<hbm>>
        %dma_wait3A_143 = arith.constant 0 : i32
        %dma_wait3A_144 = tpu.memref_slice %arg6[%dma_wait3A_138, %dma_wait3A_143] : memref<4x128xi32, #tpu.memory_space<vmem>> -> memref<1x128xi32, #tpu.memory_space<vmem>>
        %dma_wait3A_145 = tpu.memref_squeeze %dma_wait3A_144 : memref<1x128xi32, #tpu.memory_space<vmem>> -> memref<128xi32, #tpu.memory_space<vmem>>
        %dma_wait3A_146 = tpu.memref_slice %arg3[%add3A_25] : memref<320000xi32, #tpu.memory_space<hbm>> -> memref<128xi32, #tpu.memory_space<hbm>>
        tpu.wait_dma2 semaphore(%arg10 : memref<!tpu.dma_semaphore, #tpu.memory_space<semaphore_mem>>) src(%dma_wait3A_146 : memref<128xi32, #tpu.memory_space<hbm>>) dst(%dma_wait3A_145 : memref<128xi32, #tpu.memory_space<vmem>>)
        %dma_wait3A_147 = arith.constant 2 : i32
        %dma_wait3A_148 = arith.constant 0 : i32
        %dma_wait3A_149 = tpu.memref_slice %arg7[%dma_wait3A_147, %dma_wait3A_148] : memref<4x128xi32, #tpu.memory_space<vmem>> -> memref<1x128xi32, #tpu.memory_space<vmem>>
        %dma_wait3A_150 = tpu.memref_squeeze %dma_wait3A_149 : memref<1x128xi32, #tpu.memory_space<vmem>> -> memref<128xi32, #tpu.memory_space<vmem>>
        %dma_wait3A_151 = tpu.memref_slice %arg4[%add3A_27] : memref<320000xi32, #tpu.memory_space<hbm>> -> memref<128xi32, #tpu.memory_space<hbm>>
        %dma_wait3A_152 = arith.constant 0 : i32
        %dma_wait3A_153 = tpu.memref_slice %arg7[%dma_wait3A_147, %dma_wait3A_152] : memref<4x128xi32, #tpu.memory_space<vmem>> -> memref<1x128xi32, #tpu.memory_space<vmem>>
        %dma_wait3A_154 = tpu.memref_squeeze %dma_wait3A_153 : memref<1x128xi32, #tpu.memory_space<vmem>> -> memref<128xi32, #tpu.memory_space<vmem>>
        %dma_wait3A_155 = tpu.memref_slice %arg4[%add3A_27] : memref<320000xi32, #tpu.memory_space<hbm>> -> memref<128xi32, #tpu.memory_space<hbm>>
        tpu.wait_dma2 semaphore(%arg10 : memref<!tpu.dma_semaphore, #tpu.memory_space<semaphore_mem>>) src(%dma_wait3A_155 : memref<128xi32, #tpu.memory_space<hbm>>) dst(%dma_wait3A_154 : memref<128xi32, #tpu.memory_space<vmem>>)
        %dma_wait3A_156 = arith.constant 3 : i32
        %dma_wait3A_157 = arith.constant 0 : i32
        %dma_wait3A_158 = tpu.memref_slice %arg6[%dma_wait3A_156, %dma_wait3A_157] : memref<4x128xi32, #tpu.memory_space<vmem>> -> memref<1x128xi32, #tpu.memory_space<vmem>>
        %dma_wait3A_159 = tpu.memref_squeeze %dma_wait3A_158 : memref<1x128xi32, #tpu.memory_space<vmem>> -> memref<128xi32, #tpu.memory_space<vmem>>
        %dma_wait3A_160 = tpu.memref_slice %arg3[%add3A_29] : memref<320000xi32, #tpu.memory_space<hbm>> -> memref<128xi32, #tpu.memory_space<hbm>>
        %dma_wait3A_161 = arith.constant 0 : i32
        %dma_wait3A_162 = tpu.memref_slice %arg6[%dma_wait3A_156, %dma_wait3A_161] : memref<4x128xi32, #tpu.memory_space<vmem>> -> memref<1x128xi32, #tpu.memory_space<vmem>>
        %dma_wait3A_163 = tpu.memref_squeeze %dma_wait3A_162 : memref<1x128xi32, #tpu.memory_space<vmem>> -> memref<128xi32, #tpu.memory_space<vmem>>
        %dma_wait3A_164 = tpu.memref_slice %arg3[%add3A_29] : memref<320000xi32, #tpu.memory_space<hbm>> -> memref<128xi32, #tpu.memory_space<hbm>>
        tpu.wait_dma2 semaphore(%arg10 : memref<!tpu.dma_semaphore, #tpu.memory_space<semaphore_mem>>) src(%dma_wait3A_164 : memref<128xi32, #tpu.memory_space<hbm>>) dst(%dma_wait3A_163 : memref<128xi32, #tpu.memory_space<vmem>>)
        %dma_wait3A_165 = arith.constant 3 : i32
        %dma_wait3A_166 = arith.constant 0 : i32
        %dma_wait3A_167 = tpu.memref_slice %arg7[%dma_wait3A_165, %dma_wait3A_166] : memref<4x128xi32, #tpu.memory_space<vmem>> -> memref<1x128xi32, #tpu.memory_space<vmem>>
        %dma_wait3A_168 = tpu.memref_squeeze %dma_wait3A_167 : memref<1x128xi32, #tpu.memory_space<vmem>> -> memref<128xi32, #tpu.memory_space<vmem>>
        %dma_wait3A_169 = tpu.memref_slice %arg4[%add3A_31] : memref<320000xi32, #tpu.memory_space<hbm>> -> memref<128xi32, #tpu.memory_space<hbm>>
        %dma_wait3A_170 = arith.constant 0 : i32
        %dma_wait3A_171 = tpu.memref_slice %arg7[%dma_wait3A_165, %dma_wait3A_170] : memref<4x128xi32, #tpu.memory_space<vmem>> -> memref<1x128xi32, #tpu.memory_space<vmem>>
        %dma_wait3A_172 = tpu.memref_squeeze %dma_wait3A_171 : memref<1x128xi32, #tpu.memory_space<vmem>> -> memref<128xi32, #tpu.memory_space<vmem>>
        %dma_wait3A_173 = tpu.memref_slice %arg4[%add3A_31] : memref<320000xi32, #tpu.memory_space<hbm>> -> memref<128xi32, #tpu.memory_space<hbm>>
        tpu.wait_dma2 semaphore(%arg10 : memref<!tpu.dma_semaphore, #tpu.memory_space<semaphore_mem>>) src(%dma_wait3A_173 : memref<128xi32, #tpu.memory_space<hbm>>) dst(%dma_wait3A_172 : memref<128xi32, #tpu.memory_space<vmem>>)
        %dma_start3A_174 = arith.constant 0 : i32
        %dma_start3A_175 = arith.constant 0 : i32
        %dma_start3A_176 = arith.constant 0 : i32
        %dma_start3A_177 = tpu.memref_slice %arg8[%dma_start3A_175, %dma_start3A_176] : memref<512x64xf32, #tpu.memory_space<vmem>> -> memref<128x64xf32, #tpu.memory_space<vmem>>
        %dma_start3A_178 = arith.constant 0 : i32
        %dma_start3A_179 = tpu.memref_slice %arg6[%dma_start3A_174, %dma_start3A_178] : memref<4x128xi32, #tpu.memory_space<vmem>> -> memref<1x128xi32, #tpu.memory_space<vmem>>
        %dma_start3A_180 = tpu.memref_squeeze %dma_start3A_179 : memref<1x128xi32, #tpu.memory_space<vmem>> -> memref<128xi32, #tpu.memory_space<vmem>>
        %dma_start3A_181 = arith.constant 0 : i32
        %dma_start3A_182 = arith.constant 0 : i32
        %dma_start3A_183 = tpu.memref_slice %arg2[%dma_start3A_181, %dma_start3A_182] : memref<10000x64xf32, #tpu.memory_space<hbm>> -> memref<10000x64xf32, #tpu.memory_space<hbm>>
        tpu.enqueue_indirect_dma source(%dma_start3A_183 : memref<10000x64xf32, #tpu.memory_space<hbm>>) target(%dma_start3A_177 : memref<128x64xf32, #tpu.memory_space<vmem>>) offsets(%dma_start3A_180 : memref<128xi32, #tpu.memory_space<vmem>>) semaphore(%arg11 : memref<!tpu.dma_semaphore, #tpu.memory_space<semaphore_mem>>)
        %dma_start3A_184 = arith.constant 0 : i32
        %dma_start3A_185 = arith.constant 0 : i32
        %dma_start3A_186 = arith.constant 0 : i32
        %dma_start3A_187 = tpu.memref_slice %arg9[%dma_start3A_185, %dma_start3A_186] : memref<512x64xf32, #tpu.memory_space<vmem>> -> memref<128x64xf32, #tpu.memory_space<vmem>>
        %dma_start3A_188 = arith.constant 0 : i32
        %dma_start3A_189 = tpu.memref_slice %arg7[%dma_start3A_184, %dma_start3A_188] : memref<4x128xi32, #tpu.memory_space<vmem>> -> memref<1x128xi32, #tpu.memory_space<vmem>>
        %dma_start3A_190 = tpu.memref_squeeze %dma_start3A_189 : memref<1x128xi32, #tpu.memory_space<vmem>> -> memref<128xi32, #tpu.memory_space<vmem>>
        %dma_start3A_191 = arith.constant 0 : i32
        %dma_start3A_192 = arith.constant 0 : i32
        %dma_start3A_193 = tpu.memref_slice %arg2[%dma_start3A_191, %dma_start3A_192] : memref<10000x64xf32, #tpu.memory_space<hbm>> -> memref<10000x64xf32, #tpu.memory_space<hbm>>
        tpu.enqueue_indirect_dma source(%dma_start3A_193 : memref<10000x64xf32, #tpu.memory_space<hbm>>) target(%dma_start3A_187 : memref<128x64xf32, #tpu.memory_space<vmem>>) offsets(%dma_start3A_190 : memref<128xi32, #tpu.memory_space<vmem>>) semaphore(%arg11 : memref<!tpu.dma_semaphore, #tpu.memory_space<semaphore_mem>>)
        %dma_start3A_194 = arith.constant 1 : i32
        %dma_start3A_195 = arith.constant 128 : i32
        %dma_start3A_196 = arith.constant 0 : i32
        %dma_start3A_197 = tpu.memref_slice %arg8[%dma_start3A_195, %dma_start3A_196] : memref<512x64xf32, #tpu.memory_space<vmem>> -> memref<128x64xf32, #tpu.memory_space<vmem>>
        %dma_start3A_198 = arith.constant 0 : i32
        %dma_start3A_199 = tpu.memref_slice %arg6[%dma_start3A_194, %dma_start3A_198] : memref<4x128xi32, #tpu.memory_space<vmem>> -> memref<1x128xi32, #tpu.memory_space<vmem>>
        %dma_start3A_200 = tpu.memref_squeeze %dma_start3A_199 : memref<1x128xi32, #tpu.memory_space<vmem>> -> memref<128xi32, #tpu.memory_space<vmem>>
        %dma_start3A_201 = arith.constant 0 : i32
        %dma_start3A_202 = arith.constant 0 : i32
        %dma_start3A_203 = tpu.memref_slice %arg2[%dma_start3A_201, %dma_start3A_202] : memref<10000x64xf32, #tpu.memory_space<hbm>> -> memref<10000x64xf32, #tpu.memory_space<hbm>>
        tpu.enqueue_indirect_dma source(%dma_start3A_203 : memref<10000x64xf32, #tpu.memory_space<hbm>>) target(%dma_start3A_197 : memref<128x64xf32, #tpu.memory_space<vmem>>) offsets(%dma_start3A_200 : memref<128xi32, #tpu.memory_space<vmem>>) semaphore(%arg11 : memref<!tpu.dma_semaphore, #tpu.memory_space<semaphore_mem>>)
        %dma_start3A_204 = arith.constant 1 : i32
        %dma_start3A_205 = arith.constant 128 : i32
        %dma_start3A_206 = arith.constant 0 : i32
        %dma_start3A_207 = tpu.memref_slice %arg9[%dma_start3A_205, %dma_start3A_206] : memref<512x64xf32, #tpu.memory_space<vmem>> -> memref<128x64xf32, #tpu.memory_space<vmem>>
        %dma_start3A_208 = arith.constant 0 : i32
        %dma_start3A_209 = tpu.memref_slice %arg7[%dma_start3A_204, %dma_start3A_208] : memref<4x128xi32, #tpu.memory_space<vmem>> -> memref<1x128xi32, #tpu.memory_space<vmem>>
        %dma_start3A_210 = tpu.memref_squeeze %dma_start3A_209 : memref<1x128xi32, #tpu.memory_space<vmem>> -> memref<128xi32, #tpu.memory_space<vmem>>
        %dma_start3A_211 = arith.constant 0 : i32
        %dma_start3A_212 = arith.constant 0 : i32
        %dma_start3A_213 = tpu.memref_slice %arg2[%dma_start3A_211, %dma_start3A_212] : memref<10000x64xf32, #tpu.memory_space<hbm>> -> memref<10000x64xf32, #tpu.memory_space<hbm>>
        tpu.enqueue_indirect_dma source(%dma_start3A_213 : memref<10000x64xf32, #tpu.memory_space<hbm>>) target(%dma_start3A_207 : memref<128x64xf32, #tpu.memory_space<vmem>>) offsets(%dma_start3A_210 : memref<128xi32, #tpu.memory_space<vmem>>) semaphore(%arg11 : memref<!tpu.dma_semaphore, #tpu.memory_space<semaphore_mem>>)
        %dma_start3A_214 = arith.constant 2 : i32
        %dma_start3A_215 = arith.constant 256 : i32
        %dma_start3A_216 = arith.constant 0 : i32
        %dma_start3A_217 = tpu.memref_slice %arg8[%dma_start3A_215, %dma_start3A_216] : memref<512x64xf32, #tpu.memory_space<vmem>> -> memref<128x64xf32, #tpu.memory_space<vmem>>
        %dma_start3A_218 = arith.constant 0 : i32
        %dma_start3A_219 = tpu.memref_slice %arg6[%dma_start3A_214, %dma_start3A_218] : memref<4x128xi32, #tpu.memory_space<vmem>> -> memref<1x128xi32, #tpu.memory_space<vmem>>
        %dma_start3A_220 = tpu.memref_squeeze %dma_start3A_219 : memref<1x128xi32, #tpu.memory_space<vmem>> -> memref<128xi32, #tpu.memory_space<vmem>>
        %dma_start3A_221 = arith.constant 0 : i32
        %dma_start3A_222 = arith.constant 0 : i32
        %dma_start3A_223 = tpu.memref_slice %arg2[%dma_start3A_221, %dma_start3A_222] : memref<10000x64xf32, #tpu.memory_space<hbm>> -> memref<10000x64xf32, #tpu.memory_space<hbm>>
        tpu.enqueue_indirect_dma source(%dma_start3A_223 : memref<10000x64xf32, #tpu.memory_space<hbm>>) target(%dma_start3A_217 : memref<128x64xf32, #tpu.memory_space<vmem>>) offsets(%dma_start3A_220 : memref<128xi32, #tpu.memory_space<vmem>>) semaphore(%arg11 : memref<!tpu.dma_semaphore, #tpu.memory_space<semaphore_mem>>)
        %dma_start3A_224 = arith.constant 2 : i32
        %dma_start3A_225 = arith.constant 256 : i32
        %dma_start3A_226 = arith.constant 0 : i32
        %dma_start3A_227 = tpu.memref_slice %arg9[%dma_start3A_225, %dma_start3A_226] : memref<512x64xf32, #tpu.memory_space<vmem>> -> memref<128x64xf32, #tpu.memory_space<vmem>>
        %dma_start3A_228 = arith.constant 0 : i32
        %dma_start3A_229 = tpu.memref_slice %arg7[%dma_start3A_224, %dma_start3A_228] : memref<4x128xi32, #tpu.memory_space<vmem>> -> memref<1x128xi32, #tpu.memory_space<vmem>>
        %dma_start3A_230 = tpu.memref_squeeze %dma_start3A_229 : memref<1x128xi32, #tpu.memory_space<vmem>> -> memref<128xi32, #tpu.memory_space<vmem>>
        %dma_start3A_231 = arith.constant 0 : i32
        %dma_start3A_232 = arith.constant 0 : i32
        %dma_start3A_233 = tpu.memref_slice %arg2[%dma_start3A_231, %dma_start3A_232] : memref<10000x64xf32, #tpu.memory_space<hbm>> -> memref<10000x64xf32, #tpu.memory_space<hbm>>
        tpu.enqueue_indirect_dma source(%dma_start3A_233 : memref<10000x64xf32, #tpu.memory_space<hbm>>) target(%dma_start3A_227 : memref<128x64xf32, #tpu.memory_space<vmem>>) offsets(%dma_start3A_230 : memref<128xi32, #tpu.memory_space<vmem>>) semaphore(%arg11 : memref<!tpu.dma_semaphore, #tpu.memory_space<semaphore_mem>>)
        %dma_start3A_234 = arith.constant 3 : i32
        %dma_start3A_235 = arith.constant 384 : i32
        %dma_start3A_236 = arith.constant 0 : i32
        %dma_start3A_237 = tpu.memref_slice %arg8[%dma_start3A_235, %dma_start3A_236] : memref<512x64xf32, #tpu.memory_space<vmem>> -> memref<128x64xf32, #tpu.memory_space<vmem>>
        %dma_start3A_238 = arith.constant 0 : i32
        %dma_start3A_239 = tpu.memref_slice %arg6[%dma_start3A_234, %dma_start3A_238] : memref<4x128xi32, #tpu.memory_space<vmem>> -> memref<1x128xi32, #tpu.memory_space<vmem>>
        %dma_start3A_240 = tpu.memref_squeeze %dma_start3A_239 : memref<1x128xi32, #tpu.memory_space<vmem>> -> memref<128xi32, #tpu.memory_space<vmem>>
        %dma_start3A_241 = arith.constant 0 : i32
        %dma_start3A_242 = arith.constant 0 : i32
        %dma_start3A_243 = tpu.memref_slice %arg2[%dma_start3A_241, %dma_start3A_242] : memref<10000x64xf32, #tpu.memory_space<hbm>> -> memref<10000x64xf32, #tpu.memory_space<hbm>>
        tpu.enqueue_indirect_dma source(%dma_start3A_243 : memref<10000x64xf32, #tpu.memory_space<hbm>>) target(%dma_start3A_237 : memref<128x64xf32, #tpu.memory_space<vmem>>) offsets(%dma_start3A_240 : memref<128xi32, #tpu.memory_space<vmem>>) semaphore(%arg11 : memref<!tpu.dma_semaphore, #tpu.memory_space<semaphore_mem>>)
        %dma_start3A_244 = arith.constant 3 : i32
        %dma_start3A_245 = arith.constant 384 : i32
        %dma_start3A_246 = arith.constant 0 : i32
        %dma_start3A_247 = tpu.memref_slice %arg9[%dma_start3A_245, %dma_start3A_246] : memref<512x64xf32, #tpu.memory_space<vmem>> -> memref<128x64xf32, #tpu.memory_space<vmem>>
        %dma_start3A_248 = arith.constant 0 : i32
        %dma_start3A_249 = tpu.memref_slice %arg7[%dma_start3A_244, %dma_start3A_248] : memref<4x128xi32, #tpu.memory_space<vmem>> -> memref<1x128xi32, #tpu.memory_space<vmem>>
        %dma_start3A_250 = tpu.memref_squeeze %dma_start3A_249 : memref<1x128xi32, #tpu.memory_space<vmem>> -> memref<128xi32, #tpu.memory_space<vmem>>
        %dma_start3A_251 = arith.constant 0 : i32
        %dma_start3A_252 = arith.constant 0 : i32
        %dma_start3A_253 = tpu.memref_slice %arg2[%dma_start3A_251, %dma_start3A_252] : memref<10000x64xf32, #tpu.memory_space<hbm>> -> memref<10000x64xf32, #tpu.memory_space<hbm>>
        tpu.enqueue_indirect_dma source(%dma_start3A_253 : memref<10000x64xf32, #tpu.memory_space<hbm>>) target(%dma_start3A_247 : memref<128x64xf32, #tpu.memory_space<vmem>>) offsets(%dma_start3A_250 : memref<128xi32, #tpu.memory_space<vmem>>) semaphore(%arg11 : memref<!tpu.dma_semaphore, #tpu.memory_space<semaphore_mem>>)
        %dma_wait3A_254 = arith.constant 0 : i32
        %dma_wait3A_255 = arith.constant 0 : i32
        %dma_wait3A_256 = arith.constant 0 : i32
        %dma_wait3A_257 = tpu.memref_slice %arg8[%dma_wait3A_255, %dma_wait3A_256] : memref<512x64xf32, #tpu.memory_space<vmem>> -> memref<128x64xf32, #tpu.memory_space<vmem>>
        %dma_wait3A_258 = arith.constant 0 : i32
        %dma_wait3A_259 = tpu.memref_slice %arg6[%dma_wait3A_254, %dma_wait3A_258] : memref<4x128xi32, #tpu.memory_space<vmem>> -> memref<1x128xi32, #tpu.memory_space<vmem>>
        %dma_wait3A_260 = tpu.memref_squeeze %dma_wait3A_259 : memref<1x128xi32, #tpu.memory_space<vmem>> -> memref<128xi32, #tpu.memory_space<vmem>>
        %dma_wait3A_261 = arith.constant 0 : i32
        %dma_wait3A_262 = arith.constant 0 : i32
        %dma_wait3A_263 = tpu.memref_slice %arg2[%dma_wait3A_261, %dma_wait3A_262] : memref<10000x64xf32, #tpu.memory_space<hbm>> -> memref<10000x64xf32, #tpu.memory_space<hbm>>
        tpu.wait_indirect_dma semaphore(%arg11 : memref<!tpu.dma_semaphore, #tpu.memory_space<semaphore_mem>>) src(%dma_wait3A_263 : memref<10000x64xf32, #tpu.memory_space<hbm>>) dst(%dma_wait3A_257 : memref<128x64xf32, #tpu.memory_space<vmem>>)
        %dma_wait3A_264 = arith.constant 0 : i32
        %dma_wait3A_265 = arith.constant 0 : i32
        %dma_wait3A_266 = arith.constant 0 : i32
        %dma_wait3A_267 = tpu.memref_slice %arg9[%dma_wait3A_265, %dma_wait3A_266] : memref<512x64xf32, #tpu.memory_space<vmem>> -> memref<128x64xf32, #tpu.memory_space<vmem>>
        %dma_wait3A_268 = arith.constant 0 : i32
        %dma_wait3A_269 = tpu.memref_slice %arg7[%dma_wait3A_264, %dma_wait3A_268] : memref<4x128xi32, #tpu.memory_space<vmem>> -> memref<1x128xi32, #tpu.memory_space<vmem>>
        %dma_wait3A_270 = tpu.memref_squeeze %dma_wait3A_269 : memref<1x128xi32, #tpu.memory_space<vmem>> -> memref<128xi32, #tpu.memory_space<vmem>>
        %dma_wait3A_271 = arith.constant 0 : i32
        %dma_wait3A_272 = arith.constant 0 : i32
        %dma_wait3A_273 = tpu.memref_slice %arg2[%dma_wait3A_271, %dma_wait3A_272] : memref<10000x64xf32, #tpu.memory_space<hbm>> -> memref<10000x64xf32, #tpu.memory_space<hbm>>
        tpu.wait_indirect_dma semaphore(%arg11 : memref<!tpu.dma_semaphore, #tpu.memory_space<semaphore_mem>>) src(%dma_wait3A_273 : memref<10000x64xf32, #tpu.memory_space<hbm>>) dst(%dma_wait3A_267 : memref<128x64xf32, #tpu.memory_space<vmem>>)
        %dma_wait3A_274 = arith.constant 1 : i32
        %dma_wait3A_275 = arith.constant 128 : i32
        %dma_wait3A_276 = arith.constant 0 : i32
        %dma_wait3A_277 = tpu.memref_slice %arg8[%dma_wait3A_275, %dma_wait3A_276] : memref<512x64xf32, #tpu.memory_space<vmem>> -> memref<128x64xf32, #tpu.memory_space<vmem>>
        %dma_wait3A_278 = arith.constant 0 : i32
        %dma_wait3A_279 = tpu.memref_slice %arg6[%dma_wait3A_274, %dma_wait3A_278] : memref<4x128xi32, #tpu.memory_space<vmem>> -> memref<1x128xi32, #tpu.memory_space<vmem>>
        %dma_wait3A_280 = tpu.memref_squeeze %dma_wait3A_279 : memref<1x128xi32, #tpu.memory_space<vmem>> -> memref<128xi32, #tpu.memory_space<vmem>>
        %dma_wait3A_281 = arith.constant 0 : i32
        %dma_wait3A_282 = arith.constant 0 : i32
        %dma_wait3A_283 = tpu.memref_slice %arg2[%dma_wait3A_281, %dma_wait3A_282] : memref<10000x64xf32, #tpu.memory_space<hbm>> -> memref<10000x64xf32, #tpu.memory_space<hbm>>
        tpu.wait_indirect_dma semaphore(%arg11 : memref<!tpu.dma_semaphore, #tpu.memory_space<semaphore_mem>>) src(%dma_wait3A_283 : memref<10000x64xf32, #tpu.memory_space<hbm>>) dst(%dma_wait3A_277 : memref<128x64xf32, #tpu.memory_space<vmem>>)
        %dma_wait3A_284 = arith.constant 1 : i32
        %dma_wait3A_285 = arith.constant 128 : i32
        %dma_wait3A_286 = arith.constant 0 : i32
        %dma_wait3A_287 = tpu.memref_slice %arg9[%dma_wait3A_285, %dma_wait3A_286] : memref<512x64xf32, #tpu.memory_space<vmem>> -> memref<128x64xf32, #tpu.memory_space<vmem>>
        %dma_wait3A_288 = arith.constant 0 : i32
        %dma_wait3A_289 = tpu.memref_slice %arg7[%dma_wait3A_284, %dma_wait3A_288] : memref<4x128xi32, #tpu.memory_space<vmem>> -> memref<1x128xi32, #tpu.memory_space<vmem>>
        %dma_wait3A_290 = tpu.memref_squeeze %dma_wait3A_289 : memref<1x128xi32, #tpu.memory_space<vmem>> -> memref<128xi32, #tpu.memory_space<vmem>>
        %dma_wait3A_291 = arith.constant 0 : i32
        %dma_wait3A_292 = arith.constant 0 : i32
        %dma_wait3A_293 = tpu.memref_slice %arg2[%dma_wait3A_291, %dma_wait3A_292] : memref<10000x64xf32, #tpu.memory_space<hbm>> -> memref<10000x64xf32, #tpu.memory_space<hbm>>
        tpu.wait_indirect_dma semaphore(%arg11 : memref<!tpu.dma_semaphore, #tpu.memory_space<semaphore_mem>>) src(%dma_wait3A_293 : memref<10000x64xf32, #tpu.memory_space<hbm>>) dst(%dma_wait3A_287 : memref<128x64xf32, #tpu.memory_space<vmem>>)
        %dma_wait3A_294 = arith.constant 2 : i32
        %dma_wait3A_295 = arith.constant 256 : i32
        %dma_wait3A_296 = arith.constant 0 : i32
        %dma_wait3A_297 = tpu.memref_slice %arg8[%dma_wait3A_295, %dma_wait3A_296] : memref<512x64xf32, #tpu.memory_space<vmem>> -> memref<128x64xf32, #tpu.memory_space<vmem>>
        %dma_wait3A_298 = arith.constant 0 : i32
        %dma_wait3A_299 = tpu.memref_slice %arg6[%dma_wait3A_294, %dma_wait3A_298] : memref<4x128xi32, #tpu.memory_space<vmem>> -> memref<1x128xi32, #tpu.memory_space<vmem>>
        %dma_wait3A_300 = tpu.memref_squeeze %dma_wait3A_299 : memref<1x128xi32, #tpu.memory_space<vmem>> -> memref<128xi32, #tpu.memory_space<vmem>>
        %dma_wait3A_301 = arith.constant 0 : i32
        %dma_wait3A_302 = arith.constant 0 : i32
        %dma_wait3A_303 = tpu.memref_slice %arg2[%dma_wait3A_301, %dma_wait3A_302] : memref<10000x64xf32, #tpu.memory_space<hbm>> -> memref<10000x64xf32, #tpu.memory_space<hbm>>
        tpu.wait_indirect_dma semaphore(%arg11 : memref<!tpu.dma_semaphore, #tpu.memory_space<semaphore_mem>>) src(%dma_wait3A_303 : memref<10000x64xf32, #tpu.memory_space<hbm>>) dst(%dma_wait3A_297 : memref<128x64xf32, #tpu.memory_space<vmem>>)
        %dma_wait3A_304 = arith.constant 2 : i32
        %dma_wait3A_305 = arith.constant 256 : i32
        %dma_wait3A_306 = arith.constant 0 : i32
        %dma_wait3A_307 = tpu.memref_slice %arg9[%dma_wait3A_305, %dma_wait3A_306] : memref<512x64xf32, #tpu.memory_space<vmem>> -> memref<128x64xf32, #tpu.memory_space<vmem>>
        %dma_wait3A_308 = arith.constant 0 : i32
        %dma_wait3A_309 = tpu.memref_slice %arg7[%dma_wait3A_304, %dma_wait3A_308] : memref<4x128xi32, #tpu.memory_space<vmem>> -> memref<1x128xi32, #tpu.memory_space<vmem>>
        %dma_wait3A_310 = tpu.memref_squeeze %dma_wait3A_309 : memref<1x128xi32, #tpu.memory_space<vmem>> -> memref<128xi32, #tpu.memory_space<vmem>>
        %dma_wait3A_311 = arith.constant 0 : i32
        %dma_wait3A_312 = arith.constant 0 : i32
        %dma_wait3A_313 = tpu.memref_slice %arg2[%dma_wait3A_311, %dma_wait3A_312] : memref<10000x64xf32, #tpu.memory_space<hbm>> -> memref<10000x64xf32, #tpu.memory_space<hbm>>
        tpu.wait_indirect_dma semaphore(%arg11 : memref<!tpu.dma_semaphore, #tpu.memory_space<semaphore_mem>>) src(%dma_wait3A_313 : memref<10000x64xf32, #tpu.memory_space<hbm>>) dst(%dma_wait3A_307 : memref<128x64xf32, #tpu.memory_space<vmem>>)
        %dma_wait3A_314 = arith.constant 3 : i32
        %dma_wait3A_315 = arith.constant 384 : i32
        %dma_wait3A_316 = arith.constant 0 : i32
        %dma_wait3A_317 = tpu.memref_slice %arg8[%dma_wait3A_315, %dma_wait3A_316] : memref<512x64xf32, #tpu.memory_space<vmem>> -> memref<128x64xf32, #tpu.memory_space<vmem>>
        %dma_wait3A_318 = arith.constant 0 : i32
        %dma_wait3A_319 = tpu.memref_slice %arg6[%dma_wait3A_314, %dma_wait3A_318] : memref<4x128xi32, #tpu.memory_space<vmem>> -> memref<1x128xi32, #tpu.memory_space<vmem>>
        %dma_wait3A_320 = tpu.memref_squeeze %dma_wait3A_319 : memref<1x128xi32, #tpu.memory_space<vmem>> -> memref<128xi32, #tpu.memory_space<vmem>>
        %dma_wait3A_321 = arith.constant 0 : i32
        %dma_wait3A_322 = arith.constant 0 : i32
        %dma_wait3A_323 = tpu.memref_slice %arg2[%dma_wait3A_321, %dma_wait3A_322] : memref<10000x64xf32, #tpu.memory_space<hbm>> -> memref<10000x64xf32, #tpu.memory_space<hbm>>
        tpu.wait_indirect_dma semaphore(%arg11 : memref<!tpu.dma_semaphore, #tpu.memory_space<semaphore_mem>>) src(%dma_wait3A_323 : memref<10000x64xf32, #tpu.memory_space<hbm>>) dst(%dma_wait3A_317 : memref<128x64xf32, #tpu.memory_space<vmem>>)
        %dma_wait3A_324 = arith.constant 3 : i32
        %dma_wait3A_325 = arith.constant 384 : i32
        %dma_wait3A_326 = arith.constant 0 : i32
        %dma_wait3A_327 = tpu.memref_slice %arg9[%dma_wait3A_325, %dma_wait3A_326] : memref<512x64xf32, #tpu.memory_space<vmem>> -> memref<128x64xf32, #tpu.memory_space<vmem>>
        %dma_wait3A_328 = arith.constant 0 : i32
        %dma_wait3A_329 = tpu.memref_slice %arg7[%dma_wait3A_324, %dma_wait3A_328] : memref<4x128xi32, #tpu.memory_space<vmem>> -> memref<1x128xi32, #tpu.memory_space<vmem>>
        %dma_wait3A_330 = tpu.memref_squeeze %dma_wait3A_329 : memref<1x128xi32, #tpu.memory_space<vmem>> -> memref<128xi32, #tpu.memory_space<vmem>>
        %dma_wait3A_331 = arith.constant 0 : i32
        %dma_wait3A_332 = arith.constant 0 : i32
        %dma_wait3A_333 = tpu.memref_slice %arg2[%dma_wait3A_331, %dma_wait3A_332] : memref<10000x64xf32, #tpu.memory_space<hbm>> -> memref<10000x64xf32, #tpu.memory_space<hbm>>
        tpu.wait_indirect_dma semaphore(%arg11 : memref<!tpu.dma_semaphore, #tpu.memory_space<semaphore_mem>>) src(%dma_wait3A_333 : memref<10000x64xf32, #tpu.memory_space<hbm>>) dst(%dma_wait3A_327 : memref<128x64xf32, #tpu.memory_space<vmem>>)
        %dma_start3A_334 = arith.constant 0 : i32
        %dma_start3A_335 = tpu.memref_slice %arg5[%mul3A_13, %dma_start3A_334] : memref<64000x128xf32, #tpu.memory_space<hbm>> -> memref<512x64xf32, #tpu.memory_space<hbm>>
        %dma_start3A_336 = arith.constant 0 : i32
        %dma_start3A_337 = tpu.memref_slice %arg5[%mul3A_13, %dma_start3A_336] : memref<64000x128xf32, #tpu.memory_space<hbm>> -> memref<512x64xf32, #tpu.memory_space<hbm>>
        tpu.enqueue_dma source(%arg8 : memref<512x64xf32, #tpu.memory_space<vmem>>) target(%dma_start3A_337 : memref<512x64xf32, #tpu.memory_space<hbm>>) target_semaphore(%arg12 : memref<!tpu.dma_semaphore, #tpu.memory_space<semaphore_mem>>)
        %dma_start3A_338 = arith.constant 64 : i32
        %dma_start3A_339 = tpu.memref_slice %arg5[%mul3A_13, %dma_start3A_338] : memref<64000x128xf32, #tpu.memory_space<hbm>> -> memref<512x64xf32, #tpu.memory_space<hbm>>
        %dma_start3A_340 = arith.constant 64 : i32
        %dma_start3A_341 = tpu.memref_slice %arg5[%mul3A_13, %dma_start3A_340] : memref<64000x128xf32, #tpu.memory_space<hbm>> -> memref<512x64xf32, #tpu.memory_space<hbm>>
        tpu.enqueue_dma source(%arg9 : memref<512x64xf32, #tpu.memory_space<vmem>>) target(%dma_start3A_341 : memref<512x64xf32, #tpu.memory_space<hbm>>) target_semaphore(%arg12 : memref<!tpu.dma_semaphore, #tpu.memory_space<semaphore_mem>>)
        %dma_wait3A_342 = arith.constant 0 : i32
        %dma_wait3A_343 = tpu.memref_slice %arg5[%mul3A_13, %dma_wait3A_342] : memref<64000x128xf32, #tpu.memory_space<hbm>> -> memref<512x64xf32, #tpu.memory_space<hbm>>
        %dma_wait3A_344 = arith.constant 0 : i32
        %dma_wait3A_345 = tpu.memref_slice %arg5[%mul3A_13, %dma_wait3A_344] : memref<64000x128xf32, #tpu.memory_space<hbm>> -> memref<512x64xf32, #tpu.memory_space<hbm>>
        tpu.wait_dma2 semaphore(%arg12 : memref<!tpu.dma_semaphore, #tpu.memory_space<semaphore_mem>>) src(%arg8 : memref<512x64xf32, #tpu.memory_space<vmem>>) dst(%dma_wait3A_345 : memref<512x64xf32, #tpu.memory_space<hbm>>)
        %dma_wait3A_346 = arith.constant 64 : i32
        %dma_wait3A_347 = tpu.memref_slice %arg5[%mul3A_13, %dma_wait3A_346] : memref<64000x128xf32, #tpu.memory_space<hbm>> -> memref<512x64xf32, #tpu.memory_space<hbm>>
        %dma_wait3A_348 = arith.constant 64 : i32
        %dma_wait3A_349 = tpu.memref_slice %arg5[%mul3A_13, %dma_wait3A_348] : memref<64000x128xf32, #tpu.memory_space<hbm>> -> memref<512x64xf32, #tpu.memory_space<hbm>>
        tpu.wait_dma2 semaphore(%arg12 : memref<!tpu.dma_semaphore, #tpu.memory_space<semaphore_mem>>) src(%arg9 : memref<512x64xf32, #tpu.memory_space<vmem>>) dst(%dma_wait3A_349 : memref<512x64xf32, #tpu.memory_space<hbm>>)
      } else {
      }
    }
    %scan3A_5 = arith.constant 4 : i32
    return
  }
}

#map = affine_map<(d0, d1) -> (0, 0)>
#map1 = affine_map<(d0, d1) -> (0)>
module attributes {stable_mosaic.version = 14 : i64} {
  func.func @_gather_body(%arg0: i32, %arg1: i32, %arg2: memref<10000x64xf32, #tpu.memory_space<hbm>>, %arg3: memref<320000xi32, #tpu.memory_space<hbm>>, %arg4: memref<320000xi32, #tpu.memory_space<hbm>>, %arg5: memref<64000x128xf32, #tpu.memory_space<hbm>>, %arg6: memref<4x128xi32, #tpu.memory_space<vmem>>, %arg7: memref<4x128xi32, #tpu.memory_space<vmem>>, %arg8: memref<512x64xf32, #tpu.memory_space<vmem>>, %arg9: memref<512x64xf32, #tpu.memory_space<vmem>>, %arg10: memref<!tpu.dma_semaphore, #tpu.memory_space<semaphore_mem>>, %arg11: memref<!tpu.dma_semaphore, #tpu.memory_space<semaphore_mem>>, %arg12: memref<!tpu.dma_semaphore, #tpu.memory_space<semaphore_mem>>) attributes {dimension_semantics = [#tpu.dimension_semantics<core_parallel>, #tpu.dimension_semantics<subcore_parallel>], iteration_bounds = array<i64: 2, 16>, scalar_prefetch = 0 : i64, scratch_operands = 7 : i64, tpu.core_type = #tpu.core_type<sc_vector_subcore>, window_params = [{transform_indices = #map}, {transform_indices = #map1}, {transform_indices = #map1}, {transform_indices = #map}]} {
    %mul3A = arith.constant 2 : i32
    %mul3A_0 = arith.muli %arg1, %mul3A : i32
    %add3A = arith.addi %mul3A_0, %arg0 : i32
    %scan3A = arith.constant 0 : i32
    %scan3A_1 = arith.constant 0 : i32
    %scan3A_2 = arith.constant 4 : i32
    %scan3A_3 = arith.addi %scan3A_1, %scan3A_2 : i32
    %scan3A_4 = arith.constant 1 : i32
    scf.for %scan3A_6 = %scan3A_1 to %scan3A_3 step %scan3A_4  : i32 {
      %mul3A_7 = arith.constant 32 : i32
      %mul3A_8 = arith.muli %scan3A_6, %mul3A_7 : i32
      %add3A_9 = arith.addi %mul3A_8, %add3A : i32
      %lt3A = arith.constant 125 : i32
      %lt3A_10 = arith.cmpi slt, %add3A_9, %lt3A : i32
      %convert_element_type3A = arith.extui %lt3A_10 : i1 to i32
      %cond3A = arith.constant 0 : i32
      %cond3A_11 = arith.cmpi ne, %convert_element_type3A, %cond3A : i32
      scf.if %cond3A_11 {
        %mul3A_12 = arith.constant 512 : i32
        %mul3A_13 = arith.muli %add3A_9, %mul3A_12 : i32
        %add3A_14 = arith.constant 128000 : i32
        %add3A_15 = arith.addi %add3A_14, %mul3A_13 : i32
        %add3A_16 = arith.constant 0 : i32
        %add3A_17 = arith.addi %add3A_15, %add3A_16 : i32
        %add3A_18 = arith.constant 0 : i32
        %add3A_19 = arith.addi %add3A_15, %add3A_18 : i32
        %add3A_20 = arith.constant 128 : i32
        %add3A_21 = arith.addi %add3A_15, %add3A_20 : i32
        %add3A_22 = arith.constant 128 : i32
        %add3A_23 = arith.addi %add3A_15, %add3A_22 : i32
        %add3A_24 = arith.constant 256 : i32
        %add3A_25 = arith.addi %add3A_15, %add3A_24 : i32
        %add3A_26 = arith.constant 256 : i32
        %add3A_27 = arith.addi %add3A_15, %add3A_26 : i32
        %add3A_28 = arith.constant 384 : i32
        %add3A_29 = arith.addi %add3A_15, %add3A_28 : i32
        %add3A_30 = arith.constant 384 : i32
        %add3A_31 = arith.addi %add3A_15, %add3A_30 : i32
        %dma_start3A = arith.constant 0 : i32
        %dma_start3A_32 = arith.constant 0 : i32
        %dma_start3A_33 = tpu.memref_slice %arg6[%dma_start3A, %dma_start3A_32] : memref<4x128xi32, #tpu.memory_space<vmem>> -> memref<1x128xi32, #tpu.memory_space<vmem>>
        %dma_start3A_34 = tpu.memref_squeeze %dma_start3A_33 : memref<1x128xi32, #tpu.memory_space<vmem>> -> memref<128xi32, #tpu.memory_space<vmem>>
        %dma_start3A_35 = tpu.memref_slice %arg3[%add3A_17] : memref<320000xi32, #tpu.memory_space<hbm>> -> memref<128xi32, #tpu.memory_space<hbm>>
        %dma_start3A_36 = arith.constant 0 : i32
        %dma_start3A_37 = tpu.memref_slice %arg6[%dma_start3A, %dma_start3A_36] : memref<4x128xi32, #tpu.memory_space<vmem>> -> memref<1x128xi32, #tpu.memory_space<vmem>>
        %dma_start3A_38 = tpu.memref_squeeze %dma_start3A_37 : memref<1x128xi32, #tpu.memory_space<vmem>> -> memref<128xi32, #tpu.memory_space<vmem>>
        %dma_start3A_39 = tpu.memref_slice %arg3[%add3A_17] : memref<320000xi32, #tpu.memory_space<hbm>> -> memref<128xi32, #tpu.memory_space<hbm>>
        tpu.enqueue_dma source(%dma_start3A_39 : memref<128xi32, #tpu.memory_space<hbm>>) target(%dma_start3A_38 : memref<128xi32, #tpu.memory_space<vmem>>) target_semaphore(%arg10 : memref<!tpu.dma_semaphore, #tpu.memory_space<semaphore_mem>>)
        %dma_start3A_40 = arith.constant 0 : i32
        %dma_start3A_41 = arith.constant 0 : i32
        %dma_start3A_42 = tpu.memref_slice %arg7[%dma_start3A_40, %dma_start3A_41] : memref<4x128xi32, #tpu.memory_space<vmem>> -> memref<1x128xi32, #tpu.memory_space<vmem>>
        %dma_start3A_43 = tpu.memref_squeeze %dma_start3A_42 : memref<1x128xi32, #tpu.memory_space<vmem>> -> memref<128xi32, #tpu.memory_space<vmem>>
        %dma_start3A_44 = tpu.memref_slice %arg4[%add3A_19] : memref<320000xi32, #tpu.memory_space<hbm>> -> memref<128xi32, #tpu.memory_space<hbm>>
        %dma_start3A_45 = arith.constant 0 : i32
        %dma_start3A_46 = tpu.memref_slice %arg7[%dma_start3A_40, %dma_start3A_45] : memref<4x128xi32, #tpu.memory_space<vmem>> -> memref<1x128xi32, #tpu.memory_space<vmem>>
        %dma_start3A_47 = tpu.memref_squeeze %dma_start3A_46 : memref<1x128xi32, #tpu.memory_space<vmem>> -> memref<128xi32, #tpu.memory_space<vmem>>
        %dma_start3A_48 = tpu.memref_slice %arg4[%add3A_19] : memref<320000xi32, #tpu.memory_space<hbm>> -> memref<128xi32, #tpu.memory_space<hbm>>
        tpu.enqueue_dma source(%dma_start3A_48 : memref<128xi32, #tpu.memory_space<hbm>>) target(%dma_start3A_47 : memref<128xi32, #tpu.memory_space<vmem>>) target_semaphore(%arg10 : memref<!tpu.dma_semaphore, #tpu.memory_space<semaphore_mem>>)
        %dma_start3A_49 = arith.constant 1 : i32
        %dma_start3A_50 = arith.constant 0 : i32
        %dma_start3A_51 = tpu.memref_slice %arg6[%dma_start3A_49, %dma_start3A_50] : memref<4x128xi32, #tpu.memory_space<vmem>> -> memref<1x128xi32, #tpu.memory_space<vmem>>
        %dma_start3A_52 = tpu.memref_squeeze %dma_start3A_51 : memref<1x128xi32, #tpu.memory_space<vmem>> -> memref<128xi32, #tpu.memory_space<vmem>>
        %dma_start3A_53 = tpu.memref_slice %arg3[%add3A_21] : memref<320000xi32, #tpu.memory_space<hbm>> -> memref<128xi32, #tpu.memory_space<hbm>>
        %dma_start3A_54 = arith.constant 0 : i32
        %dma_start3A_55 = tpu.memref_slice %arg6[%dma_start3A_49, %dma_start3A_54] : memref<4x128xi32, #tpu.memory_space<vmem>> -> memref<1x128xi32, #tpu.memory_space<vmem>>
        %dma_start3A_56 = tpu.memref_squeeze %dma_start3A_55 : memref<1x128xi32, #tpu.memory_space<vmem>> -> memref<128xi32, #tpu.memory_space<vmem>>
        %dma_start3A_57 = tpu.memref_slice %arg3[%add3A_21] : memref<320000xi32, #tpu.memory_space<hbm>> -> memref<128xi32, #tpu.memory_space<hbm>>
        tpu.enqueue_dma source(%dma_start3A_57 : memref<128xi32, #tpu.memory_space<hbm>>) target(%dma_start3A_56 : memref<128xi32, #tpu.memory_space<vmem>>) target_semaphore(%arg10 : memref<!tpu.dma_semaphore, #tpu.memory_space<semaphore_mem>>)
        %dma_start3A_58 = arith.constant 1 : i32
        %dma_start3A_59 = arith.constant 0 : i32
        %dma_start3A_60 = tpu.memref_slice %arg7[%dma_start3A_58, %dma_start3A_59] : memref<4x128xi32, #tpu.memory_space<vmem>> -> memref<1x128xi32, #tpu.memory_space<vmem>>
        %dma_start3A_61 = tpu.memref_squeeze %dma_start3A_60 : memref<1x128xi32, #tpu.memory_space<vmem>> -> memref<128xi32, #tpu.memory_space<vmem>>
        %dma_start3A_62 = tpu.memref_slice %arg4[%add3A_23] : memref<320000xi32, #tpu.memory_space<hbm>> -> memref<128xi32, #tpu.memory_space<hbm>>
        %dma_start3A_63 = arith.constant 0 : i32
        %dma_start3A_64 = tpu.memref_slice %arg7[%dma_start3A_58, %dma_start3A_63] : memref<4x128xi32, #tpu.memory_space<vmem>> -> memref<1x128xi32, #tpu.memory_space<vmem>>
        %dma_start3A_65 = tpu.memref_squeeze %dma_start3A_64 : memref<1x128xi32, #tpu.memory_space<vmem>> -> memref<128xi32, #tpu.memory_space<vmem>>
        %dma_start3A_66 = tpu.memref_slice %arg4[%add3A_23] : memref<320000xi32, #tpu.memory_space<hbm>> -> memref<128xi32, #tpu.memory_space<hbm>>
        tpu.enqueue_dma source(%dma_start3A_66 : memref<128xi32, #tpu.memory_space<hbm>>) target(%dma_start3A_65 : memref<128xi32, #tpu.memory_space<vmem>>) target_semaphore(%arg10 : memref<!tpu.dma_semaphore, #tpu.memory_space<semaphore_mem>>)
        %dma_start3A_67 = arith.constant 2 : i32
        %dma_start3A_68 = arith.constant 0 : i32
        %dma_start3A_69 = tpu.memref_slice %arg6[%dma_start3A_67, %dma_start3A_68] : memref<4x128xi32, #tpu.memory_space<vmem>> -> memref<1x128xi32, #tpu.memory_space<vmem>>
        %dma_start3A_70 = tpu.memref_squeeze %dma_start3A_69 : memref<1x128xi32, #tpu.memory_space<vmem>> -> memref<128xi32, #tpu.memory_space<vmem>>
        %dma_start3A_71 = tpu.memref_slice %arg3[%add3A_25] : memref<320000xi32, #tpu.memory_space<hbm>> -> memref<128xi32, #tpu.memory_space<hbm>>
        %dma_start3A_72 = arith.constant 0 : i32
        %dma_start3A_73 = tpu.memref_slice %arg6[%dma_start3A_67, %dma_start3A_72] : memref<4x128xi32, #tpu.memory_space<vmem>> -> memref<1x128xi32, #tpu.memory_space<vmem>>
        %dma_start3A_74 = tpu.memref_squeeze %dma_start3A_73 : memref<1x128xi32, #tpu.memory_space<vmem>> -> memref<128xi32, #tpu.memory_space<vmem>>
        %dma_start3A_75 = tpu.memref_slice %arg3[%add3A_25] : memref<320000xi32, #tpu.memory_space<hbm>> -> memref<128xi32, #tpu.memory_space<hbm>>
        tpu.enqueue_dma source(%dma_start3A_75 : memref<128xi32, #tpu.memory_space<hbm>>) target(%dma_start3A_74 : memref<128xi32, #tpu.memory_space<vmem>>) target_semaphore(%arg10 : memref<!tpu.dma_semaphore, #tpu.memory_space<semaphore_mem>>)
        %dma_start3A_76 = arith.constant 2 : i32
        %dma_start3A_77 = arith.constant 0 : i32
        %dma_start3A_78 = tpu.memref_slice %arg7[%dma_start3A_76, %dma_start3A_77] : memref<4x128xi32, #tpu.memory_space<vmem>> -> memref<1x128xi32, #tpu.memory_space<vmem>>
        %dma_start3A_79 = tpu.memref_squeeze %dma_start3A_78 : memref<1x128xi32, #tpu.memory_space<vmem>> -> memref<128xi32, #tpu.memory_space<vmem>>
        %dma_start3A_80 = tpu.memref_slice %arg4[%add3A_27] : memref<320000xi32, #tpu.memory_space<hbm>> -> memref<128xi32, #tpu.memory_space<hbm>>
        %dma_start3A_81 = arith.constant 0 : i32
        %dma_start3A_82 = tpu.memref_slice %arg7[%dma_start3A_76, %dma_start3A_81] : memref<4x128xi32, #tpu.memory_space<vmem>> -> memref<1x128xi32, #tpu.memory_space<vmem>>
        %dma_start3A_83 = tpu.memref_squeeze %dma_start3A_82 : memref<1x128xi32, #tpu.memory_space<vmem>> -> memref<128xi32, #tpu.memory_space<vmem>>
        %dma_start3A_84 = tpu.memref_slice %arg4[%add3A_27] : memref<320000xi32, #tpu.memory_space<hbm>> -> memref<128xi32, #tpu.memory_space<hbm>>
        tpu.enqueue_dma source(%dma_start3A_84 : memref<128xi32, #tpu.memory_space<hbm>>) target(%dma_start3A_83 : memref<128xi32, #tpu.memory_space<vmem>>) target_semaphore(%arg10 : memref<!tpu.dma_semaphore, #tpu.memory_space<semaphore_mem>>)
        %dma_start3A_85 = arith.constant 3 : i32
        %dma_start3A_86 = arith.constant 0 : i32
        %dma_start3A_87 = tpu.memref_slice %arg6[%dma_start3A_85, %dma_start3A_86] : memref<4x128xi32, #tpu.memory_space<vmem>> -> memref<1x128xi32, #tpu.memory_space<vmem>>
        %dma_start3A_88 = tpu.memref_squeeze %dma_start3A_87 : memref<1x128xi32, #tpu.memory_space<vmem>> -> memref<128xi32, #tpu.memory_space<vmem>>
        %dma_start3A_89 = tpu.memref_slice %arg3[%add3A_29] : memref<320000xi32, #tpu.memory_space<hbm>> -> memref<128xi32, #tpu.memory_space<hbm>>
        %dma_start3A_90 = arith.constant 0 : i32
        %dma_start3A_91 = tpu.memref_slice %arg6[%dma_start3A_85, %dma_start3A_90] : memref<4x128xi32, #tpu.memory_space<vmem>> -> memref<1x128xi32, #tpu.memory_space<vmem>>
        %dma_start3A_92 = tpu.memref_squeeze %dma_start3A_91 : memref<1x128xi32, #tpu.memory_space<vmem>> -> memref<128xi32, #tpu.memory_space<vmem>>
        %dma_start3A_93 = tpu.memref_slice %arg3[%add3A_29] : memref<320000xi32, #tpu.memory_space<hbm>> -> memref<128xi32, #tpu.memory_space<hbm>>
        tpu.enqueue_dma source(%dma_start3A_93 : memref<128xi32, #tpu.memory_space<hbm>>) target(%dma_start3A_92 : memref<128xi32, #tpu.memory_space<vmem>>) target_semaphore(%arg10 : memref<!tpu.dma_semaphore, #tpu.memory_space<semaphore_mem>>)
        %dma_start3A_94 = arith.constant 3 : i32
        %dma_start3A_95 = arith.constant 0 : i32
        %dma_start3A_96 = tpu.memref_slice %arg7[%dma_start3A_94, %dma_start3A_95] : memref<4x128xi32, #tpu.memory_space<vmem>> -> memref<1x128xi32, #tpu.memory_space<vmem>>
        %dma_start3A_97 = tpu.memref_squeeze %dma_start3A_96 : memref<1x128xi32, #tpu.memory_space<vmem>> -> memref<128xi32, #tpu.memory_space<vmem>>
        %dma_start3A_98 = tpu.memref_slice %arg4[%add3A_31] : memref<320000xi32, #tpu.memory_space<hbm>> -> memref<128xi32, #tpu.memory_space<hbm>>
        %dma_start3A_99 = arith.constant 0 : i32
        %dma_start3A_100 = tpu.memref_slice %arg7[%dma_start3A_94, %dma_start3A_99] : memref<4x128xi32, #tpu.memory_space<vmem>> -> memref<1x128xi32, #tpu.memory_space<vmem>>
        %dma_start3A_101 = tpu.memref_squeeze %dma_start3A_100 : memref<1x128xi32, #tpu.memory_space<vmem>> -> memref<128xi32, #tpu.memory_space<vmem>>
        %dma_start3A_102 = tpu.memref_slice %arg4[%add3A_31] : memref<320000xi32, #tpu.memory_space<hbm>> -> memref<128xi32, #tpu.memory_space<hbm>>
        tpu.enqueue_dma source(%dma_start3A_102 : memref<128xi32, #tpu.memory_space<hbm>>) target(%dma_start3A_101 : memref<128xi32, #tpu.memory_space<vmem>>) target_semaphore(%arg10 : memref<!tpu.dma_semaphore, #tpu.memory_space<semaphore_mem>>)
        %dma_wait3A = arith.constant 0 : i32
        %dma_wait3A_103 = arith.constant 0 : i32
        %dma_wait3A_104 = tpu.memref_slice %arg6[%dma_wait3A, %dma_wait3A_103] : memref<4x128xi32, #tpu.memory_space<vmem>> -> memref<1x128xi32, #tpu.memory_space<vmem>>
        %dma_wait3A_105 = tpu.memref_squeeze %dma_wait3A_104 : memref<1x128xi32, #tpu.memory_space<vmem>> -> memref<128xi32, #tpu.memory_space<vmem>>
        %dma_wait3A_106 = tpu.memref_slice %arg3[%add3A_17] : memref<320000xi32, #tpu.memory_space<hbm>> -> memref<128xi32, #tpu.memory_space<hbm>>
        %dma_wait3A_107 = arith.constant 0 : i32
        %dma_wait3A_108 = tpu.memref_slice %arg6[%dma_wait3A, %dma_wait3A_107] : memref<4x128xi32, #tpu.memory_space<vmem>> -> memref<1x128xi32, #tpu.memory_space<vmem>>
        %dma_wait3A_109 = tpu.memref_squeeze %dma_wait3A_108 : memref<1x128xi32, #tpu.memory_space<vmem>> -> memref<128xi32, #tpu.memory_space<vmem>>
        %dma_wait3A_110 = tpu.memref_slice %arg3[%add3A_17] : memref<320000xi32, #tpu.memory_space<hbm>> -> memref<128xi32, #tpu.memory_space<hbm>>
        tpu.wait_dma2 semaphore(%arg10 : memref<!tpu.dma_semaphore, #tpu.memory_space<semaphore_mem>>) src(%dma_wait3A_110 : memref<128xi32, #tpu.memory_space<hbm>>) dst(%dma_wait3A_109 : memref<128xi32, #tpu.memory_space<vmem>>)
        %dma_wait3A_111 = arith.constant 0 : i32
        %dma_wait3A_112 = arith.constant 0 : i32
        %dma_wait3A_113 = tpu.memref_slice %arg7[%dma_wait3A_111, %dma_wait3A_112] : memref<4x128xi32, #tpu.memory_space<vmem>> -> memref<1x128xi32, #tpu.memory_space<vmem>>
        %dma_wait3A_114 = tpu.memref_squeeze %dma_wait3A_113 : memref<1x128xi32, #tpu.memory_space<vmem>> -> memref<128xi32, #tpu.memory_space<vmem>>
        %dma_wait3A_115 = tpu.memref_slice %arg4[%add3A_19] : memref<320000xi32, #tpu.memory_space<hbm>> -> memref<128xi32, #tpu.memory_space<hbm>>
        %dma_wait3A_116 = arith.constant 0 : i32
        %dma_wait3A_117 = tpu.memref_slice %arg7[%dma_wait3A_111, %dma_wait3A_116] : memref<4x128xi32, #tpu.memory_space<vmem>> -> memref<1x128xi32, #tpu.memory_space<vmem>>
        %dma_wait3A_118 = tpu.memref_squeeze %dma_wait3A_117 : memref<1x128xi32, #tpu.memory_space<vmem>> -> memref<128xi32, #tpu.memory_space<vmem>>
        %dma_wait3A_119 = tpu.memref_slice %arg4[%add3A_19] : memref<320000xi32, #tpu.memory_space<hbm>> -> memref<128xi32, #tpu.memory_space<hbm>>
        tpu.wait_dma2 semaphore(%arg10 : memref<!tpu.dma_semaphore, #tpu.memory_space<semaphore_mem>>) src(%dma_wait3A_119 : memref<128xi32, #tpu.memory_space<hbm>>) dst(%dma_wait3A_118 : memref<128xi32, #tpu.memory_space<vmem>>)
        %dma_wait3A_120 = arith.constant 1 : i32
        %dma_wait3A_121 = arith.constant 0 : i32
        %dma_wait3A_122 = tpu.memref_slice %arg6[%dma_wait3A_120, %dma_wait3A_121] : memref<4x128xi32, #tpu.memory_space<vmem>> -> memref<1x128xi32, #tpu.memory_space<vmem>>
        %dma_wait3A_123 = tpu.memref_squeeze %dma_wait3A_122 : memref<1x128xi32, #tpu.memory_space<vmem>> -> memref<128xi32, #tpu.memory_space<vmem>>
        %dma_wait3A_124 = tpu.memref_slice %arg3[%add3A_21] : memref<320000xi32, #tpu.memory_space<hbm>> -> memref<128xi32, #tpu.memory_space<hbm>>
        %dma_wait3A_125 = arith.constant 0 : i32
        %dma_wait3A_126 = tpu.memref_slice %arg6[%dma_wait3A_120, %dma_wait3A_125] : memref<4x128xi32, #tpu.memory_space<vmem>> -> memref<1x128xi32, #tpu.memory_space<vmem>>
        %dma_wait3A_127 = tpu.memref_squeeze %dma_wait3A_126 : memref<1x128xi32, #tpu.memory_space<vmem>> -> memref<128xi32, #tpu.memory_space<vmem>>
        %dma_wait3A_128 = tpu.memref_slice %arg3[%add3A_21] : memref<320000xi32, #tpu.memory_space<hbm>> -> memref<128xi32, #tpu.memory_space<hbm>>
        tpu.wait_dma2 semaphore(%arg10 : memref<!tpu.dma_semaphore, #tpu.memory_space<semaphore_mem>>) src(%dma_wait3A_128 : memref<128xi32, #tpu.memory_space<hbm>>) dst(%dma_wait3A_127 : memref<128xi32, #tpu.memory_space<vmem>>)
        %dma_wait3A_129 = arith.constant 1 : i32
        %dma_wait3A_130 = arith.constant 0 : i32
        %dma_wait3A_131 = tpu.memref_slice %arg7[%dma_wait3A_129, %dma_wait3A_130] : memref<4x128xi32, #tpu.memory_space<vmem>> -> memref<1x128xi32, #tpu.memory_space<vmem>>
        %dma_wait3A_132 = tpu.memref_squeeze %dma_wait3A_131 : memref<1x128xi32, #tpu.memory_space<vmem>> -> memref<128xi32, #tpu.memory_space<vmem>>
        %dma_wait3A_133 = tpu.memref_slice %arg4[%add3A_23] : memref<320000xi32, #tpu.memory_space<hbm>> -> memref<128xi32, #tpu.memory_space<hbm>>
        %dma_wait3A_134 = arith.constant 0 : i32
        %dma_wait3A_135 = tpu.memref_slice %arg7[%dma_wait3A_129, %dma_wait3A_134] : memref<4x128xi32, #tpu.memory_space<vmem>> -> memref<1x128xi32, #tpu.memory_space<vmem>>
        %dma_wait3A_136 = tpu.memref_squeeze %dma_wait3A_135 : memref<1x128xi32, #tpu.memory_space<vmem>> -> memref<128xi32, #tpu.memory_space<vmem>>
        %dma_wait3A_137 = tpu.memref_slice %arg4[%add3A_23] : memref<320000xi32, #tpu.memory_space<hbm>> -> memref<128xi32, #tpu.memory_space<hbm>>
        tpu.wait_dma2 semaphore(%arg10 : memref<!tpu.dma_semaphore, #tpu.memory_space<semaphore_mem>>) src(%dma_wait3A_137 : memref<128xi32, #tpu.memory_space<hbm>>) dst(%dma_wait3A_136 : memref<128xi32, #tpu.memory_space<vmem>>)
        %dma_wait3A_138 = arith.constant 2 : i32
        %dma_wait3A_139 = arith.constant 0 : i32
        %dma_wait3A_140 = tpu.memref_slice %arg6[%dma_wait3A_138, %dma_wait3A_139] : memref<4x128xi32, #tpu.memory_space<vmem>> -> memref<1x128xi32, #tpu.memory_space<vmem>>
        %dma_wait3A_141 = tpu.memref_squeeze %dma_wait3A_140 : memref<1x128xi32, #tpu.memory_space<vmem>> -> memref<128xi32, #tpu.memory_space<vmem>>
        %dma_wait3A_142 = tpu.memref_slice %arg3[%add3A_25] : memref<320000xi32, #tpu.memory_space<hbm>> -> memref<128xi32, #tpu.memory_space<hbm>>
        %dma_wait3A_143 = arith.constant 0 : i32
        %dma_wait3A_144 = tpu.memref_slice %arg6[%dma_wait3A_138, %dma_wait3A_143] : memref<4x128xi32, #tpu.memory_space<vmem>> -> memref<1x128xi32, #tpu.memory_space<vmem>>
        %dma_wait3A_145 = tpu.memref_squeeze %dma_wait3A_144 : memref<1x128xi32, #tpu.memory_space<vmem>> -> memref<128xi32, #tpu.memory_space<vmem>>
        %dma_wait3A_146 = tpu.memref_slice %arg3[%add3A_25] : memref<320000xi32, #tpu.memory_space<hbm>> -> memref<128xi32, #tpu.memory_space<hbm>>
        tpu.wait_dma2 semaphore(%arg10 : memref<!tpu.dma_semaphore, #tpu.memory_space<semaphore_mem>>) src(%dma_wait3A_146 : memref<128xi32, #tpu.memory_space<hbm>>) dst(%dma_wait3A_145 : memref<128xi32, #tpu.memory_space<vmem>>)
        %dma_wait3A_147 = arith.constant 2 : i32
        %dma_wait3A_148 = arith.constant 0 : i32
        %dma_wait3A_149 = tpu.memref_slice %arg7[%dma_wait3A_147, %dma_wait3A_148] : memref<4x128xi32, #tpu.memory_space<vmem>> -> memref<1x128xi32, #tpu.memory_space<vmem>>
        %dma_wait3A_150 = tpu.memref_squeeze %dma_wait3A_149 : memref<1x128xi32, #tpu.memory_space<vmem>> -> memref<128xi32, #tpu.memory_space<vmem>>
        %dma_wait3A_151 = tpu.memref_slice %arg4[%add3A_27] : memref<320000xi32, #tpu.memory_space<hbm>> -> memref<128xi32, #tpu.memory_space<hbm>>
        %dma_wait3A_152 = arith.constant 0 : i32
        %dma_wait3A_153 = tpu.memref_slice %arg7[%dma_wait3A_147, %dma_wait3A_152] : memref<4x128xi32, #tpu.memory_space<vmem>> -> memref<1x128xi32, #tpu.memory_space<vmem>>
        %dma_wait3A_154 = tpu.memref_squeeze %dma_wait3A_153 : memref<1x128xi32, #tpu.memory_space<vmem>> -> memref<128xi32, #tpu.memory_space<vmem>>
        %dma_wait3A_155 = tpu.memref_slice %arg4[%add3A_27] : memref<320000xi32, #tpu.memory_space<hbm>> -> memref<128xi32, #tpu.memory_space<hbm>>
        tpu.wait_dma2 semaphore(%arg10 : memref<!tpu.dma_semaphore, #tpu.memory_space<semaphore_mem>>) src(%dma_wait3A_155 : memref<128xi32, #tpu.memory_space<hbm>>) dst(%dma_wait3A_154 : memref<128xi32, #tpu.memory_space<vmem>>)
        %dma_wait3A_156 = arith.constant 3 : i32
        %dma_wait3A_157 = arith.constant 0 : i32
        %dma_wait3A_158 = tpu.memref_slice %arg6[%dma_wait3A_156, %dma_wait3A_157] : memref<4x128xi32, #tpu.memory_space<vmem>> -> memref<1x128xi32, #tpu.memory_space<vmem>>
        %dma_wait3A_159 = tpu.memref_squeeze %dma_wait3A_158 : memref<1x128xi32, #tpu.memory_space<vmem>> -> memref<128xi32, #tpu.memory_space<vmem>>
        %dma_wait3A_160 = tpu.memref_slice %arg3[%add3A_29] : memref<320000xi32, #tpu.memory_space<hbm>> -> memref<128xi32, #tpu.memory_space<hbm>>
        %dma_wait3A_161 = arith.constant 0 : i32
        %dma_wait3A_162 = tpu.memref_slice %arg6[%dma_wait3A_156, %dma_wait3A_161] : memref<4x128xi32, #tpu.memory_space<vmem>> -> memref<1x128xi32, #tpu.memory_space<vmem>>
        %dma_wait3A_163 = tpu.memref_squeeze %dma_wait3A_162 : memref<1x128xi32, #tpu.memory_space<vmem>> -> memref<128xi32, #tpu.memory_space<vmem>>
        %dma_wait3A_164 = tpu.memref_slice %arg3[%add3A_29] : memref<320000xi32, #tpu.memory_space<hbm>> -> memref<128xi32, #tpu.memory_space<hbm>>
        tpu.wait_dma2 semaphore(%arg10 : memref<!tpu.dma_semaphore, #tpu.memory_space<semaphore_mem>>) src(%dma_wait3A_164 : memref<128xi32, #tpu.memory_space<hbm>>) dst(%dma_wait3A_163 : memref<128xi32, #tpu.memory_space<vmem>>)
        %dma_wait3A_165 = arith.constant 3 : i32
        %dma_wait3A_166 = arith.constant 0 : i32
        %dma_wait3A_167 = tpu.memref_slice %arg7[%dma_wait3A_165, %dma_wait3A_166] : memref<4x128xi32, #tpu.memory_space<vmem>> -> memref<1x128xi32, #tpu.memory_space<vmem>>
        %dma_wait3A_168 = tpu.memref_squeeze %dma_wait3A_167 : memref<1x128xi32, #tpu.memory_space<vmem>> -> memref<128xi32, #tpu.memory_space<vmem>>
        %dma_wait3A_169 = tpu.memref_slice %arg4[%add3A_31] : memref<320000xi32, #tpu.memory_space<hbm>> -> memref<128xi32, #tpu.memory_space<hbm>>
        %dma_wait3A_170 = arith.constant 0 : i32
        %dma_wait3A_171 = tpu.memref_slice %arg7[%dma_wait3A_165, %dma_wait3A_170] : memref<4x128xi32, #tpu.memory_space<vmem>> -> memref<1x128xi32, #tpu.memory_space<vmem>>
        %dma_wait3A_172 = tpu.memref_squeeze %dma_wait3A_171 : memref<1x128xi32, #tpu.memory_space<vmem>> -> memref<128xi32, #tpu.memory_space<vmem>>
        %dma_wait3A_173 = tpu.memref_slice %arg4[%add3A_31] : memref<320000xi32, #tpu.memory_space<hbm>> -> memref<128xi32, #tpu.memory_space<hbm>>
        tpu.wait_dma2 semaphore(%arg10 : memref<!tpu.dma_semaphore, #tpu.memory_space<semaphore_mem>>) src(%dma_wait3A_173 : memref<128xi32, #tpu.memory_space<hbm>>) dst(%dma_wait3A_172 : memref<128xi32, #tpu.memory_space<vmem>>)
        %dma_start3A_174 = arith.constant 0 : i32
        %dma_start3A_175 = arith.constant 0 : i32
        %dma_start3A_176 = arith.constant 0 : i32
        %dma_start3A_177 = tpu.memref_slice %arg8[%dma_start3A_175, %dma_start3A_176] : memref<512x64xf32, #tpu.memory_space<vmem>> -> memref<128x64xf32, #tpu.memory_space<vmem>>
        %dma_start3A_178 = arith.constant 0 : i32
        %dma_start3A_179 = tpu.memref_slice %arg6[%dma_start3A_174, %dma_start3A_178] : memref<4x128xi32, #tpu.memory_space<vmem>> -> memref<1x128xi32, #tpu.memory_space<vmem>>
        %dma_start3A_180 = tpu.memref_squeeze %dma_start3A_179 : memref<1x128xi32, #tpu.memory_space<vmem>> -> memref<128xi32, #tpu.memory_space<vmem>>
        %dma_start3A_181 = arith.constant 0 : i32
        %dma_start3A_182 = arith.constant 0 : i32
        %dma_start3A_183 = tpu.memref_slice %arg2[%dma_start3A_181, %dma_start3A_182] : memref<10000x64xf32, #tpu.memory_space<hbm>> -> memref<10000x64xf32, #tpu.memory_space<hbm>>
        tpu.enqueue_indirect_dma source(%dma_start3A_183 : memref<10000x64xf32, #tpu.memory_space<hbm>>) target(%dma_start3A_177 : memref<128x64xf32, #tpu.memory_space<vmem>>) offsets(%dma_start3A_180 : memref<128xi32, #tpu.memory_space<vmem>>) semaphore(%arg11 : memref<!tpu.dma_semaphore, #tpu.memory_space<semaphore_mem>>)
        %dma_start3A_184 = arith.constant 0 : i32
        %dma_start3A_185 = arith.constant 0 : i32
        %dma_start3A_186 = arith.constant 0 : i32
        %dma_start3A_187 = tpu.memref_slice %arg9[%dma_start3A_185, %dma_start3A_186] : memref<512x64xf32, #tpu.memory_space<vmem>> -> memref<128x64xf32, #tpu.memory_space<vmem>>
        %dma_start3A_188 = arith.constant 0 : i32
        %dma_start3A_189 = tpu.memref_slice %arg7[%dma_start3A_184, %dma_start3A_188] : memref<4x128xi32, #tpu.memory_space<vmem>> -> memref<1x128xi32, #tpu.memory_space<vmem>>
        %dma_start3A_190 = tpu.memref_squeeze %dma_start3A_189 : memref<1x128xi32, #tpu.memory_space<vmem>> -> memref<128xi32, #tpu.memory_space<vmem>>
        %dma_start3A_191 = arith.constant 0 : i32
        %dma_start3A_192 = arith.constant 0 : i32
        %dma_start3A_193 = tpu.memref_slice %arg2[%dma_start3A_191, %dma_start3A_192] : memref<10000x64xf32, #tpu.memory_space<hbm>> -> memref<10000x64xf32, #tpu.memory_space<hbm>>
        tpu.enqueue_indirect_dma source(%dma_start3A_193 : memref<10000x64xf32, #tpu.memory_space<hbm>>) target(%dma_start3A_187 : memref<128x64xf32, #tpu.memory_space<vmem>>) offsets(%dma_start3A_190 : memref<128xi32, #tpu.memory_space<vmem>>) semaphore(%arg11 : memref<!tpu.dma_semaphore, #tpu.memory_space<semaphore_mem>>)
        %dma_start3A_194 = arith.constant 1 : i32
        %dma_start3A_195 = arith.constant 128 : i32
        %dma_start3A_196 = arith.constant 0 : i32
        %dma_start3A_197 = tpu.memref_slice %arg8[%dma_start3A_195, %dma_start3A_196] : memref<512x64xf32, #tpu.memory_space<vmem>> -> memref<128x64xf32, #tpu.memory_space<vmem>>
        %dma_start3A_198 = arith.constant 0 : i32
        %dma_start3A_199 = tpu.memref_slice %arg6[%dma_start3A_194, %dma_start3A_198] : memref<4x128xi32, #tpu.memory_space<vmem>> -> memref<1x128xi32, #tpu.memory_space<vmem>>
        %dma_start3A_200 = tpu.memref_squeeze %dma_start3A_199 : memref<1x128xi32, #tpu.memory_space<vmem>> -> memref<128xi32, #tpu.memory_space<vmem>>
        %dma_start3A_201 = arith.constant 0 : i32
        %dma_start3A_202 = arith.constant 0 : i32
        %dma_start3A_203 = tpu.memref_slice %arg2[%dma_start3A_201, %dma_start3A_202] : memref<10000x64xf32, #tpu.memory_space<hbm>> -> memref<10000x64xf32, #tpu.memory_space<hbm>>
        tpu.enqueue_indirect_dma source(%dma_start3A_203 : memref<10000x64xf32, #tpu.memory_space<hbm>>) target(%dma_start3A_197 : memref<128x64xf32, #tpu.memory_space<vmem>>) offsets(%dma_start3A_200 : memref<128xi32, #tpu.memory_space<vmem>>) semaphore(%arg11 : memref<!tpu.dma_semaphore, #tpu.memory_space<semaphore_mem>>)
        %dma_start3A_204 = arith.constant 1 : i32
        %dma_start3A_205 = arith.constant 128 : i32
        %dma_start3A_206 = arith.constant 0 : i32
        %dma_start3A_207 = tpu.memref_slice %arg9[%dma_start3A_205, %dma_start3A_206] : memref<512x64xf32, #tpu.memory_space<vmem>> -> memref<128x64xf32, #tpu.memory_space<vmem>>
        %dma_start3A_208 = arith.constant 0 : i32
        %dma_start3A_209 = tpu.memref_slice %arg7[%dma_start3A_204, %dma_start3A_208] : memref<4x128xi32, #tpu.memory_space<vmem>> -> memref<1x128xi32, #tpu.memory_space<vmem>>
        %dma_start3A_210 = tpu.memref_squeeze %dma_start3A_209 : memref<1x128xi32, #tpu.memory_space<vmem>> -> memref<128xi32, #tpu.memory_space<vmem>>
        %dma_start3A_211 = arith.constant 0 : i32
        %dma_start3A_212 = arith.constant 0 : i32
        %dma_start3A_213 = tpu.memref_slice %arg2[%dma_start3A_211, %dma_start3A_212] : memref<10000x64xf32, #tpu.memory_space<hbm>> -> memref<10000x64xf32, #tpu.memory_space<hbm>>
        tpu.enqueue_indirect_dma source(%dma_start3A_213 : memref<10000x64xf32, #tpu.memory_space<hbm>>) target(%dma_start3A_207 : memref<128x64xf32, #tpu.memory_space<vmem>>) offsets(%dma_start3A_210 : memref<128xi32, #tpu.memory_space<vmem>>) semaphore(%arg11 : memref<!tpu.dma_semaphore, #tpu.memory_space<semaphore_mem>>)
        %dma_start3A_214 = arith.constant 2 : i32
        %dma_start3A_215 = arith.constant 256 : i32
        %dma_start3A_216 = arith.constant 0 : i32
        %dma_start3A_217 = tpu.memref_slice %arg8[%dma_start3A_215, %dma_start3A_216] : memref<512x64xf32, #tpu.memory_space<vmem>> -> memref<128x64xf32, #tpu.memory_space<vmem>>
        %dma_start3A_218 = arith.constant 0 : i32
        %dma_start3A_219 = tpu.memref_slice %arg6[%dma_start3A_214, %dma_start3A_218] : memref<4x128xi32, #tpu.memory_space<vmem>> -> memref<1x128xi32, #tpu.memory_space<vmem>>
        %dma_start3A_220 = tpu.memref_squeeze %dma_start3A_219 : memref<1x128xi32, #tpu.memory_space<vmem>> -> memref<128xi32, #tpu.memory_space<vmem>>
        %dma_start3A_221 = arith.constant 0 : i32
        %dma_start3A_222 = arith.constant 0 : i32
        %dma_start3A_223 = tpu.memref_slice %arg2[%dma_start3A_221, %dma_start3A_222] : memref<10000x64xf32, #tpu.memory_space<hbm>> -> memref<10000x64xf32, #tpu.memory_space<hbm>>
        tpu.enqueue_indirect_dma source(%dma_start3A_223 : memref<10000x64xf32, #tpu.memory_space<hbm>>) target(%dma_start3A_217 : memref<128x64xf32, #tpu.memory_space<vmem>>) offsets(%dma_start3A_220 : memref<128xi32, #tpu.memory_space<vmem>>) semaphore(%arg11 : memref<!tpu.dma_semaphore, #tpu.memory_space<semaphore_mem>>)
        %dma_start3A_224 = arith.constant 2 : i32
        %dma_start3A_225 = arith.constant 256 : i32
        %dma_start3A_226 = arith.constant 0 : i32
        %dma_start3A_227 = tpu.memref_slice %arg9[%dma_start3A_225, %dma_start3A_226] : memref<512x64xf32, #tpu.memory_space<vmem>> -> memref<128x64xf32, #tpu.memory_space<vmem>>
        %dma_start3A_228 = arith.constant 0 : i32
        %dma_start3A_229 = tpu.memref_slice %arg7[%dma_start3A_224, %dma_start3A_228] : memref<4x128xi32, #tpu.memory_space<vmem>> -> memref<1x128xi32, #tpu.memory_space<vmem>>
        %dma_start3A_230 = tpu.memref_squeeze %dma_start3A_229 : memref<1x128xi32, #tpu.memory_space<vmem>> -> memref<128xi32, #tpu.memory_space<vmem>>
        %dma_start3A_231 = arith.constant 0 : i32
        %dma_start3A_232 = arith.constant 0 : i32
        %dma_start3A_233 = tpu.memref_slice %arg2[%dma_start3A_231, %dma_start3A_232] : memref<10000x64xf32, #tpu.memory_space<hbm>> -> memref<10000x64xf32, #tpu.memory_space<hbm>>
        tpu.enqueue_indirect_dma source(%dma_start3A_233 : memref<10000x64xf32, #tpu.memory_space<hbm>>) target(%dma_start3A_227 : memref<128x64xf32, #tpu.memory_space<vmem>>) offsets(%dma_start3A_230 : memref<128xi32, #tpu.memory_space<vmem>>) semaphore(%arg11 : memref<!tpu.dma_semaphore, #tpu.memory_space<semaphore_mem>>)
        %dma_start3A_234 = arith.constant 3 : i32
        %dma_start3A_235 = arith.constant 384 : i32
        %dma_start3A_236 = arith.constant 0 : i32
        %dma_start3A_237 = tpu.memref_slice %arg8[%dma_start3A_235, %dma_start3A_236] : memref<512x64xf32, #tpu.memory_space<vmem>> -> memref<128x64xf32, #tpu.memory_space<vmem>>
        %dma_start3A_238 = arith.constant 0 : i32
        %dma_start3A_239 = tpu.memref_slice %arg6[%dma_start3A_234, %dma_start3A_238] : memref<4x128xi32, #tpu.memory_space<vmem>> -> memref<1x128xi32, #tpu.memory_space<vmem>>
        %dma_start3A_240 = tpu.memref_squeeze %dma_start3A_239 : memref<1x128xi32, #tpu.memory_space<vmem>> -> memref<128xi32, #tpu.memory_space<vmem>>
        %dma_start3A_241 = arith.constant 0 : i32
        %dma_start3A_242 = arith.constant 0 : i32
        %dma_start3A_243 = tpu.memref_slice %arg2[%dma_start3A_241, %dma_start3A_242] : memref<10000x64xf32, #tpu.memory_space<hbm>> -> memref<10000x64xf32, #tpu.memory_space<hbm>>
        tpu.enqueue_indirect_dma source(%dma_start3A_243 : memref<10000x64xf32, #tpu.memory_space<hbm>>) target(%dma_start3A_237 : memref<128x64xf32, #tpu.memory_space<vmem>>) offsets(%dma_start3A_240 : memref<128xi32, #tpu.memory_space<vmem>>) semaphore(%arg11 : memref<!tpu.dma_semaphore, #tpu.memory_space<semaphore_mem>>)
        %dma_start3A_244 = arith.constant 3 : i32
        %dma_start3A_245 = arith.constant 384 : i32
        %dma_start3A_246 = arith.constant 0 : i32
        %dma_start3A_247 = tpu.memref_slice %arg9[%dma_start3A_245, %dma_start3A_246] : memref<512x64xf32, #tpu.memory_space<vmem>> -> memref<128x64xf32, #tpu.memory_space<vmem>>
        %dma_start3A_248 = arith.constant 0 : i32
        %dma_start3A_249 = tpu.memref_slice %arg7[%dma_start3A_244, %dma_start3A_248] : memref<4x128xi32, #tpu.memory_space<vmem>> -> memref<1x128xi32, #tpu.memory_space<vmem>>
        %dma_start3A_250 = tpu.memref_squeeze %dma_start3A_249 : memref<1x128xi32, #tpu.memory_space<vmem>> -> memref<128xi32, #tpu.memory_space<vmem>>
        %dma_start3A_251 = arith.constant 0 : i32
        %dma_start3A_252 = arith.constant 0 : i32
        %dma_start3A_253 = tpu.memref_slice %arg2[%dma_start3A_251, %dma_start3A_252] : memref<10000x64xf32, #tpu.memory_space<hbm>> -> memref<10000x64xf32, #tpu.memory_space<hbm>>
        tpu.enqueue_indirect_dma source(%dma_start3A_253 : memref<10000x64xf32, #tpu.memory_space<hbm>>) target(%dma_start3A_247 : memref<128x64xf32, #tpu.memory_space<vmem>>) offsets(%dma_start3A_250 : memref<128xi32, #tpu.memory_space<vmem>>) semaphore(%arg11 : memref<!tpu.dma_semaphore, #tpu.memory_space<semaphore_mem>>)
        %dma_wait3A_254 = arith.constant 0 : i32
        %dma_wait3A_255 = arith.constant 0 : i32
        %dma_wait3A_256 = arith.constant 0 : i32
        %dma_wait3A_257 = tpu.memref_slice %arg8[%dma_wait3A_255, %dma_wait3A_256] : memref<512x64xf32, #tpu.memory_space<vmem>> -> memref<128x64xf32, #tpu.memory_space<vmem>>
        %dma_wait3A_258 = arith.constant 0 : i32
        %dma_wait3A_259 = tpu.memref_slice %arg6[%dma_wait3A_254, %dma_wait3A_258] : memref<4x128xi32, #tpu.memory_space<vmem>> -> memref<1x128xi32, #tpu.memory_space<vmem>>
        %dma_wait3A_260 = tpu.memref_squeeze %dma_wait3A_259 : memref<1x128xi32, #tpu.memory_space<vmem>> -> memref<128xi32, #tpu.memory_space<vmem>>
        %dma_wait3A_261 = arith.constant 0 : i32
        %dma_wait3A_262 = arith.constant 0 : i32
        %dma_wait3A_263 = tpu.memref_slice %arg2[%dma_wait3A_261, %dma_wait3A_262] : memref<10000x64xf32, #tpu.memory_space<hbm>> -> memref<10000x64xf32, #tpu.memory_space<hbm>>
        tpu.wait_indirect_dma semaphore(%arg11 : memref<!tpu.dma_semaphore, #tpu.memory_space<semaphore_mem>>) src(%dma_wait3A_263 : memref<10000x64xf32, #tpu.memory_space<hbm>>) dst(%dma_wait3A_257 : memref<128x64xf32, #tpu.memory_space<vmem>>)
        %dma_wait3A_264 = arith.constant 0 : i32
        %dma_wait3A_265 = arith.constant 0 : i32
        %dma_wait3A_266 = arith.constant 0 : i32
        %dma_wait3A_267 = tpu.memref_slice %arg9[%dma_wait3A_265, %dma_wait3A_266] : memref<512x64xf32, #tpu.memory_space<vmem>> -> memref<128x64xf32, #tpu.memory_space<vmem>>
        %dma_wait3A_268 = arith.constant 0 : i32
        %dma_wait3A_269 = tpu.memref_slice %arg7[%dma_wait3A_264, %dma_wait3A_268] : memref<4x128xi32, #tpu.memory_space<vmem>> -> memref<1x128xi32, #tpu.memory_space<vmem>>
        %dma_wait3A_270 = tpu.memref_squeeze %dma_wait3A_269 : memref<1x128xi32, #tpu.memory_space<vmem>> -> memref<128xi32, #tpu.memory_space<vmem>>
        %dma_wait3A_271 = arith.constant 0 : i32
        %dma_wait3A_272 = arith.constant 0 : i32
        %dma_wait3A_273 = tpu.memref_slice %arg2[%dma_wait3A_271, %dma_wait3A_272] : memref<10000x64xf32, #tpu.memory_space<hbm>> -> memref<10000x64xf32, #tpu.memory_space<hbm>>
        tpu.wait_indirect_dma semaphore(%arg11 : memref<!tpu.dma_semaphore, #tpu.memory_space<semaphore_mem>>) src(%dma_wait3A_273 : memref<10000x64xf32, #tpu.memory_space<hbm>>) dst(%dma_wait3A_267 : memref<128x64xf32, #tpu.memory_space<vmem>>)
        %dma_wait3A_274 = arith.constant 1 : i32
        %dma_wait3A_275 = arith.constant 128 : i32
        %dma_wait3A_276 = arith.constant 0 : i32
        %dma_wait3A_277 = tpu.memref_slice %arg8[%dma_wait3A_275, %dma_wait3A_276] : memref<512x64xf32, #tpu.memory_space<vmem>> -> memref<128x64xf32, #tpu.memory_space<vmem>>
        %dma_wait3A_278 = arith.constant 0 : i32
        %dma_wait3A_279 = tpu.memref_slice %arg6[%dma_wait3A_274, %dma_wait3A_278] : memref<4x128xi32, #tpu.memory_space<vmem>> -> memref<1x128xi32, #tpu.memory_space<vmem>>
        %dma_wait3A_280 = tpu.memref_squeeze %dma_wait3A_279 : memref<1x128xi32, #tpu.memory_space<vmem>> -> memref<128xi32, #tpu.memory_space<vmem>>
        %dma_wait3A_281 = arith.constant 0 : i32
        %dma_wait3A_282 = arith.constant 0 : i32
        %dma_wait3A_283 = tpu.memref_slice %arg2[%dma_wait3A_281, %dma_wait3A_282] : memref<10000x64xf32, #tpu.memory_space<hbm>> -> memref<10000x64xf32, #tpu.memory_space<hbm>>
        tpu.wait_indirect_dma semaphore(%arg11 : memref<!tpu.dma_semaphore, #tpu.memory_space<semaphore_mem>>) src(%dma_wait3A_283 : memref<10000x64xf32, #tpu.memory_space<hbm>>) dst(%dma_wait3A_277 : memref<128x64xf32, #tpu.memory_space<vmem>>)
        %dma_wait3A_284 = arith.constant 1 : i32
        %dma_wait3A_285 = arith.constant 128 : i32
        %dma_wait3A_286 = arith.constant 0 : i32
        %dma_wait3A_287 = tpu.memref_slice %arg9[%dma_wait3A_285, %dma_wait3A_286] : memref<512x64xf32, #tpu.memory_space<vmem>> -> memref<128x64xf32, #tpu.memory_space<vmem>>
        %dma_wait3A_288 = arith.constant 0 : i32
        %dma_wait3A_289 = tpu.memref_slice %arg7[%dma_wait3A_284, %dma_wait3A_288] : memref<4x128xi32, #tpu.memory_space<vmem>> -> memref<1x128xi32, #tpu.memory_space<vmem>>
        %dma_wait3A_290 = tpu.memref_squeeze %dma_wait3A_289 : memref<1x128xi32, #tpu.memory_space<vmem>> -> memref<128xi32, #tpu.memory_space<vmem>>
        %dma_wait3A_291 = arith.constant 0 : i32
        %dma_wait3A_292 = arith.constant 0 : i32
        %dma_wait3A_293 = tpu.memref_slice %arg2[%dma_wait3A_291, %dma_wait3A_292] : memref<10000x64xf32, #tpu.memory_space<hbm>> -> memref<10000x64xf32, #tpu.memory_space<hbm>>
        tpu.wait_indirect_dma semaphore(%arg11 : memref<!tpu.dma_semaphore, #tpu.memory_space<semaphore_mem>>) src(%dma_wait3A_293 : memref<10000x64xf32, #tpu.memory_space<hbm>>) dst(%dma_wait3A_287 : memref<128x64xf32, #tpu.memory_space<vmem>>)
        %dma_wait3A_294 = arith.constant 2 : i32
        %dma_wait3A_295 = arith.constant 256 : i32
        %dma_wait3A_296 = arith.constant 0 : i32
        %dma_wait3A_297 = tpu.memref_slice %arg8[%dma_wait3A_295, %dma_wait3A_296] : memref<512x64xf32, #tpu.memory_space<vmem>> -> memref<128x64xf32, #tpu.memory_space<vmem>>
        %dma_wait3A_298 = arith.constant 0 : i32
        %dma_wait3A_299 = tpu.memref_slice %arg6[%dma_wait3A_294, %dma_wait3A_298] : memref<4x128xi32, #tpu.memory_space<vmem>> -> memref<1x128xi32, #tpu.memory_space<vmem>>
        %dma_wait3A_300 = tpu.memref_squeeze %dma_wait3A_299 : memref<1x128xi32, #tpu.memory_space<vmem>> -> memref<128xi32, #tpu.memory_space<vmem>>
        %dma_wait3A_301 = arith.constant 0 : i32
        %dma_wait3A_302 = arith.constant 0 : i32
        %dma_wait3A_303 = tpu.memref_slice %arg2[%dma_wait3A_301, %dma_wait3A_302] : memref<10000x64xf32, #tpu.memory_space<hbm>> -> memref<10000x64xf32, #tpu.memory_space<hbm>>
        tpu.wait_indirect_dma semaphore(%arg11 : memref<!tpu.dma_semaphore, #tpu.memory_space<semaphore_mem>>) src(%dma_wait3A_303 : memref<10000x64xf32, #tpu.memory_space<hbm>>) dst(%dma_wait3A_297 : memref<128x64xf32, #tpu.memory_space<vmem>>)
        %dma_wait3A_304 = arith.constant 2 : i32
        %dma_wait3A_305 = arith.constant 256 : i32
        %dma_wait3A_306 = arith.constant 0 : i32
        %dma_wait3A_307 = tpu.memref_slice %arg9[%dma_wait3A_305, %dma_wait3A_306] : memref<512x64xf32, #tpu.memory_space<vmem>> -> memref<128x64xf32, #tpu.memory_space<vmem>>
        %dma_wait3A_308 = arith.constant 0 : i32
        %dma_wait3A_309 = tpu.memref_slice %arg7[%dma_wait3A_304, %dma_wait3A_308] : memref<4x128xi32, #tpu.memory_space<vmem>> -> memref<1x128xi32, #tpu.memory_space<vmem>>
        %dma_wait3A_310 = tpu.memref_squeeze %dma_wait3A_309 : memref<1x128xi32, #tpu.memory_space<vmem>> -> memref<128xi32, #tpu.memory_space<vmem>>
        %dma_wait3A_311 = arith.constant 0 : i32
        %dma_wait3A_312 = arith.constant 0 : i32
        %dma_wait3A_313 = tpu.memref_slice %arg2[%dma_wait3A_311, %dma_wait3A_312] : memref<10000x64xf32, #tpu.memory_space<hbm>> -> memref<10000x64xf32, #tpu.memory_space<hbm>>
        tpu.wait_indirect_dma semaphore(%arg11 : memref<!tpu.dma_semaphore, #tpu.memory_space<semaphore_mem>>) src(%dma_wait3A_313 : memref<10000x64xf32, #tpu.memory_space<hbm>>) dst(%dma_wait3A_307 : memref<128x64xf32, #tpu.memory_space<vmem>>)
        %dma_wait3A_314 = arith.constant 3 : i32
        %dma_wait3A_315 = arith.constant 384 : i32
        %dma_wait3A_316 = arith.constant 0 : i32
        %dma_wait3A_317 = tpu.memref_slice %arg8[%dma_wait3A_315, %dma_wait3A_316] : memref<512x64xf32, #tpu.memory_space<vmem>> -> memref<128x64xf32, #tpu.memory_space<vmem>>
        %dma_wait3A_318 = arith.constant 0 : i32
        %dma_wait3A_319 = tpu.memref_slice %arg6[%dma_wait3A_314, %dma_wait3A_318] : memref<4x128xi32, #tpu.memory_space<vmem>> -> memref<1x128xi32, #tpu.memory_space<vmem>>
        %dma_wait3A_320 = tpu.memref_squeeze %dma_wait3A_319 : memref<1x128xi32, #tpu.memory_space<vmem>> -> memref<128xi32, #tpu.memory_space<vmem>>
        %dma_wait3A_321 = arith.constant 0 : i32
        %dma_wait3A_322 = arith.constant 0 : i32
        %dma_wait3A_323 = tpu.memref_slice %arg2[%dma_wait3A_321, %dma_wait3A_322] : memref<10000x64xf32, #tpu.memory_space<hbm>> -> memref<10000x64xf32, #tpu.memory_space<hbm>>
        tpu.wait_indirect_dma semaphore(%arg11 : memref<!tpu.dma_semaphore, #tpu.memory_space<semaphore_mem>>) src(%dma_wait3A_323 : memref<10000x64xf32, #tpu.memory_space<hbm>>) dst(%dma_wait3A_317 : memref<128x64xf32, #tpu.memory_space<vmem>>)
        %dma_wait3A_324 = arith.constant 3 : i32
        %dma_wait3A_325 = arith.constant 384 : i32
        %dma_wait3A_326 = arith.constant 0 : i32
        %dma_wait3A_327 = tpu.memref_slice %arg9[%dma_wait3A_325, %dma_wait3A_326] : memref<512x64xf32, #tpu.memory_space<vmem>> -> memref<128x64xf32, #tpu.memory_space<vmem>>
        %dma_wait3A_328 = arith.constant 0 : i32
        %dma_wait3A_329 = tpu.memref_slice %arg7[%dma_wait3A_324, %dma_wait3A_328] : memref<4x128xi32, #tpu.memory_space<vmem>> -> memref<1x128xi32, #tpu.memory_space<vmem>>
        %dma_wait3A_330 = tpu.memref_squeeze %dma_wait3A_329 : memref<1x128xi32, #tpu.memory_space<vmem>> -> memref<128xi32, #tpu.memory_space<vmem>>
        %dma_wait3A_331 = arith.constant 0 : i32
        %dma_wait3A_332 = arith.constant 0 : i32
        %dma_wait3A_333 = tpu.memref_slice %arg2[%dma_wait3A_331, %dma_wait3A_332] : memref<10000x64xf32, #tpu.memory_space<hbm>> -> memref<10000x64xf32, #tpu.memory_space<hbm>>
        tpu.wait_indirect_dma semaphore(%arg11 : memref<!tpu.dma_semaphore, #tpu.memory_space<semaphore_mem>>) src(%dma_wait3A_333 : memref<10000x64xf32, #tpu.memory_space<hbm>>) dst(%dma_wait3A_327 : memref<128x64xf32, #tpu.memory_space<vmem>>)
        %dma_start3A_334 = arith.constant 0 : i32
        %dma_start3A_335 = tpu.memref_slice %arg5[%mul3A_13, %dma_start3A_334] : memref<64000x128xf32, #tpu.memory_space<hbm>> -> memref<512x64xf32, #tpu.memory_space<hbm>>
        %dma_start3A_336 = arith.constant 0 : i32
        %dma_start3A_337 = tpu.memref_slice %arg5[%mul3A_13, %dma_start3A_336] : memref<64000x128xf32, #tpu.memory_space<hbm>> -> memref<512x64xf32, #tpu.memory_space<hbm>>
        tpu.enqueue_dma source(%arg8 : memref<512x64xf32, #tpu.memory_space<vmem>>) target(%dma_start3A_337 : memref<512x64xf32, #tpu.memory_space<hbm>>) target_semaphore(%arg12 : memref<!tpu.dma_semaphore, #tpu.memory_space<semaphore_mem>>)
        %dma_start3A_338 = arith.constant 64 : i32
        %dma_start3A_339 = tpu.memref_slice %arg5[%mul3A_13, %dma_start3A_338] : memref<64000x128xf32, #tpu.memory_space<hbm>> -> memref<512x64xf32, #tpu.memory_space<hbm>>
        %dma_start3A_340 = arith.constant 64 : i32
        %dma_start3A_341 = tpu.memref_slice %arg5[%mul3A_13, %dma_start3A_340] : memref<64000x128xf32, #tpu.memory_space<hbm>> -> memref<512x64xf32, #tpu.memory_space<hbm>>
        tpu.enqueue_dma source(%arg9 : memref<512x64xf32, #tpu.memory_space<vmem>>) target(%dma_start3A_341 : memref<512x64xf32, #tpu.memory_space<hbm>>) target_semaphore(%arg12 : memref<!tpu.dma_semaphore, #tpu.memory_space<semaphore_mem>>)
        %dma_wait3A_342 = arith.constant 0 : i32
        %dma_wait3A_343 = tpu.memref_slice %arg5[%mul3A_13, %dma_wait3A_342] : memref<64000x128xf32, #tpu.memory_space<hbm>> -> memref<512x64xf32, #tpu.memory_space<hbm>>
        %dma_wait3A_344 = arith.constant 0 : i32
        %dma_wait3A_345 = tpu.memref_slice %arg5[%mul3A_13, %dma_wait3A_344] : memref<64000x128xf32, #tpu.memory_space<hbm>> -> memref<512x64xf32, #tpu.memory_space<hbm>>
        tpu.wait_dma2 semaphore(%arg12 : memref<!tpu.dma_semaphore, #tpu.memory_space<semaphore_mem>>) src(%arg8 : memref<512x64xf32, #tpu.memory_space<vmem>>) dst(%dma_wait3A_345 : memref<512x64xf32, #tpu.memory_space<hbm>>)
        %dma_wait3A_346 = arith.constant 64 : i32
        %dma_wait3A_347 = tpu.memref_slice %arg5[%mul3A_13, %dma_wait3A_346] : memref<64000x128xf32, #tpu.memory_space<hbm>> -> memref<512x64xf32, #tpu.memory_space<hbm>>
        %dma_wait3A_348 = arith.constant 64 : i32
        %dma_wait3A_349 = tpu.memref_slice %arg5[%mul3A_13, %dma_wait3A_348] : memref<64000x128xf32, #tpu.memory_space<hbm>> -> memref<512x64xf32, #tpu.memory_space<hbm>>
        tpu.wait_dma2 semaphore(%arg12 : memref<!tpu.dma_semaphore, #tpu.memory_space<semaphore_mem>>) src(%arg9 : memref<512x64xf32, #tpu.memory_space<vmem>>) dst(%dma_wait3A_349 : memref<512x64xf32, #tpu.memory_space<hbm>>)
      } else {
      }
    }
    %scan3A_5 = arith.constant 4 : i32
    return
  }
}

#map = affine_map<(d0, d1) -> (0, 0)>
#map1 = affine_map<(d0, d1) -> (0)>
module attributes {stable_mosaic.version = 14 : i64} {
  func.func @_gather_body(%arg0: i32, %arg1: i32, %arg2: memref<10000x64xf32, #tpu.memory_space<hbm>>, %arg3: memref<320000xi32, #tpu.memory_space<hbm>>, %arg4: memref<320000xi32, #tpu.memory_space<hbm>>, %arg5: memref<64000x128xf32, #tpu.memory_space<hbm>>, %arg6: memref<4x128xi32, #tpu.memory_space<vmem>>, %arg7: memref<4x128xi32, #tpu.memory_space<vmem>>, %arg8: memref<512x64xf32, #tpu.memory_space<vmem>>, %arg9: memref<512x64xf32, #tpu.memory_space<vmem>>, %arg10: memref<!tpu.dma_semaphore, #tpu.memory_space<semaphore_mem>>, %arg11: memref<!tpu.dma_semaphore, #tpu.memory_space<semaphore_mem>>, %arg12: memref<!tpu.dma_semaphore, #tpu.memory_space<semaphore_mem>>) attributes {dimension_semantics = [#tpu.dimension_semantics<core_parallel>, #tpu.dimension_semantics<subcore_parallel>], iteration_bounds = array<i64: 2, 16>, scalar_prefetch = 0 : i64, scratch_operands = 7 : i64, tpu.core_type = #tpu.core_type<sc_vector_subcore>, window_params = [{transform_indices = #map}, {transform_indices = #map1}, {transform_indices = #map1}, {transform_indices = #map}]} {
    %mul3A = arith.constant 2 : i32
    %mul3A_0 = arith.muli %arg1, %mul3A : i32
    %add3A = arith.addi %mul3A_0, %arg0 : i32
    %scan3A = arith.constant 0 : i32
    %scan3A_1 = arith.constant 0 : i32
    %scan3A_2 = arith.constant 4 : i32
    %scan3A_3 = arith.addi %scan3A_1, %scan3A_2 : i32
    %scan3A_4 = arith.constant 1 : i32
    scf.for %scan3A_6 = %scan3A_1 to %scan3A_3 step %scan3A_4  : i32 {
      %mul3A_7 = arith.constant 32 : i32
      %mul3A_8 = arith.muli %scan3A_6, %mul3A_7 : i32
      %add3A_9 = arith.addi %mul3A_8, %add3A : i32
      %lt3A = arith.constant 125 : i32
      %lt3A_10 = arith.cmpi slt, %add3A_9, %lt3A : i32
      %convert_element_type3A = arith.extui %lt3A_10 : i1 to i32
      %cond3A = arith.constant 0 : i32
      %cond3A_11 = arith.cmpi ne, %convert_element_type3A, %cond3A : i32
      scf.if %cond3A_11 {
        %mul3A_12 = arith.constant 512 : i32
        %mul3A_13 = arith.muli %add3A_9, %mul3A_12 : i32
        %add3A_14 = arith.constant 64000 : i32
        %add3A_15 = arith.addi %add3A_14, %mul3A_13 : i32
        %add3A_16 = arith.constant 0 : i32
        %add3A_17 = arith.addi %add3A_15, %add3A_16 : i32
        %add3A_18 = arith.constant 0 : i32
        %add3A_19 = arith.addi %add3A_15, %add3A_18 : i32
        %add3A_20 = arith.constant 128 : i32
        %add3A_21 = arith.addi %add3A_15, %add3A_20 : i32
        %add3A_22 = arith.constant 128 : i32
        %add3A_23 = arith.addi %add3A_15, %add3A_22 : i32
        %add3A_24 = arith.constant 256 : i32
        %add3A_25 = arith.addi %add3A_15, %add3A_24 : i32
        %add3A_26 = arith.constant 256 : i32
        %add3A_27 = arith.addi %add3A_15, %add3A_26 : i32
        %add3A_28 = arith.constant 384 : i32
        %add3A_29 = arith.addi %add3A_15, %add3A_28 : i32
        %add3A_30 = arith.constant 384 : i32
        %add3A_31 = arith.addi %add3A_15, %add3A_30 : i32
        %dma_start3A = arith.constant 0 : i32
        %dma_start3A_32 = arith.constant 0 : i32
        %dma_start3A_33 = tpu.memref_slice %arg6[%dma_start3A, %dma_start3A_32] : memref<4x128xi32, #tpu.memory_space<vmem>> -> memref<1x128xi32, #tpu.memory_space<vmem>>
        %dma_start3A_34 = tpu.memref_squeeze %dma_start3A_33 : memref<1x128xi32, #tpu.memory_space<vmem>> -> memref<128xi32, #tpu.memory_space<vmem>>
        %dma_start3A_35 = tpu.memref_slice %arg3[%add3A_17] : memref<320000xi32, #tpu.memory_space<hbm>> -> memref<128xi32, #tpu.memory_space<hbm>>
        %dma_start3A_36 = arith.constant 0 : i32
        %dma_start3A_37 = tpu.memref_slice %arg6[%dma_start3A, %dma_start3A_36] : memref<4x128xi32, #tpu.memory_space<vmem>> -> memref<1x128xi32, #tpu.memory_space<vmem>>
        %dma_start3A_38 = tpu.memref_squeeze %dma_start3A_37 : memref<1x128xi32, #tpu.memory_space<vmem>> -> memref<128xi32, #tpu.memory_space<vmem>>
        %dma_start3A_39 = tpu.memref_slice %arg3[%add3A_17] : memref<320000xi32, #tpu.memory_space<hbm>> -> memref<128xi32, #tpu.memory_space<hbm>>
        tpu.enqueue_dma source(%dma_start3A_39 : memref<128xi32, #tpu.memory_space<hbm>>) target(%dma_start3A_38 : memref<128xi32, #tpu.memory_space<vmem>>) target_semaphore(%arg10 : memref<!tpu.dma_semaphore, #tpu.memory_space<semaphore_mem>>)
        %dma_start3A_40 = arith.constant 0 : i32
        %dma_start3A_41 = arith.constant 0 : i32
        %dma_start3A_42 = tpu.memref_slice %arg7[%dma_start3A_40, %dma_start3A_41] : memref<4x128xi32, #tpu.memory_space<vmem>> -> memref<1x128xi32, #tpu.memory_space<vmem>>
        %dma_start3A_43 = tpu.memref_squeeze %dma_start3A_42 : memref<1x128xi32, #tpu.memory_space<vmem>> -> memref<128xi32, #tpu.memory_space<vmem>>
        %dma_start3A_44 = tpu.memref_slice %arg4[%add3A_19] : memref<320000xi32, #tpu.memory_space<hbm>> -> memref<128xi32, #tpu.memory_space<hbm>>
        %dma_start3A_45 = arith.constant 0 : i32
        %dma_start3A_46 = tpu.memref_slice %arg7[%dma_start3A_40, %dma_start3A_45] : memref<4x128xi32, #tpu.memory_space<vmem>> -> memref<1x128xi32, #tpu.memory_space<vmem>>
        %dma_start3A_47 = tpu.memref_squeeze %dma_start3A_46 : memref<1x128xi32, #tpu.memory_space<vmem>> -> memref<128xi32, #tpu.memory_space<vmem>>
        %dma_start3A_48 = tpu.memref_slice %arg4[%add3A_19] : memref<320000xi32, #tpu.memory_space<hbm>> -> memref<128xi32, #tpu.memory_space<hbm>>
        tpu.enqueue_dma source(%dma_start3A_48 : memref<128xi32, #tpu.memory_space<hbm>>) target(%dma_start3A_47 : memref<128xi32, #tpu.memory_space<vmem>>) target_semaphore(%arg10 : memref<!tpu.dma_semaphore, #tpu.memory_space<semaphore_mem>>)
        %dma_start3A_49 = arith.constant 1 : i32
        %dma_start3A_50 = arith.constant 0 : i32
        %dma_start3A_51 = tpu.memref_slice %arg6[%dma_start3A_49, %dma_start3A_50] : memref<4x128xi32, #tpu.memory_space<vmem>> -> memref<1x128xi32, #tpu.memory_space<vmem>>
        %dma_start3A_52 = tpu.memref_squeeze %dma_start3A_51 : memref<1x128xi32, #tpu.memory_space<vmem>> -> memref<128xi32, #tpu.memory_space<vmem>>
        %dma_start3A_53 = tpu.memref_slice %arg3[%add3A_21] : memref<320000xi32, #tpu.memory_space<hbm>> -> memref<128xi32, #tpu.memory_space<hbm>>
        %dma_start3A_54 = arith.constant 0 : i32
        %dma_start3A_55 = tpu.memref_slice %arg6[%dma_start3A_49, %dma_start3A_54] : memref<4x128xi32, #tpu.memory_space<vmem>> -> memref<1x128xi32, #tpu.memory_space<vmem>>
        %dma_start3A_56 = tpu.memref_squeeze %dma_start3A_55 : memref<1x128xi32, #tpu.memory_space<vmem>> -> memref<128xi32, #tpu.memory_space<vmem>>
        %dma_start3A_57 = tpu.memref_slice %arg3[%add3A_21] : memref<320000xi32, #tpu.memory_space<hbm>> -> memref<128xi32, #tpu.memory_space<hbm>>
        tpu.enqueue_dma source(%dma_start3A_57 : memref<128xi32, #tpu.memory_space<hbm>>) target(%dma_start3A_56 : memref<128xi32, #tpu.memory_space<vmem>>) target_semaphore(%arg10 : memref<!tpu.dma_semaphore, #tpu.memory_space<semaphore_mem>>)
        %dma_start3A_58 = arith.constant 1 : i32
        %dma_start3A_59 = arith.constant 0 : i32
        %dma_start3A_60 = tpu.memref_slice %arg7[%dma_start3A_58, %dma_start3A_59] : memref<4x128xi32, #tpu.memory_space<vmem>> -> memref<1x128xi32, #tpu.memory_space<vmem>>
        %dma_start3A_61 = tpu.memref_squeeze %dma_start3A_60 : memref<1x128xi32, #tpu.memory_space<vmem>> -> memref<128xi32, #tpu.memory_space<vmem>>
        %dma_start3A_62 = tpu.memref_slice %arg4[%add3A_23] : memref<320000xi32, #tpu.memory_space<hbm>> -> memref<128xi32, #tpu.memory_space<hbm>>
        %dma_start3A_63 = arith.constant 0 : i32
        %dma_start3A_64 = tpu.memref_slice %arg7[%dma_start3A_58, %dma_start3A_63] : memref<4x128xi32, #tpu.memory_space<vmem>> -> memref<1x128xi32, #tpu.memory_space<vmem>>
        %dma_start3A_65 = tpu.memref_squeeze %dma_start3A_64 : memref<1x128xi32, #tpu.memory_space<vmem>> -> memref<128xi32, #tpu.memory_space<vmem>>
        %dma_start3A_66 = tpu.memref_slice %arg4[%add3A_23] : memref<320000xi32, #tpu.memory_space<hbm>> -> memref<128xi32, #tpu.memory_space<hbm>>
        tpu.enqueue_dma source(%dma_start3A_66 : memref<128xi32, #tpu.memory_space<hbm>>) target(%dma_start3A_65 : memref<128xi32, #tpu.memory_space<vmem>>) target_semaphore(%arg10 : memref<!tpu.dma_semaphore, #tpu.memory_space<semaphore_mem>>)
        %dma_start3A_67 = arith.constant 2 : i32
        %dma_start3A_68 = arith.constant 0 : i32
        %dma_start3A_69 = tpu.memref_slice %arg6[%dma_start3A_67, %dma_start3A_68] : memref<4x128xi32, #tpu.memory_space<vmem>> -> memref<1x128xi32, #tpu.memory_space<vmem>>
        %dma_start3A_70 = tpu.memref_squeeze %dma_start3A_69 : memref<1x128xi32, #tpu.memory_space<vmem>> -> memref<128xi32, #tpu.memory_space<vmem>>
        %dma_start3A_71 = tpu.memref_slice %arg3[%add3A_25] : memref<320000xi32, #tpu.memory_space<hbm>> -> memref<128xi32, #tpu.memory_space<hbm>>
        %dma_start3A_72 = arith.constant 0 : i32
        %dma_start3A_73 = tpu.memref_slice %arg6[%dma_start3A_67, %dma_start3A_72] : memref<4x128xi32, #tpu.memory_space<vmem>> -> memref<1x128xi32, #tpu.memory_space<vmem>>
        %dma_start3A_74 = tpu.memref_squeeze %dma_start3A_73 : memref<1x128xi32, #tpu.memory_space<vmem>> -> memref<128xi32, #tpu.memory_space<vmem>>
        %dma_start3A_75 = tpu.memref_slice %arg3[%add3A_25] : memref<320000xi32, #tpu.memory_space<hbm>> -> memref<128xi32, #tpu.memory_space<hbm>>
        tpu.enqueue_dma source(%dma_start3A_75 : memref<128xi32, #tpu.memory_space<hbm>>) target(%dma_start3A_74 : memref<128xi32, #tpu.memory_space<vmem>>) target_semaphore(%arg10 : memref<!tpu.dma_semaphore, #tpu.memory_space<semaphore_mem>>)
        %dma_start3A_76 = arith.constant 2 : i32
        %dma_start3A_77 = arith.constant 0 : i32
        %dma_start3A_78 = tpu.memref_slice %arg7[%dma_start3A_76, %dma_start3A_77] : memref<4x128xi32, #tpu.memory_space<vmem>> -> memref<1x128xi32, #tpu.memory_space<vmem>>
        %dma_start3A_79 = tpu.memref_squeeze %dma_start3A_78 : memref<1x128xi32, #tpu.memory_space<vmem>> -> memref<128xi32, #tpu.memory_space<vmem>>
        %dma_start3A_80 = tpu.memref_slice %arg4[%add3A_27] : memref<320000xi32, #tpu.memory_space<hbm>> -> memref<128xi32, #tpu.memory_space<hbm>>
        %dma_start3A_81 = arith.constant 0 : i32
        %dma_start3A_82 = tpu.memref_slice %arg7[%dma_start3A_76, %dma_start3A_81] : memref<4x128xi32, #tpu.memory_space<vmem>> -> memref<1x128xi32, #tpu.memory_space<vmem>>
        %dma_start3A_83 = tpu.memref_squeeze %dma_start3A_82 : memref<1x128xi32, #tpu.memory_space<vmem>> -> memref<128xi32, #tpu.memory_space<vmem>>
        %dma_start3A_84 = tpu.memref_slice %arg4[%add3A_27] : memref<320000xi32, #tpu.memory_space<hbm>> -> memref<128xi32, #tpu.memory_space<hbm>>
        tpu.enqueue_dma source(%dma_start3A_84 : memref<128xi32, #tpu.memory_space<hbm>>) target(%dma_start3A_83 : memref<128xi32, #tpu.memory_space<vmem>>) target_semaphore(%arg10 : memref<!tpu.dma_semaphore, #tpu.memory_space<semaphore_mem>>)
        %dma_start3A_85 = arith.constant 3 : i32
        %dma_start3A_86 = arith.constant 0 : i32
        %dma_start3A_87 = tpu.memref_slice %arg6[%dma_start3A_85, %dma_start3A_86] : memref<4x128xi32, #tpu.memory_space<vmem>> -> memref<1x128xi32, #tpu.memory_space<vmem>>
        %dma_start3A_88 = tpu.memref_squeeze %dma_start3A_87 : memref<1x128xi32, #tpu.memory_space<vmem>> -> memref<128xi32, #tpu.memory_space<vmem>>
        %dma_start3A_89 = tpu.memref_slice %arg3[%add3A_29] : memref<320000xi32, #tpu.memory_space<hbm>> -> memref<128xi32, #tpu.memory_space<hbm>>
        %dma_start3A_90 = arith.constant 0 : i32
        %dma_start3A_91 = tpu.memref_slice %arg6[%dma_start3A_85, %dma_start3A_90] : memref<4x128xi32, #tpu.memory_space<vmem>> -> memref<1x128xi32, #tpu.memory_space<vmem>>
        %dma_start3A_92 = tpu.memref_squeeze %dma_start3A_91 : memref<1x128xi32, #tpu.memory_space<vmem>> -> memref<128xi32, #tpu.memory_space<vmem>>
        %dma_start3A_93 = tpu.memref_slice %arg3[%add3A_29] : memref<320000xi32, #tpu.memory_space<hbm>> -> memref<128xi32, #tpu.memory_space<hbm>>
        tpu.enqueue_dma source(%dma_start3A_93 : memref<128xi32, #tpu.memory_space<hbm>>) target(%dma_start3A_92 : memref<128xi32, #tpu.memory_space<vmem>>) target_semaphore(%arg10 : memref<!tpu.dma_semaphore, #tpu.memory_space<semaphore_mem>>)
        %dma_start3A_94 = arith.constant 3 : i32
        %dma_start3A_95 = arith.constant 0 : i32
        %dma_start3A_96 = tpu.memref_slice %arg7[%dma_start3A_94, %dma_start3A_95] : memref<4x128xi32, #tpu.memory_space<vmem>> -> memref<1x128xi32, #tpu.memory_space<vmem>>
        %dma_start3A_97 = tpu.memref_squeeze %dma_start3A_96 : memref<1x128xi32, #tpu.memory_space<vmem>> -> memref<128xi32, #tpu.memory_space<vmem>>
        %dma_start3A_98 = tpu.memref_slice %arg4[%add3A_31] : memref<320000xi32, #tpu.memory_space<hbm>> -> memref<128xi32, #tpu.memory_space<hbm>>
        %dma_start3A_99 = arith.constant 0 : i32
        %dma_start3A_100 = tpu.memref_slice %arg7[%dma_start3A_94, %dma_start3A_99] : memref<4x128xi32, #tpu.memory_space<vmem>> -> memref<1x128xi32, #tpu.memory_space<vmem>>
        %dma_start3A_101 = tpu.memref_squeeze %dma_start3A_100 : memref<1x128xi32, #tpu.memory_space<vmem>> -> memref<128xi32, #tpu.memory_space<vmem>>
        %dma_start3A_102 = tpu.memref_slice %arg4[%add3A_31] : memref<320000xi32, #tpu.memory_space<hbm>> -> memref<128xi32, #tpu.memory_space<hbm>>
        tpu.enqueue_dma source(%dma_start3A_102 : memref<128xi32, #tpu.memory_space<hbm>>) target(%dma_start3A_101 : memref<128xi32, #tpu.memory_space<vmem>>) target_semaphore(%arg10 : memref<!tpu.dma_semaphore, #tpu.memory_space<semaphore_mem>>)
        %dma_wait3A = arith.constant 0 : i32
        %dma_wait3A_103 = arith.constant 0 : i32
        %dma_wait3A_104 = tpu.memref_slice %arg6[%dma_wait3A, %dma_wait3A_103] : memref<4x128xi32, #tpu.memory_space<vmem>> -> memref<1x128xi32, #tpu.memory_space<vmem>>
        %dma_wait3A_105 = tpu.memref_squeeze %dma_wait3A_104 : memref<1x128xi32, #tpu.memory_space<vmem>> -> memref<128xi32, #tpu.memory_space<vmem>>
        %dma_wait3A_106 = tpu.memref_slice %arg3[%add3A_17] : memref<320000xi32, #tpu.memory_space<hbm>> -> memref<128xi32, #tpu.memory_space<hbm>>
        %dma_wait3A_107 = arith.constant 0 : i32
        %dma_wait3A_108 = tpu.memref_slice %arg6[%dma_wait3A, %dma_wait3A_107] : memref<4x128xi32, #tpu.memory_space<vmem>> -> memref<1x128xi32, #tpu.memory_space<vmem>>
        %dma_wait3A_109 = tpu.memref_squeeze %dma_wait3A_108 : memref<1x128xi32, #tpu.memory_space<vmem>> -> memref<128xi32, #tpu.memory_space<vmem>>
        %dma_wait3A_110 = tpu.memref_slice %arg3[%add3A_17] : memref<320000xi32, #tpu.memory_space<hbm>> -> memref<128xi32, #tpu.memory_space<hbm>>
        tpu.wait_dma2 semaphore(%arg10 : memref<!tpu.dma_semaphore, #tpu.memory_space<semaphore_mem>>) src(%dma_wait3A_110 : memref<128xi32, #tpu.memory_space<hbm>>) dst(%dma_wait3A_109 : memref<128xi32, #tpu.memory_space<vmem>>)
        %dma_wait3A_111 = arith.constant 0 : i32
        %dma_wait3A_112 = arith.constant 0 : i32
        %dma_wait3A_113 = tpu.memref_slice %arg7[%dma_wait3A_111, %dma_wait3A_112] : memref<4x128xi32, #tpu.memory_space<vmem>> -> memref<1x128xi32, #tpu.memory_space<vmem>>
        %dma_wait3A_114 = tpu.memref_squeeze %dma_wait3A_113 : memref<1x128xi32, #tpu.memory_space<vmem>> -> memref<128xi32, #tpu.memory_space<vmem>>
        %dma_wait3A_115 = tpu.memref_slice %arg4[%add3A_19] : memref<320000xi32, #tpu.memory_space<hbm>> -> memref<128xi32, #tpu.memory_space<hbm>>
        %dma_wait3A_116 = arith.constant 0 : i32
        %dma_wait3A_117 = tpu.memref_slice %arg7[%dma_wait3A_111, %dma_wait3A_116] : memref<4x128xi32, #tpu.memory_space<vmem>> -> memref<1x128xi32, #tpu.memory_space<vmem>>
        %dma_wait3A_118 = tpu.memref_squeeze %dma_wait3A_117 : memref<1x128xi32, #tpu.memory_space<vmem>> -> memref<128xi32, #tpu.memory_space<vmem>>
        %dma_wait3A_119 = tpu.memref_slice %arg4[%add3A_19] : memref<320000xi32, #tpu.memory_space<hbm>> -> memref<128xi32, #tpu.memory_space<hbm>>
        tpu.wait_dma2 semaphore(%arg10 : memref<!tpu.dma_semaphore, #tpu.memory_space<semaphore_mem>>) src(%dma_wait3A_119 : memref<128xi32, #tpu.memory_space<hbm>>) dst(%dma_wait3A_118 : memref<128xi32, #tpu.memory_space<vmem>>)
        %dma_wait3A_120 = arith.constant 1 : i32
        %dma_wait3A_121 = arith.constant 0 : i32
        %dma_wait3A_122 = tpu.memref_slice %arg6[%dma_wait3A_120, %dma_wait3A_121] : memref<4x128xi32, #tpu.memory_space<vmem>> -> memref<1x128xi32, #tpu.memory_space<vmem>>
        %dma_wait3A_123 = tpu.memref_squeeze %dma_wait3A_122 : memref<1x128xi32, #tpu.memory_space<vmem>> -> memref<128xi32, #tpu.memory_space<vmem>>
        %dma_wait3A_124 = tpu.memref_slice %arg3[%add3A_21] : memref<320000xi32, #tpu.memory_space<hbm>> -> memref<128xi32, #tpu.memory_space<hbm>>
        %dma_wait3A_125 = arith.constant 0 : i32
        %dma_wait3A_126 = tpu.memref_slice %arg6[%dma_wait3A_120, %dma_wait3A_125] : memref<4x128xi32, #tpu.memory_space<vmem>> -> memref<1x128xi32, #tpu.memory_space<vmem>>
        %dma_wait3A_127 = tpu.memref_squeeze %dma_wait3A_126 : memref<1x128xi32, #tpu.memory_space<vmem>> -> memref<128xi32, #tpu.memory_space<vmem>>
        %dma_wait3A_128 = tpu.memref_slice %arg3[%add3A_21] : memref<320000xi32, #tpu.memory_space<hbm>> -> memref<128xi32, #tpu.memory_space<hbm>>
        tpu.wait_dma2 semaphore(%arg10 : memref<!tpu.dma_semaphore, #tpu.memory_space<semaphore_mem>>) src(%dma_wait3A_128 : memref<128xi32, #tpu.memory_space<hbm>>) dst(%dma_wait3A_127 : memref<128xi32, #tpu.memory_space<vmem>>)
        %dma_wait3A_129 = arith.constant 1 : i32
        %dma_wait3A_130 = arith.constant 0 : i32
        %dma_wait3A_131 = tpu.memref_slice %arg7[%dma_wait3A_129, %dma_wait3A_130] : memref<4x128xi32, #tpu.memory_space<vmem>> -> memref<1x128xi32, #tpu.memory_space<vmem>>
        %dma_wait3A_132 = tpu.memref_squeeze %dma_wait3A_131 : memref<1x128xi32, #tpu.memory_space<vmem>> -> memref<128xi32, #tpu.memory_space<vmem>>
        %dma_wait3A_133 = tpu.memref_slice %arg4[%add3A_23] : memref<320000xi32, #tpu.memory_space<hbm>> -> memref<128xi32, #tpu.memory_space<hbm>>
        %dma_wait3A_134 = arith.constant 0 : i32
        %dma_wait3A_135 = tpu.memref_slice %arg7[%dma_wait3A_129, %dma_wait3A_134] : memref<4x128xi32, #tpu.memory_space<vmem>> -> memref<1x128xi32, #tpu.memory_space<vmem>>
        %dma_wait3A_136 = tpu.memref_squeeze %dma_wait3A_135 : memref<1x128xi32, #tpu.memory_space<vmem>> -> memref<128xi32, #tpu.memory_space<vmem>>
        %dma_wait3A_137 = tpu.memref_slice %arg4[%add3A_23] : memref<320000xi32, #tpu.memory_space<hbm>> -> memref<128xi32, #tpu.memory_space<hbm>>
        tpu.wait_dma2 semaphore(%arg10 : memref<!tpu.dma_semaphore, #tpu.memory_space<semaphore_mem>>) src(%dma_wait3A_137 : memref<128xi32, #tpu.memory_space<hbm>>) dst(%dma_wait3A_136 : memref<128xi32, #tpu.memory_space<vmem>>)
        %dma_wait3A_138 = arith.constant 2 : i32
        %dma_wait3A_139 = arith.constant 0 : i32
        %dma_wait3A_140 = tpu.memref_slice %arg6[%dma_wait3A_138, %dma_wait3A_139] : memref<4x128xi32, #tpu.memory_space<vmem>> -> memref<1x128xi32, #tpu.memory_space<vmem>>
        %dma_wait3A_141 = tpu.memref_squeeze %dma_wait3A_140 : memref<1x128xi32, #tpu.memory_space<vmem>> -> memref<128xi32, #tpu.memory_space<vmem>>
        %dma_wait3A_142 = tpu.memref_slice %arg3[%add3A_25] : memref<320000xi32, #tpu.memory_space<hbm>> -> memref<128xi32, #tpu.memory_space<hbm>>
        %dma_wait3A_143 = arith.constant 0 : i32
        %dma_wait3A_144 = tpu.memref_slice %arg6[%dma_wait3A_138, %dma_wait3A_143] : memref<4x128xi32, #tpu.memory_space<vmem>> -> memref<1x128xi32, #tpu.memory_space<vmem>>
        %dma_wait3A_145 = tpu.memref_squeeze %dma_wait3A_144 : memref<1x128xi32, #tpu.memory_space<vmem>> -> memref<128xi32, #tpu.memory_space<vmem>>
        %dma_wait3A_146 = tpu.memref_slice %arg3[%add3A_25] : memref<320000xi32, #tpu.memory_space<hbm>> -> memref<128xi32, #tpu.memory_space<hbm>>
        tpu.wait_dma2 semaphore(%arg10 : memref<!tpu.dma_semaphore, #tpu.memory_space<semaphore_mem>>) src(%dma_wait3A_146 : memref<128xi32, #tpu.memory_space<hbm>>) dst(%dma_wait3A_145 : memref<128xi32, #tpu.memory_space<vmem>>)
        %dma_wait3A_147 = arith.constant 2 : i32
        %dma_wait3A_148 = arith.constant 0 : i32
        %dma_wait3A_149 = tpu.memref_slice %arg7[%dma_wait3A_147, %dma_wait3A_148] : memref<4x128xi32, #tpu.memory_space<vmem>> -> memref<1x128xi32, #tpu.memory_space<vmem>>
        %dma_wait3A_150 = tpu.memref_squeeze %dma_wait3A_149 : memref<1x128xi32, #tpu.memory_space<vmem>> -> memref<128xi32, #tpu.memory_space<vmem>>
        %dma_wait3A_151 = tpu.memref_slice %arg4[%add3A_27] : memref<320000xi32, #tpu.memory_space<hbm>> -> memref<128xi32, #tpu.memory_space<hbm>>
        %dma_wait3A_152 = arith.constant 0 : i32
        %dma_wait3A_153 = tpu.memref_slice %arg7[%dma_wait3A_147, %dma_wait3A_152] : memref<4x128xi32, #tpu.memory_space<vmem>> -> memref<1x128xi32, #tpu.memory_space<vmem>>
        %dma_wait3A_154 = tpu.memref_squeeze %dma_wait3A_153 : memref<1x128xi32, #tpu.memory_space<vmem>> -> memref<128xi32, #tpu.memory_space<vmem>>
        %dma_wait3A_155 = tpu.memref_slice %arg4[%add3A_27] : memref<320000xi32, #tpu.memory_space<hbm>> -> memref<128xi32, #tpu.memory_space<hbm>>
        tpu.wait_dma2 semaphore(%arg10 : memref<!tpu.dma_semaphore, #tpu.memory_space<semaphore_mem>>) src(%dma_wait3A_155 : memref<128xi32, #tpu.memory_space<hbm>>) dst(%dma_wait3A_154 : memref<128xi32, #tpu.memory_space<vmem>>)
        %dma_wait3A_156 = arith.constant 3 : i32
        %dma_wait3A_157 = arith.constant 0 : i32
        %dma_wait3A_158 = tpu.memref_slice %arg6[%dma_wait3A_156, %dma_wait3A_157] : memref<4x128xi32, #tpu.memory_space<vmem>> -> memref<1x128xi32, #tpu.memory_space<vmem>>
        %dma_wait3A_159 = tpu.memref_squeeze %dma_wait3A_158 : memref<1x128xi32, #tpu.memory_space<vmem>> -> memref<128xi32, #tpu.memory_space<vmem>>
        %dma_wait3A_160 = tpu.memref_slice %arg3[%add3A_29] : memref<320000xi32, #tpu.memory_space<hbm>> -> memref<128xi32, #tpu.memory_space<hbm>>
        %dma_wait3A_161 = arith.constant 0 : i32
        %dma_wait3A_162 = tpu.memref_slice %arg6[%dma_wait3A_156, %dma_wait3A_161] : memref<4x128xi32, #tpu.memory_space<vmem>> -> memref<1x128xi32, #tpu.memory_space<vmem>>
        %dma_wait3A_163 = tpu.memref_squeeze %dma_wait3A_162 : memref<1x128xi32, #tpu.memory_space<vmem>> -> memref<128xi32, #tpu.memory_space<vmem>>
        %dma_wait3A_164 = tpu.memref_slice %arg3[%add3A_29] : memref<320000xi32, #tpu.memory_space<hbm>> -> memref<128xi32, #tpu.memory_space<hbm>>
        tpu.wait_dma2 semaphore(%arg10 : memref<!tpu.dma_semaphore, #tpu.memory_space<semaphore_mem>>) src(%dma_wait3A_164 : memref<128xi32, #tpu.memory_space<hbm>>) dst(%dma_wait3A_163 : memref<128xi32, #tpu.memory_space<vmem>>)
        %dma_wait3A_165 = arith.constant 3 : i32
        %dma_wait3A_166 = arith.constant 0 : i32
        %dma_wait3A_167 = tpu.memref_slice %arg7[%dma_wait3A_165, %dma_wait3A_166] : memref<4x128xi32, #tpu.memory_space<vmem>> -> memref<1x128xi32, #tpu.memory_space<vmem>>
        %dma_wait3A_168 = tpu.memref_squeeze %dma_wait3A_167 : memref<1x128xi32, #tpu.memory_space<vmem>> -> memref<128xi32, #tpu.memory_space<vmem>>
        %dma_wait3A_169 = tpu.memref_slice %arg4[%add3A_31] : memref<320000xi32, #tpu.memory_space<hbm>> -> memref<128xi32, #tpu.memory_space<hbm>>
        %dma_wait3A_170 = arith.constant 0 : i32
        %dma_wait3A_171 = tpu.memref_slice %arg7[%dma_wait3A_165, %dma_wait3A_170] : memref<4x128xi32, #tpu.memory_space<vmem>> -> memref<1x128xi32, #tpu.memory_space<vmem>>
        %dma_wait3A_172 = tpu.memref_squeeze %dma_wait3A_171 : memref<1x128xi32, #tpu.memory_space<vmem>> -> memref<128xi32, #tpu.memory_space<vmem>>
        %dma_wait3A_173 = tpu.memref_slice %arg4[%add3A_31] : memref<320000xi32, #tpu.memory_space<hbm>> -> memref<128xi32, #tpu.memory_space<hbm>>
        tpu.wait_dma2 semaphore(%arg10 : memref<!tpu.dma_semaphore, #tpu.memory_space<semaphore_mem>>) src(%dma_wait3A_173 : memref<128xi32, #tpu.memory_space<hbm>>) dst(%dma_wait3A_172 : memref<128xi32, #tpu.memory_space<vmem>>)
        %dma_start3A_174 = arith.constant 0 : i32
        %dma_start3A_175 = arith.constant 0 : i32
        %dma_start3A_176 = arith.constant 0 : i32
        %dma_start3A_177 = tpu.memref_slice %arg8[%dma_start3A_175, %dma_start3A_176] : memref<512x64xf32, #tpu.memory_space<vmem>> -> memref<128x64xf32, #tpu.memory_space<vmem>>
        %dma_start3A_178 = arith.constant 0 : i32
        %dma_start3A_179 = tpu.memref_slice %arg6[%dma_start3A_174, %dma_start3A_178] : memref<4x128xi32, #tpu.memory_space<vmem>> -> memref<1x128xi32, #tpu.memory_space<vmem>>
        %dma_start3A_180 = tpu.memref_squeeze %dma_start3A_179 : memref<1x128xi32, #tpu.memory_space<vmem>> -> memref<128xi32, #tpu.memory_space<vmem>>
        %dma_start3A_181 = arith.constant 0 : i32
        %dma_start3A_182 = arith.constant 0 : i32
        %dma_start3A_183 = tpu.memref_slice %arg2[%dma_start3A_181, %dma_start3A_182] : memref<10000x64xf32, #tpu.memory_space<hbm>> -> memref<10000x64xf32, #tpu.memory_space<hbm>>
        tpu.enqueue_indirect_dma source(%dma_start3A_183 : memref<10000x64xf32, #tpu.memory_space<hbm>>) target(%dma_start3A_177 : memref<128x64xf32, #tpu.memory_space<vmem>>) offsets(%dma_start3A_180 : memref<128xi32, #tpu.memory_space<vmem>>) semaphore(%arg11 : memref<!tpu.dma_semaphore, #tpu.memory_space<semaphore_mem>>)
        %dma_start3A_184 = arith.constant 0 : i32
        %dma_start3A_185 = arith.constant 0 : i32
        %dma_start3A_186 = arith.constant 0 : i32
        %dma_start3A_187 = tpu.memref_slice %arg9[%dma_start3A_185, %dma_start3A_186] : memref<512x64xf32, #tpu.memory_space<vmem>> -> memref<128x64xf32, #tpu.memory_space<vmem>>
        %dma_start3A_188 = arith.constant 0 : i32
        %dma_start3A_189 = tpu.memref_slice %arg7[%dma_start3A_184, %dma_start3A_188] : memref<4x128xi32, #tpu.memory_space<vmem>> -> memref<1x128xi32, #tpu.memory_space<vmem>>
        %dma_start3A_190 = tpu.memref_squeeze %dma_start3A_189 : memref<1x128xi32, #tpu.memory_space<vmem>> -> memref<128xi32, #tpu.memory_space<vmem>>
        %dma_start3A_191 = arith.constant 0 : i32
        %dma_start3A_192 = arith.constant 0 : i32
        %dma_start3A_193 = tpu.memref_slice %arg2[%dma_start3A_191, %dma_start3A_192] : memref<10000x64xf32, #tpu.memory_space<hbm>> -> memref<10000x64xf32, #tpu.memory_space<hbm>>
        tpu.enqueue_indirect_dma source(%dma_start3A_193 : memref<10000x64xf32, #tpu.memory_space<hbm>>) target(%dma_start3A_187 : memref<128x64xf32, #tpu.memory_space<vmem>>) offsets(%dma_start3A_190 : memref<128xi32, #tpu.memory_space<vmem>>) semaphore(%arg11 : memref<!tpu.dma_semaphore, #tpu.memory_space<semaphore_mem>>)
        %dma_start3A_194 = arith.constant 1 : i32
        %dma_start3A_195 = arith.constant 128 : i32
        %dma_start3A_196 = arith.constant 0 : i32
        %dma_start3A_197 = tpu.memref_slice %arg8[%dma_start3A_195, %dma_start3A_196] : memref<512x64xf32, #tpu.memory_space<vmem>> -> memref<128x64xf32, #tpu.memory_space<vmem>>
        %dma_start3A_198 = arith.constant 0 : i32
        %dma_start3A_199 = tpu.memref_slice %arg6[%dma_start3A_194, %dma_start3A_198] : memref<4x128xi32, #tpu.memory_space<vmem>> -> memref<1x128xi32, #tpu.memory_space<vmem>>
        %dma_start3A_200 = tpu.memref_squeeze %dma_start3A_199 : memref<1x128xi32, #tpu.memory_space<vmem>> -> memref<128xi32, #tpu.memory_space<vmem>>
        %dma_start3A_201 = arith.constant 0 : i32
        %dma_start3A_202 = arith.constant 0 : i32
        %dma_start3A_203 = tpu.memref_slice %arg2[%dma_start3A_201, %dma_start3A_202] : memref<10000x64xf32, #tpu.memory_space<hbm>> -> memref<10000x64xf32, #tpu.memory_space<hbm>>
        tpu.enqueue_indirect_dma source(%dma_start3A_203 : memref<10000x64xf32, #tpu.memory_space<hbm>>) target(%dma_start3A_197 : memref<128x64xf32, #tpu.memory_space<vmem>>) offsets(%dma_start3A_200 : memref<128xi32, #tpu.memory_space<vmem>>) semaphore(%arg11 : memref<!tpu.dma_semaphore, #tpu.memory_space<semaphore_mem>>)
        %dma_start3A_204 = arith.constant 1 : i32
        %dma_start3A_205 = arith.constant 128 : i32
        %dma_start3A_206 = arith.constant 0 : i32
        %dma_start3A_207 = tpu.memref_slice %arg9[%dma_start3A_205, %dma_start3A_206] : memref<512x64xf32, #tpu.memory_space<vmem>> -> memref<128x64xf32, #tpu.memory_space<vmem>>
        %dma_start3A_208 = arith.constant 0 : i32
        %dma_start3A_209 = tpu.memref_slice %arg7[%dma_start3A_204, %dma_start3A_208] : memref<4x128xi32, #tpu.memory_space<vmem>> -> memref<1x128xi32, #tpu.memory_space<vmem>>
        %dma_start3A_210 = tpu.memref_squeeze %dma_start3A_209 : memref<1x128xi32, #tpu.memory_space<vmem>> -> memref<128xi32, #tpu.memory_space<vmem>>
        %dma_start3A_211 = arith.constant 0 : i32
        %dma_start3A_212 = arith.constant 0 : i32
        %dma_start3A_213 = tpu.memref_slice %arg2[%dma_start3A_211, %dma_start3A_212] : memref<10000x64xf32, #tpu.memory_space<hbm>> -> memref<10000x64xf32, #tpu.memory_space<hbm>>
        tpu.enqueue_indirect_dma source(%dma_start3A_213 : memref<10000x64xf32, #tpu.memory_space<hbm>>) target(%dma_start3A_207 : memref<128x64xf32, #tpu.memory_space<vmem>>) offsets(%dma_start3A_210 : memref<128xi32, #tpu.memory_space<vmem>>) semaphore(%arg11 : memref<!tpu.dma_semaphore, #tpu.memory_space<semaphore_mem>>)
        %dma_start3A_214 = arith.constant 2 : i32
        %dma_start3A_215 = arith.constant 256 : i32
        %dma_start3A_216 = arith.constant 0 : i32
        %dma_start3A_217 = tpu.memref_slice %arg8[%dma_start3A_215, %dma_start3A_216] : memref<512x64xf32, #tpu.memory_space<vmem>> -> memref<128x64xf32, #tpu.memory_space<vmem>>
        %dma_start3A_218 = arith.constant 0 : i32
        %dma_start3A_219 = tpu.memref_slice %arg6[%dma_start3A_214, %dma_start3A_218] : memref<4x128xi32, #tpu.memory_space<vmem>> -> memref<1x128xi32, #tpu.memory_space<vmem>>
        %dma_start3A_220 = tpu.memref_squeeze %dma_start3A_219 : memref<1x128xi32, #tpu.memory_space<vmem>> -> memref<128xi32, #tpu.memory_space<vmem>>
        %dma_start3A_221 = arith.constant 0 : i32
        %dma_start3A_222 = arith.constant 0 : i32
        %dma_start3A_223 = tpu.memref_slice %arg2[%dma_start3A_221, %dma_start3A_222] : memref<10000x64xf32, #tpu.memory_space<hbm>> -> memref<10000x64xf32, #tpu.memory_space<hbm>>
        tpu.enqueue_indirect_dma source(%dma_start3A_223 : memref<10000x64xf32, #tpu.memory_space<hbm>>) target(%dma_start3A_217 : memref<128x64xf32, #tpu.memory_space<vmem>>) offsets(%dma_start3A_220 : memref<128xi32, #tpu.memory_space<vmem>>) semaphore(%arg11 : memref<!tpu.dma_semaphore, #tpu.memory_space<semaphore_mem>>)
        %dma_start3A_224 = arith.constant 2 : i32
        %dma_start3A_225 = arith.constant 256 : i32
        %dma_start3A_226 = arith.constant 0 : i32
        %dma_start3A_227 = tpu.memref_slice %arg9[%dma_start3A_225, %dma_start3A_226] : memref<512x64xf32, #tpu.memory_space<vmem>> -> memref<128x64xf32, #tpu.memory_space<vmem>>
        %dma_start3A_228 = arith.constant 0 : i32
        %dma_start3A_229 = tpu.memref_slice %arg7[%dma_start3A_224, %dma_start3A_228] : memref<4x128xi32, #tpu.memory_space<vmem>> -> memref<1x128xi32, #tpu.memory_space<vmem>>
        %dma_start3A_230 = tpu.memref_squeeze %dma_start3A_229 : memref<1x128xi32, #tpu.memory_space<vmem>> -> memref<128xi32, #tpu.memory_space<vmem>>
        %dma_start3A_231 = arith.constant 0 : i32
        %dma_start3A_232 = arith.constant 0 : i32
        %dma_start3A_233 = tpu.memref_slice %arg2[%dma_start3A_231, %dma_start3A_232] : memref<10000x64xf32, #tpu.memory_space<hbm>> -> memref<10000x64xf32, #tpu.memory_space<hbm>>
        tpu.enqueue_indirect_dma source(%dma_start3A_233 : memref<10000x64xf32, #tpu.memory_space<hbm>>) target(%dma_start3A_227 : memref<128x64xf32, #tpu.memory_space<vmem>>) offsets(%dma_start3A_230 : memref<128xi32, #tpu.memory_space<vmem>>) semaphore(%arg11 : memref<!tpu.dma_semaphore, #tpu.memory_space<semaphore_mem>>)
        %dma_start3A_234 = arith.constant 3 : i32
        %dma_start3A_235 = arith.constant 384 : i32
        %dma_start3A_236 = arith.constant 0 : i32
        %dma_start3A_237 = tpu.memref_slice %arg8[%dma_start3A_235, %dma_start3A_236] : memref<512x64xf32, #tpu.memory_space<vmem>> -> memref<128x64xf32, #tpu.memory_space<vmem>>
        %dma_start3A_238 = arith.constant 0 : i32
        %dma_start3A_239 = tpu.memref_slice %arg6[%dma_start3A_234, %dma_start3A_238] : memref<4x128xi32, #tpu.memory_space<vmem>> -> memref<1x128xi32, #tpu.memory_space<vmem>>
        %dma_start3A_240 = tpu.memref_squeeze %dma_start3A_239 : memref<1x128xi32, #tpu.memory_space<vmem>> -> memref<128xi32, #tpu.memory_space<vmem>>
        %dma_start3A_241 = arith.constant 0 : i32
        %dma_start3A_242 = arith.constant 0 : i32
        %dma_start3A_243 = tpu.memref_slice %arg2[%dma_start3A_241, %dma_start3A_242] : memref<10000x64xf32, #tpu.memory_space<hbm>> -> memref<10000x64xf32, #tpu.memory_space<hbm>>
        tpu.enqueue_indirect_dma source(%dma_start3A_243 : memref<10000x64xf32, #tpu.memory_space<hbm>>) target(%dma_start3A_237 : memref<128x64xf32, #tpu.memory_space<vmem>>) offsets(%dma_start3A_240 : memref<128xi32, #tpu.memory_space<vmem>>) semaphore(%arg11 : memref<!tpu.dma_semaphore, #tpu.memory_space<semaphore_mem>>)
        %dma_start3A_244 = arith.constant 3 : i32
        %dma_start3A_245 = arith.constant 384 : i32
        %dma_start3A_246 = arith.constant 0 : i32
        %dma_start3A_247 = tpu.memref_slice %arg9[%dma_start3A_245, %dma_start3A_246] : memref<512x64xf32, #tpu.memory_space<vmem>> -> memref<128x64xf32, #tpu.memory_space<vmem>>
        %dma_start3A_248 = arith.constant 0 : i32
        %dma_start3A_249 = tpu.memref_slice %arg7[%dma_start3A_244, %dma_start3A_248] : memref<4x128xi32, #tpu.memory_space<vmem>> -> memref<1x128xi32, #tpu.memory_space<vmem>>
        %dma_start3A_250 = tpu.memref_squeeze %dma_start3A_249 : memref<1x128xi32, #tpu.memory_space<vmem>> -> memref<128xi32, #tpu.memory_space<vmem>>
        %dma_start3A_251 = arith.constant 0 : i32
        %dma_start3A_252 = arith.constant 0 : i32
        %dma_start3A_253 = tpu.memref_slice %arg2[%dma_start3A_251, %dma_start3A_252] : memref<10000x64xf32, #tpu.memory_space<hbm>> -> memref<10000x64xf32, #tpu.memory_space<hbm>>
        tpu.enqueue_indirect_dma source(%dma_start3A_253 : memref<10000x64xf32, #tpu.memory_space<hbm>>) target(%dma_start3A_247 : memref<128x64xf32, #tpu.memory_space<vmem>>) offsets(%dma_start3A_250 : memref<128xi32, #tpu.memory_space<vmem>>) semaphore(%arg11 : memref<!tpu.dma_semaphore, #tpu.memory_space<semaphore_mem>>)
        %dma_wait3A_254 = arith.constant 0 : i32
        %dma_wait3A_255 = arith.constant 0 : i32
        %dma_wait3A_256 = arith.constant 0 : i32
        %dma_wait3A_257 = tpu.memref_slice %arg8[%dma_wait3A_255, %dma_wait3A_256] : memref<512x64xf32, #tpu.memory_space<vmem>> -> memref<128x64xf32, #tpu.memory_space<vmem>>
        %dma_wait3A_258 = arith.constant 0 : i32
        %dma_wait3A_259 = tpu.memref_slice %arg6[%dma_wait3A_254, %dma_wait3A_258] : memref<4x128xi32, #tpu.memory_space<vmem>> -> memref<1x128xi32, #tpu.memory_space<vmem>>
        %dma_wait3A_260 = tpu.memref_squeeze %dma_wait3A_259 : memref<1x128xi32, #tpu.memory_space<vmem>> -> memref<128xi32, #tpu.memory_space<vmem>>
        %dma_wait3A_261 = arith.constant 0 : i32
        %dma_wait3A_262 = arith.constant 0 : i32
        %dma_wait3A_263 = tpu.memref_slice %arg2[%dma_wait3A_261, %dma_wait3A_262] : memref<10000x64xf32, #tpu.memory_space<hbm>> -> memref<10000x64xf32, #tpu.memory_space<hbm>>
        tpu.wait_indirect_dma semaphore(%arg11 : memref<!tpu.dma_semaphore, #tpu.memory_space<semaphore_mem>>) src(%dma_wait3A_263 : memref<10000x64xf32, #tpu.memory_space<hbm>>) dst(%dma_wait3A_257 : memref<128x64xf32, #tpu.memory_space<vmem>>)
        %dma_wait3A_264 = arith.constant 0 : i32
        %dma_wait3A_265 = arith.constant 0 : i32
        %dma_wait3A_266 = arith.constant 0 : i32
        %dma_wait3A_267 = tpu.memref_slice %arg9[%dma_wait3A_265, %dma_wait3A_266] : memref<512x64xf32, #tpu.memory_space<vmem>> -> memref<128x64xf32, #tpu.memory_space<vmem>>
        %dma_wait3A_268 = arith.constant 0 : i32
        %dma_wait3A_269 = tpu.memref_slice %arg7[%dma_wait3A_264, %dma_wait3A_268] : memref<4x128xi32, #tpu.memory_space<vmem>> -> memref<1x128xi32, #tpu.memory_space<vmem>>
        %dma_wait3A_270 = tpu.memref_squeeze %dma_wait3A_269 : memref<1x128xi32, #tpu.memory_space<vmem>> -> memref<128xi32, #tpu.memory_space<vmem>>
        %dma_wait3A_271 = arith.constant 0 : i32
        %dma_wait3A_272 = arith.constant 0 : i32
        %dma_wait3A_273 = tpu.memref_slice %arg2[%dma_wait3A_271, %dma_wait3A_272] : memref<10000x64xf32, #tpu.memory_space<hbm>> -> memref<10000x64xf32, #tpu.memory_space<hbm>>
        tpu.wait_indirect_dma semaphore(%arg11 : memref<!tpu.dma_semaphore, #tpu.memory_space<semaphore_mem>>) src(%dma_wait3A_273 : memref<10000x64xf32, #tpu.memory_space<hbm>>) dst(%dma_wait3A_267 : memref<128x64xf32, #tpu.memory_space<vmem>>)
        %dma_wait3A_274 = arith.constant 1 : i32
        %dma_wait3A_275 = arith.constant 128 : i32
        %dma_wait3A_276 = arith.constant 0 : i32
        %dma_wait3A_277 = tpu.memref_slice %arg8[%dma_wait3A_275, %dma_wait3A_276] : memref<512x64xf32, #tpu.memory_space<vmem>> -> memref<128x64xf32, #tpu.memory_space<vmem>>
        %dma_wait3A_278 = arith.constant 0 : i32
        %dma_wait3A_279 = tpu.memref_slice %arg6[%dma_wait3A_274, %dma_wait3A_278] : memref<4x128xi32, #tpu.memory_space<vmem>> -> memref<1x128xi32, #tpu.memory_space<vmem>>
        %dma_wait3A_280 = tpu.memref_squeeze %dma_wait3A_279 : memref<1x128xi32, #tpu.memory_space<vmem>> -> memref<128xi32, #tpu.memory_space<vmem>>
        %dma_wait3A_281 = arith.constant 0 : i32
        %dma_wait3A_282 = arith.constant 0 : i32
        %dma_wait3A_283 = tpu.memref_slice %arg2[%dma_wait3A_281, %dma_wait3A_282] : memref<10000x64xf32, #tpu.memory_space<hbm>> -> memref<10000x64xf32, #tpu.memory_space<hbm>>
        tpu.wait_indirect_dma semaphore(%arg11 : memref<!tpu.dma_semaphore, #tpu.memory_space<semaphore_mem>>) src(%dma_wait3A_283 : memref<10000x64xf32, #tpu.memory_space<hbm>>) dst(%dma_wait3A_277 : memref<128x64xf32, #tpu.memory_space<vmem>>)
        %dma_wait3A_284 = arith.constant 1 : i32
        %dma_wait3A_285 = arith.constant 128 : i32
        %dma_wait3A_286 = arith.constant 0 : i32
        %dma_wait3A_287 = tpu.memref_slice %arg9[%dma_wait3A_285, %dma_wait3A_286] : memref<512x64xf32, #tpu.memory_space<vmem>> -> memref<128x64xf32, #tpu.memory_space<vmem>>
        %dma_wait3A_288 = arith.constant 0 : i32
        %dma_wait3A_289 = tpu.memref_slice %arg7[%dma_wait3A_284, %dma_wait3A_288] : memref<4x128xi32, #tpu.memory_space<vmem>> -> memref<1x128xi32, #tpu.memory_space<vmem>>
        %dma_wait3A_290 = tpu.memref_squeeze %dma_wait3A_289 : memref<1x128xi32, #tpu.memory_space<vmem>> -> memref<128xi32, #tpu.memory_space<vmem>>
        %dma_wait3A_291 = arith.constant 0 : i32
        %dma_wait3A_292 = arith.constant 0 : i32
        %dma_wait3A_293 = tpu.memref_slice %arg2[%dma_wait3A_291, %dma_wait3A_292] : memref<10000x64xf32, #tpu.memory_space<hbm>> -> memref<10000x64xf32, #tpu.memory_space<hbm>>
        tpu.wait_indirect_dma semaphore(%arg11 : memref<!tpu.dma_semaphore, #tpu.memory_space<semaphore_mem>>) src(%dma_wait3A_293 : memref<10000x64xf32, #tpu.memory_space<hbm>>) dst(%dma_wait3A_287 : memref<128x64xf32, #tpu.memory_space<vmem>>)
        %dma_wait3A_294 = arith.constant 2 : i32
        %dma_wait3A_295 = arith.constant 256 : i32
        %dma_wait3A_296 = arith.constant 0 : i32
        %dma_wait3A_297 = tpu.memref_slice %arg8[%dma_wait3A_295, %dma_wait3A_296] : memref<512x64xf32, #tpu.memory_space<vmem>> -> memref<128x64xf32, #tpu.memory_space<vmem>>
        %dma_wait3A_298 = arith.constant 0 : i32
        %dma_wait3A_299 = tpu.memref_slice %arg6[%dma_wait3A_294, %dma_wait3A_298] : memref<4x128xi32, #tpu.memory_space<vmem>> -> memref<1x128xi32, #tpu.memory_space<vmem>>
        %dma_wait3A_300 = tpu.memref_squeeze %dma_wait3A_299 : memref<1x128xi32, #tpu.memory_space<vmem>> -> memref<128xi32, #tpu.memory_space<vmem>>
        %dma_wait3A_301 = arith.constant 0 : i32
        %dma_wait3A_302 = arith.constant 0 : i32
        %dma_wait3A_303 = tpu.memref_slice %arg2[%dma_wait3A_301, %dma_wait3A_302] : memref<10000x64xf32, #tpu.memory_space<hbm>> -> memref<10000x64xf32, #tpu.memory_space<hbm>>
        tpu.wait_indirect_dma semaphore(%arg11 : memref<!tpu.dma_semaphore, #tpu.memory_space<semaphore_mem>>) src(%dma_wait3A_303 : memref<10000x64xf32, #tpu.memory_space<hbm>>) dst(%dma_wait3A_297 : memref<128x64xf32, #tpu.memory_space<vmem>>)
        %dma_wait3A_304 = arith.constant 2 : i32
        %dma_wait3A_305 = arith.constant 256 : i32
        %dma_wait3A_306 = arith.constant 0 : i32
        %dma_wait3A_307 = tpu.memref_slice %arg9[%dma_wait3A_305, %dma_wait3A_306] : memref<512x64xf32, #tpu.memory_space<vmem>> -> memref<128x64xf32, #tpu.memory_space<vmem>>
        %dma_wait3A_308 = arith.constant 0 : i32
        %dma_wait3A_309 = tpu.memref_slice %arg7[%dma_wait3A_304, %dma_wait3A_308] : memref<4x128xi32, #tpu.memory_space<vmem>> -> memref<1x128xi32, #tpu.memory_space<vmem>>
        %dma_wait3A_310 = tpu.memref_squeeze %dma_wait3A_309 : memref<1x128xi32, #tpu.memory_space<vmem>> -> memref<128xi32, #tpu.memory_space<vmem>>
        %dma_wait3A_311 = arith.constant 0 : i32
        %dma_wait3A_312 = arith.constant 0 : i32
        %dma_wait3A_313 = tpu.memref_slice %arg2[%dma_wait3A_311, %dma_wait3A_312] : memref<10000x64xf32, #tpu.memory_space<hbm>> -> memref<10000x64xf32, #tpu.memory_space<hbm>>
        tpu.wait_indirect_dma semaphore(%arg11 : memref<!tpu.dma_semaphore, #tpu.memory_space<semaphore_mem>>) src(%dma_wait3A_313 : memref<10000x64xf32, #tpu.memory_space<hbm>>) dst(%dma_wait3A_307 : memref<128x64xf32, #tpu.memory_space<vmem>>)
        %dma_wait3A_314 = arith.constant 3 : i32
        %dma_wait3A_315 = arith.constant 384 : i32
        %dma_wait3A_316 = arith.constant 0 : i32
        %dma_wait3A_317 = tpu.memref_slice %arg8[%dma_wait3A_315, %dma_wait3A_316] : memref<512x64xf32, #tpu.memory_space<vmem>> -> memref<128x64xf32, #tpu.memory_space<vmem>>
        %dma_wait3A_318 = arith.constant 0 : i32
        %dma_wait3A_319 = tpu.memref_slice %arg6[%dma_wait3A_314, %dma_wait3A_318] : memref<4x128xi32, #tpu.memory_space<vmem>> -> memref<1x128xi32, #tpu.memory_space<vmem>>
        %dma_wait3A_320 = tpu.memref_squeeze %dma_wait3A_319 : memref<1x128xi32, #tpu.memory_space<vmem>> -> memref<128xi32, #tpu.memory_space<vmem>>
        %dma_wait3A_321 = arith.constant 0 : i32
        %dma_wait3A_322 = arith.constant 0 : i32
        %dma_wait3A_323 = tpu.memref_slice %arg2[%dma_wait3A_321, %dma_wait3A_322] : memref<10000x64xf32, #tpu.memory_space<hbm>> -> memref<10000x64xf32, #tpu.memory_space<hbm>>
        tpu.wait_indirect_dma semaphore(%arg11 : memref<!tpu.dma_semaphore, #tpu.memory_space<semaphore_mem>>) src(%dma_wait3A_323 : memref<10000x64xf32, #tpu.memory_space<hbm>>) dst(%dma_wait3A_317 : memref<128x64xf32, #tpu.memory_space<vmem>>)
        %dma_wait3A_324 = arith.constant 3 : i32
        %dma_wait3A_325 = arith.constant 384 : i32
        %dma_wait3A_326 = arith.constant 0 : i32
        %dma_wait3A_327 = tpu.memref_slice %arg9[%dma_wait3A_325, %dma_wait3A_326] : memref<512x64xf32, #tpu.memory_space<vmem>> -> memref<128x64xf32, #tpu.memory_space<vmem>>
        %dma_wait3A_328 = arith.constant 0 : i32
        %dma_wait3A_329 = tpu.memref_slice %arg7[%dma_wait3A_324, %dma_wait3A_328] : memref<4x128xi32, #tpu.memory_space<vmem>> -> memref<1x128xi32, #tpu.memory_space<vmem>>
        %dma_wait3A_330 = tpu.memref_squeeze %dma_wait3A_329 : memref<1x128xi32, #tpu.memory_space<vmem>> -> memref<128xi32, #tpu.memory_space<vmem>>
        %dma_wait3A_331 = arith.constant 0 : i32
        %dma_wait3A_332 = arith.constant 0 : i32
        %dma_wait3A_333 = tpu.memref_slice %arg2[%dma_wait3A_331, %dma_wait3A_332] : memref<10000x64xf32, #tpu.memory_space<hbm>> -> memref<10000x64xf32, #tpu.memory_space<hbm>>
        tpu.wait_indirect_dma semaphore(%arg11 : memref<!tpu.dma_semaphore, #tpu.memory_space<semaphore_mem>>) src(%dma_wait3A_333 : memref<10000x64xf32, #tpu.memory_space<hbm>>) dst(%dma_wait3A_327 : memref<128x64xf32, #tpu.memory_space<vmem>>)
        %dma_start3A_334 = arith.constant 0 : i32
        %dma_start3A_335 = tpu.memref_slice %arg5[%mul3A_13, %dma_start3A_334] : memref<64000x128xf32, #tpu.memory_space<hbm>> -> memref<512x64xf32, #tpu.memory_space<hbm>>
        %dma_start3A_336 = arith.constant 0 : i32
        %dma_start3A_337 = tpu.memref_slice %arg5[%mul3A_13, %dma_start3A_336] : memref<64000x128xf32, #tpu.memory_space<hbm>> -> memref<512x64xf32, #tpu.memory_space<hbm>>
        tpu.enqueue_dma source(%arg8 : memref<512x64xf32, #tpu.memory_space<vmem>>) target(%dma_start3A_337 : memref<512x64xf32, #tpu.memory_space<hbm>>) target_semaphore(%arg12 : memref<!tpu.dma_semaphore, #tpu.memory_space<semaphore_mem>>)
        %dma_start3A_338 = arith.constant 64 : i32
        %dma_start3A_339 = tpu.memref_slice %arg5[%mul3A_13, %dma_start3A_338] : memref<64000x128xf32, #tpu.memory_space<hbm>> -> memref<512x64xf32, #tpu.memory_space<hbm>>
        %dma_start3A_340 = arith.constant 64 : i32
        %dma_start3A_341 = tpu.memref_slice %arg5[%mul3A_13, %dma_start3A_340] : memref<64000x128xf32, #tpu.memory_space<hbm>> -> memref<512x64xf32, #tpu.memory_space<hbm>>
        tpu.enqueue_dma source(%arg9 : memref<512x64xf32, #tpu.memory_space<vmem>>) target(%dma_start3A_341 : memref<512x64xf32, #tpu.memory_space<hbm>>) target_semaphore(%arg12 : memref<!tpu.dma_semaphore, #tpu.memory_space<semaphore_mem>>)
        %dma_wait3A_342 = arith.constant 0 : i32
        %dma_wait3A_343 = tpu.memref_slice %arg5[%mul3A_13, %dma_wait3A_342] : memref<64000x128xf32, #tpu.memory_space<hbm>> -> memref<512x64xf32, #tpu.memory_space<hbm>>
        %dma_wait3A_344 = arith.constant 0 : i32
        %dma_wait3A_345 = tpu.memref_slice %arg5[%mul3A_13, %dma_wait3A_344] : memref<64000x128xf32, #tpu.memory_space<hbm>> -> memref<512x64xf32, #tpu.memory_space<hbm>>
        tpu.wait_dma2 semaphore(%arg12 : memref<!tpu.dma_semaphore, #tpu.memory_space<semaphore_mem>>) src(%arg8 : memref<512x64xf32, #tpu.memory_space<vmem>>) dst(%dma_wait3A_345 : memref<512x64xf32, #tpu.memory_space<hbm>>)
        %dma_wait3A_346 = arith.constant 64 : i32
        %dma_wait3A_347 = tpu.memref_slice %arg5[%mul3A_13, %dma_wait3A_346] : memref<64000x128xf32, #tpu.memory_space<hbm>> -> memref<512x64xf32, #tpu.memory_space<hbm>>
        %dma_wait3A_348 = arith.constant 64 : i32
        %dma_wait3A_349 = tpu.memref_slice %arg5[%mul3A_13, %dma_wait3A_348] : memref<64000x128xf32, #tpu.memory_space<hbm>> -> memref<512x64xf32, #tpu.memory_space<hbm>>
        tpu.wait_dma2 semaphore(%arg12 : memref<!tpu.dma_semaphore, #tpu.memory_space<semaphore_mem>>) src(%arg9 : memref<512x64xf32, #tpu.memory_space<vmem>>) dst(%dma_wait3A_349 : memref<512x64xf32, #tpu.memory_space<hbm>>)
      } else {
      }
    }
    %scan3A_5 = arith.constant 4 : i32
    return
  }
}

#map = affine_map<(d0, d1) -> (0, 0)>
#map1 = affine_map<(d0, d1) -> (0)>
module attributes {stable_mosaic.version = 14 : i64} {
  func.func @_gather_body(%arg0: i32, %arg1: i32, %arg2: memref<10000x64xf32, #tpu.memory_space<hbm>>, %arg3: memref<320000xi32, #tpu.memory_space<hbm>>, %arg4: memref<320000xi32, #tpu.memory_space<hbm>>, %arg5: memref<64000x128xf32, #tpu.memory_space<hbm>>, %arg6: memref<4x128xi32, #tpu.memory_space<vmem>>, %arg7: memref<4x128xi32, #tpu.memory_space<vmem>>, %arg8: memref<512x64xf32, #tpu.memory_space<vmem>>, %arg9: memref<512x64xf32, #tpu.memory_space<vmem>>, %arg10: memref<!tpu.dma_semaphore, #tpu.memory_space<semaphore_mem>>, %arg11: memref<!tpu.dma_semaphore, #tpu.memory_space<semaphore_mem>>, %arg12: memref<!tpu.dma_semaphore, #tpu.memory_space<semaphore_mem>>) attributes {dimension_semantics = [#tpu.dimension_semantics<core_parallel>, #tpu.dimension_semantics<subcore_parallel>], iteration_bounds = array<i64: 2, 16>, scalar_prefetch = 0 : i64, scratch_operands = 7 : i64, tpu.core_type = #tpu.core_type<sc_vector_subcore>, window_params = [{transform_indices = #map}, {transform_indices = #map1}, {transform_indices = #map1}, {transform_indices = #map}]} {
    %mul3A = arith.constant 2 : i32
    %mul3A_0 = arith.muli %arg1, %mul3A : i32
    %add3A = arith.addi %mul3A_0, %arg0 : i32
    %scan3A = arith.constant 0 : i32
    %scan3A_1 = arith.constant 0 : i32
    %scan3A_2 = arith.constant 4 : i32
    %scan3A_3 = arith.addi %scan3A_1, %scan3A_2 : i32
    %scan3A_4 = arith.constant 1 : i32
    scf.for %scan3A_6 = %scan3A_1 to %scan3A_3 step %scan3A_4  : i32 {
      %mul3A_7 = arith.constant 32 : i32
      %mul3A_8 = arith.muli %scan3A_6, %mul3A_7 : i32
      %add3A_9 = arith.addi %mul3A_8, %add3A : i32
      %lt3A = arith.constant 125 : i32
      %lt3A_10 = arith.cmpi slt, %add3A_9, %lt3A : i32
      %convert_element_type3A = arith.extui %lt3A_10 : i1 to i32
      %cond3A = arith.constant 0 : i32
      %cond3A_11 = arith.cmpi ne, %convert_element_type3A, %cond3A : i32
      scf.if %cond3A_11 {
        %mul3A_12 = arith.constant 512 : i32
        %mul3A_13 = arith.muli %add3A_9, %mul3A_12 : i32
        %add3A_14 = arith.constant 192000 : i32
        %add3A_15 = arith.addi %add3A_14, %mul3A_13 : i32
        %add3A_16 = arith.constant 0 : i32
        %add3A_17 = arith.addi %add3A_15, %add3A_16 : i32
        %add3A_18 = arith.constant 0 : i32
        %add3A_19 = arith.addi %add3A_15, %add3A_18 : i32
        %add3A_20 = arith.constant 128 : i32
        %add3A_21 = arith.addi %add3A_15, %add3A_20 : i32
        %add3A_22 = arith.constant 128 : i32
        %add3A_23 = arith.addi %add3A_15, %add3A_22 : i32
        %add3A_24 = arith.constant 256 : i32
        %add3A_25 = arith.addi %add3A_15, %add3A_24 : i32
        %add3A_26 = arith.constant 256 : i32
        %add3A_27 = arith.addi %add3A_15, %add3A_26 : i32
        %add3A_28 = arith.constant 384 : i32
        %add3A_29 = arith.addi %add3A_15, %add3A_28 : i32
        %add3A_30 = arith.constant 384 : i32
        %add3A_31 = arith.addi %add3A_15, %add3A_30 : i32
        %dma_start3A = arith.constant 0 : i32
        %dma_start3A_32 = arith.constant 0 : i32
        %dma_start3A_33 = tpu.memref_slice %arg6[%dma_start3A, %dma_start3A_32] : memref<4x128xi32, #tpu.memory_space<vmem>> -> memref<1x128xi32, #tpu.memory_space<vmem>>
        %dma_start3A_34 = tpu.memref_squeeze %dma_start3A_33 : memref<1x128xi32, #tpu.memory_space<vmem>> -> memref<128xi32, #tpu.memory_space<vmem>>
        %dma_start3A_35 = tpu.memref_slice %arg3[%add3A_17] : memref<320000xi32, #tpu.memory_space<hbm>> -> memref<128xi32, #tpu.memory_space<hbm>>
        %dma_start3A_36 = arith.constant 0 : i32
        %dma_start3A_37 = tpu.memref_slice %arg6[%dma_start3A, %dma_start3A_36] : memref<4x128xi32, #tpu.memory_space<vmem>> -> memref<1x128xi32, #tpu.memory_space<vmem>>
        %dma_start3A_38 = tpu.memref_squeeze %dma_start3A_37 : memref<1x128xi32, #tpu.memory_space<vmem>> -> memref<128xi32, #tpu.memory_space<vmem>>
        %dma_start3A_39 = tpu.memref_slice %arg3[%add3A_17] : memref<320000xi32, #tpu.memory_space<hbm>> -> memref<128xi32, #tpu.memory_space<hbm>>
        tpu.enqueue_dma source(%dma_start3A_39 : memref<128xi32, #tpu.memory_space<hbm>>) target(%dma_start3A_38 : memref<128xi32, #tpu.memory_space<vmem>>) target_semaphore(%arg10 : memref<!tpu.dma_semaphore, #tpu.memory_space<semaphore_mem>>)
        %dma_start3A_40 = arith.constant 0 : i32
        %dma_start3A_41 = arith.constant 0 : i32
        %dma_start3A_42 = tpu.memref_slice %arg7[%dma_start3A_40, %dma_start3A_41] : memref<4x128xi32, #tpu.memory_space<vmem>> -> memref<1x128xi32, #tpu.memory_space<vmem>>
        %dma_start3A_43 = tpu.memref_squeeze %dma_start3A_42 : memref<1x128xi32, #tpu.memory_space<vmem>> -> memref<128xi32, #tpu.memory_space<vmem>>
        %dma_start3A_44 = tpu.memref_slice %arg4[%add3A_19] : memref<320000xi32, #tpu.memory_space<hbm>> -> memref<128xi32, #tpu.memory_space<hbm>>
        %dma_start3A_45 = arith.constant 0 : i32
        %dma_start3A_46 = tpu.memref_slice %arg7[%dma_start3A_40, %dma_start3A_45] : memref<4x128xi32, #tpu.memory_space<vmem>> -> memref<1x128xi32, #tpu.memory_space<vmem>>
        %dma_start3A_47 = tpu.memref_squeeze %dma_start3A_46 : memref<1x128xi32, #tpu.memory_space<vmem>> -> memref<128xi32, #tpu.memory_space<vmem>>
        %dma_start3A_48 = tpu.memref_slice %arg4[%add3A_19] : memref<320000xi32, #tpu.memory_space<hbm>> -> memref<128xi32, #tpu.memory_space<hbm>>
        tpu.enqueue_dma source(%dma_start3A_48 : memref<128xi32, #tpu.memory_space<hbm>>) target(%dma_start3A_47 : memref<128xi32, #tpu.memory_space<vmem>>) target_semaphore(%arg10 : memref<!tpu.dma_semaphore, #tpu.memory_space<semaphore_mem>>)
        %dma_start3A_49 = arith.constant 1 : i32
        %dma_start3A_50 = arith.constant 0 : i32
        %dma_start3A_51 = tpu.memref_slice %arg6[%dma_start3A_49, %dma_start3A_50] : memref<4x128xi32, #tpu.memory_space<vmem>> -> memref<1x128xi32, #tpu.memory_space<vmem>>
        %dma_start3A_52 = tpu.memref_squeeze %dma_start3A_51 : memref<1x128xi32, #tpu.memory_space<vmem>> -> memref<128xi32, #tpu.memory_space<vmem>>
        %dma_start3A_53 = tpu.memref_slice %arg3[%add3A_21] : memref<320000xi32, #tpu.memory_space<hbm>> -> memref<128xi32, #tpu.memory_space<hbm>>
        %dma_start3A_54 = arith.constant 0 : i32
        %dma_start3A_55 = tpu.memref_slice %arg6[%dma_start3A_49, %dma_start3A_54] : memref<4x128xi32, #tpu.memory_space<vmem>> -> memref<1x128xi32, #tpu.memory_space<vmem>>
        %dma_start3A_56 = tpu.memref_squeeze %dma_start3A_55 : memref<1x128xi32, #tpu.memory_space<vmem>> -> memref<128xi32, #tpu.memory_space<vmem>>
        %dma_start3A_57 = tpu.memref_slice %arg3[%add3A_21] : memref<320000xi32, #tpu.memory_space<hbm>> -> memref<128xi32, #tpu.memory_space<hbm>>
        tpu.enqueue_dma source(%dma_start3A_57 : memref<128xi32, #tpu.memory_space<hbm>>) target(%dma_start3A_56 : memref<128xi32, #tpu.memory_space<vmem>>) target_semaphore(%arg10 : memref<!tpu.dma_semaphore, #tpu.memory_space<semaphore_mem>>)
        %dma_start3A_58 = arith.constant 1 : i32
        %dma_start3A_59 = arith.constant 0 : i32
        %dma_start3A_60 = tpu.memref_slice %arg7[%dma_start3A_58, %dma_start3A_59] : memref<4x128xi32, #tpu.memory_space<vmem>> -> memref<1x128xi32, #tpu.memory_space<vmem>>
        %dma_start3A_61 = tpu.memref_squeeze %dma_start3A_60 : memref<1x128xi32, #tpu.memory_space<vmem>> -> memref<128xi32, #tpu.memory_space<vmem>>
        %dma_start3A_62 = tpu.memref_slice %arg4[%add3A_23] : memref<320000xi32, #tpu.memory_space<hbm>> -> memref<128xi32, #tpu.memory_space<hbm>>
        %dma_start3A_63 = arith.constant 0 : i32
        %dma_start3A_64 = tpu.memref_slice %arg7[%dma_start3A_58, %dma_start3A_63] : memref<4x128xi32, #tpu.memory_space<vmem>> -> memref<1x128xi32, #tpu.memory_space<vmem>>
        %dma_start3A_65 = tpu.memref_squeeze %dma_start3A_64 : memref<1x128xi32, #tpu.memory_space<vmem>> -> memref<128xi32, #tpu.memory_space<vmem>>
        %dma_start3A_66 = tpu.memref_slice %arg4[%add3A_23] : memref<320000xi32, #tpu.memory_space<hbm>> -> memref<128xi32, #tpu.memory_space<hbm>>
        tpu.enqueue_dma source(%dma_start3A_66 : memref<128xi32, #tpu.memory_space<hbm>>) target(%dma_start3A_65 : memref<128xi32, #tpu.memory_space<vmem>>) target_semaphore(%arg10 : memref<!tpu.dma_semaphore, #tpu.memory_space<semaphore_mem>>)
        %dma_start3A_67 = arith.constant 2 : i32
        %dma_start3A_68 = arith.constant 0 : i32
        %dma_start3A_69 = tpu.memref_slice %arg6[%dma_start3A_67, %dma_start3A_68] : memref<4x128xi32, #tpu.memory_space<vmem>> -> memref<1x128xi32, #tpu.memory_space<vmem>>
        %dma_start3A_70 = tpu.memref_squeeze %dma_start3A_69 : memref<1x128xi32, #tpu.memory_space<vmem>> -> memref<128xi32, #tpu.memory_space<vmem>>
        %dma_start3A_71 = tpu.memref_slice %arg3[%add3A_25] : memref<320000xi32, #tpu.memory_space<hbm>> -> memref<128xi32, #tpu.memory_space<hbm>>
        %dma_start3A_72 = arith.constant 0 : i32
        %dma_start3A_73 = tpu.memref_slice %arg6[%dma_start3A_67, %dma_start3A_72] : memref<4x128xi32, #tpu.memory_space<vmem>> -> memref<1x128xi32, #tpu.memory_space<vmem>>
        %dma_start3A_74 = tpu.memref_squeeze %dma_start3A_73 : memref<1x128xi32, #tpu.memory_space<vmem>> -> memref<128xi32, #tpu.memory_space<vmem>>
        %dma_start3A_75 = tpu.memref_slice %arg3[%add3A_25] : memref<320000xi32, #tpu.memory_space<hbm>> -> memref<128xi32, #tpu.memory_space<hbm>>
        tpu.enqueue_dma source(%dma_start3A_75 : memref<128xi32, #tpu.memory_space<hbm>>) target(%dma_start3A_74 : memref<128xi32, #tpu.memory_space<vmem>>) target_semaphore(%arg10 : memref<!tpu.dma_semaphore, #tpu.memory_space<semaphore_mem>>)
        %dma_start3A_76 = arith.constant 2 : i32
        %dma_start3A_77 = arith.constant 0 : i32
        %dma_start3A_78 = tpu.memref_slice %arg7[%dma_start3A_76, %dma_start3A_77] : memref<4x128xi32, #tpu.memory_space<vmem>> -> memref<1x128xi32, #tpu.memory_space<vmem>>
        %dma_start3A_79 = tpu.memref_squeeze %dma_start3A_78 : memref<1x128xi32, #tpu.memory_space<vmem>> -> memref<128xi32, #tpu.memory_space<vmem>>
        %dma_start3A_80 = tpu.memref_slice %arg4[%add3A_27] : memref<320000xi32, #tpu.memory_space<hbm>> -> memref<128xi32, #tpu.memory_space<hbm>>
        %dma_start3A_81 = arith.constant 0 : i32
        %dma_start3A_82 = tpu.memref_slice %arg7[%dma_start3A_76, %dma_start3A_81] : memref<4x128xi32, #tpu.memory_space<vmem>> -> memref<1x128xi32, #tpu.memory_space<vmem>>
        %dma_start3A_83 = tpu.memref_squeeze %dma_start3A_82 : memref<1x128xi32, #tpu.memory_space<vmem>> -> memref<128xi32, #tpu.memory_space<vmem>>
        %dma_start3A_84 = tpu.memref_slice %arg4[%add3A_27] : memref<320000xi32, #tpu.memory_space<hbm>> -> memref<128xi32, #tpu.memory_space<hbm>>
        tpu.enqueue_dma source(%dma_start3A_84 : memref<128xi32, #tpu.memory_space<hbm>>) target(%dma_start3A_83 : memref<128xi32, #tpu.memory_space<vmem>>) target_semaphore(%arg10 : memref<!tpu.dma_semaphore, #tpu.memory_space<semaphore_mem>>)
        %dma_start3A_85 = arith.constant 3 : i32
        %dma_start3A_86 = arith.constant 0 : i32
        %dma_start3A_87 = tpu.memref_slice %arg6[%dma_start3A_85, %dma_start3A_86] : memref<4x128xi32, #tpu.memory_space<vmem>> -> memref<1x128xi32, #tpu.memory_space<vmem>>
        %dma_start3A_88 = tpu.memref_squeeze %dma_start3A_87 : memref<1x128xi32, #tpu.memory_space<vmem>> -> memref<128xi32, #tpu.memory_space<vmem>>
        %dma_start3A_89 = tpu.memref_slice %arg3[%add3A_29] : memref<320000xi32, #tpu.memory_space<hbm>> -> memref<128xi32, #tpu.memory_space<hbm>>
        %dma_start3A_90 = arith.constant 0 : i32
        %dma_start3A_91 = tpu.memref_slice %arg6[%dma_start3A_85, %dma_start3A_90] : memref<4x128xi32, #tpu.memory_space<vmem>> -> memref<1x128xi32, #tpu.memory_space<vmem>>
        %dma_start3A_92 = tpu.memref_squeeze %dma_start3A_91 : memref<1x128xi32, #tpu.memory_space<vmem>> -> memref<128xi32, #tpu.memory_space<vmem>>
        %dma_start3A_93 = tpu.memref_slice %arg3[%add3A_29] : memref<320000xi32, #tpu.memory_space<hbm>> -> memref<128xi32, #tpu.memory_space<hbm>>
        tpu.enqueue_dma source(%dma_start3A_93 : memref<128xi32, #tpu.memory_space<hbm>>) target(%dma_start3A_92 : memref<128xi32, #tpu.memory_space<vmem>>) target_semaphore(%arg10 : memref<!tpu.dma_semaphore, #tpu.memory_space<semaphore_mem>>)
        %dma_start3A_94 = arith.constant 3 : i32
        %dma_start3A_95 = arith.constant 0 : i32
        %dma_start3A_96 = tpu.memref_slice %arg7[%dma_start3A_94, %dma_start3A_95] : memref<4x128xi32, #tpu.memory_space<vmem>> -> memref<1x128xi32, #tpu.memory_space<vmem>>
        %dma_start3A_97 = tpu.memref_squeeze %dma_start3A_96 : memref<1x128xi32, #tpu.memory_space<vmem>> -> memref<128xi32, #tpu.memory_space<vmem>>
        %dma_start3A_98 = tpu.memref_slice %arg4[%add3A_31] : memref<320000xi32, #tpu.memory_space<hbm>> -> memref<128xi32, #tpu.memory_space<hbm>>
        %dma_start3A_99 = arith.constant 0 : i32
        %dma_start3A_100 = tpu.memref_slice %arg7[%dma_start3A_94, %dma_start3A_99] : memref<4x128xi32, #tpu.memory_space<vmem>> -> memref<1x128xi32, #tpu.memory_space<vmem>>
        %dma_start3A_101 = tpu.memref_squeeze %dma_start3A_100 : memref<1x128xi32, #tpu.memory_space<vmem>> -> memref<128xi32, #tpu.memory_space<vmem>>
        %dma_start3A_102 = tpu.memref_slice %arg4[%add3A_31] : memref<320000xi32, #tpu.memory_space<hbm>> -> memref<128xi32, #tpu.memory_space<hbm>>
        tpu.enqueue_dma source(%dma_start3A_102 : memref<128xi32, #tpu.memory_space<hbm>>) target(%dma_start3A_101 : memref<128xi32, #tpu.memory_space<vmem>>) target_semaphore(%arg10 : memref<!tpu.dma_semaphore, #tpu.memory_space<semaphore_mem>>)
        %dma_wait3A = arith.constant 0 : i32
        %dma_wait3A_103 = arith.constant 0 : i32
        %dma_wait3A_104 = tpu.memref_slice %arg6[%dma_wait3A, %dma_wait3A_103] : memref<4x128xi32, #tpu.memory_space<vmem>> -> memref<1x128xi32, #tpu.memory_space<vmem>>
        %dma_wait3A_105 = tpu.memref_squeeze %dma_wait3A_104 : memref<1x128xi32, #tpu.memory_space<vmem>> -> memref<128xi32, #tpu.memory_space<vmem>>
        %dma_wait3A_106 = tpu.memref_slice %arg3[%add3A_17] : memref<320000xi32, #tpu.memory_space<hbm>> -> memref<128xi32, #tpu.memory_space<hbm>>
        %dma_wait3A_107 = arith.constant 0 : i32
        %dma_wait3A_108 = tpu.memref_slice %arg6[%dma_wait3A, %dma_wait3A_107] : memref<4x128xi32, #tpu.memory_space<vmem>> -> memref<1x128xi32, #tpu.memory_space<vmem>>
        %dma_wait3A_109 = tpu.memref_squeeze %dma_wait3A_108 : memref<1x128xi32, #tpu.memory_space<vmem>> -> memref<128xi32, #tpu.memory_space<vmem>>
        %dma_wait3A_110 = tpu.memref_slice %arg3[%add3A_17] : memref<320000xi32, #tpu.memory_space<hbm>> -> memref<128xi32, #tpu.memory_space<hbm>>
        tpu.wait_dma2 semaphore(%arg10 : memref<!tpu.dma_semaphore, #tpu.memory_space<semaphore_mem>>) src(%dma_wait3A_110 : memref<128xi32, #tpu.memory_space<hbm>>) dst(%dma_wait3A_109 : memref<128xi32, #tpu.memory_space<vmem>>)
        %dma_wait3A_111 = arith.constant 0 : i32
        %dma_wait3A_112 = arith.constant 0 : i32
        %dma_wait3A_113 = tpu.memref_slice %arg7[%dma_wait3A_111, %dma_wait3A_112] : memref<4x128xi32, #tpu.memory_space<vmem>> -> memref<1x128xi32, #tpu.memory_space<vmem>>
        %dma_wait3A_114 = tpu.memref_squeeze %dma_wait3A_113 : memref<1x128xi32, #tpu.memory_space<vmem>> -> memref<128xi32, #tpu.memory_space<vmem>>
        %dma_wait3A_115 = tpu.memref_slice %arg4[%add3A_19] : memref<320000xi32, #tpu.memory_space<hbm>> -> memref<128xi32, #tpu.memory_space<hbm>>
        %dma_wait3A_116 = arith.constant 0 : i32
        %dma_wait3A_117 = tpu.memref_slice %arg7[%dma_wait3A_111, %dma_wait3A_116] : memref<4x128xi32, #tpu.memory_space<vmem>> -> memref<1x128xi32, #tpu.memory_space<vmem>>
        %dma_wait3A_118 = tpu.memref_squeeze %dma_wait3A_117 : memref<1x128xi32, #tpu.memory_space<vmem>> -> memref<128xi32, #tpu.memory_space<vmem>>
        %dma_wait3A_119 = tpu.memref_slice %arg4[%add3A_19] : memref<320000xi32, #tpu.memory_space<hbm>> -> memref<128xi32, #tpu.memory_space<hbm>>
        tpu.wait_dma2 semaphore(%arg10 : memref<!tpu.dma_semaphore, #tpu.memory_space<semaphore_mem>>) src(%dma_wait3A_119 : memref<128xi32, #tpu.memory_space<hbm>>) dst(%dma_wait3A_118 : memref<128xi32, #tpu.memory_space<vmem>>)
        %dma_wait3A_120 = arith.constant 1 : i32
        %dma_wait3A_121 = arith.constant 0 : i32
        %dma_wait3A_122 = tpu.memref_slice %arg6[%dma_wait3A_120, %dma_wait3A_121] : memref<4x128xi32, #tpu.memory_space<vmem>> -> memref<1x128xi32, #tpu.memory_space<vmem>>
        %dma_wait3A_123 = tpu.memref_squeeze %dma_wait3A_122 : memref<1x128xi32, #tpu.memory_space<vmem>> -> memref<128xi32, #tpu.memory_space<vmem>>
        %dma_wait3A_124 = tpu.memref_slice %arg3[%add3A_21] : memref<320000xi32, #tpu.memory_space<hbm>> -> memref<128xi32, #tpu.memory_space<hbm>>
        %dma_wait3A_125 = arith.constant 0 : i32
        %dma_wait3A_126 = tpu.memref_slice %arg6[%dma_wait3A_120, %dma_wait3A_125] : memref<4x128xi32, #tpu.memory_space<vmem>> -> memref<1x128xi32, #tpu.memory_space<vmem>>
        %dma_wait3A_127 = tpu.memref_squeeze %dma_wait3A_126 : memref<1x128xi32, #tpu.memory_space<vmem>> -> memref<128xi32, #tpu.memory_space<vmem>>
        %dma_wait3A_128 = tpu.memref_slice %arg3[%add3A_21] : memref<320000xi32, #tpu.memory_space<hbm>> -> memref<128xi32, #tpu.memory_space<hbm>>
        tpu.wait_dma2 semaphore(%arg10 : memref<!tpu.dma_semaphore, #tpu.memory_space<semaphore_mem>>) src(%dma_wait3A_128 : memref<128xi32, #tpu.memory_space<hbm>>) dst(%dma_wait3A_127 : memref<128xi32, #tpu.memory_space<vmem>>)
        %dma_wait3A_129 = arith.constant 1 : i32
        %dma_wait3A_130 = arith.constant 0 : i32
        %dma_wait3A_131 = tpu.memref_slice %arg7[%dma_wait3A_129, %dma_wait3A_130] : memref<4x128xi32, #tpu.memory_space<vmem>> -> memref<1x128xi32, #tpu.memory_space<vmem>>
        %dma_wait3A_132 = tpu.memref_squeeze %dma_wait3A_131 : memref<1x128xi32, #tpu.memory_space<vmem>> -> memref<128xi32, #tpu.memory_space<vmem>>
        %dma_wait3A_133 = tpu.memref_slice %arg4[%add3A_23] : memref<320000xi32, #tpu.memory_space<hbm>> -> memref<128xi32, #tpu.memory_space<hbm>>
        %dma_wait3A_134 = arith.constant 0 : i32
        %dma_wait3A_135 = tpu.memref_slice %arg7[%dma_wait3A_129, %dma_wait3A_134] : memref<4x128xi32, #tpu.memory_space<vmem>> -> memref<1x128xi32, #tpu.memory_space<vmem>>
        %dma_wait3A_136 = tpu.memref_squeeze %dma_wait3A_135 : memref<1x128xi32, #tpu.memory_space<vmem>> -> memref<128xi32, #tpu.memory_space<vmem>>
        %dma_wait3A_137 = tpu.memref_slice %arg4[%add3A_23] : memref<320000xi32, #tpu.memory_space<hbm>> -> memref<128xi32, #tpu.memory_space<hbm>>
        tpu.wait_dma2 semaphore(%arg10 : memref<!tpu.dma_semaphore, #tpu.memory_space<semaphore_mem>>) src(%dma_wait3A_137 : memref<128xi32, #tpu.memory_space<hbm>>) dst(%dma_wait3A_136 : memref<128xi32, #tpu.memory_space<vmem>>)
        %dma_wait3A_138 = arith.constant 2 : i32
        %dma_wait3A_139 = arith.constant 0 : i32
        %dma_wait3A_140 = tpu.memref_slice %arg6[%dma_wait3A_138, %dma_wait3A_139] : memref<4x128xi32, #tpu.memory_space<vmem>> -> memref<1x128xi32, #tpu.memory_space<vmem>>
        %dma_wait3A_141 = tpu.memref_squeeze %dma_wait3A_140 : memref<1x128xi32, #tpu.memory_space<vmem>> -> memref<128xi32, #tpu.memory_space<vmem>>
        %dma_wait3A_142 = tpu.memref_slice %arg3[%add3A_25] : memref<320000xi32, #tpu.memory_space<hbm>> -> memref<128xi32, #tpu.memory_space<hbm>>
        %dma_wait3A_143 = arith.constant 0 : i32
        %dma_wait3A_144 = tpu.memref_slice %arg6[%dma_wait3A_138, %dma_wait3A_143] : memref<4x128xi32, #tpu.memory_space<vmem>> -> memref<1x128xi32, #tpu.memory_space<vmem>>
        %dma_wait3A_145 = tpu.memref_squeeze %dma_wait3A_144 : memref<1x128xi32, #tpu.memory_space<vmem>> -> memref<128xi32, #tpu.memory_space<vmem>>
        %dma_wait3A_146 = tpu.memref_slice %arg3[%add3A_25] : memref<320000xi32, #tpu.memory_space<hbm>> -> memref<128xi32, #tpu.memory_space<hbm>>
        tpu.wait_dma2 semaphore(%arg10 : memref<!tpu.dma_semaphore, #tpu.memory_space<semaphore_mem>>) src(%dma_wait3A_146 : memref<128xi32, #tpu.memory_space<hbm>>) dst(%dma_wait3A_145 : memref<128xi32, #tpu.memory_space<vmem>>)
        %dma_wait3A_147 = arith.constant 2 : i32
        %dma_wait3A_148 = arith.constant 0 : i32
        %dma_wait3A_149 = tpu.memref_slice %arg7[%dma_wait3A_147, %dma_wait3A_148] : memref<4x128xi32, #tpu.memory_space<vmem>> -> memref<1x128xi32, #tpu.memory_space<vmem>>
        %dma_wait3A_150 = tpu.memref_squeeze %dma_wait3A_149 : memref<1x128xi32, #tpu.memory_space<vmem>> -> memref<128xi32, #tpu.memory_space<vmem>>
        %dma_wait3A_151 = tpu.memref_slice %arg4[%add3A_27] : memref<320000xi32, #tpu.memory_space<hbm>> -> memref<128xi32, #tpu.memory_space<hbm>>
        %dma_wait3A_152 = arith.constant 0 : i32
        %dma_wait3A_153 = tpu.memref_slice %arg7[%dma_wait3A_147, %dma_wait3A_152] : memref<4x128xi32, #tpu.memory_space<vmem>> -> memref<1x128xi32, #tpu.memory_space<vmem>>
        %dma_wait3A_154 = tpu.memref_squeeze %dma_wait3A_153 : memref<1x128xi32, #tpu.memory_space<vmem>> -> memref<128xi32, #tpu.memory_space<vmem>>
        %dma_wait3A_155 = tpu.memref_slice %arg4[%add3A_27] : memref<320000xi32, #tpu.memory_space<hbm>> -> memref<128xi32, #tpu.memory_space<hbm>>
        tpu.wait_dma2 semaphore(%arg10 : memref<!tpu.dma_semaphore, #tpu.memory_space<semaphore_mem>>) src(%dma_wait3A_155 : memref<128xi32, #tpu.memory_space<hbm>>) dst(%dma_wait3A_154 : memref<128xi32, #tpu.memory_space<vmem>>)
        %dma_wait3A_156 = arith.constant 3 : i32
        %dma_wait3A_157 = arith.constant 0 : i32
        %dma_wait3A_158 = tpu.memref_slice %arg6[%dma_wait3A_156, %dma_wait3A_157] : memref<4x128xi32, #tpu.memory_space<vmem>> -> memref<1x128xi32, #tpu.memory_space<vmem>>
        %dma_wait3A_159 = tpu.memref_squeeze %dma_wait3A_158 : memref<1x128xi32, #tpu.memory_space<vmem>> -> memref<128xi32, #tpu.memory_space<vmem>>
        %dma_wait3A_160 = tpu.memref_slice %arg3[%add3A_29] : memref<320000xi32, #tpu.memory_space<hbm>> -> memref<128xi32, #tpu.memory_space<hbm>>
        %dma_wait3A_161 = arith.constant 0 : i32
        %dma_wait3A_162 = tpu.memref_slice %arg6[%dma_wait3A_156, %dma_wait3A_161] : memref<4x128xi32, #tpu.memory_space<vmem>> -> memref<1x128xi32, #tpu.memory_space<vmem>>
        %dma_wait3A_163 = tpu.memref_squeeze %dma_wait3A_162 : memref<1x128xi32, #tpu.memory_space<vmem>> -> memref<128xi32, #tpu.memory_space<vmem>>
        %dma_wait3A_164 = tpu.memref_slice %arg3[%add3A_29] : memref<320000xi32, #tpu.memory_space<hbm>> -> memref<128xi32, #tpu.memory_space<hbm>>
        tpu.wait_dma2 semaphore(%arg10 : memref<!tpu.dma_semaphore, #tpu.memory_space<semaphore_mem>>) src(%dma_wait3A_164 : memref<128xi32, #tpu.memory_space<hbm>>) dst(%dma_wait3A_163 : memref<128xi32, #tpu.memory_space<vmem>>)
        %dma_wait3A_165 = arith.constant 3 : i32
        %dma_wait3A_166 = arith.constant 0 : i32
        %dma_wait3A_167 = tpu.memref_slice %arg7[%dma_wait3A_165, %dma_wait3A_166] : memref<4x128xi32, #tpu.memory_space<vmem>> -> memref<1x128xi32, #tpu.memory_space<vmem>>
        %dma_wait3A_168 = tpu.memref_squeeze %dma_wait3A_167 : memref<1x128xi32, #tpu.memory_space<vmem>> -> memref<128xi32, #tpu.memory_space<vmem>>
        %dma_wait3A_169 = tpu.memref_slice %arg4[%add3A_31] : memref<320000xi32, #tpu.memory_space<hbm>> -> memref<128xi32, #tpu.memory_space<hbm>>
        %dma_wait3A_170 = arith.constant 0 : i32
        %dma_wait3A_171 = tpu.memref_slice %arg7[%dma_wait3A_165, %dma_wait3A_170] : memref<4x128xi32, #tpu.memory_space<vmem>> -> memref<1x128xi32, #tpu.memory_space<vmem>>
        %dma_wait3A_172 = tpu.memref_squeeze %dma_wait3A_171 : memref<1x128xi32, #tpu.memory_space<vmem>> -> memref<128xi32, #tpu.memory_space<vmem>>
        %dma_wait3A_173 = tpu.memref_slice %arg4[%add3A_31] : memref<320000xi32, #tpu.memory_space<hbm>> -> memref<128xi32, #tpu.memory_space<hbm>>
        tpu.wait_dma2 semaphore(%arg10 : memref<!tpu.dma_semaphore, #tpu.memory_space<semaphore_mem>>) src(%dma_wait3A_173 : memref<128xi32, #tpu.memory_space<hbm>>) dst(%dma_wait3A_172 : memref<128xi32, #tpu.memory_space<vmem>>)
        %dma_start3A_174 = arith.constant 0 : i32
        %dma_start3A_175 = arith.constant 0 : i32
        %dma_start3A_176 = arith.constant 0 : i32
        %dma_start3A_177 = tpu.memref_slice %arg8[%dma_start3A_175, %dma_start3A_176] : memref<512x64xf32, #tpu.memory_space<vmem>> -> memref<128x64xf32, #tpu.memory_space<vmem>>
        %dma_start3A_178 = arith.constant 0 : i32
        %dma_start3A_179 = tpu.memref_slice %arg6[%dma_start3A_174, %dma_start3A_178] : memref<4x128xi32, #tpu.memory_space<vmem>> -> memref<1x128xi32, #tpu.memory_space<vmem>>
        %dma_start3A_180 = tpu.memref_squeeze %dma_start3A_179 : memref<1x128xi32, #tpu.memory_space<vmem>> -> memref<128xi32, #tpu.memory_space<vmem>>
        %dma_start3A_181 = arith.constant 0 : i32
        %dma_start3A_182 = arith.constant 0 : i32
        %dma_start3A_183 = tpu.memref_slice %arg2[%dma_start3A_181, %dma_start3A_182] : memref<10000x64xf32, #tpu.memory_space<hbm>> -> memref<10000x64xf32, #tpu.memory_space<hbm>>
        tpu.enqueue_indirect_dma source(%dma_start3A_183 : memref<10000x64xf32, #tpu.memory_space<hbm>>) target(%dma_start3A_177 : memref<128x64xf32, #tpu.memory_space<vmem>>) offsets(%dma_start3A_180 : memref<128xi32, #tpu.memory_space<vmem>>) semaphore(%arg11 : memref<!tpu.dma_semaphore, #tpu.memory_space<semaphore_mem>>)
        %dma_start3A_184 = arith.constant 0 : i32
        %dma_start3A_185 = arith.constant 0 : i32
        %dma_start3A_186 = arith.constant 0 : i32
        %dma_start3A_187 = tpu.memref_slice %arg9[%dma_start3A_185, %dma_start3A_186] : memref<512x64xf32, #tpu.memory_space<vmem>> -> memref<128x64xf32, #tpu.memory_space<vmem>>
        %dma_start3A_188 = arith.constant 0 : i32
        %dma_start3A_189 = tpu.memref_slice %arg7[%dma_start3A_184, %dma_start3A_188] : memref<4x128xi32, #tpu.memory_space<vmem>> -> memref<1x128xi32, #tpu.memory_space<vmem>>
        %dma_start3A_190 = tpu.memref_squeeze %dma_start3A_189 : memref<1x128xi32, #tpu.memory_space<vmem>> -> memref<128xi32, #tpu.memory_space<vmem>>
        %dma_start3A_191 = arith.constant 0 : i32
        %dma_start3A_192 = arith.constant 0 : i32
        %dma_start3A_193 = tpu.memref_slice %arg2[%dma_start3A_191, %dma_start3A_192] : memref<10000x64xf32, #tpu.memory_space<hbm>> -> memref<10000x64xf32, #tpu.memory_space<hbm>>
        tpu.enqueue_indirect_dma source(%dma_start3A_193 : memref<10000x64xf32, #tpu.memory_space<hbm>>) target(%dma_start3A_187 : memref<128x64xf32, #tpu.memory_space<vmem>>) offsets(%dma_start3A_190 : memref<128xi32, #tpu.memory_space<vmem>>) semaphore(%arg11 : memref<!tpu.dma_semaphore, #tpu.memory_space<semaphore_mem>>)
        %dma_start3A_194 = arith.constant 1 : i32
        %dma_start3A_195 = arith.constant 128 : i32
        %dma_start3A_196 = arith.constant 0 : i32
        %dma_start3A_197 = tpu.memref_slice %arg8[%dma_start3A_195, %dma_start3A_196] : memref<512x64xf32, #tpu.memory_space<vmem>> -> memref<128x64xf32, #tpu.memory_space<vmem>>
        %dma_start3A_198 = arith.constant 0 : i32
        %dma_start3A_199 = tpu.memref_slice %arg6[%dma_start3A_194, %dma_start3A_198] : memref<4x128xi32, #tpu.memory_space<vmem>> -> memref<1x128xi32, #tpu.memory_space<vmem>>
        %dma_start3A_200 = tpu.memref_squeeze %dma_start3A_199 : memref<1x128xi32, #tpu.memory_space<vmem>> -> memref<128xi32, #tpu.memory_space<vmem>>
        %dma_start3A_201 = arith.constant 0 : i32
        %dma_start3A_202 = arith.constant 0 : i32
        %dma_start3A_203 = tpu.memref_slice %arg2[%dma_start3A_201, %dma_start3A_202] : memref<10000x64xf32, #tpu.memory_space<hbm>> -> memref<10000x64xf32, #tpu.memory_space<hbm>>
        tpu.enqueue_indirect_dma source(%dma_start3A_203 : memref<10000x64xf32, #tpu.memory_space<hbm>>) target(%dma_start3A_197 : memref<128x64xf32, #tpu.memory_space<vmem>>) offsets(%dma_start3A_200 : memref<128xi32, #tpu.memory_space<vmem>>) semaphore(%arg11 : memref<!tpu.dma_semaphore, #tpu.memory_space<semaphore_mem>>)
        %dma_start3A_204 = arith.constant 1 : i32
        %dma_start3A_205 = arith.constant 128 : i32
        %dma_start3A_206 = arith.constant 0 : i32
        %dma_start3A_207 = tpu.memref_slice %arg9[%dma_start3A_205, %dma_start3A_206] : memref<512x64xf32, #tpu.memory_space<vmem>> -> memref<128x64xf32, #tpu.memory_space<vmem>>
        %dma_start3A_208 = arith.constant 0 : i32
        %dma_start3A_209 = tpu.memref_slice %arg7[%dma_start3A_204, %dma_start3A_208] : memref<4x128xi32, #tpu.memory_space<vmem>> -> memref<1x128xi32, #tpu.memory_space<vmem>>
        %dma_start3A_210 = tpu.memref_squeeze %dma_start3A_209 : memref<1x128xi32, #tpu.memory_space<vmem>> -> memref<128xi32, #tpu.memory_space<vmem>>
        %dma_start3A_211 = arith.constant 0 : i32
        %dma_start3A_212 = arith.constant 0 : i32
        %dma_start3A_213 = tpu.memref_slice %arg2[%dma_start3A_211, %dma_start3A_212] : memref<10000x64xf32, #tpu.memory_space<hbm>> -> memref<10000x64xf32, #tpu.memory_space<hbm>>
        tpu.enqueue_indirect_dma source(%dma_start3A_213 : memref<10000x64xf32, #tpu.memory_space<hbm>>) target(%dma_start3A_207 : memref<128x64xf32, #tpu.memory_space<vmem>>) offsets(%dma_start3A_210 : memref<128xi32, #tpu.memory_space<vmem>>) semaphore(%arg11 : memref<!tpu.dma_semaphore, #tpu.memory_space<semaphore_mem>>)
        %dma_start3A_214 = arith.constant 2 : i32
        %dma_start3A_215 = arith.constant 256 : i32
        %dma_start3A_216 = arith.constant 0 : i32
        %dma_start3A_217 = tpu.memref_slice %arg8[%dma_start3A_215, %dma_start3A_216] : memref<512x64xf32, #tpu.memory_space<vmem>> -> memref<128x64xf32, #tpu.memory_space<vmem>>
        %dma_start3A_218 = arith.constant 0 : i32
        %dma_start3A_219 = tpu.memref_slice %arg6[%dma_start3A_214, %dma_start3A_218] : memref<4x128xi32, #tpu.memory_space<vmem>> -> memref<1x128xi32, #tpu.memory_space<vmem>>
        %dma_start3A_220 = tpu.memref_squeeze %dma_start3A_219 : memref<1x128xi32, #tpu.memory_space<vmem>> -> memref<128xi32, #tpu.memory_space<vmem>>
        %dma_start3A_221 = arith.constant 0 : i32
        %dma_start3A_222 = arith.constant 0 : i32
        %dma_start3A_223 = tpu.memref_slice %arg2[%dma_start3A_221, %dma_start3A_222] : memref<10000x64xf32, #tpu.memory_space<hbm>> -> memref<10000x64xf32, #tpu.memory_space<hbm>>
        tpu.enqueue_indirect_dma source(%dma_start3A_223 : memref<10000x64xf32, #tpu.memory_space<hbm>>) target(%dma_start3A_217 : memref<128x64xf32, #tpu.memory_space<vmem>>) offsets(%dma_start3A_220 : memref<128xi32, #tpu.memory_space<vmem>>) semaphore(%arg11 : memref<!tpu.dma_semaphore, #tpu.memory_space<semaphore_mem>>)
        %dma_start3A_224 = arith.constant 2 : i32
        %dma_start3A_225 = arith.constant 256 : i32
        %dma_start3A_226 = arith.constant 0 : i32
        %dma_start3A_227 = tpu.memref_slice %arg9[%dma_start3A_225, %dma_start3A_226] : memref<512x64xf32, #tpu.memory_space<vmem>> -> memref<128x64xf32, #tpu.memory_space<vmem>>
        %dma_start3A_228 = arith.constant 0 : i32
        %dma_start3A_229 = tpu.memref_slice %arg7[%dma_start3A_224, %dma_start3A_228] : memref<4x128xi32, #tpu.memory_space<vmem>> -> memref<1x128xi32, #tpu.memory_space<vmem>>
        %dma_start3A_230 = tpu.memref_squeeze %dma_start3A_229 : memref<1x128xi32, #tpu.memory_space<vmem>> -> memref<128xi32, #tpu.memory_space<vmem>>
        %dma_start3A_231 = arith.constant 0 : i32
        %dma_start3A_232 = arith.constant 0 : i32
        %dma_start3A_233 = tpu.memref_slice %arg2[%dma_start3A_231, %dma_start3A_232] : memref<10000x64xf32, #tpu.memory_space<hbm>> -> memref<10000x64xf32, #tpu.memory_space<hbm>>
        tpu.enqueue_indirect_dma source(%dma_start3A_233 : memref<10000x64xf32, #tpu.memory_space<hbm>>) target(%dma_start3A_227 : memref<128x64xf32, #tpu.memory_space<vmem>>) offsets(%dma_start3A_230 : memref<128xi32, #tpu.memory_space<vmem>>) semaphore(%arg11 : memref<!tpu.dma_semaphore, #tpu.memory_space<semaphore_mem>>)
        %dma_start3A_234 = arith.constant 3 : i32
        %dma_start3A_235 = arith.constant 384 : i32
        %dma_start3A_236 = arith.constant 0 : i32
        %dma_start3A_237 = tpu.memref_slice %arg8[%dma_start3A_235, %dma_start3A_236] : memref<512x64xf32, #tpu.memory_space<vmem>> -> memref<128x64xf32, #tpu.memory_space<vmem>>
        %dma_start3A_238 = arith.constant 0 : i32
        %dma_start3A_239 = tpu.memref_slice %arg6[%dma_start3A_234, %dma_start3A_238] : memref<4x128xi32, #tpu.memory_space<vmem>> -> memref<1x128xi32, #tpu.memory_space<vmem>>
        %dma_start3A_240 = tpu.memref_squeeze %dma_start3A_239 : memref<1x128xi32, #tpu.memory_space<vmem>> -> memref<128xi32, #tpu.memory_space<vmem>>
        %dma_start3A_241 = arith.constant 0 : i32
        %dma_start3A_242 = arith.constant 0 : i32
        %dma_start3A_243 = tpu.memref_slice %arg2[%dma_start3A_241, %dma_start3A_242] : memref<10000x64xf32, #tpu.memory_space<hbm>> -> memref<10000x64xf32, #tpu.memory_space<hbm>>
        tpu.enqueue_indirect_dma source(%dma_start3A_243 : memref<10000x64xf32, #tpu.memory_space<hbm>>) target(%dma_start3A_237 : memref<128x64xf32, #tpu.memory_space<vmem>>) offsets(%dma_start3A_240 : memref<128xi32, #tpu.memory_space<vmem>>) semaphore(%arg11 : memref<!tpu.dma_semaphore, #tpu.memory_space<semaphore_mem>>)
        %dma_start3A_244 = arith.constant 3 : i32
        %dma_start3A_245 = arith.constant 384 : i32
        %dma_start3A_246 = arith.constant 0 : i32
        %dma_start3A_247 = tpu.memref_slice %arg9[%dma_start3A_245, %dma_start3A_246] : memref<512x64xf32, #tpu.memory_space<vmem>> -> memref<128x64xf32, #tpu.memory_space<vmem>>
        %dma_start3A_248 = arith.constant 0 : i32
        %dma_start3A_249 = tpu.memref_slice %arg7[%dma_start3A_244, %dma_start3A_248] : memref<4x128xi32, #tpu.memory_space<vmem>> -> memref<1x128xi32, #tpu.memory_space<vmem>>
        %dma_start3A_250 = tpu.memref_squeeze %dma_start3A_249 : memref<1x128xi32, #tpu.memory_space<vmem>> -> memref<128xi32, #tpu.memory_space<vmem>>
        %dma_start3A_251 = arith.constant 0 : i32
        %dma_start3A_252 = arith.constant 0 : i32
        %dma_start3A_253 = tpu.memref_slice %arg2[%dma_start3A_251, %dma_start3A_252] : memref<10000x64xf32, #tpu.memory_space<hbm>> -> memref<10000x64xf32, #tpu.memory_space<hbm>>
        tpu.enqueue_indirect_dma source(%dma_start3A_253 : memref<10000x64xf32, #tpu.memory_space<hbm>>) target(%dma_start3A_247 : memref<128x64xf32, #tpu.memory_space<vmem>>) offsets(%dma_start3A_250 : memref<128xi32, #tpu.memory_space<vmem>>) semaphore(%arg11 : memref<!tpu.dma_semaphore, #tpu.memory_space<semaphore_mem>>)
        %dma_wait3A_254 = arith.constant 0 : i32
        %dma_wait3A_255 = arith.constant 0 : i32
        %dma_wait3A_256 = arith.constant 0 : i32
        %dma_wait3A_257 = tpu.memref_slice %arg8[%dma_wait3A_255, %dma_wait3A_256] : memref<512x64xf32, #tpu.memory_space<vmem>> -> memref<128x64xf32, #tpu.memory_space<vmem>>
        %dma_wait3A_258 = arith.constant 0 : i32
        %dma_wait3A_259 = tpu.memref_slice %arg6[%dma_wait3A_254, %dma_wait3A_258] : memref<4x128xi32, #tpu.memory_space<vmem>> -> memref<1x128xi32, #tpu.memory_space<vmem>>
        %dma_wait3A_260 = tpu.memref_squeeze %dma_wait3A_259 : memref<1x128xi32, #tpu.memory_space<vmem>> -> memref<128xi32, #tpu.memory_space<vmem>>
        %dma_wait3A_261 = arith.constant 0 : i32
        %dma_wait3A_262 = arith.constant 0 : i32
        %dma_wait3A_263 = tpu.memref_slice %arg2[%dma_wait3A_261, %dma_wait3A_262] : memref<10000x64xf32, #tpu.memory_space<hbm>> -> memref<10000x64xf32, #tpu.memory_space<hbm>>
        tpu.wait_indirect_dma semaphore(%arg11 : memref<!tpu.dma_semaphore, #tpu.memory_space<semaphore_mem>>) src(%dma_wait3A_263 : memref<10000x64xf32, #tpu.memory_space<hbm>>) dst(%dma_wait3A_257 : memref<128x64xf32, #tpu.memory_space<vmem>>)
        %dma_wait3A_264 = arith.constant 0 : i32
        %dma_wait3A_265 = arith.constant 0 : i32
        %dma_wait3A_266 = arith.constant 0 : i32
        %dma_wait3A_267 = tpu.memref_slice %arg9[%dma_wait3A_265, %dma_wait3A_266] : memref<512x64xf32, #tpu.memory_space<vmem>> -> memref<128x64xf32, #tpu.memory_space<vmem>>
        %dma_wait3A_268 = arith.constant 0 : i32
        %dma_wait3A_269 = tpu.memref_slice %arg7[%dma_wait3A_264, %dma_wait3A_268] : memref<4x128xi32, #tpu.memory_space<vmem>> -> memref<1x128xi32, #tpu.memory_space<vmem>>
        %dma_wait3A_270 = tpu.memref_squeeze %dma_wait3A_269 : memref<1x128xi32, #tpu.memory_space<vmem>> -> memref<128xi32, #tpu.memory_space<vmem>>
        %dma_wait3A_271 = arith.constant 0 : i32
        %dma_wait3A_272 = arith.constant 0 : i32
        %dma_wait3A_273 = tpu.memref_slice %arg2[%dma_wait3A_271, %dma_wait3A_272] : memref<10000x64xf32, #tpu.memory_space<hbm>> -> memref<10000x64xf32, #tpu.memory_space<hbm>>
        tpu.wait_indirect_dma semaphore(%arg11 : memref<!tpu.dma_semaphore, #tpu.memory_space<semaphore_mem>>) src(%dma_wait3A_273 : memref<10000x64xf32, #tpu.memory_space<hbm>>) dst(%dma_wait3A_267 : memref<128x64xf32, #tpu.memory_space<vmem>>)
        %dma_wait3A_274 = arith.constant 1 : i32
        %dma_wait3A_275 = arith.constant 128 : i32
        %dma_wait3A_276 = arith.constant 0 : i32
        %dma_wait3A_277 = tpu.memref_slice %arg8[%dma_wait3A_275, %dma_wait3A_276] : memref<512x64xf32, #tpu.memory_space<vmem>> -> memref<128x64xf32, #tpu.memory_space<vmem>>
        %dma_wait3A_278 = arith.constant 0 : i32
        %dma_wait3A_279 = tpu.memref_slice %arg6[%dma_wait3A_274, %dma_wait3A_278] : memref<4x128xi32, #tpu.memory_space<vmem>> -> memref<1x128xi32, #tpu.memory_space<vmem>>
        %dma_wait3A_280 = tpu.memref_squeeze %dma_wait3A_279 : memref<1x128xi32, #tpu.memory_space<vmem>> -> memref<128xi32, #tpu.memory_space<vmem>>
        %dma_wait3A_281 = arith.constant 0 : i32
        %dma_wait3A_282 = arith.constant 0 : i32
        %dma_wait3A_283 = tpu.memref_slice %arg2[%dma_wait3A_281, %dma_wait3A_282] : memref<10000x64xf32, #tpu.memory_space<hbm>> -> memref<10000x64xf32, #tpu.memory_space<hbm>>
        tpu.wait_indirect_dma semaphore(%arg11 : memref<!tpu.dma_semaphore, #tpu.memory_space<semaphore_mem>>) src(%dma_wait3A_283 : memref<10000x64xf32, #tpu.memory_space<hbm>>) dst(%dma_wait3A_277 : memref<128x64xf32, #tpu.memory_space<vmem>>)
        %dma_wait3A_284 = arith.constant 1 : i32
        %dma_wait3A_285 = arith.constant 128 : i32
        %dma_wait3A_286 = arith.constant 0 : i32
        %dma_wait3A_287 = tpu.memref_slice %arg9[%dma_wait3A_285, %dma_wait3A_286] : memref<512x64xf32, #tpu.memory_space<vmem>> -> memref<128x64xf32, #tpu.memory_space<vmem>>
        %dma_wait3A_288 = arith.constant 0 : i32
        %dma_wait3A_289 = tpu.memref_slice %arg7[%dma_wait3A_284, %dma_wait3A_288] : memref<4x128xi32, #tpu.memory_space<vmem>> -> memref<1x128xi32, #tpu.memory_space<vmem>>
        %dma_wait3A_290 = tpu.memref_squeeze %dma_wait3A_289 : memref<1x128xi32, #tpu.memory_space<vmem>> -> memref<128xi32, #tpu.memory_space<vmem>>
        %dma_wait3A_291 = arith.constant 0 : i32
        %dma_wait3A_292 = arith.constant 0 : i32
        %dma_wait3A_293 = tpu.memref_slice %arg2[%dma_wait3A_291, %dma_wait3A_292] : memref<10000x64xf32, #tpu.memory_space<hbm>> -> memref<10000x64xf32, #tpu.memory_space<hbm>>
        tpu.wait_indirect_dma semaphore(%arg11 : memref<!tpu.dma_semaphore, #tpu.memory_space<semaphore_mem>>) src(%dma_wait3A_293 : memref<10000x64xf32, #tpu.memory_space<hbm>>) dst(%dma_wait3A_287 : memref<128x64xf32, #tpu.memory_space<vmem>>)
        %dma_wait3A_294 = arith.constant 2 : i32
        %dma_wait3A_295 = arith.constant 256 : i32
        %dma_wait3A_296 = arith.constant 0 : i32
        %dma_wait3A_297 = tpu.memref_slice %arg8[%dma_wait3A_295, %dma_wait3A_296] : memref<512x64xf32, #tpu.memory_space<vmem>> -> memref<128x64xf32, #tpu.memory_space<vmem>>
        %dma_wait3A_298 = arith.constant 0 : i32
        %dma_wait3A_299 = tpu.memref_slice %arg6[%dma_wait3A_294, %dma_wait3A_298] : memref<4x128xi32, #tpu.memory_space<vmem>> -> memref<1x128xi32, #tpu.memory_space<vmem>>
        %dma_wait3A_300 = tpu.memref_squeeze %dma_wait3A_299 : memref<1x128xi32, #tpu.memory_space<vmem>> -> memref<128xi32, #tpu.memory_space<vmem>>
        %dma_wait3A_301 = arith.constant 0 : i32
        %dma_wait3A_302 = arith.constant 0 : i32
        %dma_wait3A_303 = tpu.memref_slice %arg2[%dma_wait3A_301, %dma_wait3A_302] : memref<10000x64xf32, #tpu.memory_space<hbm>> -> memref<10000x64xf32, #tpu.memory_space<hbm>>
        tpu.wait_indirect_dma semaphore(%arg11 : memref<!tpu.dma_semaphore, #tpu.memory_space<semaphore_mem>>) src(%dma_wait3A_303 : memref<10000x64xf32, #tpu.memory_space<hbm>>) dst(%dma_wait3A_297 : memref<128x64xf32, #tpu.memory_space<vmem>>)
        %dma_wait3A_304 = arith.constant 2 : i32
        %dma_wait3A_305 = arith.constant 256 : i32
        %dma_wait3A_306 = arith.constant 0 : i32
        %dma_wait3A_307 = tpu.memref_slice %arg9[%dma_wait3A_305, %dma_wait3A_306] : memref<512x64xf32, #tpu.memory_space<vmem>> -> memref<128x64xf32, #tpu.memory_space<vmem>>
        %dma_wait3A_308 = arith.constant 0 : i32
        %dma_wait3A_309 = tpu.memref_slice %arg7[%dma_wait3A_304, %dma_wait3A_308] : memref<4x128xi32, #tpu.memory_space<vmem>> -> memref<1x128xi32, #tpu.memory_space<vmem>>
        %dma_wait3A_310 = tpu.memref_squeeze %dma_wait3A_309 : memref<1x128xi32, #tpu.memory_space<vmem>> -> memref<128xi32, #tpu.memory_space<vmem>>
        %dma_wait3A_311 = arith.constant 0 : i32
        %dma_wait3A_312 = arith.constant 0 : i32
        %dma_wait3A_313 = tpu.memref_slice %arg2[%dma_wait3A_311, %dma_wait3A_312] : memref<10000x64xf32, #tpu.memory_space<hbm>> -> memref<10000x64xf32, #tpu.memory_space<hbm>>
        tpu.wait_indirect_dma semaphore(%arg11 : memref<!tpu.dma_semaphore, #tpu.memory_space<semaphore_mem>>) src(%dma_wait3A_313 : memref<10000x64xf32, #tpu.memory_space<hbm>>) dst(%dma_wait3A_307 : memref<128x64xf32, #tpu.memory_space<vmem>>)
        %dma_wait3A_314 = arith.constant 3 : i32
        %dma_wait3A_315 = arith.constant 384 : i32
        %dma_wait3A_316 = arith.constant 0 : i32
        %dma_wait3A_317 = tpu.memref_slice %arg8[%dma_wait3A_315, %dma_wait3A_316] : memref<512x64xf32, #tpu.memory_space<vmem>> -> memref<128x64xf32, #tpu.memory_space<vmem>>
        %dma_wait3A_318 = arith.constant 0 : i32
        %dma_wait3A_319 = tpu.memref_slice %arg6[%dma_wait3A_314, %dma_wait3A_318] : memref<4x128xi32, #tpu.memory_space<vmem>> -> memref<1x128xi32, #tpu.memory_space<vmem>>
        %dma_wait3A_320 = tpu.memref_squeeze %dma_wait3A_319 : memref<1x128xi32, #tpu.memory_space<vmem>> -> memref<128xi32, #tpu.memory_space<vmem>>
        %dma_wait3A_321 = arith.constant 0 : i32
        %dma_wait3A_322 = arith.constant 0 : i32
        %dma_wait3A_323 = tpu.memref_slice %arg2[%dma_wait3A_321, %dma_wait3A_322] : memref<10000x64xf32, #tpu.memory_space<hbm>> -> memref<10000x64xf32, #tpu.memory_space<hbm>>
        tpu.wait_indirect_dma semaphore(%arg11 : memref<!tpu.dma_semaphore, #tpu.memory_space<semaphore_mem>>) src(%dma_wait3A_323 : memref<10000x64xf32, #tpu.memory_space<hbm>>) dst(%dma_wait3A_317 : memref<128x64xf32, #tpu.memory_space<vmem>>)
        %dma_wait3A_324 = arith.constant 3 : i32
        %dma_wait3A_325 = arith.constant 384 : i32
        %dma_wait3A_326 = arith.constant 0 : i32
        %dma_wait3A_327 = tpu.memref_slice %arg9[%dma_wait3A_325, %dma_wait3A_326] : memref<512x64xf32, #tpu.memory_space<vmem>> -> memref<128x64xf32, #tpu.memory_space<vmem>>
        %dma_wait3A_328 = arith.constant 0 : i32
        %dma_wait3A_329 = tpu.memref_slice %arg7[%dma_wait3A_324, %dma_wait3A_328] : memref<4x128xi32, #tpu.memory_space<vmem>> -> memref<1x128xi32, #tpu.memory_space<vmem>>
        %dma_wait3A_330 = tpu.memref_squeeze %dma_wait3A_329 : memref<1x128xi32, #tpu.memory_space<vmem>> -> memref<128xi32, #tpu.memory_space<vmem>>
        %dma_wait3A_331 = arith.constant 0 : i32
        %dma_wait3A_332 = arith.constant 0 : i32
        %dma_wait3A_333 = tpu.memref_slice %arg2[%dma_wait3A_331, %dma_wait3A_332] : memref<10000x64xf32, #tpu.memory_space<hbm>> -> memref<10000x64xf32, #tpu.memory_space<hbm>>
        tpu.wait_indirect_dma semaphore(%arg11 : memref<!tpu.dma_semaphore, #tpu.memory_space<semaphore_mem>>) src(%dma_wait3A_333 : memref<10000x64xf32, #tpu.memory_space<hbm>>) dst(%dma_wait3A_327 : memref<128x64xf32, #tpu.memory_space<vmem>>)
        %dma_start3A_334 = arith.constant 0 : i32
        %dma_start3A_335 = tpu.memref_slice %arg5[%mul3A_13, %dma_start3A_334] : memref<64000x128xf32, #tpu.memory_space<hbm>> -> memref<512x64xf32, #tpu.memory_space<hbm>>
        %dma_start3A_336 = arith.constant 0 : i32
        %dma_start3A_337 = tpu.memref_slice %arg5[%mul3A_13, %dma_start3A_336] : memref<64000x128xf32, #tpu.memory_space<hbm>> -> memref<512x64xf32, #tpu.memory_space<hbm>>
        tpu.enqueue_dma source(%arg8 : memref<512x64xf32, #tpu.memory_space<vmem>>) target(%dma_start3A_337 : memref<512x64xf32, #tpu.memory_space<hbm>>) target_semaphore(%arg12 : memref<!tpu.dma_semaphore, #tpu.memory_space<semaphore_mem>>)
        %dma_start3A_338 = arith.constant 64 : i32
        %dma_start3A_339 = tpu.memref_slice %arg5[%mul3A_13, %dma_start3A_338] : memref<64000x128xf32, #tpu.memory_space<hbm>> -> memref<512x64xf32, #tpu.memory_space<hbm>>
        %dma_start3A_340 = arith.constant 64 : i32
        %dma_start3A_341 = tpu.memref_slice %arg5[%mul3A_13, %dma_start3A_340] : memref<64000x128xf32, #tpu.memory_space<hbm>> -> memref<512x64xf32, #tpu.memory_space<hbm>>
        tpu.enqueue_dma source(%arg9 : memref<512x64xf32, #tpu.memory_space<vmem>>) target(%dma_start3A_341 : memref<512x64xf32, #tpu.memory_space<hbm>>) target_semaphore(%arg12 : memref<!tpu.dma_semaphore, #tpu.memory_space<semaphore_mem>>)
        %dma_wait3A_342 = arith.constant 0 : i32
        %dma_wait3A_343 = tpu.memref_slice %arg5[%mul3A_13, %dma_wait3A_342] : memref<64000x128xf32, #tpu.memory_space<hbm>> -> memref<512x64xf32, #tpu.memory_space<hbm>>
        %dma_wait3A_344 = arith.constant 0 : i32
        %dma_wait3A_345 = tpu.memref_slice %arg5[%mul3A_13, %dma_wait3A_344] : memref<64000x128xf32, #tpu.memory_space<hbm>> -> memref<512x64xf32, #tpu.memory_space<hbm>>
        tpu.wait_dma2 semaphore(%arg12 : memref<!tpu.dma_semaphore, #tpu.memory_space<semaphore_mem>>) src(%arg8 : memref<512x64xf32, #tpu.memory_space<vmem>>) dst(%dma_wait3A_345 : memref<512x64xf32, #tpu.memory_space<hbm>>)
        %dma_wait3A_346 = arith.constant 64 : i32
        %dma_wait3A_347 = tpu.memref_slice %arg5[%mul3A_13, %dma_wait3A_346] : memref<64000x128xf32, #tpu.memory_space<hbm>> -> memref<512x64xf32, #tpu.memory_space<hbm>>
        %dma_wait3A_348 = arith.constant 64 : i32
        %dma_wait3A_349 = tpu.memref_slice %arg5[%mul3A_13, %dma_wait3A_348] : memref<64000x128xf32, #tpu.memory_space<hbm>> -> memref<512x64xf32, #tpu.memory_space<hbm>>
        tpu.wait_dma2 semaphore(%arg12 : memref<!tpu.dma_semaphore, #tpu.memory_space<semaphore_mem>>) src(%arg9 : memref<512x64xf32, #tpu.memory_space<vmem>>) dst(%dma_wait3A_349 : memref<512x64xf32, #tpu.memory_space<hbm>>)
      } else {
      }
    }
    %scan3A_5 = arith.constant 4 : i32
    return
  }
}

#map = affine_map<(d0, d1) -> (0, 0)>
#map1 = affine_map<(d0, d1) -> (0)>
module attributes {stable_mosaic.version = 14 : i64} {
  func.func @_gather_body(%arg0: i32, %arg1: i32, %arg2: memref<10000x64xf32, #tpu.memory_space<hbm>>, %arg3: memref<320000xi32, #tpu.memory_space<hbm>>, %arg4: memref<320000xi32, #tpu.memory_space<hbm>>, %arg5: memref<64000x128xf32, #tpu.memory_space<hbm>>, %arg6: memref<4x128xi32, #tpu.memory_space<vmem>>, %arg7: memref<4x128xi32, #tpu.memory_space<vmem>>, %arg8: memref<512x64xf32, #tpu.memory_space<vmem>>, %arg9: memref<512x64xf32, #tpu.memory_space<vmem>>, %arg10: memref<!tpu.dma_semaphore, #tpu.memory_space<semaphore_mem>>, %arg11: memref<!tpu.dma_semaphore, #tpu.memory_space<semaphore_mem>>, %arg12: memref<!tpu.dma_semaphore, #tpu.memory_space<semaphore_mem>>) attributes {dimension_semantics = [#tpu.dimension_semantics<core_parallel>, #tpu.dimension_semantics<subcore_parallel>], iteration_bounds = array<i64: 2, 16>, scalar_prefetch = 0 : i64, scratch_operands = 7 : i64, tpu.core_type = #tpu.core_type<sc_vector_subcore>, window_params = [{transform_indices = #map}, {transform_indices = #map1}, {transform_indices = #map1}, {transform_indices = #map}]} {
    %mul3A = arith.constant 2 : i32
    %mul3A_0 = arith.muli %arg1, %mul3A : i32
    %add3A = arith.addi %mul3A_0, %arg0 : i32
    %scan3A = arith.constant 0 : i32
    %scan3A_1 = arith.constant 0 : i32
    %scan3A_2 = arith.constant 4 : i32
    %scan3A_3 = arith.addi %scan3A_1, %scan3A_2 : i32
    %scan3A_4 = arith.constant 1 : i32
    scf.for %scan3A_6 = %scan3A_1 to %scan3A_3 step %scan3A_4  : i32 {
      %mul3A_7 = arith.constant 32 : i32
      %mul3A_8 = arith.muli %scan3A_6, %mul3A_7 : i32
      %add3A_9 = arith.addi %mul3A_8, %add3A : i32
      %lt3A = arith.constant 125 : i32
      %lt3A_10 = arith.cmpi slt, %add3A_9, %lt3A : i32
      %convert_element_type3A = arith.extui %lt3A_10 : i1 to i32
      %cond3A = arith.constant 0 : i32
      %cond3A_11 = arith.cmpi ne, %convert_element_type3A, %cond3A : i32
      scf.if %cond3A_11 {
        %mul3A_12 = arith.constant 512 : i32
        %mul3A_13 = arith.muli %add3A_9, %mul3A_12 : i32
        %add3A_14 = arith.constant 256000 : i32
        %add3A_15 = arith.addi %add3A_14, %mul3A_13 : i32
        %add3A_16 = arith.constant 0 : i32
        %add3A_17 = arith.addi %add3A_15, %add3A_16 : i32
        %add3A_18 = arith.constant 0 : i32
        %add3A_19 = arith.addi %add3A_15, %add3A_18 : i32
        %add3A_20 = arith.constant 128 : i32
        %add3A_21 = arith.addi %add3A_15, %add3A_20 : i32
        %add3A_22 = arith.constant 128 : i32
        %add3A_23 = arith.addi %add3A_15, %add3A_22 : i32
        %add3A_24 = arith.constant 256 : i32
        %add3A_25 = arith.addi %add3A_15, %add3A_24 : i32
        %add3A_26 = arith.constant 256 : i32
        %add3A_27 = arith.addi %add3A_15, %add3A_26 : i32
        %add3A_28 = arith.constant 384 : i32
        %add3A_29 = arith.addi %add3A_15, %add3A_28 : i32
        %add3A_30 = arith.constant 384 : i32
        %add3A_31 = arith.addi %add3A_15, %add3A_30 : i32
        %dma_start3A = arith.constant 0 : i32
        %dma_start3A_32 = arith.constant 0 : i32
        %dma_start3A_33 = tpu.memref_slice %arg6[%dma_start3A, %dma_start3A_32] : memref<4x128xi32, #tpu.memory_space<vmem>> -> memref<1x128xi32, #tpu.memory_space<vmem>>
        %dma_start3A_34 = tpu.memref_squeeze %dma_start3A_33 : memref<1x128xi32, #tpu.memory_space<vmem>> -> memref<128xi32, #tpu.memory_space<vmem>>
        %dma_start3A_35 = tpu.memref_slice %arg3[%add3A_17] : memref<320000xi32, #tpu.memory_space<hbm>> -> memref<128xi32, #tpu.memory_space<hbm>>
        %dma_start3A_36 = arith.constant 0 : i32
        %dma_start3A_37 = tpu.memref_slice %arg6[%dma_start3A, %dma_start3A_36] : memref<4x128xi32, #tpu.memory_space<vmem>> -> memref<1x128xi32, #tpu.memory_space<vmem>>
        %dma_start3A_38 = tpu.memref_squeeze %dma_start3A_37 : memref<1x128xi32, #tpu.memory_space<vmem>> -> memref<128xi32, #tpu.memory_space<vmem>>
        %dma_start3A_39 = tpu.memref_slice %arg3[%add3A_17] : memref<320000xi32, #tpu.memory_space<hbm>> -> memref<128xi32, #tpu.memory_space<hbm>>
        tpu.enqueue_dma source(%dma_start3A_39 : memref<128xi32, #tpu.memory_space<hbm>>) target(%dma_start3A_38 : memref<128xi32, #tpu.memory_space<vmem>>) target_semaphore(%arg10 : memref<!tpu.dma_semaphore, #tpu.memory_space<semaphore_mem>>)
        %dma_start3A_40 = arith.constant 0 : i32
        %dma_start3A_41 = arith.constant 0 : i32
        %dma_start3A_42 = tpu.memref_slice %arg7[%dma_start3A_40, %dma_start3A_41] : memref<4x128xi32, #tpu.memory_space<vmem>> -> memref<1x128xi32, #tpu.memory_space<vmem>>
        %dma_start3A_43 = tpu.memref_squeeze %dma_start3A_42 : memref<1x128xi32, #tpu.memory_space<vmem>> -> memref<128xi32, #tpu.memory_space<vmem>>
        %dma_start3A_44 = tpu.memref_slice %arg4[%add3A_19] : memref<320000xi32, #tpu.memory_space<hbm>> -> memref<128xi32, #tpu.memory_space<hbm>>
        %dma_start3A_45 = arith.constant 0 : i32
        %dma_start3A_46 = tpu.memref_slice %arg7[%dma_start3A_40, %dma_start3A_45] : memref<4x128xi32, #tpu.memory_space<vmem>> -> memref<1x128xi32, #tpu.memory_space<vmem>>
        %dma_start3A_47 = tpu.memref_squeeze %dma_start3A_46 : memref<1x128xi32, #tpu.memory_space<vmem>> -> memref<128xi32, #tpu.memory_space<vmem>>
        %dma_start3A_48 = tpu.memref_slice %arg4[%add3A_19] : memref<320000xi32, #tpu.memory_space<hbm>> -> memref<128xi32, #tpu.memory_space<hbm>>
        tpu.enqueue_dma source(%dma_start3A_48 : memref<128xi32, #tpu.memory_space<hbm>>) target(%dma_start3A_47 : memref<128xi32, #tpu.memory_space<vmem>>) target_semaphore(%arg10 : memref<!tpu.dma_semaphore, #tpu.memory_space<semaphore_mem>>)
        %dma_start3A_49 = arith.constant 1 : i32
        %dma_start3A_50 = arith.constant 0 : i32
        %dma_start3A_51 = tpu.memref_slice %arg6[%dma_start3A_49, %dma_start3A_50] : memref<4x128xi32, #tpu.memory_space<vmem>> -> memref<1x128xi32, #tpu.memory_space<vmem>>
        %dma_start3A_52 = tpu.memref_squeeze %dma_start3A_51 : memref<1x128xi32, #tpu.memory_space<vmem>> -> memref<128xi32, #tpu.memory_space<vmem>>
        %dma_start3A_53 = tpu.memref_slice %arg3[%add3A_21] : memref<320000xi32, #tpu.memory_space<hbm>> -> memref<128xi32, #tpu.memory_space<hbm>>
        %dma_start3A_54 = arith.constant 0 : i32
        %dma_start3A_55 = tpu.memref_slice %arg6[%dma_start3A_49, %dma_start3A_54] : memref<4x128xi32, #tpu.memory_space<vmem>> -> memref<1x128xi32, #tpu.memory_space<vmem>>
        %dma_start3A_56 = tpu.memref_squeeze %dma_start3A_55 : memref<1x128xi32, #tpu.memory_space<vmem>> -> memref<128xi32, #tpu.memory_space<vmem>>
        %dma_start3A_57 = tpu.memref_slice %arg3[%add3A_21] : memref<320000xi32, #tpu.memory_space<hbm>> -> memref<128xi32, #tpu.memory_space<hbm>>
        tpu.enqueue_dma source(%dma_start3A_57 : memref<128xi32, #tpu.memory_space<hbm>>) target(%dma_start3A_56 : memref<128xi32, #tpu.memory_space<vmem>>) target_semaphore(%arg10 : memref<!tpu.dma_semaphore, #tpu.memory_space<semaphore_mem>>)
        %dma_start3A_58 = arith.constant 1 : i32
        %dma_start3A_59 = arith.constant 0 : i32
        %dma_start3A_60 = tpu.memref_slice %arg7[%dma_start3A_58, %dma_start3A_59] : memref<4x128xi32, #tpu.memory_space<vmem>> -> memref<1x128xi32, #tpu.memory_space<vmem>>
        %dma_start3A_61 = tpu.memref_squeeze %dma_start3A_60 : memref<1x128xi32, #tpu.memory_space<vmem>> -> memref<128xi32, #tpu.memory_space<vmem>>
        %dma_start3A_62 = tpu.memref_slice %arg4[%add3A_23] : memref<320000xi32, #tpu.memory_space<hbm>> -> memref<128xi32, #tpu.memory_space<hbm>>
        %dma_start3A_63 = arith.constant 0 : i32
        %dma_start3A_64 = tpu.memref_slice %arg7[%dma_start3A_58, %dma_start3A_63] : memref<4x128xi32, #tpu.memory_space<vmem>> -> memref<1x128xi32, #tpu.memory_space<vmem>>
        %dma_start3A_65 = tpu.memref_squeeze %dma_start3A_64 : memref<1x128xi32, #tpu.memory_space<vmem>> -> memref<128xi32, #tpu.memory_space<vmem>>
        %dma_start3A_66 = tpu.memref_slice %arg4[%add3A_23] : memref<320000xi32, #tpu.memory_space<hbm>> -> memref<128xi32, #tpu.memory_space<hbm>>
        tpu.enqueue_dma source(%dma_start3A_66 : memref<128xi32, #tpu.memory_space<hbm>>) target(%dma_start3A_65 : memref<128xi32, #tpu.memory_space<vmem>>) target_semaphore(%arg10 : memref<!tpu.dma_semaphore, #tpu.memory_space<semaphore_mem>>)
        %dma_start3A_67 = arith.constant 2 : i32
        %dma_start3A_68 = arith.constant 0 : i32
        %dma_start3A_69 = tpu.memref_slice %arg6[%dma_start3A_67, %dma_start3A_68] : memref<4x128xi32, #tpu.memory_space<vmem>> -> memref<1x128xi32, #tpu.memory_space<vmem>>
        %dma_start3A_70 = tpu.memref_squeeze %dma_start3A_69 : memref<1x128xi32, #tpu.memory_space<vmem>> -> memref<128xi32, #tpu.memory_space<vmem>>
        %dma_start3A_71 = tpu.memref_slice %arg3[%add3A_25] : memref<320000xi32, #tpu.memory_space<hbm>> -> memref<128xi32, #tpu.memory_space<hbm>>
        %dma_start3A_72 = arith.constant 0 : i32
        %dma_start3A_73 = tpu.memref_slice %arg6[%dma_start3A_67, %dma_start3A_72] : memref<4x128xi32, #tpu.memory_space<vmem>> -> memref<1x128xi32, #tpu.memory_space<vmem>>
        %dma_start3A_74 = tpu.memref_squeeze %dma_start3A_73 : memref<1x128xi32, #tpu.memory_space<vmem>> -> memref<128xi32, #tpu.memory_space<vmem>>
        %dma_start3A_75 = tpu.memref_slice %arg3[%add3A_25] : memref<320000xi32, #tpu.memory_space<hbm>> -> memref<128xi32, #tpu.memory_space<hbm>>
        tpu.enqueue_dma source(%dma_start3A_75 : memref<128xi32, #tpu.memory_space<hbm>>) target(%dma_start3A_74 : memref<128xi32, #tpu.memory_space<vmem>>) target_semaphore(%arg10 : memref<!tpu.dma_semaphore, #tpu.memory_space<semaphore_mem>>)
        %dma_start3A_76 = arith.constant 2 : i32
        %dma_start3A_77 = arith.constant 0 : i32
        %dma_start3A_78 = tpu.memref_slice %arg7[%dma_start3A_76, %dma_start3A_77] : memref<4x128xi32, #tpu.memory_space<vmem>> -> memref<1x128xi32, #tpu.memory_space<vmem>>
        %dma_start3A_79 = tpu.memref_squeeze %dma_start3A_78 : memref<1x128xi32, #tpu.memory_space<vmem>> -> memref<128xi32, #tpu.memory_space<vmem>>
        %dma_start3A_80 = tpu.memref_slice %arg4[%add3A_27] : memref<320000xi32, #tpu.memory_space<hbm>> -> memref<128xi32, #tpu.memory_space<hbm>>
        %dma_start3A_81 = arith.constant 0 : i32
        %dma_start3A_82 = tpu.memref_slice %arg7[%dma_start3A_76, %dma_start3A_81] : memref<4x128xi32, #tpu.memory_space<vmem>> -> memref<1x128xi32, #tpu.memory_space<vmem>>
        %dma_start3A_83 = tpu.memref_squeeze %dma_start3A_82 : memref<1x128xi32, #tpu.memory_space<vmem>> -> memref<128xi32, #tpu.memory_space<vmem>>
        %dma_start3A_84 = tpu.memref_slice %arg4[%add3A_27] : memref<320000xi32, #tpu.memory_space<hbm>> -> memref<128xi32, #tpu.memory_space<hbm>>
        tpu.enqueue_dma source(%dma_start3A_84 : memref<128xi32, #tpu.memory_space<hbm>>) target(%dma_start3A_83 : memref<128xi32, #tpu.memory_space<vmem>>) target_semaphore(%arg10 : memref<!tpu.dma_semaphore, #tpu.memory_space<semaphore_mem>>)
        %dma_start3A_85 = arith.constant 3 : i32
        %dma_start3A_86 = arith.constant 0 : i32
        %dma_start3A_87 = tpu.memref_slice %arg6[%dma_start3A_85, %dma_start3A_86] : memref<4x128xi32, #tpu.memory_space<vmem>> -> memref<1x128xi32, #tpu.memory_space<vmem>>
        %dma_start3A_88 = tpu.memref_squeeze %dma_start3A_87 : memref<1x128xi32, #tpu.memory_space<vmem>> -> memref<128xi32, #tpu.memory_space<vmem>>
        %dma_start3A_89 = tpu.memref_slice %arg3[%add3A_29] : memref<320000xi32, #tpu.memory_space<hbm>> -> memref<128xi32, #tpu.memory_space<hbm>>
        %dma_start3A_90 = arith.constant 0 : i32
        %dma_start3A_91 = tpu.memref_slice %arg6[%dma_start3A_85, %dma_start3A_90] : memref<4x128xi32, #tpu.memory_space<vmem>> -> memref<1x128xi32, #tpu.memory_space<vmem>>
        %dma_start3A_92 = tpu.memref_squeeze %dma_start3A_91 : memref<1x128xi32, #tpu.memory_space<vmem>> -> memref<128xi32, #tpu.memory_space<vmem>>
        %dma_start3A_93 = tpu.memref_slice %arg3[%add3A_29] : memref<320000xi32, #tpu.memory_space<hbm>> -> memref<128xi32, #tpu.memory_space<hbm>>
        tpu.enqueue_dma source(%dma_start3A_93 : memref<128xi32, #tpu.memory_space<hbm>>) target(%dma_start3A_92 : memref<128xi32, #tpu.memory_space<vmem>>) target_semaphore(%arg10 : memref<!tpu.dma_semaphore, #tpu.memory_space<semaphore_mem>>)
        %dma_start3A_94 = arith.constant 3 : i32
        %dma_start3A_95 = arith.constant 0 : i32
        %dma_start3A_96 = tpu.memref_slice %arg7[%dma_start3A_94, %dma_start3A_95] : memref<4x128xi32, #tpu.memory_space<vmem>> -> memref<1x128xi32, #tpu.memory_space<vmem>>
        %dma_start3A_97 = tpu.memref_squeeze %dma_start3A_96 : memref<1x128xi32, #tpu.memory_space<vmem>> -> memref<128xi32, #tpu.memory_space<vmem>>
        %dma_start3A_98 = tpu.memref_slice %arg4[%add3A_31] : memref<320000xi32, #tpu.memory_space<hbm>> -> memref<128xi32, #tpu.memory_space<hbm>>
        %dma_start3A_99 = arith.constant 0 : i32
        %dma_start3A_100 = tpu.memref_slice %arg7[%dma_start3A_94, %dma_start3A_99] : memref<4x128xi32, #tpu.memory_space<vmem>> -> memref<1x128xi32, #tpu.memory_space<vmem>>
        %dma_start3A_101 = tpu.memref_squeeze %dma_start3A_100 : memref<1x128xi32, #tpu.memory_space<vmem>> -> memref<128xi32, #tpu.memory_space<vmem>>
        %dma_start3A_102 = tpu.memref_slice %arg4[%add3A_31] : memref<320000xi32, #tpu.memory_space<hbm>> -> memref<128xi32, #tpu.memory_space<hbm>>
        tpu.enqueue_dma source(%dma_start3A_102 : memref<128xi32, #tpu.memory_space<hbm>>) target(%dma_start3A_101 : memref<128xi32, #tpu.memory_space<vmem>>) target_semaphore(%arg10 : memref<!tpu.dma_semaphore, #tpu.memory_space<semaphore_mem>>)
        %dma_wait3A = arith.constant 0 : i32
        %dma_wait3A_103 = arith.constant 0 : i32
        %dma_wait3A_104 = tpu.memref_slice %arg6[%dma_wait3A, %dma_wait3A_103] : memref<4x128xi32, #tpu.memory_space<vmem>> -> memref<1x128xi32, #tpu.memory_space<vmem>>
        %dma_wait3A_105 = tpu.memref_squeeze %dma_wait3A_104 : memref<1x128xi32, #tpu.memory_space<vmem>> -> memref<128xi32, #tpu.memory_space<vmem>>
        %dma_wait3A_106 = tpu.memref_slice %arg3[%add3A_17] : memref<320000xi32, #tpu.memory_space<hbm>> -> memref<128xi32, #tpu.memory_space<hbm>>
        %dma_wait3A_107 = arith.constant 0 : i32
        %dma_wait3A_108 = tpu.memref_slice %arg6[%dma_wait3A, %dma_wait3A_107] : memref<4x128xi32, #tpu.memory_space<vmem>> -> memref<1x128xi32, #tpu.memory_space<vmem>>
        %dma_wait3A_109 = tpu.memref_squeeze %dma_wait3A_108 : memref<1x128xi32, #tpu.memory_space<vmem>> -> memref<128xi32, #tpu.memory_space<vmem>>
        %dma_wait3A_110 = tpu.memref_slice %arg3[%add3A_17] : memref<320000xi32, #tpu.memory_space<hbm>> -> memref<128xi32, #tpu.memory_space<hbm>>
        tpu.wait_dma2 semaphore(%arg10 : memref<!tpu.dma_semaphore, #tpu.memory_space<semaphore_mem>>) src(%dma_wait3A_110 : memref<128xi32, #tpu.memory_space<hbm>>) dst(%dma_wait3A_109 : memref<128xi32, #tpu.memory_space<vmem>>)
        %dma_wait3A_111 = arith.constant 0 : i32
        %dma_wait3A_112 = arith.constant 0 : i32
        %dma_wait3A_113 = tpu.memref_slice %arg7[%dma_wait3A_111, %dma_wait3A_112] : memref<4x128xi32, #tpu.memory_space<vmem>> -> memref<1x128xi32, #tpu.memory_space<vmem>>
        %dma_wait3A_114 = tpu.memref_squeeze %dma_wait3A_113 : memref<1x128xi32, #tpu.memory_space<vmem>> -> memref<128xi32, #tpu.memory_space<vmem>>
        %dma_wait3A_115 = tpu.memref_slice %arg4[%add3A_19] : memref<320000xi32, #tpu.memory_space<hbm>> -> memref<128xi32, #tpu.memory_space<hbm>>
        %dma_wait3A_116 = arith.constant 0 : i32
        %dma_wait3A_117 = tpu.memref_slice %arg7[%dma_wait3A_111, %dma_wait3A_116] : memref<4x128xi32, #tpu.memory_space<vmem>> -> memref<1x128xi32, #tpu.memory_space<vmem>>
        %dma_wait3A_118 = tpu.memref_squeeze %dma_wait3A_117 : memref<1x128xi32, #tpu.memory_space<vmem>> -> memref<128xi32, #tpu.memory_space<vmem>>
        %dma_wait3A_119 = tpu.memref_slice %arg4[%add3A_19] : memref<320000xi32, #tpu.memory_space<hbm>> -> memref<128xi32, #tpu.memory_space<hbm>>
        tpu.wait_dma2 semaphore(%arg10 : memref<!tpu.dma_semaphore, #tpu.memory_space<semaphore_mem>>) src(%dma_wait3A_119 : memref<128xi32, #tpu.memory_space<hbm>>) dst(%dma_wait3A_118 : memref<128xi32, #tpu.memory_space<vmem>>)
        %dma_wait3A_120 = arith.constant 1 : i32
        %dma_wait3A_121 = arith.constant 0 : i32
        %dma_wait3A_122 = tpu.memref_slice %arg6[%dma_wait3A_120, %dma_wait3A_121] : memref<4x128xi32, #tpu.memory_space<vmem>> -> memref<1x128xi32, #tpu.memory_space<vmem>>
        %dma_wait3A_123 = tpu.memref_squeeze %dma_wait3A_122 : memref<1x128xi32, #tpu.memory_space<vmem>> -> memref<128xi32, #tpu.memory_space<vmem>>
        %dma_wait3A_124 = tpu.memref_slice %arg3[%add3A_21] : memref<320000xi32, #tpu.memory_space<hbm>> -> memref<128xi32, #tpu.memory_space<hbm>>
        %dma_wait3A_125 = arith.constant 0 : i32
        %dma_wait3A_126 = tpu.memref_slice %arg6[%dma_wait3A_120, %dma_wait3A_125] : memref<4x128xi32, #tpu.memory_space<vmem>> -> memref<1x128xi32, #tpu.memory_space<vmem>>
        %dma_wait3A_127 = tpu.memref_squeeze %dma_wait3A_126 : memref<1x128xi32, #tpu.memory_space<vmem>> -> memref<128xi32, #tpu.memory_space<vmem>>
        %dma_wait3A_128 = tpu.memref_slice %arg3[%add3A_21] : memref<320000xi32, #tpu.memory_space<hbm>> -> memref<128xi32, #tpu.memory_space<hbm>>
        tpu.wait_dma2 semaphore(%arg10 : memref<!tpu.dma_semaphore, #tpu.memory_space<semaphore_mem>>) src(%dma_wait3A_128 : memref<128xi32, #tpu.memory_space<hbm>>) dst(%dma_wait3A_127 : memref<128xi32, #tpu.memory_space<vmem>>)
        %dma_wait3A_129 = arith.constant 1 : i32
        %dma_wait3A_130 = arith.constant 0 : i32
        %dma_wait3A_131 = tpu.memref_slice %arg7[%dma_wait3A_129, %dma_wait3A_130] : memref<4x128xi32, #tpu.memory_space<vmem>> -> memref<1x128xi32, #tpu.memory_space<vmem>>
        %dma_wait3A_132 = tpu.memref_squeeze %dma_wait3A_131 : memref<1x128xi32, #tpu.memory_space<vmem>> -> memref<128xi32, #tpu.memory_space<vmem>>
        %dma_wait3A_133 = tpu.memref_slice %arg4[%add3A_23] : memref<320000xi32, #tpu.memory_space<hbm>> -> memref<128xi32, #tpu.memory_space<hbm>>
        %dma_wait3A_134 = arith.constant 0 : i32
        %dma_wait3A_135 = tpu.memref_slice %arg7[%dma_wait3A_129, %dma_wait3A_134] : memref<4x128xi32, #tpu.memory_space<vmem>> -> memref<1x128xi32, #tpu.memory_space<vmem>>
        %dma_wait3A_136 = tpu.memref_squeeze %dma_wait3A_135 : memref<1x128xi32, #tpu.memory_space<vmem>> -> memref<128xi32, #tpu.memory_space<vmem>>
        %dma_wait3A_137 = tpu.memref_slice %arg4[%add3A_23] : memref<320000xi32, #tpu.memory_space<hbm>> -> memref<128xi32, #tpu.memory_space<hbm>>
        tpu.wait_dma2 semaphore(%arg10 : memref<!tpu.dma_semaphore, #tpu.memory_space<semaphore_mem>>) src(%dma_wait3A_137 : memref<128xi32, #tpu.memory_space<hbm>>) dst(%dma_wait3A_136 : memref<128xi32, #tpu.memory_space<vmem>>)
        %dma_wait3A_138 = arith.constant 2 : i32
        %dma_wait3A_139 = arith.constant 0 : i32
        %dma_wait3A_140 = tpu.memref_slice %arg6[%dma_wait3A_138, %dma_wait3A_139] : memref<4x128xi32, #tpu.memory_space<vmem>> -> memref<1x128xi32, #tpu.memory_space<vmem>>
        %dma_wait3A_141 = tpu.memref_squeeze %dma_wait3A_140 : memref<1x128xi32, #tpu.memory_space<vmem>> -> memref<128xi32, #tpu.memory_space<vmem>>
        %dma_wait3A_142 = tpu.memref_slice %arg3[%add3A_25] : memref<320000xi32, #tpu.memory_space<hbm>> -> memref<128xi32, #tpu.memory_space<hbm>>
        %dma_wait3A_143 = arith.constant 0 : i32
        %dma_wait3A_144 = tpu.memref_slice %arg6[%dma_wait3A_138, %dma_wait3A_143] : memref<4x128xi32, #tpu.memory_space<vmem>> -> memref<1x128xi32, #tpu.memory_space<vmem>>
        %dma_wait3A_145 = tpu.memref_squeeze %dma_wait3A_144 : memref<1x128xi32, #tpu.memory_space<vmem>> -> memref<128xi32, #tpu.memory_space<vmem>>
        %dma_wait3A_146 = tpu.memref_slice %arg3[%add3A_25] : memref<320000xi32, #tpu.memory_space<hbm>> -> memref<128xi32, #tpu.memory_space<hbm>>
        tpu.wait_dma2 semaphore(%arg10 : memref<!tpu.dma_semaphore, #tpu.memory_space<semaphore_mem>>) src(%dma_wait3A_146 : memref<128xi32, #tpu.memory_space<hbm>>) dst(%dma_wait3A_145 : memref<128xi32, #tpu.memory_space<vmem>>)
        %dma_wait3A_147 = arith.constant 2 : i32
        %dma_wait3A_148 = arith.constant 0 : i32
        %dma_wait3A_149 = tpu.memref_slice %arg7[%dma_wait3A_147, %dma_wait3A_148] : memref<4x128xi32, #tpu.memory_space<vmem>> -> memref<1x128xi32, #tpu.memory_space<vmem>>
        %dma_wait3A_150 = tpu.memref_squeeze %dma_wait3A_149 : memref<1x128xi32, #tpu.memory_space<vmem>> -> memref<128xi32, #tpu.memory_space<vmem>>
        %dma_wait3A_151 = tpu.memref_slice %arg4[%add3A_27] : memref<320000xi32, #tpu.memory_space<hbm>> -> memref<128xi32, #tpu.memory_space<hbm>>
        %dma_wait3A_152 = arith.constant 0 : i32
        %dma_wait3A_153 = tpu.memref_slice %arg7[%dma_wait3A_147, %dma_wait3A_152] : memref<4x128xi32, #tpu.memory_space<vmem>> -> memref<1x128xi32, #tpu.memory_space<vmem>>
        %dma_wait3A_154 = tpu.memref_squeeze %dma_wait3A_153 : memref<1x128xi32, #tpu.memory_space<vmem>> -> memref<128xi32, #tpu.memory_space<vmem>>
        %dma_wait3A_155 = tpu.memref_slice %arg4[%add3A_27] : memref<320000xi32, #tpu.memory_space<hbm>> -> memref<128xi32, #tpu.memory_space<hbm>>
        tpu.wait_dma2 semaphore(%arg10 : memref<!tpu.dma_semaphore, #tpu.memory_space<semaphore_mem>>) src(%dma_wait3A_155 : memref<128xi32, #tpu.memory_space<hbm>>) dst(%dma_wait3A_154 : memref<128xi32, #tpu.memory_space<vmem>>)
        %dma_wait3A_156 = arith.constant 3 : i32
        %dma_wait3A_157 = arith.constant 0 : i32
        %dma_wait3A_158 = tpu.memref_slice %arg6[%dma_wait3A_156, %dma_wait3A_157] : memref<4x128xi32, #tpu.memory_space<vmem>> -> memref<1x128xi32, #tpu.memory_space<vmem>>
        %dma_wait3A_159 = tpu.memref_squeeze %dma_wait3A_158 : memref<1x128xi32, #tpu.memory_space<vmem>> -> memref<128xi32, #tpu.memory_space<vmem>>
        %dma_wait3A_160 = tpu.memref_slice %arg3[%add3A_29] : memref<320000xi32, #tpu.memory_space<hbm>> -> memref<128xi32, #tpu.memory_space<hbm>>
        %dma_wait3A_161 = arith.constant 0 : i32
        %dma_wait3A_162 = tpu.memref_slice %arg6[%dma_wait3A_156, %dma_wait3A_161] : memref<4x128xi32, #tpu.memory_space<vmem>> -> memref<1x128xi32, #tpu.memory_space<vmem>>
        %dma_wait3A_163 = tpu.memref_squeeze %dma_wait3A_162 : memref<1x128xi32, #tpu.memory_space<vmem>> -> memref<128xi32, #tpu.memory_space<vmem>>
        %dma_wait3A_164 = tpu.memref_slice %arg3[%add3A_29] : memref<320000xi32, #tpu.memory_space<hbm>> -> memref<128xi32, #tpu.memory_space<hbm>>
        tpu.wait_dma2 semaphore(%arg10 : memref<!tpu.dma_semaphore, #tpu.memory_space<semaphore_mem>>) src(%dma_wait3A_164 : memref<128xi32, #tpu.memory_space<hbm>>) dst(%dma_wait3A_163 : memref<128xi32, #tpu.memory_space<vmem>>)
        %dma_wait3A_165 = arith.constant 3 : i32
        %dma_wait3A_166 = arith.constant 0 : i32
        %dma_wait3A_167 = tpu.memref_slice %arg7[%dma_wait3A_165, %dma_wait3A_166] : memref<4x128xi32, #tpu.memory_space<vmem>> -> memref<1x128xi32, #tpu.memory_space<vmem>>
        %dma_wait3A_168 = tpu.memref_squeeze %dma_wait3A_167 : memref<1x128xi32, #tpu.memory_space<vmem>> -> memref<128xi32, #tpu.memory_space<vmem>>
        %dma_wait3A_169 = tpu.memref_slice %arg4[%add3A_31] : memref<320000xi32, #tpu.memory_space<hbm>> -> memref<128xi32, #tpu.memory_space<hbm>>
        %dma_wait3A_170 = arith.constant 0 : i32
        %dma_wait3A_171 = tpu.memref_slice %arg7[%dma_wait3A_165, %dma_wait3A_170] : memref<4x128xi32, #tpu.memory_space<vmem>> -> memref<1x128xi32, #tpu.memory_space<vmem>>
        %dma_wait3A_172 = tpu.memref_squeeze %dma_wait3A_171 : memref<1x128xi32, #tpu.memory_space<vmem>> -> memref<128xi32, #tpu.memory_space<vmem>>
        %dma_wait3A_173 = tpu.memref_slice %arg4[%add3A_31] : memref<320000xi32, #tpu.memory_space<hbm>> -> memref<128xi32, #tpu.memory_space<hbm>>
        tpu.wait_dma2 semaphore(%arg10 : memref<!tpu.dma_semaphore, #tpu.memory_space<semaphore_mem>>) src(%dma_wait3A_173 : memref<128xi32, #tpu.memory_space<hbm>>) dst(%dma_wait3A_172 : memref<128xi32, #tpu.memory_space<vmem>>)
        %dma_start3A_174 = arith.constant 0 : i32
        %dma_start3A_175 = arith.constant 0 : i32
        %dma_start3A_176 = arith.constant 0 : i32
        %dma_start3A_177 = tpu.memref_slice %arg8[%dma_start3A_175, %dma_start3A_176] : memref<512x64xf32, #tpu.memory_space<vmem>> -> memref<128x64xf32, #tpu.memory_space<vmem>>
        %dma_start3A_178 = arith.constant 0 : i32
        %dma_start3A_179 = tpu.memref_slice %arg6[%dma_start3A_174, %dma_start3A_178] : memref<4x128xi32, #tpu.memory_space<vmem>> -> memref<1x128xi32, #tpu.memory_space<vmem>>
        %dma_start3A_180 = tpu.memref_squeeze %dma_start3A_179 : memref<1x128xi32, #tpu.memory_space<vmem>> -> memref<128xi32, #tpu.memory_space<vmem>>
        %dma_start3A_181 = arith.constant 0 : i32
        %dma_start3A_182 = arith.constant 0 : i32
        %dma_start3A_183 = tpu.memref_slice %arg2[%dma_start3A_181, %dma_start3A_182] : memref<10000x64xf32, #tpu.memory_space<hbm>> -> memref<10000x64xf32, #tpu.memory_space<hbm>>
        tpu.enqueue_indirect_dma source(%dma_start3A_183 : memref<10000x64xf32, #tpu.memory_space<hbm>>) target(%dma_start3A_177 : memref<128x64xf32, #tpu.memory_space<vmem>>) offsets(%dma_start3A_180 : memref<128xi32, #tpu.memory_space<vmem>>) semaphore(%arg11 : memref<!tpu.dma_semaphore, #tpu.memory_space<semaphore_mem>>)
        %dma_start3A_184 = arith.constant 0 : i32
        %dma_start3A_185 = arith.constant 0 : i32
        %dma_start3A_186 = arith.constant 0 : i32
        %dma_start3A_187 = tpu.memref_slice %arg9[%dma_start3A_185, %dma_start3A_186] : memref<512x64xf32, #tpu.memory_space<vmem>> -> memref<128x64xf32, #tpu.memory_space<vmem>>
        %dma_start3A_188 = arith.constant 0 : i32
        %dma_start3A_189 = tpu.memref_slice %arg7[%dma_start3A_184, %dma_start3A_188] : memref<4x128xi32, #tpu.memory_space<vmem>> -> memref<1x128xi32, #tpu.memory_space<vmem>>
        %dma_start3A_190 = tpu.memref_squeeze %dma_start3A_189 : memref<1x128xi32, #tpu.memory_space<vmem>> -> memref<128xi32, #tpu.memory_space<vmem>>
        %dma_start3A_191 = arith.constant 0 : i32
        %dma_start3A_192 = arith.constant 0 : i32
        %dma_start3A_193 = tpu.memref_slice %arg2[%dma_start3A_191, %dma_start3A_192] : memref<10000x64xf32, #tpu.memory_space<hbm>> -> memref<10000x64xf32, #tpu.memory_space<hbm>>
        tpu.enqueue_indirect_dma source(%dma_start3A_193 : memref<10000x64xf32, #tpu.memory_space<hbm>>) target(%dma_start3A_187 : memref<128x64xf32, #tpu.memory_space<vmem>>) offsets(%dma_start3A_190 : memref<128xi32, #tpu.memory_space<vmem>>) semaphore(%arg11 : memref<!tpu.dma_semaphore, #tpu.memory_space<semaphore_mem>>)
        %dma_start3A_194 = arith.constant 1 : i32
        %dma_start3A_195 = arith.constant 128 : i32
        %dma_start3A_196 = arith.constant 0 : i32
        %dma_start3A_197 = tpu.memref_slice %arg8[%dma_start3A_195, %dma_start3A_196] : memref<512x64xf32, #tpu.memory_space<vmem>> -> memref<128x64xf32, #tpu.memory_space<vmem>>
        %dma_start3A_198 = arith.constant 0 : i32
        %dma_start3A_199 = tpu.memref_slice %arg6[%dma_start3A_194, %dma_start3A_198] : memref<4x128xi32, #tpu.memory_space<vmem>> -> memref<1x128xi32, #tpu.memory_space<vmem>>
        %dma_start3A_200 = tpu.memref_squeeze %dma_start3A_199 : memref<1x128xi32, #tpu.memory_space<vmem>> -> memref<128xi32, #tpu.memory_space<vmem>>
        %dma_start3A_201 = arith.constant 0 : i32
        %dma_start3A_202 = arith.constant 0 : i32
        %dma_start3A_203 = tpu.memref_slice %arg2[%dma_start3A_201, %dma_start3A_202] : memref<10000x64xf32, #tpu.memory_space<hbm>> -> memref<10000x64xf32, #tpu.memory_space<hbm>>
        tpu.enqueue_indirect_dma source(%dma_start3A_203 : memref<10000x64xf32, #tpu.memory_space<hbm>>) target(%dma_start3A_197 : memref<128x64xf32, #tpu.memory_space<vmem>>) offsets(%dma_start3A_200 : memref<128xi32, #tpu.memory_space<vmem>>) semaphore(%arg11 : memref<!tpu.dma_semaphore, #tpu.memory_space<semaphore_mem>>)
        %dma_start3A_204 = arith.constant 1 : i32
        %dma_start3A_205 = arith.constant 128 : i32
        %dma_start3A_206 = arith.constant 0 : i32
        %dma_start3A_207 = tpu.memref_slice %arg9[%dma_start3A_205, %dma_start3A_206] : memref<512x64xf32, #tpu.memory_space<vmem>> -> memref<128x64xf32, #tpu.memory_space<vmem>>
        %dma_start3A_208 = arith.constant 0 : i32
        %dma_start3A_209 = tpu.memref_slice %arg7[%dma_start3A_204, %dma_start3A_208] : memref<4x128xi32, #tpu.memory_space<vmem>> -> memref<1x128xi32, #tpu.memory_space<vmem>>
        %dma_start3A_210 = tpu.memref_squeeze %dma_start3A_209 : memref<1x128xi32, #tpu.memory_space<vmem>> -> memref<128xi32, #tpu.memory_space<vmem>>
        %dma_start3A_211 = arith.constant 0 : i32
        %dma_start3A_212 = arith.constant 0 : i32
        %dma_start3A_213 = tpu.memref_slice %arg2[%dma_start3A_211, %dma_start3A_212] : memref<10000x64xf32, #tpu.memory_space<hbm>> -> memref<10000x64xf32, #tpu.memory_space<hbm>>
        tpu.enqueue_indirect_dma source(%dma_start3A_213 : memref<10000x64xf32, #tpu.memory_space<hbm>>) target(%dma_start3A_207 : memref<128x64xf32, #tpu.memory_space<vmem>>) offsets(%dma_start3A_210 : memref<128xi32, #tpu.memory_space<vmem>>) semaphore(%arg11 : memref<!tpu.dma_semaphore, #tpu.memory_space<semaphore_mem>>)
        %dma_start3A_214 = arith.constant 2 : i32
        %dma_start3A_215 = arith.constant 256 : i32
        %dma_start3A_216 = arith.constant 0 : i32
        %dma_start3A_217 = tpu.memref_slice %arg8[%dma_start3A_215, %dma_start3A_216] : memref<512x64xf32, #tpu.memory_space<vmem>> -> memref<128x64xf32, #tpu.memory_space<vmem>>
        %dma_start3A_218 = arith.constant 0 : i32
        %dma_start3A_219 = tpu.memref_slice %arg6[%dma_start3A_214, %dma_start3A_218] : memref<4x128xi32, #tpu.memory_space<vmem>> -> memref<1x128xi32, #tpu.memory_space<vmem>>
        %dma_start3A_220 = tpu.memref_squeeze %dma_start3A_219 : memref<1x128xi32, #tpu.memory_space<vmem>> -> memref<128xi32, #tpu.memory_space<vmem>>
        %dma_start3A_221 = arith.constant 0 : i32
        %dma_start3A_222 = arith.constant 0 : i32
        %dma_start3A_223 = tpu.memref_slice %arg2[%dma_start3A_221, %dma_start3A_222] : memref<10000x64xf32, #tpu.memory_space<hbm>> -> memref<10000x64xf32, #tpu.memory_space<hbm>>
        tpu.enqueue_indirect_dma source(%dma_start3A_223 : memref<10000x64xf32, #tpu.memory_space<hbm>>) target(%dma_start3A_217 : memref<128x64xf32, #tpu.memory_space<vmem>>) offsets(%dma_start3A_220 : memref<128xi32, #tpu.memory_space<vmem>>) semaphore(%arg11 : memref<!tpu.dma_semaphore, #tpu.memory_space<semaphore_mem>>)
        %dma_start3A_224 = arith.constant 2 : i32
        %dma_start3A_225 = arith.constant 256 : i32
        %dma_start3A_226 = arith.constant 0 : i32
        %dma_start3A_227 = tpu.memref_slice %arg9[%dma_start3A_225, %dma_start3A_226] : memref<512x64xf32, #tpu.memory_space<vmem>> -> memref<128x64xf32, #tpu.memory_space<vmem>>
        %dma_start3A_228 = arith.constant 0 : i32
        %dma_start3A_229 = tpu.memref_slice %arg7[%dma_start3A_224, %dma_start3A_228] : memref<4x128xi32, #tpu.memory_space<vmem>> -> memref<1x128xi32, #tpu.memory_space<vmem>>
        %dma_start3A_230 = tpu.memref_squeeze %dma_start3A_229 : memref<1x128xi32, #tpu.memory_space<vmem>> -> memref<128xi32, #tpu.memory_space<vmem>>
        %dma_start3A_231 = arith.constant 0 : i32
        %dma_start3A_232 = arith.constant 0 : i32
        %dma_start3A_233 = tpu.memref_slice %arg2[%dma_start3A_231, %dma_start3A_232] : memref<10000x64xf32, #tpu.memory_space<hbm>> -> memref<10000x64xf32, #tpu.memory_space<hbm>>
        tpu.enqueue_indirect_dma source(%dma_start3A_233 : memref<10000x64xf32, #tpu.memory_space<hbm>>) target(%dma_start3A_227 : memref<128x64xf32, #tpu.memory_space<vmem>>) offsets(%dma_start3A_230 : memref<128xi32, #tpu.memory_space<vmem>>) semaphore(%arg11 : memref<!tpu.dma_semaphore, #tpu.memory_space<semaphore_mem>>)
        %dma_start3A_234 = arith.constant 3 : i32
        %dma_start3A_235 = arith.constant 384 : i32
        %dma_start3A_236 = arith.constant 0 : i32
        %dma_start3A_237 = tpu.memref_slice %arg8[%dma_start3A_235, %dma_start3A_236] : memref<512x64xf32, #tpu.memory_space<vmem>> -> memref<128x64xf32, #tpu.memory_space<vmem>>
        %dma_start3A_238 = arith.constant 0 : i32
        %dma_start3A_239 = tpu.memref_slice %arg6[%dma_start3A_234, %dma_start3A_238] : memref<4x128xi32, #tpu.memory_space<vmem>> -> memref<1x128xi32, #tpu.memory_space<vmem>>
        %dma_start3A_240 = tpu.memref_squeeze %dma_start3A_239 : memref<1x128xi32, #tpu.memory_space<vmem>> -> memref<128xi32, #tpu.memory_space<vmem>>
        %dma_start3A_241 = arith.constant 0 : i32
        %dma_start3A_242 = arith.constant 0 : i32
        %dma_start3A_243 = tpu.memref_slice %arg2[%dma_start3A_241, %dma_start3A_242] : memref<10000x64xf32, #tpu.memory_space<hbm>> -> memref<10000x64xf32, #tpu.memory_space<hbm>>
        tpu.enqueue_indirect_dma source(%dma_start3A_243 : memref<10000x64xf32, #tpu.memory_space<hbm>>) target(%dma_start3A_237 : memref<128x64xf32, #tpu.memory_space<vmem>>) offsets(%dma_start3A_240 : memref<128xi32, #tpu.memory_space<vmem>>) semaphore(%arg11 : memref<!tpu.dma_semaphore, #tpu.memory_space<semaphore_mem>>)
        %dma_start3A_244 = arith.constant 3 : i32
        %dma_start3A_245 = arith.constant 384 : i32
        %dma_start3A_246 = arith.constant 0 : i32
        %dma_start3A_247 = tpu.memref_slice %arg9[%dma_start3A_245, %dma_start3A_246] : memref<512x64xf32, #tpu.memory_space<vmem>> -> memref<128x64xf32, #tpu.memory_space<vmem>>
        %dma_start3A_248 = arith.constant 0 : i32
        %dma_start3A_249 = tpu.memref_slice %arg7[%dma_start3A_244, %dma_start3A_248] : memref<4x128xi32, #tpu.memory_space<vmem>> -> memref<1x128xi32, #tpu.memory_space<vmem>>
        %dma_start3A_250 = tpu.memref_squeeze %dma_start3A_249 : memref<1x128xi32, #tpu.memory_space<vmem>> -> memref<128xi32, #tpu.memory_space<vmem>>
        %dma_start3A_251 = arith.constant 0 : i32
        %dma_start3A_252 = arith.constant 0 : i32
        %dma_start3A_253 = tpu.memref_slice %arg2[%dma_start3A_251, %dma_start3A_252] : memref<10000x64xf32, #tpu.memory_space<hbm>> -> memref<10000x64xf32, #tpu.memory_space<hbm>>
        tpu.enqueue_indirect_dma source(%dma_start3A_253 : memref<10000x64xf32, #tpu.memory_space<hbm>>) target(%dma_start3A_247 : memref<128x64xf32, #tpu.memory_space<vmem>>) offsets(%dma_start3A_250 : memref<128xi32, #tpu.memory_space<vmem>>) semaphore(%arg11 : memref<!tpu.dma_semaphore, #tpu.memory_space<semaphore_mem>>)
        %dma_wait3A_254 = arith.constant 0 : i32
        %dma_wait3A_255 = arith.constant 0 : i32
        %dma_wait3A_256 = arith.constant 0 : i32
        %dma_wait3A_257 = tpu.memref_slice %arg8[%dma_wait3A_255, %dma_wait3A_256] : memref<512x64xf32, #tpu.memory_space<vmem>> -> memref<128x64xf32, #tpu.memory_space<vmem>>
        %dma_wait3A_258 = arith.constant 0 : i32
        %dma_wait3A_259 = tpu.memref_slice %arg6[%dma_wait3A_254, %dma_wait3A_258] : memref<4x128xi32, #tpu.memory_space<vmem>> -> memref<1x128xi32, #tpu.memory_space<vmem>>
        %dma_wait3A_260 = tpu.memref_squeeze %dma_wait3A_259 : memref<1x128xi32, #tpu.memory_space<vmem>> -> memref<128xi32, #tpu.memory_space<vmem>>
        %dma_wait3A_261 = arith.constant 0 : i32
        %dma_wait3A_262 = arith.constant 0 : i32
        %dma_wait3A_263 = tpu.memref_slice %arg2[%dma_wait3A_261, %dma_wait3A_262] : memref<10000x64xf32, #tpu.memory_space<hbm>> -> memref<10000x64xf32, #tpu.memory_space<hbm>>
        tpu.wait_indirect_dma semaphore(%arg11 : memref<!tpu.dma_semaphore, #tpu.memory_space<semaphore_mem>>) src(%dma_wait3A_263 : memref<10000x64xf32, #tpu.memory_space<hbm>>) dst(%dma_wait3A_257 : memref<128x64xf32, #tpu.memory_space<vmem>>)
        %dma_wait3A_264 = arith.constant 0 : i32
        %dma_wait3A_265 = arith.constant 0 : i32
        %dma_wait3A_266 = arith.constant 0 : i32
        %dma_wait3A_267 = tpu.memref_slice %arg9[%dma_wait3A_265, %dma_wait3A_266] : memref<512x64xf32, #tpu.memory_space<vmem>> -> memref<128x64xf32, #tpu.memory_space<vmem>>
        %dma_wait3A_268 = arith.constant 0 : i32
        %dma_wait3A_269 = tpu.memref_slice %arg7[%dma_wait3A_264, %dma_wait3A_268] : memref<4x128xi32, #tpu.memory_space<vmem>> -> memref<1x128xi32, #tpu.memory_space<vmem>>
        %dma_wait3A_270 = tpu.memref_squeeze %dma_wait3A_269 : memref<1x128xi32, #tpu.memory_space<vmem>> -> memref<128xi32, #tpu.memory_space<vmem>>
        %dma_wait3A_271 = arith.constant 0 : i32
        %dma_wait3A_272 = arith.constant 0 : i32
        %dma_wait3A_273 = tpu.memref_slice %arg2[%dma_wait3A_271, %dma_wait3A_272] : memref<10000x64xf32, #tpu.memory_space<hbm>> -> memref<10000x64xf32, #tpu.memory_space<hbm>>
        tpu.wait_indirect_dma semaphore(%arg11 : memref<!tpu.dma_semaphore, #tpu.memory_space<semaphore_mem>>) src(%dma_wait3A_273 : memref<10000x64xf32, #tpu.memory_space<hbm>>) dst(%dma_wait3A_267 : memref<128x64xf32, #tpu.memory_space<vmem>>)
        %dma_wait3A_274 = arith.constant 1 : i32
        %dma_wait3A_275 = arith.constant 128 : i32
        %dma_wait3A_276 = arith.constant 0 : i32
        %dma_wait3A_277 = tpu.memref_slice %arg8[%dma_wait3A_275, %dma_wait3A_276] : memref<512x64xf32, #tpu.memory_space<vmem>> -> memref<128x64xf32, #tpu.memory_space<vmem>>
        %dma_wait3A_278 = arith.constant 0 : i32
        %dma_wait3A_279 = tpu.memref_slice %arg6[%dma_wait3A_274, %dma_wait3A_278] : memref<4x128xi32, #tpu.memory_space<vmem>> -> memref<1x128xi32, #tpu.memory_space<vmem>>
        %dma_wait3A_280 = tpu.memref_squeeze %dma_wait3A_279 : memref<1x128xi32, #tpu.memory_space<vmem>> -> memref<128xi32, #tpu.memory_space<vmem>>
        %dma_wait3A_281 = arith.constant 0 : i32
        %dma_wait3A_282 = arith.constant 0 : i32
        %dma_wait3A_283 = tpu.memref_slice %arg2[%dma_wait3A_281, %dma_wait3A_282] : memref<10000x64xf32, #tpu.memory_space<hbm>> -> memref<10000x64xf32, #tpu.memory_space<hbm>>
        tpu.wait_indirect_dma semaphore(%arg11 : memref<!tpu.dma_semaphore, #tpu.memory_space<semaphore_mem>>) src(%dma_wait3A_283 : memref<10000x64xf32, #tpu.memory_space<hbm>>) dst(%dma_wait3A_277 : memref<128x64xf32, #tpu.memory_space<vmem>>)
        %dma_wait3A_284 = arith.constant 1 : i32
        %dma_wait3A_285 = arith.constant 128 : i32
        %dma_wait3A_286 = arith.constant 0 : i32
        %dma_wait3A_287 = tpu.memref_slice %arg9[%dma_wait3A_285, %dma_wait3A_286] : memref<512x64xf32, #tpu.memory_space<vmem>> -> memref<128x64xf32, #tpu.memory_space<vmem>>
        %dma_wait3A_288 = arith.constant 0 : i32
        %dma_wait3A_289 = tpu.memref_slice %arg7[%dma_wait3A_284, %dma_wait3A_288] : memref<4x128xi32, #tpu.memory_space<vmem>> -> memref<1x128xi32, #tpu.memory_space<vmem>>
        %dma_wait3A_290 = tpu.memref_squeeze %dma_wait3A_289 : memref<1x128xi32, #tpu.memory_space<vmem>> -> memref<128xi32, #tpu.memory_space<vmem>>
        %dma_wait3A_291 = arith.constant 0 : i32
        %dma_wait3A_292 = arith.constant 0 : i32
        %dma_wait3A_293 = tpu.memref_slice %arg2[%dma_wait3A_291, %dma_wait3A_292] : memref<10000x64xf32, #tpu.memory_space<hbm>> -> memref<10000x64xf32, #tpu.memory_space<hbm>>
        tpu.wait_indirect_dma semaphore(%arg11 : memref<!tpu.dma_semaphore, #tpu.memory_space<semaphore_mem>>) src(%dma_wait3A_293 : memref<10000x64xf32, #tpu.memory_space<hbm>>) dst(%dma_wait3A_287 : memref<128x64xf32, #tpu.memory_space<vmem>>)
        %dma_wait3A_294 = arith.constant 2 : i32
        %dma_wait3A_295 = arith.constant 256 : i32
        %dma_wait3A_296 = arith.constant 0 : i32
        %dma_wait3A_297 = tpu.memref_slice %arg8[%dma_wait3A_295, %dma_wait3A_296] : memref<512x64xf32, #tpu.memory_space<vmem>> -> memref<128x64xf32, #tpu.memory_space<vmem>>
        %dma_wait3A_298 = arith.constant 0 : i32
        %dma_wait3A_299 = tpu.memref_slice %arg6[%dma_wait3A_294, %dma_wait3A_298] : memref<4x128xi32, #tpu.memory_space<vmem>> -> memref<1x128xi32, #tpu.memory_space<vmem>>
        %dma_wait3A_300 = tpu.memref_squeeze %dma_wait3A_299 : memref<1x128xi32, #tpu.memory_space<vmem>> -> memref<128xi32, #tpu.memory_space<vmem>>
        %dma_wait3A_301 = arith.constant 0 : i32
        %dma_wait3A_302 = arith.constant 0 : i32
        %dma_wait3A_303 = tpu.memref_slice %arg2[%dma_wait3A_301, %dma_wait3A_302] : memref<10000x64xf32, #tpu.memory_space<hbm>> -> memref<10000x64xf32, #tpu.memory_space<hbm>>
        tpu.wait_indirect_dma semaphore(%arg11 : memref<!tpu.dma_semaphore, #tpu.memory_space<semaphore_mem>>) src(%dma_wait3A_303 : memref<10000x64xf32, #tpu.memory_space<hbm>>) dst(%dma_wait3A_297 : memref<128x64xf32, #tpu.memory_space<vmem>>)
        %dma_wait3A_304 = arith.constant 2 : i32
        %dma_wait3A_305 = arith.constant 256 : i32
        %dma_wait3A_306 = arith.constant 0 : i32
        %dma_wait3A_307 = tpu.memref_slice %arg9[%dma_wait3A_305, %dma_wait3A_306] : memref<512x64xf32, #tpu.memory_space<vmem>> -> memref<128x64xf32, #tpu.memory_space<vmem>>
        %dma_wait3A_308 = arith.constant 0 : i32
        %dma_wait3A_309 = tpu.memref_slice %arg7[%dma_wait3A_304, %dma_wait3A_308] : memref<4x128xi32, #tpu.memory_space<vmem>> -> memref<1x128xi32, #tpu.memory_space<vmem>>
        %dma_wait3A_310 = tpu.memref_squeeze %dma_wait3A_309 : memref<1x128xi32, #tpu.memory_space<vmem>> -> memref<128xi32, #tpu.memory_space<vmem>>
        %dma_wait3A_311 = arith.constant 0 : i32
        %dma_wait3A_312 = arith.constant 0 : i32
        %dma_wait3A_313 = tpu.memref_slice %arg2[%dma_wait3A_311, %dma_wait3A_312] : memref<10000x64xf32, #tpu.memory_space<hbm>> -> memref<10000x64xf32, #tpu.memory_space<hbm>>
        tpu.wait_indirect_dma semaphore(%arg11 : memref<!tpu.dma_semaphore, #tpu.memory_space<semaphore_mem>>) src(%dma_wait3A_313 : memref<10000x64xf32, #tpu.memory_space<hbm>>) dst(%dma_wait3A_307 : memref<128x64xf32, #tpu.memory_space<vmem>>)
        %dma_wait3A_314 = arith.constant 3 : i32
        %dma_wait3A_315 = arith.constant 384 : i32
        %dma_wait3A_316 = arith.constant 0 : i32
        %dma_wait3A_317 = tpu.memref_slice %arg8[%dma_wait3A_315, %dma_wait3A_316] : memref<512x64xf32, #tpu.memory_space<vmem>> -> memref<128x64xf32, #tpu.memory_space<vmem>>
        %dma_wait3A_318 = arith.constant 0 : i32
        %dma_wait3A_319 = tpu.memref_slice %arg6[%dma_wait3A_314, %dma_wait3A_318] : memref<4x128xi32, #tpu.memory_space<vmem>> -> memref<1x128xi32, #tpu.memory_space<vmem>>
        %dma_wait3A_320 = tpu.memref_squeeze %dma_wait3A_319 : memref<1x128xi32, #tpu.memory_space<vmem>> -> memref<128xi32, #tpu.memory_space<vmem>>
        %dma_wait3A_321 = arith.constant 0 : i32
        %dma_wait3A_322 = arith.constant 0 : i32
        %dma_wait3A_323 = tpu.memref_slice %arg2[%dma_wait3A_321, %dma_wait3A_322] : memref<10000x64xf32, #tpu.memory_space<hbm>> -> memref<10000x64xf32, #tpu.memory_space<hbm>>
        tpu.wait_indirect_dma semaphore(%arg11 : memref<!tpu.dma_semaphore, #tpu.memory_space<semaphore_mem>>) src(%dma_wait3A_323 : memref<10000x64xf32, #tpu.memory_space<hbm>>) dst(%dma_wait3A_317 : memref<128x64xf32, #tpu.memory_space<vmem>>)
        %dma_wait3A_324 = arith.constant 3 : i32
        %dma_wait3A_325 = arith.constant 384 : i32
        %dma_wait3A_326 = arith.constant 0 : i32
        %dma_wait3A_327 = tpu.memref_slice %arg9[%dma_wait3A_325, %dma_wait3A_326] : memref<512x64xf32, #tpu.memory_space<vmem>> -> memref<128x64xf32, #tpu.memory_space<vmem>>
        %dma_wait3A_328 = arith.constant 0 : i32
        %dma_wait3A_329 = tpu.memref_slice %arg7[%dma_wait3A_324, %dma_wait3A_328] : memref<4x128xi32, #tpu.memory_space<vmem>> -> memref<1x128xi32, #tpu.memory_space<vmem>>
        %dma_wait3A_330 = tpu.memref_squeeze %dma_wait3A_329 : memref<1x128xi32, #tpu.memory_space<vmem>> -> memref<128xi32, #tpu.memory_space<vmem>>
        %dma_wait3A_331 = arith.constant 0 : i32
        %dma_wait3A_332 = arith.constant 0 : i32
        %dma_wait3A_333 = tpu.memref_slice %arg2[%dma_wait3A_331, %dma_wait3A_332] : memref<10000x64xf32, #tpu.memory_space<hbm>> -> memref<10000x64xf32, #tpu.memory_space<hbm>>
        tpu.wait_indirect_dma semaphore(%arg11 : memref<!tpu.dma_semaphore, #tpu.memory_space<semaphore_mem>>) src(%dma_wait3A_333 : memref<10000x64xf32, #tpu.memory_space<hbm>>) dst(%dma_wait3A_327 : memref<128x64xf32, #tpu.memory_space<vmem>>)
        %dma_start3A_334 = arith.constant 0 : i32
        %dma_start3A_335 = tpu.memref_slice %arg5[%mul3A_13, %dma_start3A_334] : memref<64000x128xf32, #tpu.memory_space<hbm>> -> memref<512x64xf32, #tpu.memory_space<hbm>>
        %dma_start3A_336 = arith.constant 0 : i32
        %dma_start3A_337 = tpu.memref_slice %arg5[%mul3A_13, %dma_start3A_336] : memref<64000x128xf32, #tpu.memory_space<hbm>> -> memref<512x64xf32, #tpu.memory_space<hbm>>
        tpu.enqueue_dma source(%arg8 : memref<512x64xf32, #tpu.memory_space<vmem>>) target(%dma_start3A_337 : memref<512x64xf32, #tpu.memory_space<hbm>>) target_semaphore(%arg12 : memref<!tpu.dma_semaphore, #tpu.memory_space<semaphore_mem>>)
        %dma_start3A_338 = arith.constant 64 : i32
        %dma_start3A_339 = tpu.memref_slice %arg5[%mul3A_13, %dma_start3A_338] : memref<64000x128xf32, #tpu.memory_space<hbm>> -> memref<512x64xf32, #tpu.memory_space<hbm>>
        %dma_start3A_340 = arith.constant 64 : i32
        %dma_start3A_341 = tpu.memref_slice %arg5[%mul3A_13, %dma_start3A_340] : memref<64000x128xf32, #tpu.memory_space<hbm>> -> memref<512x64xf32, #tpu.memory_space<hbm>>
        tpu.enqueue_dma source(%arg9 : memref<512x64xf32, #tpu.memory_space<vmem>>) target(%dma_start3A_341 : memref<512x64xf32, #tpu.memory_space<hbm>>) target_semaphore(%arg12 : memref<!tpu.dma_semaphore, #tpu.memory_space<semaphore_mem>>)
        %dma_wait3A_342 = arith.constant 0 : i32
        %dma_wait3A_343 = tpu.memref_slice %arg5[%mul3A_13, %dma_wait3A_342] : memref<64000x128xf32, #tpu.memory_space<hbm>> -> memref<512x64xf32, #tpu.memory_space<hbm>>
        %dma_wait3A_344 = arith.constant 0 : i32
        %dma_wait3A_345 = tpu.memref_slice %arg5[%mul3A_13, %dma_wait3A_344] : memref<64000x128xf32, #tpu.memory_space<hbm>> -> memref<512x64xf32, #tpu.memory_space<hbm>>
        tpu.wait_dma2 semaphore(%arg12 : memref<!tpu.dma_semaphore, #tpu.memory_space<semaphore_mem>>) src(%arg8 : memref<512x64xf32, #tpu.memory_space<vmem>>) dst(%dma_wait3A_345 : memref<512x64xf32, #tpu.memory_space<hbm>>)
        %dma_wait3A_346 = arith.constant 64 : i32
        %dma_wait3A_347 = tpu.memref_slice %arg5[%mul3A_13, %dma_wait3A_346] : memref<64000x128xf32, #tpu.memory_space<hbm>> -> memref<512x64xf32, #tpu.memory_space<hbm>>
        %dma_wait3A_348 = arith.constant 64 : i32
        %dma_wait3A_349 = tpu.memref_slice %arg5[%mul3A_13, %dma_wait3A_348] : memref<64000x128xf32, #tpu.memory_space<hbm>> -> memref<512x64xf32, #tpu.memory_space<hbm>>
        tpu.wait_dma2 semaphore(%arg12 : memref<!tpu.dma_semaphore, #tpu.memory_space<semaphore_mem>>) src(%arg9 : memref<512x64xf32, #tpu.memory_space<vmem>>) dst(%dma_wait3A_349 : memref<512x64xf32, #tpu.memory_space<hbm>>)
      } else {
      }
    }
    %scan3A_5 = arith.constant 4 : i32
    return
  }
}

module attributes {stable_mosaic.version = 14 : i64} {
  func.func @_matmul_body(%arg0: memref<10000x128xf32, #tpu.memory_space<vmem>>, %arg1: memref<128x64xf32, #tpu.memory_space<vmem>>, %arg2: memref<10000x64xf32, #tpu.memory_space<vmem>>) attributes {dimension_semantics = [], scalar_prefetch = 0 : i64, scratch_operands = 0 : i64, tpu.core_type = #tpu.core_type<tc>} {
    %get3A = arith.constant 0 : index
    %get3A_0 = arith.constant 0 : index
    %get3A_1 = vector.load %arg0[%get3A, %get3A_0] : memref<10000x128xf32, #tpu.memory_space<vmem>>, vector<10000x128xf32>
    %get3A_2 = arith.constant 0 : index
    %get3A_3 = arith.constant 0 : index
    %get3A_4 = vector.load %arg1[%get3A_2, %get3A_3] : memref<128x64xf32, #tpu.memory_space<vmem>>, vector<128x64xf32>
    %dot_general3A = arith.constant dense<0.000000e+00> : vector<10000x64xf32>
    %dot_general3A_5 = tpu.matmul %get3A_1, %get3A_4, %dot_general3A {dimension_numbers = #tpu.dot_dimension_numbers<[1], [0], [0], [1], [0, 0, 1, 1], [], []>, transpose_lhs_hint = false} : vector<10000x128xf32>, vector<128x64xf32>, vector<10000x64xf32> -> vector<10000x64xf32>
    %mul3A = arith.constant 0.0883883461 : f32
    %mul3A_6 = vector.broadcast %mul3A : f32 to vector<10000x64xf32>
    %mul3A_7 = arith.mulf %dot_general3A_5, %mul3A_6 : vector<10000x64xf32>
    %swap3A = arith.constant 0 : index
    %swap3A_8 = arith.constant 0 : index
    %swap3A_9 = vector.load %arg2[%swap3A, %swap3A_8] : memref<10000x64xf32, #tpu.memory_space<vmem>>, vector<10000x64xf32>
    tpu.vector_store %arg2[%swap3A, %swap3A_8], %mul3A_7 {strides = array<i32>} : memref<10000x64xf32, #tpu.memory_space<vmem>>, vector<10000x64xf32>,
    return
  }
}

module attributes {stable_mosaic.version = 14 : i64} {
  func.func @_concat_body(%arg0: i32, %arg1: memref<16x6400xf32, #tpu.memory_space<vmem>>, %arg2: memref<6400x128xf32, #tpu.memory_space<vmem>>, %arg3: memref<144x6400xf32, #tpu.memory_space<vmem>>) attributes {dimension_semantics = [#tpu.dimension_semantics<arbitrary>], iteration_bounds = array<i64: 10>, scalar_prefetch = 0 : i64, scratch_operands = 0 : i64, tpu.core_type = #tpu.core_type<tc>, window_params = [{transform_indices = @transform_0, window_bounds = array<i64: 16, 6400>}, {transform_indices = @transform_1, window_bounds = array<i64: 6400, 128>}, {transform_indices = @transform_2, window_bounds = array<i64: 144, 6400>}]} {
    %get3A = arith.constant 0 : index
    %get3A_0 = arith.constant 0 : index
    %get3A_1 = vector.load %arg1[%get3A, %get3A_0] : memref<16x6400xf32, #tpu.memory_space<vmem>>, vector<16x6400xf32>
    %swap3A = arith.constant 0 : index
    %swap3A_2 = arith.constant 0 : index
    %swap3A_3 = vector.load %arg3[%swap3A, %swap3A_2] : memref<144x6400xf32, #tpu.memory_space<vmem>>, vector<16x6400xf32>
    tpu.vector_store %arg3[%swap3A, %swap3A_2], %get3A_1 {strides = array<i32>} : memref<144x6400xf32, #tpu.memory_space<vmem>>, vector<16x6400xf32>,
    %get3A_4 = arith.constant 0 : index
    %get3A_5 = arith.constant 0 : index
    %get3A_6 = vector.load %arg2[%get3A_4, %get3A_5] : memref<6400x128xf32, #tpu.memory_space<vmem>>, vector<6400x128xf32>
    %transpose3A = tpu.transpose %get3A_6, [1, 0] : vector<6400x128xf32> -> vector<128x6400xf32>
    %swap3A_7 = arith.constant 16 : index
    %swap3A_8 = arith.constant 0 : index
    %swap3A_9 = vector.load %arg3[%swap3A_7, %swap3A_8] : memref<144x6400xf32, #tpu.memory_space<vmem>>, vector<128x6400xf32>
    tpu.vector_store %arg3[%swap3A_7, %swap3A_8], %transpose3A {strides = array<i32>} : memref<144x6400xf32, #tpu.memory_space<vmem>>, vector<128x6400xf32>,
    return
  }
  func.func @transform_0(%arg0: i32) -> (i32, i32) {
    %add3A = arith.constant 0 : i32
    %add3A_0 = arith.addi %add3A, %arg0 : i32
    %c0_i32 = arith.constant 0 : i32
    %c0_i32_1 = arith.constant 0 : i32
    return %c0_i32, %add3A_0 : i32, i32
  }
  func.func @transform_1(%arg0: i32) -> (i32, i32) {
    %c0_i32 = arith.constant 0 : i32
    %c0_i32_0 = arith.constant 0 : i32
    return %arg0, %c0_i32 : i32, i32
  }
  func.func @transform_2(%arg0: i32) -> (i32, i32) {
    %add3A = arith.constant 0 : i32
    %add3A_0 = arith.addi %add3A, %arg0 : i32
    %c0_i32 = arith.constant 0 : i32
    %c0_i32_1 = arith.constant 0 : i32
    return %c0_i32, %add3A_0 : i32, i32
  }
}

module attributes {stable_mosaic.version = 14 : i64} {
  func.func @_concat_body_alias(%arg0: i32, %arg1: memref<144x320000xf32, #tpu.memory_space<any>>, %arg2: memref<16x6400xf32, #tpu.memory_space<vmem>>, %arg3: memref<6400x128xf32, #tpu.memory_space<vmem>>, %arg4: memref<144x6400xf32, #tpu.memory_space<vmem>>) attributes {dimension_semantics = [#tpu.dimension_semantics<arbitrary>], iteration_bounds = array<i64: 10>, scalar_prefetch = 0 : i64, scratch_operands = 0 : i64, tpu.core_type = #tpu.core_type<tc>, window_params = [{}, {transform_indices = @transform_1, window_bounds = array<i64: 16, 6400>}, {transform_indices = @transform_2, window_bounds = array<i64: 6400, 128>}, {transform_indices = @transform_3, window_bounds = array<i64: 144, 6400>}]} {
    %get3A = arith.constant 0 : index
    %get3A_0 = arith.constant 0 : index
    %get3A_1 = vector.load %arg2[%get3A, %get3A_0] : memref<16x6400xf32, #tpu.memory_space<vmem>>, vector<16x6400xf32>
    %swap3A = arith.constant 0 : index
    %swap3A_2 = arith.constant 0 : index
    %swap3A_3 = vector.load %arg4[%swap3A, %swap3A_2] : memref<144x6400xf32, #tpu.memory_space<vmem>>, vector<16x6400xf32>
    tpu.vector_store %arg4[%swap3A, %swap3A_2], %get3A_1 {strides = array<i32>} : memref<144x6400xf32, #tpu.memory_space<vmem>>, vector<16x6400xf32>,
    %get3A_4 = arith.constant 0 : index
    %get3A_5 = arith.constant 0 : index
    %get3A_6 = vector.load %arg3[%get3A_4, %get3A_5] : memref<6400x128xf32, #tpu.memory_space<vmem>>, vector<6400x128xf32>
    %transpose3A = tpu.transpose %get3A_6, [1, 0] : vector<6400x128xf32> -> vector<128x6400xf32>
    %swap3A_7 = arith.constant 16 : index
    %swap3A_8 = arith.constant 0 : index
    %swap3A_9 = vector.load %arg4[%swap3A_7, %swap3A_8] : memref<144x6400xf32, #tpu.memory_space<vmem>>, vector<128x6400xf32>
    tpu.vector_store %arg4[%swap3A_7, %swap3A_8], %transpose3A {strides = array<i32>} : memref<144x6400xf32, #tpu.memory_space<vmem>>, vector<128x6400xf32>,
    return
  }
  func.func @transform_1(%arg0: i32) -> (i32, i32) {
    %add3A = arith.constant 10 : i32
    %add3A_0 = arith.addi %add3A, %arg0 : i32
    %c0_i32 = arith.constant 0 : i32
    %c0_i32_1 = arith.constant 0 : i32
    return %c0_i32, %add3A_0 : i32, i32
  }
  func.func @transform_2(%arg0: i32) -> (i32, i32) {
    %c0_i32 = arith.constant 0 : i32
    %c0_i32_0 = arith.constant 0 : i32
    return %arg0, %c0_i32 : i32, i32
  }
  func.func @transform_3(%arg0: i32) -> (i32, i32) {
    %add3A = arith.constant 10 : i32
    %add3A_0 = arith.addi %add3A, %arg0 : i32
    %c0_i32 = arith.constant 0 : i32
    %c0_i32_1 = arith.constant 0 : i32
    return %c0_i32, %add3A_0 : i32, i32
  }
}

module attributes {stable_mosaic.version = 14 : i64} {
  func.func @_concat_body_alias(%arg0: i32, %arg1: memref<144x320000xf32, #tpu.memory_space<any>>, %arg2: memref<16x6400xf32, #tpu.memory_space<vmem>>, %arg3: memref<6400x128xf32, #tpu.memory_space<vmem>>, %arg4: memref<144x6400xf32, #tpu.memory_space<vmem>>) attributes {dimension_semantics = [#tpu.dimension_semantics<arbitrary>], iteration_bounds = array<i64: 10>, scalar_prefetch = 0 : i64, scratch_operands = 0 : i64, tpu.core_type = #tpu.core_type<tc>, window_params = [{}, {transform_indices = @transform_1, window_bounds = array<i64: 16, 6400>}, {transform_indices = @transform_2, window_bounds = array<i64: 6400, 128>}, {transform_indices = @transform_3, window_bounds = array<i64: 144, 6400>}]} {
    %get3A = arith.constant 0 : index
    %get3A_0 = arith.constant 0 : index
    %get3A_1 = vector.load %arg2[%get3A, %get3A_0] : memref<16x6400xf32, #tpu.memory_space<vmem>>, vector<16x6400xf32>
    %swap3A = arith.constant 0 : index
    %swap3A_2 = arith.constant 0 : index
    %swap3A_3 = vector.load %arg4[%swap3A, %swap3A_2] : memref<144x6400xf32, #tpu.memory_space<vmem>>, vector<16x6400xf32>
    tpu.vector_store %arg4[%swap3A, %swap3A_2], %get3A_1 {strides = array<i32>} : memref<144x6400xf32, #tpu.memory_space<vmem>>, vector<16x6400xf32>,
    %get3A_4 = arith.constant 0 : index
    %get3A_5 = arith.constant 0 : index
    %get3A_6 = vector.load %arg3[%get3A_4, %get3A_5] : memref<6400x128xf32, #tpu.memory_space<vmem>>, vector<6400x128xf32>
    %transpose3A = tpu.transpose %get3A_6, [1, 0] : vector<6400x128xf32> -> vector<128x6400xf32>
    %swap3A_7 = arith.constant 16 : index
    %swap3A_8 = arith.constant 0 : index
    %swap3A_9 = vector.load %arg4[%swap3A_7, %swap3A_8] : memref<144x6400xf32, #tpu.memory_space<vmem>>, vector<128x6400xf32>
    tpu.vector_store %arg4[%swap3A_7, %swap3A_8], %transpose3A {strides = array<i32>} : memref<144x6400xf32, #tpu.memory_space<vmem>>, vector<128x6400xf32>,
    return
  }
  func.func @transform_1(%arg0: i32) -> (i32, i32) {
    %add3A = arith.constant 20 : i32
    %add3A_0 = arith.addi %add3A, %arg0 : i32
    %c0_i32 = arith.constant 0 : i32
    %c0_i32_1 = arith.constant 0 : i32
    return %c0_i32, %add3A_0 : i32, i32
  }
  func.func @transform_2(%arg0: i32) -> (i32, i32) {
    %c0_i32 = arith.constant 0 : i32
    %c0_i32_0 = arith.constant 0 : i32
    return %arg0, %c0_i32 : i32, i32
  }
  func.func @transform_3(%arg0: i32) -> (i32, i32) {
    %add3A = arith.constant 20 : i32
    %add3A_0 = arith.addi %add3A, %arg0 : i32
    %c0_i32 = arith.constant 0 : i32
    %c0_i32_1 = arith.constant 0 : i32
    return %c0_i32, %add3A_0 : i32, i32
  }
}

module attributes {stable_mosaic.version = 14 : i64} {
  func.func @_concat_body_alias(%arg0: i32, %arg1: memref<144x320000xf32, #tpu.memory_space<any>>, %arg2: memref<16x6400xf32, #tpu.memory_space<vmem>>, %arg3: memref<6400x128xf32, #tpu.memory_space<vmem>>, %arg4: memref<144x6400xf32, #tpu.memory_space<vmem>>) attributes {dimension_semantics = [#tpu.dimension_semantics<arbitrary>], iteration_bounds = array<i64: 10>, scalar_prefetch = 0 : i64, scratch_operands = 0 : i64, tpu.core_type = #tpu.core_type<tc>, window_params = [{}, {transform_indices = @transform_1, window_bounds = array<i64: 16, 6400>}, {transform_indices = @transform_2, window_bounds = array<i64: 6400, 128>}, {transform_indices = @transform_3, window_bounds = array<i64: 144, 6400>}]} {
    %get3A = arith.constant 0 : index
    %get3A_0 = arith.constant 0 : index
    %get3A_1 = vector.load %arg2[%get3A, %get3A_0] : memref<16x6400xf32, #tpu.memory_space<vmem>>, vector<16x6400xf32>
    %swap3A = arith.constant 0 : index
    %swap3A_2 = arith.constant 0 : index
    %swap3A_3 = vector.load %arg4[%swap3A, %swap3A_2] : memref<144x6400xf32, #tpu.memory_space<vmem>>, vector<16x6400xf32>
    tpu.vector_store %arg4[%swap3A, %swap3A_2], %get3A_1 {strides = array<i32>} : memref<144x6400xf32, #tpu.memory_space<vmem>>, vector<16x6400xf32>,
    %get3A_4 = arith.constant 0 : index
    %get3A_5 = arith.constant 0 : index
    %get3A_6 = vector.load %arg3[%get3A_4, %get3A_5] : memref<6400x128xf32, #tpu.memory_space<vmem>>, vector<6400x128xf32>
    %transpose3A = tpu.transpose %get3A_6, [1, 0] : vector<6400x128xf32> -> vector<128x6400xf32>
    %swap3A_7 = arith.constant 16 : index
    %swap3A_8 = arith.constant 0 : index
    %swap3A_9 = vector.load %arg4[%swap3A_7, %swap3A_8] : memref<144x6400xf32, #tpu.memory_space<vmem>>, vector<128x6400xf32>
    tpu.vector_store %arg4[%swap3A_7, %swap3A_8], %transpose3A {strides = array<i32>} : memref<144x6400xf32, #tpu.memory_space<vmem>>, vector<128x6400xf32>,
    return
  }
  func.func @transform_1(%arg0: i32) -> (i32, i32) {
    %add3A = arith.constant 30 : i32
    %add3A_0 = arith.addi %add3A, %arg0 : i32
    %c0_i32 = arith.constant 0 : i32
    %c0_i32_1 = arith.constant 0 : i32
    return %c0_i32, %add3A_0 : i32, i32
  }
  func.func @transform_2(%arg0: i32) -> (i32, i32) {
    %c0_i32 = arith.constant 0 : i32
    %c0_i32_0 = arith.constant 0 : i32
    return %arg0, %c0_i32 : i32, i32
  }
  func.func @transform_3(%arg0: i32) -> (i32, i32) {
    %add3A = arith.constant 30 : i32
    %add3A_0 = arith.addi %add3A, %arg0 : i32
    %c0_i32 = arith.constant 0 : i32
    %c0_i32_1 = arith.constant 0 : i32
    return %c0_i32, %add3A_0 : i32, i32
  }
}

module attributes {stable_mosaic.version = 14 : i64} {
  func.func @_concat_body_alias(%arg0: i32, %arg1: memref<144x320000xf32, #tpu.memory_space<any>>, %arg2: memref<16x6400xf32, #tpu.memory_space<vmem>>, %arg3: memref<6400x128xf32, #tpu.memory_space<vmem>>, %arg4: memref<144x6400xf32, #tpu.memory_space<vmem>>) attributes {dimension_semantics = [#tpu.dimension_semantics<arbitrary>], iteration_bounds = array<i64: 10>, scalar_prefetch = 0 : i64, scratch_operands = 0 : i64, tpu.core_type = #tpu.core_type<tc>, window_params = [{}, {transform_indices = @transform_1, window_bounds = array<i64: 16, 6400>}, {transform_indices = @transform_2, window_bounds = array<i64: 6400, 128>}, {transform_indices = @transform_3, window_bounds = array<i64: 144, 6400>}]} {
    %get3A = arith.constant 0 : index
    %get3A_0 = arith.constant 0 : index
    %get3A_1 = vector.load %arg2[%get3A, %get3A_0] : memref<16x6400xf32, #tpu.memory_space<vmem>>, vector<16x6400xf32>
    %swap3A = arith.constant 0 : index
    %swap3A_2 = arith.constant 0 : index
    %swap3A_3 = vector.load %arg4[%swap3A, %swap3A_2] : memref<144x6400xf32, #tpu.memory_space<vmem>>, vector<16x6400xf32>
    tpu.vector_store %arg4[%swap3A, %swap3A_2], %get3A_1 {strides = array<i32>} : memref<144x6400xf32, #tpu.memory_space<vmem>>, vector<16x6400xf32>,
    %get3A_4 = arith.constant 0 : index
    %get3A_5 = arith.constant 0 : index
    %get3A_6 = vector.load %arg3[%get3A_4, %get3A_5] : memref<6400x128xf32, #tpu.memory_space<vmem>>, vector<6400x128xf32>
    %transpose3A = tpu.transpose %get3A_6, [1, 0] : vector<6400x128xf32> -> vector<128x6400xf32>
    %swap3A_7 = arith.constant 16 : index
    %swap3A_8 = arith.constant 0 : index
    %swap3A_9 = vector.load %arg4[%swap3A_7, %swap3A_8] : memref<144x6400xf32, #tpu.memory_space<vmem>>, vector<128x6400xf32>
    tpu.vector_store %arg4[%swap3A_7, %swap3A_8], %transpose3A {strides = array<i32>} : memref<144x6400xf32, #tpu.memory_space<vmem>>, vector<128x6400xf32>,
    return
  }
  func.func @transform_1(%arg0: i32) -> (i32, i32) {
    %add3A = arith.constant 40 : i32
    %add3A_0 = arith.addi %add3A, %arg0 : i32
    %c0_i32 = arith.constant 0 : i32
    %c0_i32_1 = arith.constant 0 : i32
    return %c0_i32, %add3A_0 : i32, i32
  }
  func.func @transform_2(%arg0: i32) -> (i32, i32) {
    %c0_i32 = arith.constant 0 : i32
    %c0_i32_0 = arith.constant 0 : i32
    return %arg0, %c0_i32 : i32, i32
  }
  func.func @transform_3(%arg0: i32) -> (i32, i32) {
    %add3A = arith.constant 40 : i32
    %add3A_0 = arith.addi %add3A, %arg0 : i32
    %c0_i32 = arith.constant 0 : i32
    %c0_i32_1 = arith.constant 0 : i32
    return %c0_i32, %add3A_0 : i32, i32
  }
}

</mosaic_0001>

<sc_bundles>
// kernel: kernel.13.cloned.1.call-start
scs
__scs_entry_jumppad:
0x0: {  	(pc) =	sbr.rel $0x88, $3  }
0x1: {  	(tag) =	ssettag $0x0;
	lr =	simm.s32 $0x1  }
0x2: {  	[smem:$0x3F9D] =	sst lr;
	_ =	strace $0xD0000000  }
0x3: {  	_ = 	snop  }
0x4: {  	_ = 	snop  }
0x5: {  	_ = 	snop  }
0x6: {  	_ = 	snop  }
0x7: {  	_ = 	snop  }
__scs_overlays_trampoline_lowered:
0x8: {  	[smem:$0x3FAC] =	sst s0  }
0x9: {  	[smem:$0x3FAD] =	sst s1  }
0xa: {  	[smem:$0x3FAE] =	sst s2  }
0xb: {  	[smem:$0x3FAF] =	sst s3  }
0xc: {  	[smem:$0x3FB0] =	sst s4  }
0xd: {  	[smem:$0x3FB1] =	sst s5  }
0xe: {  	[smem:$0x3FB2] =	sst s6  }
0xf: {  	[smem:$0x3FB3] =	sst s7  }
0x10: {  	[smem:$0x3FB4] =	sst s8  }
0x11: {  	[smem:$0x3FB5] =	sst s9;
	s0 =	simm.s32 @!p0 $0x0  }
0x12: {  	s1 =	sld [smem:$0x3F9B];
	s0 =	simm.s32 @p0 $0x1  }
0x13: {  	[smem:$0x3FB6] =	sst s0;
	s0 =	simm.s32 @!p1 $0x0  }
0x14: {  	s2 =	sld [smem:$0x3F9A];
	s0 =	simm.s32 @p1 $0x1  }
0x15: {  	[smem:$0x3FB7] =	sst s0;
	s0 =	simm.s32 @!p2 $0x0  }
0x16: {  	s3 =	sld [smem:$0x3FDB];
	s0 =	simm.s32 @p2 $0x1  }
0x17: {  	s4 =	simm.s32 $0x1BF5;
	[smem:$0x3FB9] =	sst s0  }
0x18: {  	s0 =	sld [smem:$0x3F9C];
	_ =	swait.ge [sflag:s4], $0x0  }
0x19: {  	s7 =	sld [smem:$0x3F9D]  }
0x1a: {  	s8 =	sadd.s32 $0xFFFFE003, lr  }
0x1b: {  	s9 =	sadd.s32 $0xFFFFFEF7, lr;
	s5 =	simm.s32 $0xFFFFFFFF;
	p2 =	slt.u32 s8, $0xFFFFF086  }
0x1c: {  	p1 =	slt.u32 s9, $0xF7A;
	s5 =	simm.s32 @!p2 $0x0  }
0x1d: {  	s5 =	simm.s32 @p1 $0x1;
	p0 =	seq.s32 s7, s2  }
0x1e: {  	s7 =	smul.u32 @!p0 $0xF7A, s2;
	p2 =	seq.s32 @!p0 s5, $0x0  }
0x1f: {  	s9 =	smul.u32 $0xF7A, s1;
	s8 =	simm.s32 @!p0 $0x1BF5;
	p2 =	por !p2, p0  }
0x20: {  	[sflag:s8] =	ssyncset.s32 @!p0 $0xFFFFF086;
	s6 =	sadd.s32 @!p0 s3, s7;
	s7 =	simm.s32 @!p0 $0x108  }
0x21: {  	s3 =	sadd.s32 s3, s9;
	s6 =	sadd.s32 @!p0 $0x88, s6;
	s7 =	simm.s32 @p2 $0x1082  }
0x22: {  	[simem:s7], [sflag:s8] =	dma.local @!p0 [hbm:s6], $0xF7A  }
0x23: {  	s9 =	sor.u32 $0xD0000000, s2;
	s6 =	simm.s32 $0x108;
	_ =	swait.ge @!p0 [sflag:s8], $0x0  }
0x24: {  	s3 =	sadd.s32 $0x88, s3;
	s6 =	simm.s32 @!p1 $0x1082;
	[sflag:s4] =	ssyncset.s32 $0xFFFFF086  }
0x25: {  	[simem:s6], [sflag:s4] =	dma.local [hbm:s3], $0xF7A  }
0x26: {  	[smem:$0x3F9D] =	sst s1;
	(tag) =	ssettag s2;
	_ =	strace s9  }
0x27: {  	s1 =	sld [smem:$0x3FAD]  }
0x28: {  	s2 =	sld [smem:$0x3FAE]  }
0x29: {  	s4 =	sld [smem:$0x3FB0]  }
0x2a: {  	p0 =	seq.s32 s5, $0x0;
	s5 =	sld [smem:$0x3FB1]  }
0x2b: {  	s6 =	sld [smem:$0x3FB2]  }
0x2c: {  	s7 =	sld [smem:$0x3FB3]  }
0x2d: {  	s3 =	simm.s32 $0x108;
	s8 =	sld [smem:$0x3FB4]  }
0x2e: {  	s3 =	simm.s32 @!p0 $0x1082;
	s9 =	sld [smem:$0x3FB5]  }
0x2f: {  	lr =	sadd.s32 s0, s3;
	s0 =	sld [smem:$0x3FAC]  }
0x30: {  	s3 =	sld [smem:$0x3FAF]  }
0x31: {  	[smem:$0x3FB8] =	sst s10  }
0x32: {  	s10 =	sld [smem:$0x3FB6];
	_ =	sdelay $0x3  }
0x33: {  	p0 =	seq.s32 s10, $0x1;
	s10 =	sld [smem:$0x3FB8];
	_ =	sdelay $0x3  }
0x34: {  	[smem:$0x3FB8] =	sst s10  }
0x35: {  	s10 =	sld [smem:$0x3FB7];
	_ =	sdelay $0x3  }
0x36: {  	p1 =	seq.s32 s10, $0x1;
	s10 =	sld [smem:$0x3FB8];
	_ =	sdelay $0x3  }
0x37: {  	[smem:$0x3FB8] =	sst s10  }
0x38: {  	s10 =	sld [smem:$0x3FB9]  }
0x39: {  	_ = 	snop;
	(pc) =	sbr.ind lr, $3  }
0x3a: {  	_ = 	snop  }
0x3b: {  	_ = 	snop  }
0x3c: {  	p2 =	seq.s32 s10, $0x1;
	s10 =	sld [smem:$0x3FB8]  }
0x3d: {  	_ =	shalt  }
0x3e: {  	_ =	shalt  }
0x3f: {  	_ =	shalt  }
0x40: {  	_ =	shalt  }
0x41: {  	_ =	shalt  }
0x42: {  	_ =	shalt  }
0x43: {  	_ =	shalt  }
0x44: {  	_ =	shalt  }
0x45: {  	_ =	shalt  }
0x46: {  	_ =	shalt  }
0x47: {  	_ =	shalt  }
0x48: {  	_ =	shalt  }
0x49: {  	_ =	shalt  }
0x4a: {  	_ =	shalt  }
0x4b: {  	_ =	shalt  }
0x4c: {  	_ =	shalt  }
0x4d: {  	_ =	shalt  }
0x4e: {  	_ =	shalt  }
0x4f: {  	_ =	shalt  }
0x50: {  	_ =	shalt  }
0x51: {  	_ =	shalt  }
0x52: {  	_ =	shalt  }
0x53: {  	_ =	shalt  }
0x54: {  	_ =	shalt  }
0x55: {  	_ =	shalt  }
0x56: {  	_ =	shalt  }
0x57: {  	_ =	shalt  }
0x58: {  	_ =	shalt  }
0x59: {  	_ =	shalt  }
0x5a: {  	_ =	shalt  }
0x5b: {  	_ =	shalt  }
0x5c: {  	_ =	shalt  }
0x5d: {  	_ =	shalt  }
0x5e: {  	_ =	shalt  }
0x5f: {  	_ =	shalt  }
0x60: {  	_ =	shalt  }
0x61: {  	_ =	shalt  }
0x62: {  	_ =	shalt  }
0x63: {  	_ =	shalt  }
0x64: {  	_ =	shalt  }
0x65: {  	_ =	shalt  }
0x66: {  	_ =	shalt  }
0x67: {  	_ =	shalt  }
0x68: {  	_ =	shalt  }
0x69: {  	_ =	shalt  }
0x6a: {  	_ =	shalt  }
0x6b: {  	_ =	shalt  }
0x6c: {  	_ =	shalt  }
0x6d: {  	_ =	shalt  }
0x6e: {  	_ =	shalt  }
0x6f: {  	_ =	shalt  }
0x70: {  	_ =	shalt  }
0x71: {  	_ =	shalt  }
0x72: {  	_ =	shalt  }
0x73: {  	_ =	shalt  }
0x74: {  	_ =	shalt  }
0x75: {  	_ =	shalt  }
0x76: {  	_ =	shalt  }
0x77: {  	_ =	shalt  }
0x78: {  	_ =	shalt  }
0x79: {  	_ =	shalt  }
0x7a: {  	_ =	shalt  }
0x7b: {  	_ =	shalt  }
0x7c: {  	_ =	shalt  }
0x7d: {  	_ =	shalt  }
0x7e: {  	_ =	shalt  }
0x7f: {  	_ =	shalt  }
0x80: {  	_ =	shalt  }
0x81: {  	_ =	shalt  }
0x82: {  	_ =	shalt  }
0x83: {  	_ =	shalt  }
0x84: {  	_ =	shalt  }
0x85: {  	_ =	shalt  }
0x86: {  	_ =	shalt  }
0x87: {  	_ =	shalt  }
.Lfunc_end0:
.L_simem_size_0:
called_computation_lowered:
.L_overlay_start_0:
0x88: {  	s2 =	sld [smem:$0x3FD9]  }
0x89: {  	s3 =	sld [smem:$0x3FFE];
	_ =	sdelay $0x1  }
0x8a: {  	s1 =	srdreg.scid  }
0x8b: {  	s0 =	sand.u32 $0x1, s1  }
0x8c: {  	s16 =	sshll.u32 s0, $0xA;
	s2 =	sadd.s32 s3, s2  }
0x8d: {  	s2 =	sadd.s32 s2, s16  }
0x8e: {  	[smem:$0x3FC4] =	sst s2  }
0x8f: {  	_ = 	snop  }
0x90: {  	(tm) =	ssettm $0x1  }
0x91: {  	s17 =	sld [smem:$0x3FFB];
	_ =	sdelay $0x3  }
0x92: {  	_ =	strace s17  }
0x93: {  	s2 =	sld [smem:$0x3FFC];
	_ =	sdelay $0x3  }
0x94: {  	_ =	strace s2  }
0x95: {  	s2 =	sld [smem:$0x3FFD];
	_ =	sdelay $0x3  }
0x96: {  	_ =	strace s2  }
0x97: {  	_ =	strace $0x8FFFFFFF  }
0x98: {  	s18 =	sld [smem:$0x3FDB];
	_ =	sdelay $0x1  }
0x99: {  	s19 =	simm.s32 $_scs_section_size  }
0x9a: {  	s4 =	simm.s32 $_size__tile_overlayer_lowered;
	s5 =	simm.s32 $_tile_overlayer_lowered  }
0x9b: {  	s22 =	simm.s32 $0x1BFF;
	s21 =	sshll.u32 s5, $0x1;
	s2 =	sadd.s32 s19, s18  }
0x9c: {  	s6 =	simm.s32 $0x0;
	s20 =	sshll.u32 s4, $0x1;
	s4 =	sadd.s32 s21, s2  }
0x9d: {  	[timem:s6], [sflag:s22] =	dma.local [hbm:s4], s20  }
0x9e: {  	_ =	swait.ge [sflag:s22], s20  }
0x9f: {  	s3 =	ssub.s32 $0x0, s20;
	[sflag:s22] =	ssyncset.done $0x0  }
0xa0: {  	[sflag:s22] =	ssyncadd.s32 s3;
	_ =	sdelay $0x1  }
0xa1: {  	s23 =	simm.s32 $0x1B8B  }
0xa2: {  	_ =	swait.ge [sflag:s23], $0x1  }
0xa3: {  	[sflag:s23] =	ssyncset.done $0x0  }
0xa4: {  	s25 =	simm.s32 $0x1B8E;
	s24 =	sld [smem:$0x3FFE];
	[sflag:s23] =	ssyncadd.s32 $0xFFFFFFFF  }
0xa5: {  	s26 =	simm.s32 $execute0_lowered;
	[smem:$0x3FD2] =	sst s25  }
0xa6: {  	s4 =	sshll.u32 s26, $0x1;
	_ =	strace $0x80000046;
	[dreg:$0x1] =	wrdreg $0xFFFFFFFF  }
0xa7: {  	s28 =	simm.s32 $_size_execute0_lowered;
	s2 =	sadd.s32 s2, s4;
	[dreg:$0x0] =	wrdreg $0x0  }
0xa8: {  	s4 =	sshll.u32 s28, $0x1;
	[dreg:$0x2] =	wrdreg s2  }
0xa9: {  	[dreg:$0x3] =	wrdreg s4  }
0xaa: {  	[dreg:$0x4] =	wrdreg $0xC0  }
0xab: {  	_ =	task [dreg:s6], $0x5FFFF  }
0xac: {  	[dreg:$0x1] =	wrdreg $0xFFFFFFFF  }
0xad: {  	[dreg:$0x0] =	wrdreg $0x60  }
0xae: {  	[dreg:$0x2] =	wrdreg s24  }
0xaf: {  	[dreg:$0x3] =	wrdreg $0x9  }
0xb0: {  	_ =	task.clear_ibuf [dreg:s6], $0x4FFFF;
	_ =	strace $0x90000046  }
0xb1: {  	s29 =	simm.s32 $0x9;
	_ =	strace $0x80000048  }
0xb2: {  	_ =	swait.ge [sflag:s29], $0x1  }
0xb3: {  	[sflag:s29] =	ssyncadd.s32 $0xFFFFFFFF  }
0xb4: {  	_ =	strace $0x90000048  }
0xb5: {  	_ =	sfence  }
0xb6: {  	s30 =	sld [smem:$0x0];
	_ =	sdelay $0x2  }
0xb7: {  	s31 =	sshll.u32 s1, $0xD;
	s1 =	sshrl.u32 s1, $0x2  }
0xb8: {  	s3 =	sand.u32 $0x4000, s31;
	s1 =	sadd.s32 s1, s30  }
0xb9: {  	s0 =	sor.u32 s3, s0;
	s1 =	sshll.u32 s1, $0x11  }
0xba: {  	s0 =	sor.u32 s1, s0  }
0xbb: {  	s0 =	sadd.s32 $0x8F2B, s0  }
0xbc: {  	[sflag:s0] =	ssyncadd.remote.s32 $0x1  }
0xbd: {  	_ =	sfence.sel $0xFFFF  }
0xbe: {  	[dreg:$0x0] =	wrdreg $0xFFFFFFFF;
	(pc) =	sbr.abs _section_cstart, $3  }
0xbf: {  	[dreg:$0x1] =	wrdreg $0xFFFFFFFF  }
0xc0: {  	_ =	task.clear_ibuf [dreg:s6], $0x2FFFF;
	_ =	strace $0x9FFFFFFF  }
0xc1: {  	(tm) =	ssettm $0x7FFFFFFF  }
tec
execute0_lowered:
.L_overlay_start_1:
0x0: {  	(tag) =	ssettag $0x1  }
0x1: {  	s0 =	rddreg [dreg:$0x0];
	s1 =	simm.s32 $0x0;
	s2 =	srdreg.scid  }
0x2: {  	s25 =	stileid.u32;
	s10 =	simm.s32 $0x80;
	s11 =	simm.s32 $0x280  }
0x3: {  	s12 =	simm.s32 $0x100;
	s13 =	simm.s32 $0x300;
	s14 =	simm.s32 $0x180  }
0x4: {  	s15 =	simm.s32 $0x380;
	s16 =	simm.s32 $0x1;
	s17 =	simm.s32 $0x400  }
0x5: {  	s18 =	simm.s32 $0x8400;
	s19 =	simm.s32 $0x2400;
	s20 =	simm.s32 $0xA400  }
0x6: {  	s21 =	simm.s32 $0x4400;
	s22 =	simm.s32 $0xC400;
	s23 =	simm.s32 $0x6400  }
0x7: {  	s24 =	simm.s32 $0xE400;
	s28 =	simm.s32 $0x3;
	s29 =	simm.s32 $0x0  }
0x8: {  	[smem:$0x7FF] =	sst s1;
	s8 =	sand.u32 $0x1, s2;
	s3 =	sadd.s32 $0x15E00, s0  }
0x9: {  	s5 =	sshll.u32 s25, $0x7;
	s6 =	sshll.u32 s25, $0xE;
	s9 =	sshll.u32 s25, $0x1  }
0xa: {  	s25 =	simm.s32 $0x2;
	_ =	strace $0x80000047;
	s4 =	ssub.s32 $0x2, s8  }
0xb: {  	s5 =	sadd.s32 s5, s0;
	s0 =	sadd.s32 s6, s0;
	s26 =	sshll.u32 s8, $0x6  }
.Ltmp0:
0xc: {  	s30 =	sshll.u32 s8, $0xD;
	s8 =	sor.u32 s8, s9;
	(pc) =	sbr.rel .LBB2_1-.Ltmp0, $4  }
0xd: {  	s9 =	simm.s32 $0x200;
	s7 =	sshrl.u32 s4, $0x1;
	s0 =	sadd.s32 s30, s0  }
0xe: {  	s6 =	sadd.s32 s26, s5;
	s4 =	ssub.s32 s4, s7;
	s0 =	sadd.s32 $0x29808, s0  }
0xf: {  	s26 =	simm.s32 $0x40;
	s31 =	smax.u32 s4, $0x1;
	[dreg:$0x3] =	wrdreg s0  }
0x10: {  	s5 =	sadd.s32 $0xC000, s6;
	s6 =	sadd.s32 $0x2200, s6;
	[dreg:$0x2] =	wrdreg s31  }
.LBB2_5:
0x11: {  	s29 =	sadd.s32 $0x1, s29;
	s0 =	rddreg [dreg:$0x2]  }
0x12: {  	p0 =	sne.s32 s29, s0  }
.Ltmp1:
0x13: {  	_ = 	snop;
	(pc) =	sbr.rel @!p0 .LBB2_6-.Ltmp1, $1  }
0x14: {  	_ =	sdelay $0x3  }
.LBB2_1:
.Ltmp2:
0x15: {  	(pc) =	sbr.rel .LBB2_2-.Ltmp2, $2  }
0x16: {  	_ =	sdelay $0x2  }
0x17: {  	s30 =	smov.u32 s8;
	s31 =	rddreg [dreg:$0x3];
	s0 =	simm.s32 $0x0  }
.LBB2_4:
0x18: {  	s0 =	sadd.s32 $0x800, s0  }
0x19: {  	p0 =	sne.s32 s0, $0x2000  }
.Ltmp3:
0x1a: {  	_ = 	snop;
	(pc) =	sbr.rel @!p0 .LBB2_5-.Ltmp3, $2  }
0x1b: {  	_ =	sdelay $0x2  }
0x1c: {  	s31 =	sadd.s32 $0x40000, s31;
	s30 =	sadd.s32 $0x20, s30  }
.LBB2_2:
0x1d: {  	p0 =	sgt.u32 s30, $0x7C  }
.Ltmp4:
0x1e: {  	_ = 	snop;
	(pc) =	sbr.rel @p0 .LBB2_4-.Ltmp4, $1  }
0x1f: {  	_ =	sdelay $0x3  }
0x20: {  	s2 =	sadd.s32 s0, s5  }
0x21: {  	[tilespmem:s1], [sflag:$0x1] =	stream.linear.gather [hbm4b:s2+s1], $0x80, $0x38;
	[tilespmem:$0x10400] =	vst v63  }
0x22: {  	s4 =	sadd.s32 s0, s6  }
0x23: {  	[tilespmem:s9], [sflag:$0x1] =	stream.linear.gather [hbm4b:s4+s1], $0x80, $0x38;
	[tilespmem:$0x10400] =	vst v63  }
0x24: {  	s7 =	sadd.s32 $0x10, s2  }
0x25: {  	[tilespmem:s10], [sflag:$0x1] =	stream.linear.gather [hbm4b:s7+s1], $0x80, $0x38;
	[tilespmem:$0x10400] =	vst v63  }
0x26: {  	s7 =	sadd.s32 $0x10, s4  }
0x27: {  	[tilespmem:s11], [sflag:$0x1] =	stream.linear.gather [hbm4b:s7+s1], $0x80, $0x38;
	[tilespmem:$0x10400] =	vst v63  }
0x28: {  	s7 =	sadd.s32 $0x20, s2  }
0x29: {  	[tilespmem:s12], [sflag:$0x1] =	stream.linear.gather [hbm4b:s7+s1], $0x80, $0x38;
	[tilespmem:$0x10400] =	vst v63  }
0x2a: {  	s7 =	sadd.s32 $0x20, s4  }
0x2b: {  	[tilespmem:s13], [sflag:$0x1] =	stream.linear.gather [hbm4b:s7+s1], $0x80, $0x38;
	[tilespmem:$0x10400] =	vst v63  }
0x2c: {  	s2 =	sadd.s32 $0x30, s2  }
0x2d: {  	[tilespmem:s14], [sflag:$0x1] =	stream.linear.gather [hbm4b:s2+s1], $0x80, $0x38;
	[tilespmem:$0x10400] =	vst v63  }
0x2e: {  	s4 =	sadd.s32 $0x30, s4  }
0x2f: {  	[tilespmem:s15], [sflag:$0x1] =	stream.linear.gather [hbm4b:s4+s1], $0x80, $0x38;
	[tilespmem:$0x10400] =	vst v63  }
0x30: {  	_ =	swait.ge [sflag:s16], $0x80  }
0x31: {  	[sflag:s16] =	ssyncset.done $0x0  }
0x32: {  	[sflag:s16] =	ssyncadd.s32 $0xFFFFFF80  }
0x33: {  	_ =	swait.ge [sflag:s16], $0x80  }
0x34: {  	[sflag:s16] =	ssyncset.done $0x0  }
0x35: {  	[sflag:s16] =	ssyncadd.s32 $0xFFFFFF80  }
0x36: {  	_ =	swait.ge [sflag:s16], $0x80  }
0x37: {  	[sflag:s16] =	ssyncset.done $0x0  }
0x38: {  	[sflag:s16] =	ssyncadd.s32 $0xFFFFFF80  }
0x39: {  	_ =	swait.ge [sflag:s16], $0x80  }
0x3a: {  	[sflag:s16] =	ssyncset.done $0x0  }
0x3b: {  	[sflag:s16] =	ssyncadd.s32 $0xFFFFFF80  }
0x3c: {  	_ =	swait.ge [sflag:s16], $0x80  }
0x3d: {  	[sflag:s16] =	ssyncset.done $0x0  }
0x3e: {  	[sflag:s16] =	ssyncadd.s32 $0xFFFFFF80  }
0x3f: {  	_ =	swait.ge [sflag:s16], $0x80  }
0x40: {  	[sflag:s16] =	ssyncset.done $0x0  }
0x41: {  	[sflag:s16] =	ssyncadd.s32 $0xFFFFFF80  }
0x42: {  	_ =	swait.ge [sflag:s16], $0x80  }
0x43: {  	[sflag:s16] =	ssyncset.done $0x0  }
0x44: {  	[sflag:s16] =	ssyncadd.s32 $0xFFFFFF80  }
0x45: {  	_ =	swait.ge [sflag:s16], $0x80  }
0x46: {  	[sflag:s16] =	ssyncset.done $0x0  }
0x47: {  	[sflag:s16] =	ssyncadd.s32 $0xFFFFFF80  }
0x48: {  	[tilespmem:s17], [sflag:$0x2] =	stream.indirect.gather [hbm4b:s3+s10], $0x40, s1, s10, $0xb8;
	[tilespmem:$0x10400] =	vst v63  }
0x49: {  	_ = 	snop  }
0x4a: {  	[tilespmem:s18], [sflag:$0x2] =	stream.indirect.gather [hbm4b:s3+s10], $0x40, s9, s10, $0xb8;
	[tilespmem:$0x10400] =	vst v63  }
0x4b: {  	_ = 	snop  }
0x4c: {  	[tilespmem:s19], [sflag:$0x2] =	stream.indirect.gather [hbm4b:s3+s10], $0x40, s10, s10, $0xb8;
	[tilespmem:$0x10400] =	vst v63  }
0x4d: {  	_ = 	snop  }
0x4e: {  	[tilespmem:s20], [sflag:$0x2] =	stream.indirect.gather [hbm4b:s3+s10], $0x40, s11, s10, $0xb8;
	[tilespmem:$0x10400] =	vst v63  }
0x4f: {  	_ = 	snop  }
0x50: {  	[tilespmem:s21], [sflag:$0x2] =	stream.indirect.gather [hbm4b:s3+s10], $0x40, s12, s10, $0xb8;
	[tilespmem:$0x10400] =	vst v63  }
0x51: {  	_ = 	snop  }
0x52: {  	[tilespmem:s22], [sflag:$0x2] =	stream.indirect.gather [hbm4b:s3+s10], $0x40, s13, s10, $0xb8;
	[tilespmem:$0x10400] =	vst v63  }
0x53: {  	_ = 	snop  }
0x54: {  	[tilespmem:s23], [sflag:$0x2] =	stream.indirect.gather [hbm4b:s3+s10], $0x40, s14, s10, $0xb8;
	[tilespmem:$0x10400] =	vst v63  }
0x55: {  	_ = 	snop  }
0x56: {  	[tilespmem:s24], [sflag:$0x2] =	stream.indirect.gather [hbm4b:s3+s10], $0x40, s15, s10, $0xb8;
	[tilespmem:$0x10400] =	vst v63  }
0x57: {  	_ =	swait.ge [sflag:s25], $0x2000  }
0x58: {  	[sflag:s25] =	ssyncset.done $0x0  }
0x59: {  	[sflag:s25] =	ssyncadd.s32 $0xFFFFE000  }
0x5a: {  	_ =	swait.ge [sflag:s25], $0x2000  }
0x5b: {  	[sflag:s25] =	ssyncset.done $0x0  }
0x5c: {  	[sflag:s25] =	ssyncadd.s32 $0xFFFFE000  }
0x5d: {  	_ =	swait.ge [sflag:s25], $0x2000  }
0x5e: {  	[sflag:s25] =	ssyncset.done $0x0  }
0x5f: {  	[sflag:s25] =	ssyncadd.s32 $0xFFFFE000  }
0x60: {  	_ =	swait.ge [sflag:s25], $0x2000  }
0x61: {  	[sflag:s25] =	ssyncset.done $0x0  }
0x62: {  	[sflag:s25] =	ssyncadd.s32 $0xFFFFE000  }
0x63: {  	_ =	swait.ge [sflag:s25], $0x2000  }
0x64: {  	[sflag:s25] =	ssyncset.done $0x0  }
0x65: {  	[sflag:s25] =	ssyncadd.s32 $0xFFFFE000  }
0x66: {  	_ =	swait.ge [sflag:s25], $0x2000  }
0x67: {  	[sflag:s25] =	ssyncset.done $0x0  }
0x68: {  	[sflag:s25] =	ssyncadd.s32 $0xFFFFE000  }
0x69: {  	_ =	swait.ge [sflag:s25], $0x2000  }
0x6a: {  	[sflag:s25] =	ssyncset.done $0x0  }
0x6b: {  	[sflag:s25] =	ssyncadd.s32 $0xFFFFE000  }
0x6c: {  	_ =	swait.ge [sflag:s25], $0x2000  }
0x6d: {  	[sflag:s25] =	ssyncset.done $0x0  }
0x6e: {  	s7 =	sadd.s32 $0xFFFFFFF8, s31;
	[sflag:s25] =	ssyncadd.s32 $0xFFFFE000  }
0x6f: {  	[hbm4b:s7+s26] =	stream.strided.scatter [tilespmem:s17], [sflag:$0x3], $0x8000, s10, s26, $0x38;
	[tilespmem:$0x10400] =	vst v63  }
0x70: {  	_ = 	snop  }
0x71: {  	[hbm4b:s31+s26] =	stream.strided.scatter [tilespmem:s18], [sflag:$0x3], $0x8000, s10, s26, $0x38;
	[tilespmem:$0x10400] =	vst v63  }
0x72: {  	_ =	swait.ge [sflag:s28], $0x8000  }
.Ltmp5:
0x73: {  	[sflag:s28] =	ssyncset.done $0x0;
	(pc) =	sbr.rel .LBB2_4-.Ltmp5, $4  }
0x74: {  	[sflag:s28] =	ssyncadd.s32 $0xFFFF8000  }
0x75: {  	_ =	swait.ge [sflag:s28], $0x8000  }
0x76: {  	[sflag:s28] =	ssyncset.done $0x0  }
0x77: {  	[sflag:s28] =	ssyncadd.s32 $0xFFFF8000  }
.LBB2_6:
0x78: {  	_ =	sfence.sel $0x180000  }
0x79: {  	[bflag:$0x0] =	sbarrier.arrive $0xFFFF  }
0x7a: {  	_ =	strace $0x90000047  }
0x7b: {  	s0 =	stileid.u32;
	[bflag:$0x2] =	sbarrier.arrive $0xFFFF  }
0x7c: {  	p0 =	sne.s32 s0, $0x0;
	s0 =	rddreg [dreg:$0x1]  }
0x7d: {  	s0 =	sadd.s32 @!p0 $0x100000, s0  }
0x7e: {  	[sflag:s0] =	ssyncadd.tile.s32 @!p0 $0x1;
	_ =	shalt  }
.Lfunc_end2:
_tile_overlayer_lowered:
.L_overlay_start_2:
0x7f: {  	(tag) =	ssettag $0x2  }
0x80: {  	s0 =	rddreg [dreg:$0x0];
	s2 =	stileid.u32  }
0x81: {  	s1 =	rddreg [dreg:$0x1];
	p0 =	sne.s32 s2, $0x0  }
0x82: {  	s3 =	rddreg [dreg:$0x2];
	[bflag:$0x3] =	sbarrier.arrive $0xFFFF;
	s2 =	simm.s32 @!p0 $0x1C04  }
0x83: {  	[timem:s3], [sflag:s2] =	dma.local @!p0 [hbm:s0], s1  }
0x84: {  	s0 =	simm.s32 @!p0 $0x4  }
0x85: {  	_ =	swait.ge @!p0 [sflag:s0], s1  }
0x86: {  	s1 =	ssub.s32 @!p0 $0x0, s1;
	[sflag:s0] =	ssyncset.done @!p0 $0x0  }
0x87: {  	[sflag:s0] =	ssyncadd.s32 @!p0 s1  }
0x88: {  	[bflag:$0x3] =	sbarrier.arrive $0xFFFF  }
0x89: {  	_ =	shalt  }

// kernel: kernel.16.cloned.1.call-start
scs
__scs_entry_jumppad:
0x0: {  	(pc) =	sbr.rel $0x88, $3  }
0x1: {  	(tag) =	ssettag $0x0;
	lr =	simm.s32 $0x1  }
0x2: {  	[smem:$0x3F9D] =	sst lr;
	_ =	strace $0xD0000000  }
0x3: {  	_ = 	snop  }
0x4: {  	_ = 	snop  }
0x5: {  	_ = 	snop  }
0x6: {  	_ = 	snop  }
0x7: {  	_ = 	snop  }
__scs_overlays_trampoline_lowered:
0x8: {  	[smem:$0x3FAC] =	sst s0  }
0x9: {  	[smem:$0x3FAD] =	sst s1  }
0xa: {  	[smem:$0x3FAE] =	sst s2  }
0xb: {  	[smem:$0x3FAF] =	sst s3  }
0xc: {  	[smem:$0x3FB0] =	sst s4  }
0xd: {  	[smem:$0x3FB1] =	sst s5  }
0xe: {  	[smem:$0x3FB2] =	sst s6  }
0xf: {  	[smem:$0x3FB3] =	sst s7  }
0x10: {  	[smem:$0x3FB4] =	sst s8  }
0x11: {  	[smem:$0x3FB5] =	sst s9;
	s0 =	simm.s32 @!p0 $0x0  }
0x12: {  	s1 =	sld [smem:$0x3F9B];
	s0 =	simm.s32 @p0 $0x1  }
0x13: {  	[smem:$0x3FB6] =	sst s0;
	s0 =	simm.s32 @!p1 $0x0  }
0x14: {  	s2 =	sld [smem:$0x3F9A];
	s0 =	simm.s32 @p1 $0x1  }
0x15: {  	[smem:$0x3FB7] =	sst s0;
	s0 =	simm.s32 @!p2 $0x0  }
0x16: {  	s3 =	sld [smem:$0x3FDB];
	s0 =	simm.s32 @p2 $0x1  }
0x17: {  	s4 =	simm.s32 $0x1BF5;
	[smem:$0x3FB9] =	sst s0  }
0x18: {  	s0 =	sld [smem:$0x3F9C];
	_ =	swait.ge [sflag:s4], $0x0  }
0x19: {  	s7 =	sld [smem:$0x3F9D]  }
0x1a: {  	s8 =	sadd.s32 $0xFFFFE003, lr  }
0x1b: {  	s9 =	sadd.s32 $0xFFFFFEF7, lr;
	s5 =	simm.s32 $0xFFFFFFFF;
	p2 =	slt.u32 s8, $0xFFFFF086  }
0x1c: {  	p1 =	slt.u32 s9, $0xF7A;
	s5 =	simm.s32 @!p2 $0x0  }
0x1d: {  	s5 =	simm.s32 @p1 $0x1;
	p0 =	seq.s32 s7, s2  }
0x1e: {  	s7 =	smul.u32 @!p0 $0xF7A, s2;
	p2 =	seq.s32 @!p0 s5, $0x0  }
0x1f: {  	s9 =	smul.u32 $0xF7A, s1;
	s8 =	simm.s32 @!p0 $0x1BF5;
	p2 =	por !p2, p0  }
0x20: {  	[sflag:s8] =	ssyncset.s32 @!p0 $0xFFFFF086;
	s6 =	sadd.s32 @!p0 s3, s7;
	s7 =	simm.s32 @!p0 $0x108  }
0x21: {  	s3 =	sadd.s32 s3, s9;
	s6 =	sadd.s32 @!p0 $0x88, s6;
	s7 =	simm.s32 @p2 $0x1082  }
0x22: {  	[simem:s7], [sflag:s8] =	dma.local @!p0 [hbm:s6], $0xF7A  }
0x23: {  	s9 =	sor.u32 $0xD0000000, s2;
	s6 =	simm.s32 $0x108;
	_ =	swait.ge @!p0 [sflag:s8], $0x0  }
0x24: {  	s3 =	sadd.s32 $0x88, s3;
	s6 =	simm.s32 @!p1 $0x1082;
	[sflag:s4] =	ssyncset.s32 $0xFFFFF086  }
0x25: {  	[simem:s6], [sflag:s4] =	dma.local [hbm:s3], $0xF7A  }
0x26: {  	[smem:$0x3F9D] =	sst s1;
	(tag) =	ssettag s2;
	_ =	strace s9  }
0x27: {  	s1 =	sld [smem:$0x3FAD]  }
0x28: {  	s2 =	sld [smem:$0x3FAE]  }
0x29: {  	s4 =	sld [smem:$0x3FB0]  }
0x2a: {  	p0 =	seq.s32 s5, $0x0;
	s5 =	sld [smem:$0x3FB1]  }
0x2b: {  	s6 =	sld [smem:$0x3FB2]  }
0x2c: {  	s7 =	sld [smem:$0x3FB3]  }
0x2d: {  	s3 =	simm.s32 $0x108;
	s8 =	sld [smem:$0x3FB4]  }
0x2e: {  	s3 =	simm.s32 @!p0 $0x1082;
	s9 =	sld [smem:$0x3FB5]  }
0x2f: {  	lr =	sadd.s32 s0, s3;
	s0 =	sld [smem:$0x3FAC]  }
0x30: {  	s3 =	sld [smem:$0x3FAF]  }
0x31: {  	[smem:$0x3FB8] =	sst s10  }
0x32: {  	s10 =	sld [smem:$0x3FB6];
	_ =	sdelay $0x3  }
0x33: {  	p0 =	seq.s32 s10, $0x1;
	s10 =	sld [smem:$0x3FB8];
	_ =	sdelay $0x3  }
0x34: {  	[smem:$0x3FB8] =	sst s10  }
0x35: {  	s10 =	sld [smem:$0x3FB7];
	_ =	sdelay $0x3  }
0x36: {  	p1 =	seq.s32 s10, $0x1;
	s10 =	sld [smem:$0x3FB8];
	_ =	sdelay $0x3  }
0x37: {  	[smem:$0x3FB8] =	sst s10  }
0x38: {  	s10 =	sld [smem:$0x3FB9]  }
0x39: {  	_ = 	snop;
	(pc) =	sbr.ind lr, $3  }
0x3a: {  	_ = 	snop  }
0x3b: {  	_ = 	snop  }
0x3c: {  	p2 =	seq.s32 s10, $0x1;
	s10 =	sld [smem:$0x3FB8]  }
0x3d: {  	_ =	shalt  }
0x3e: {  	_ =	shalt  }
0x3f: {  	_ =	shalt  }
0x40: {  	_ =	shalt  }
0x41: {  	_ =	shalt  }
0x42: {  	_ =	shalt  }
0x43: {  	_ =	shalt  }
0x44: {  	_ =	shalt  }
0x45: {  	_ =	shalt  }
0x46: {  	_ =	shalt  }
0x47: {  	_ =	shalt  }
0x48: {  	_ =	shalt  }
0x49: {  	_ =	shalt  }
0x4a: {  	_ =	shalt  }
0x4b: {  	_ =	shalt  }
0x4c: {  	_ =	shalt  }
0x4d: {  	_ =	shalt  }
0x4e: {  	_ =	shalt  }
0x4f: {  	_ =	shalt  }
0x50: {  	_ =	shalt  }
0x51: {  	_ =	shalt  }
0x52: {  	_ =	shalt  }
0x53: {  	_ =	shalt  }
0x54: {  	_ =	shalt  }
0x55: {  	_ =	shalt  }
0x56: {  	_ =	shalt  }
0x57: {  	_ =	shalt  }
0x58: {  	_ =	shalt  }
0x59: {  	_ =	shalt  }
0x5a: {  	_ =	shalt  }
0x5b: {  	_ =	shalt  }
0x5c: {  	_ =	shalt  }
0x5d: {  	_ =	shalt  }
0x5e: {  	_ =	shalt  }
0x5f: {  	_ =	shalt  }
0x60: {  	_ =	shalt  }
0x61: {  	_ =	shalt  }
0x62: {  	_ =	shalt  }
0x63: {  	_ =	shalt  }
0x64: {  	_ =	shalt  }
0x65: {  	_ =	shalt  }
0x66: {  	_ =	shalt  }
0x67: {  	_ =	shalt  }
0x68: {  	_ =	shalt  }
0x69: {  	_ =	shalt  }
0x6a: {  	_ =	shalt  }
0x6b: {  	_ =	shalt  }
0x6c: {  	_ =	shalt  }
0x6d: {  	_ =	shalt  }
0x6e: {  	_ =	shalt  }
0x6f: {  	_ =	shalt  }
0x70: {  	_ =	shalt  }
0x71: {  	_ =	shalt  }
0x72: {  	_ =	shalt  }
0x73: {  	_ =	shalt  }
0x74: {  	_ =	shalt  }
0x75: {  	_ =	shalt  }
0x76: {  	_ =	shalt  }
0x77: {  	_ =	shalt  }
0x78: {  	_ =	shalt  }
0x79: {  	_ =	shalt  }
0x7a: {  	_ =	shalt  }
0x7b: {  	_ =	shalt  }
0x7c: {  	_ =	shalt  }
0x7d: {  	_ =	shalt  }
0x7e: {  	_ =	shalt  }
0x7f: {  	_ =	shalt  }
0x80: {  	_ =	shalt  }
0x81: {  	_ =	shalt  }
0x82: {  	_ =	shalt  }
0x83: {  	_ =	shalt  }
0x84: {  	_ =	shalt  }
0x85: {  	_ =	shalt  }
0x86: {  	_ =	shalt  }
0x87: {  	_ =	shalt  }
.Lfunc_end0:
.L_simem_size_0:
called_computation.1_lowered:
.L_overlay_start_0:
0x88: {  	s2 =	sld [smem:$0x3FD9]  }
0x89: {  	s3 =	sld [smem:$0x3FFE];
	_ =	sdelay $0x1  }
0x8a: {  	s1 =	srdreg.scid  }
0x8b: {  	s0 =	sand.u32 $0x1, s1  }
0x8c: {  	s17 =	sshll.u32 s0, $0xA;
	s2 =	sadd.s32 s3, s2  }
0x8d: {  	s2 =	sadd.s32 s2, s17  }
0x8e: {  	[smem:$0x3FC4] =	sst s2  }
0x8f: {  	_ = 	snop  }
0x90: {  	(tm) =	ssettm $0x1  }
0x91: {  	s18 =	sld [smem:$0x3FFB];
	_ =	sdelay $0x3  }
0x92: {  	_ =	strace s18  }
0x93: {  	s2 =	sld [smem:$0x3FFC];
	_ =	sdelay $0x3  }
0x94: {  	_ =	strace s2  }
0x95: {  	s2 =	sld [smem:$0x3FFD];
	_ =	sdelay $0x3  }
0x96: {  	_ =	strace s2  }
0x97: {  	_ =	strace $0x8FFFFFFF  }
0x98: {  	s19 =	sld [smem:$0x3FDB];
	_ =	sdelay $0x1  }
0x99: {  	s20 =	simm.s32 $_scs_section_size  }
0x9a: {  	s4 =	simm.s32 $_size__tile_overlayer_lowered;
	s5 =	simm.s32 $_tile_overlayer_lowered  }
0x9b: {  	s6 =	simm.s32 $0x1BFF;
	s21 =	sshll.u32 s5, $0x1;
	s3 =	sadd.s32 s20, s19  }
0x9c: {  	s22 =	simm.s32 $0x0;
	s4 =	sshll.u32 s4, $0x1;
	s5 =	sadd.s32 s21, s3  }
0x9d: {  	[timem:s22], [sflag:s6] =	dma.local [hbm:s5], s4  }
0x9e: {  	_ =	swait.ge [sflag:s6], s4  }
0x9f: {  	s4 =	ssub.s32 $0x0, s4;
	[sflag:s6] =	ssyncset.done $0x0  }
0xa0: {  	[sflag:s6] =	ssyncadd.s32 s4;
	_ =	sdelay $0x1  }
0xa1: {  	s23 =	simm.s32 $0x1B8B  }
0xa2: {  	_ =	swait.ge [sflag:s23], $0x1  }
0xa3: {  	[sflag:s23] =	ssyncset.done $0x0  }
0xa4: {  	[sflag:s23] =	ssyncadd.s32 $0xFFFFFFFF  }
0xa5: {  	s4 =	sld [smem:$0x0]  }
0xa6: {  	s5 =	sand.u32 $0xFFFFFFFE, s1  }
0xa7: {  	p0 =	sne.s32 s1, s5  }
0xa8: {  	s5 =	sshll.u32 @p0 s5, $0xE  }
0xa9: {  	s5 =	sadd.s32 @p0 $0x11B8D, s5;
	s6 =	sshll.u32 @p0 s4, $0x11  }
0xaa: {  	s5 =	sor.u32 @p0 s6, s5  }
0xab: {  	[sflag:s5] =	ssyncadd.remote.s32 @p0 $0x1;
	_ =	sdelay $0x1  }
0xac: {  	s5 =	simm.s32 @p0 $0x1B8D  }
0xad: {  	_ =	swait.eq @p0 [sflag:s5], $0x1  }
0xae: {  	[sflag:s5] =	ssyncadd.s32 @p0 $0xFFFFFFFF  }
0xaf: {  	s6 =	sshll.u32 @!p0 s1, $0xE  }
0xb0: {  	s6 =	sor.u32 @!p0 $0x4000, s6;
	s5 =	simm.s32 @!p0 $0x1B8D  }
0xb1: {  	s4 =	sshll.u32 @!p0 s4, $0x11;
	s6 =	sadd.s32 @!p0 $0x11B8D, s6;
	_ =	swait.eq @!p0 [sflag:s5], $0x1  }
0xb2: {  	s4 =	sor.u32 @!p0 s4, s6;
	[sflag:s5] =	ssyncadd.s32 @!p0 $0xFFFFFFFF  }
0xb3: {  	s25 =	simm.s32 $0x1B8E;
	s24 =	sld [smem:$0x3FFE];
	[sflag:s4] =	ssyncadd.remote.s32 @!p0 $0x1  }
0xb4: {  	s26 =	simm.s32 $execute0_lowered;
	[smem:$0x3FD2] =	sst s25  }
0xb5: {  	s5 =	sshll.u32 s26, $0x1;
	_ =	strace $0x80000049;
	[dreg:$0x1] =	wrdreg $0xFFFFFFFF  }
0xb6: {  	s28 =	simm.s32 $_size_execute0_lowered;
	s3 =	sadd.s32 s3, s5;
	[dreg:$0x0] =	wrdreg $0x0  }
0xb7: {  	s5 =	sshll.u32 s28, $0x1;
	[dreg:$0x2] =	wrdreg s3  }
0xb8: {  	[dreg:$0x3] =	wrdreg s5  }
0xb9: {  	[dreg:$0x4] =	wrdreg $0xC0  }
0xba: {  	_ =	task [dreg:s22], $0x5FFFF  }
0xbb: {  	[dreg:$0x1] =	wrdreg $0xFFFFFFFF  }
0xbc: {  	[dreg:$0x0] =	wrdreg $0x60  }
0xbd: {  	[dreg:$0x2] =	wrdreg s24  }
0xbe: {  	[dreg:$0x3] =	wrdreg $0xA  }
0xbf: {  	_ =	task.clear_ibuf [dreg:s22], $0x4FFFF;
	_ =	strace $0x90000049  }
0xc0: {  	s29 =	simm.s32 $0xA;
	_ =	strace $0x8000004B  }
0xc1: {  	_ =	swait.ge [sflag:s29], $0x1  }
0xc2: {  	[sflag:s29] =	ssyncadd.s32 $0xFFFFFFFF  }
0xc3: {  	_ =	strace $0x9000004B  }
0xc4: {  	_ =	sfence  }
0xc5: {  	s30 =	sld [smem:$0x0];
	_ =	sdelay $0x2  }
0xc6: {  	s31 =	sshll.u32 s1, $0xD;
	s1 =	sshrl.u32 s1, $0x2  }
0xc7: {  	s4 =	sand.u32 $0x4000, s31;
	s1 =	sadd.s32 s1, s30  }
0xc8: {  	s0 =	sor.u32 s4, s0;
	s1 =	sshll.u32 s1, $0x11  }
0xc9: {  	s0 =	sor.u32 s1, s0  }
0xca: {  	s0 =	sadd.s32 $0x8F2B, s0  }
0xcb: {  	[sflag:s0] =	ssyncadd.remote.s32 $0x1  }
0xcc: {  	_ =	sfence.sel $0xFFFF  }
0xcd: {  	[dreg:$0x0] =	wrdreg $0xFFFFFFFF;
	(pc) =	sbr.abs _section_cstart, $3  }
0xce: {  	[dreg:$0x1] =	wrdreg $0xFFFFFFFF  }
0xcf: {  	_ =	task.clear_ibuf [dreg:s22], $0x2FFFF;
	_ =	strace $0x9FFFFFFF  }
0xd0: {  	(tm) =	ssettm $0x7FFFFFFF  }
0xd1: {  	_ =	shalt  }
tec
execute0_lowered:
.L_overlay_start_1:
0x0: {  	(tag) =	ssettag $0x1  }
0x1: {  	s0 =	rddreg [dreg:$0x0];
	s1 =	simm.s32 $0x0  }
0x2: {  	s2 =	srdreg.scid;
	s9 =	stileid.u32;
	s16 =	simm.s32 $0x80  }
0x3: {  	s17 =	simm.s32 $0x280;
	s18 =	simm.s32 $0x100;
	s19 =	simm.s32 $0x300  }
0x4: {  	s20 =	simm.s32 $0x180;
	s28 =	simm.s32 $0x4400;
	s29 =	simm.s32 $0xC400  }
0x5: {  	s30 =	simm.s32 $0x6400;
	s31 =	simm.s32 $0xE400;
	[smem:$0x7FF] =	sst s1  }
0x6: {  	s3 =	sadd.s32 $0x15E00, s0;
	s4 =	sadd.s32 $0xC000, s0;
	s2 =	sand.u32 $0x1, s2  }
0x7: {  	s11 =	sadd.s32 $0x2200, s0;
	s5 =	sshll.u32 s9, $0xA;
	s7 =	sshll.u32 s9, $0xE  }
0x8: {  	s13 =	sshll.u32 s9, $0x1;
	_ =	strace $0x8000004A;
	s6 =	sshll.u32 s2, $0x9  }
0x9: {  	s8 =	ssub.s32 $0x2, s2;
	s0 =	sadd.s32 s7, s0;
	s15 =	sshll.u32 s2, $0xD  }
0xa: {  	s26 =	sor.u32 s2, s13;
	s2 =	simm.s32 $0x40;
	s10 =	sor.u32 s6, s5  }
0xb: {  	s21 =	sshrl.u32 s8, $0x1;
	s0 =	sadd.s32 s15, s0;
	[dreg:$0x4] =	wrdreg s26  }
0xc: {  	s15 =	simm.s32 $0x200;
	s6 =	sadd.s32 $0xFA00, s10;
	s5 =	ssub.s32 s8, s21  }
0xd: {  	s22 =	sadd.s32 $0xFA80, s10;
	s24 =	sadd.s32 $0xFB00, s10;
	s14 =	sadd.s32 $0xFB80, s10  }
0xe: {  	s0 =	sadd.s32 $0x123808, s0;
	s21 =	simm.s32 $0x380;
	s6 =	sshrl.u32 s6, $0x3  }
0xf: {  	s5 =	smax.u32 s5, $0x1;
	s23 =	sshrl.u32 s22, $0x3;
	s12 =	sshrl.u32 s24, $0x3  }
0x10: {  	s25 =	sshrl.u32 s14, $0x3;
	[dreg:$0x3] =	wrdreg s0;
	s22 =	simm.s32 $0x1  }
.Ltmp0:
0x11: {  	s24 =	simm.s32 $0x8400;
	s0 =	simm.s32 $0x2;
	(pc) =	sbr.rel .LBB2_1-.Ltmp0, $4  }
0x12: {  	s14 =	simm.s32 $0x0;
	[dreg:$0x2] =	wrdreg s5;
	s5 =	sadd.s32 s6, s11  }
0x13: {  	s6 =	sadd.s32 s6, s4;
	s7 =	sadd.s32 s23, s11;
	s8 =	sadd.s32 s23, s4  }
0x14: {  	s9 =	sadd.s32 s12, s11;
	s10 =	sadd.s32 s12, s4;
	s11 =	sadd.s32 s25, s11  }
0x15: {  	s12 =	sadd.s32 s25, s4;
	s23 =	simm.s32 $0x400;
	s4 =	simm.s32 $0x3  }
.LBB2_5:
0x16: {  	s14 =	rddreg [dreg:$0x5]  }
0x17: {  	s13 =	rddreg [dreg:$0x2];
	s14 =	sadd.s32 $0x1, s14  }
0x18: {  	p0 =	sne.s32 s14, s13  }
.Ltmp1:
0x19: {  	_ = 	snop;
	(pc) =	sbr.rel @!p0 .LBB2_6-.Ltmp1, $1  }
0x1a: {  	_ =	sdelay $0x3  }
.LBB2_1:
.Ltmp2:
0x1b: {  	(pc) =	sbr.rel .LBB2_2-.Ltmp2, $4  }
0x1c: {  	_ = 	snop  }
0x1d: {  	[dreg:$0x5] =	wrdreg s14  }
0x1e: {  	s14 =	rddreg [dreg:$0x4]  }
0x1f: {  	s13 =	rddreg [dreg:$0x3];
	s25 =	simm.s32 $0x0  }
.LBB2_4:
0x20: {  	s25 =	sadd.s32 $0x800, s25  }
0x21: {  	p0 =	sne.s32 s25, $0x2000  }
.Ltmp3:
0x22: {  	_ = 	snop;
	(pc) =	sbr.rel @!p0 .LBB2_5-.Ltmp3, $2  }
0x23: {  	_ =	sdelay $0x2  }
0x24: {  	s13 =	sadd.s32 $0x40000, s13;
	s14 =	sadd.s32 $0x20, s14  }
.LBB2_2:
0x25: {  	p0 =	sgt.u32 s14, $0x7C  }
.Ltmp4:
0x26: {  	_ = 	snop;
	(pc) =	sbr.rel @p0 .LBB2_4-.Ltmp4, $1  }
0x27: {  	_ =	sdelay $0x3  }
0x28: {  	s26 =	sadd.s32 s25, s6  }
0x29: {  	[tilespmem:s1], [sflag:$0x1] =	stream.linear.gather [hbm4b:s26+s1], $0x80, $0x38;
	[tilespmem:$0x10400] =	vst v63  }
0x2a: {  	s26 =	sadd.s32 s25, s5  }
0x2b: {  	[tilespmem:s15], [sflag:$0x1] =	stream.linear.gather [hbm4b:s26+s1], $0x80, $0x38;
	[tilespmem:$0x10400] =	vst v63  }
0x2c: {  	s26 =	sadd.s32 s25, s8  }
0x2d: {  	[tilespmem:s16], [sflag:$0x1] =	stream.linear.gather [hbm4b:s26+s1], $0x80, $0x38;
	[tilespmem:$0x10400] =	vst v63  }
0x2e: {  	s26 =	sadd.s32 s25, s7  }
0x2f: {  	[tilespmem:s17], [sflag:$0x1] =	stream.linear.gather [hbm4b:s26+s1], $0x80, $0x38;
	[tilespmem:$0x10400] =	vst v63  }
0x30: {  	s26 =	sadd.s32 s25, s10  }
0x31: {  	[tilespmem:s18], [sflag:$0x1] =	stream.linear.gather [hbm4b:s26+s1], $0x80, $0x38;
	[tilespmem:$0x10400] =	vst v63  }
0x32: {  	s26 =	sadd.s32 s25, s9  }
0x33: {  	[tilespmem:s19], [sflag:$0x1] =	stream.linear.gather [hbm4b:s26+s1], $0x80, $0x38;
	[tilespmem:$0x10400] =	vst v63  }
0x34: {  	s26 =	sadd.s32 s25, s12  }
0x35: {  	[tilespmem:s20], [sflag:$0x1] =	stream.linear.gather [hbm4b:s26+s1], $0x80, $0x38;
	[tilespmem:$0x10400] =	vst v63  }
0x36: {  	s26 =	sadd.s32 s25, s11  }
0x37: {  	[tilespmem:s21], [sflag:$0x1] =	stream.linear.gather [hbm4b:s26+s1], $0x80, $0x38;
	[tilespmem:$0x10400] =	vst v63  }
0x38: {  	_ =	swait.ge [sflag:s22], $0x80  }
0x39: {  	[sflag:s22] =	ssyncset.done $0x0  }
0x3a: {  	[sflag:s22] =	ssyncadd.s32 $0xFFFFFF80  }
0x3b: {  	_ =	swait.ge [sflag:s22], $0x80  }
0x3c: {  	[sflag:s22] =	ssyncset.done $0x0  }
0x3d: {  	[sflag:s22] =	ssyncadd.s32 $0xFFFFFF80  }
0x3e: {  	_ =	swait.ge [sflag:s22], $0x80  }
0x3f: {  	[sflag:s22] =	ssyncset.done $0x0  }
0x40: {  	[sflag:s22] =	ssyncadd.s32 $0xFFFFFF80  }
0x41: {  	_ =	swait.ge [sflag:s22], $0x80  }
0x42: {  	[sflag:s22] =	ssyncset.done $0x0  }
0x43: {  	[sflag:s22] =	ssyncadd.s32 $0xFFFFFF80  }
0x44: {  	_ =	swait.ge [sflag:s22], $0x80  }
0x45: {  	[sflag:s22] =	ssyncset.done $0x0  }
0x46: {  	[sflag:s22] =	ssyncadd.s32 $0xFFFFFF80  }
0x47: {  	_ =	swait.ge [sflag:s22], $0x80  }
0x48: {  	[sflag:s22] =	ssyncset.done $0x0  }
0x49: {  	[sflag:s22] =	ssyncadd.s32 $0xFFFFFF80  }
0x4a: {  	_ =	swait.ge [sflag:s22], $0x80  }
0x4b: {  	[sflag:s22] =	ssyncset.done $0x0  }
0x4c: {  	[sflag:s22] =	ssyncadd.s32 $0xFFFFFF80  }
0x4d: {  	_ =	swait.ge [sflag:s22], $0x80  }
0x4e: {  	[sflag:s22] =	ssyncset.done $0x0  }
0x4f: {  	[sflag:s22] =	ssyncadd.s32 $0xFFFFFF80  }
0x50: {  	[tilespmem:s23], [sflag:$0x2] =	stream.indirect.gather [hbm4b:s3+s16], $0x40, s1, s16, $0xb8;
	[tilespmem:$0x10400] =	vst v63  }
0x51: {  	_ = 	snop  }
0x52: {  	[tilespmem:s24], [sflag:$0x2] =	stream.indirect.gather [hbm4b:s3+s16], $0x40, s15, s16, $0xb8;
	[tilespmem:$0x10400] =	vst v63  }
0x53: {  	s26 =	simm.s32 $0x2400  }
0x54: {  	[tilespmem:s26], [sflag:$0x2] =	stream.indirect.gather [hbm4b:s3+s16], $0x40, s16, s16, $0xb8;
	[tilespmem:$0x10400] =	vst v63  }
0x55: {  	s26 =	simm.s32 $0xA400  }
0x56: {  	[tilespmem:s26], [sflag:$0x2] =	stream.indirect.gather [hbm4b:s3+s16], $0x40, s17, s16, $0xb8;
	[tilespmem:$0x10400] =	vst v63  }
0x57: {  	_ = 	snop  }
0x58: {  	[tilespmem:s28], [sflag:$0x2] =	stream.indirect.gather [hbm4b:s3+s16], $0x40, s18, s16, $0xb8;
	[tilespmem:$0x10400] =	vst v63  }
0x59: {  	_ = 	snop  }
0x5a: {  	[tilespmem:s29], [sflag:$0x2] =	stream.indirect.gather [hbm4b:s3+s16], $0x40, s19, s16, $0xb8;
	[tilespmem:$0x10400] =	vst v63  }
0x5b: {  	_ = 	snop  }
0x5c: {  	[tilespmem:s30], [sflag:$0x2] =	stream.indirect.gather [hbm4b:s3+s16], $0x40, s20, s16, $0xb8;
	[tilespmem:$0x10400] =	vst v63  }
0x5d: {  	_ = 	snop  }
0x5e: {  	[tilespmem:s31], [sflag:$0x2] =	stream.indirect.gather [hbm4b:s3+s16], $0x40, s21, s16, $0xb8;
	[tilespmem:$0x10400] =	vst v63  }
0x5f: {  	_ =	swait.ge [sflag:s0], $0x2000  }
0x60: {  	[sflag:s0] =	ssyncset.done $0x0  }
0x61: {  	[sflag:s0] =	ssyncadd.s32 $0xFFFFE000  }
0x62: {  	_ =	swait.ge [sflag:s0], $0x2000  }
0x63: {  	[sflag:s0] =	ssyncset.done $0x0  }
0x64: {  	[sflag:s0] =	ssyncadd.s32 $0xFFFFE000  }
0x65: {  	_ =	swait.ge [sflag:s0], $0x2000  }
0x66: {  	[sflag:s0] =	ssyncset.done $0x0  }
0x67: {  	[sflag:s0] =	ssyncadd.s32 $0xFFFFE000  }
0x68: {  	_ =	swait.ge [sflag:s0], $0x2000  }
0x69: {  	[sflag:s0] =	ssyncset.done $0x0  }
0x6a: {  	[sflag:s0] =	ssyncadd.s32 $0xFFFFE000  }
0x6b: {  	_ =	swait.ge [sflag:s0], $0x2000  }
0x6c: {  	[sflag:s0] =	ssyncset.done $0x0  }
0x6d: {  	[sflag:s0] =	ssyncadd.s32 $0xFFFFE000  }
0x6e: {  	_ =	swait.ge [sflag:s0], $0x2000  }
0x6f: {  	[sflag:s0] =	ssyncset.done $0x0  }
0x70: {  	[sflag:s0] =	ssyncadd.s32 $0xFFFFE000  }
0x71: {  	_ =	swait.ge [sflag:s0], $0x2000  }
0x72: {  	[sflag:s0] =	ssyncset.done $0x0  }
0x73: {  	[sflag:s0] =	ssyncadd.s32 $0xFFFFE000  }
0x74: {  	_ =	swait.ge [sflag:s0], $0x2000  }
0x75: {  	[sflag:s0] =	ssyncset.done $0x0  }
0x76: {  	s26 =	sadd.s32 $0xFFFFFFF8, s13;
	[sflag:s0] =	ssyncadd.s32 $0xFFFFE000  }
0x77: {  	[hbm4b:s26+s2] =	stream.strided.scatter [tilespmem:s23], [sflag:$0x3], $0x8000, s16, s2, $0x38;
	[tilespmem:$0x10400] =	vst v63  }
0x78: {  	_ = 	snop  }
0x79: {  	[hbm4b:s13+s2] =	stream.strided.scatter [tilespmem:s24], [sflag:$0x3], $0x8000, s16, s2, $0x38;
	[tilespmem:$0x10400] =	vst v63  }
0x7a: {  	_ =	swait.ge [sflag:s4], $0x8000  }
.Ltmp5:
0x7b: {  	[sflag:s4] =	ssyncset.done $0x0;
	(pc) =	sbr.rel .LBB2_4-.Ltmp5, $4  }
0x7c: {  	[sflag:s4] =	ssyncadd.s32 $0xFFFF8000  }
0x7d: {  	_ =	swait.ge [sflag:s4], $0x8000  }
0x7e: {  	[sflag:s4] =	ssyncset.done $0x0  }
0x7f: {  	[sflag:s4] =	ssyncadd.s32 $0xFFFF8000  }
.LBB2_6:
0x80: {  	_ =	sfence.sel $0x180000  }
0x81: {  	[bflag:$0x0] =	sbarrier.arrive $0xFFFF  }
0x82: {  	_ =	strace $0x9000004A  }
0x83: {  	s0 =	stileid.u32;
	[bflag:$0x2] =	sbarrier.arrive $0xFFFF  }
0x84: {  	p0 =	sne.s32 s0, $0x0;
	s0 =	rddreg [dreg:$0x1]  }
0x85: {  	s0 =	sadd.s32 @!p0 $0x100000, s0  }
0x86: {  	[sflag:s0] =	ssyncadd.tile.s32 @!p0 $0x1;
	_ =	shalt  }
.Lfunc_end2:
_tile_overlayer_lowered:
.L_overlay_start_2:
0x87: {  	(tag) =	ssettag $0x2  }
0x88: {  	s0 =	rddreg [dreg:$0x0];
	s2 =	stileid.u32  }
0x89: {  	s1 =	rddreg [dreg:$0x1];
	p0 =	sne.s32 s2, $0x0  }
0x8a: {  	s3 =	rddreg [dreg:$0x2];
	[bflag:$0x3] =	sbarrier.arrive $0xFFFF;
	s2 =	simm.s32 @!p0 $0x1C04  }
0x8b: {  	[timem:s3], [sflag:s2] =	dma.local @!p0 [hbm:s0], s1  }
0x8c: {  	s0 =	simm.s32 @!p0 $0x4  }
0x8d: {  	_ =	swait.ge @!p0 [sflag:s0], s1  }
0x8e: {  	s1 =	ssub.s32 @!p0 $0x0, s1;
	[sflag:s0] =	ssyncset.done @!p0 $0x0  }
0x8f: {  	[sflag:s0] =	ssyncadd.s32 @!p0 s1  }
0x90: {  	[bflag:$0x3] =	sbarrier.arrive $0xFFFF  }
0x91: {  	_ =	shalt  }

// kernel: kernel.19.cloned.1.call-start
scs
__scs_entry_jumppad:
0x0: {  	(pc) =	sbr.rel $0x88, $3  }
0x1: {  	(tag) =	ssettag $0x0;
	lr =	simm.s32 $0x1  }
0x2: {  	[smem:$0x3F9D] =	sst lr;
	_ =	strace $0xD0000000  }
0x3: {  	_ = 	snop  }
0x4: {  	_ = 	snop  }
0x5: {  	_ = 	snop  }
0x6: {  	_ = 	snop  }
0x7: {  	_ = 	snop  }
__scs_overlays_trampoline_lowered:
0x8: {  	[smem:$0x3FAC] =	sst s0  }
0x9: {  	[smem:$0x3FAD] =	sst s1  }
0xa: {  	[smem:$0x3FAE] =	sst s2  }
0xb: {  	[smem:$0x3FAF] =	sst s3  }
0xc: {  	[smem:$0x3FB0] =	sst s4  }
0xd: {  	[smem:$0x3FB1] =	sst s5  }
0xe: {  	[smem:$0x3FB2] =	sst s6  }
0xf: {  	[smem:$0x3FB3] =	sst s7  }
0x10: {  	[smem:$0x3FB4] =	sst s8  }
0x11: {  	[smem:$0x3FB5] =	sst s9;
	s0 =	simm.s32 @!p0 $0x0  }
0x12: {  	s1 =	sld [smem:$0x3F9B];
	s0 =	simm.s32 @p0 $0x1  }
0x13: {  	[smem:$0x3FB6] =	sst s0;
	s0 =	simm.s32 @!p1 $0x0  }
0x14: {  	s2 =	sld [smem:$0x3F9A];
	s0 =	simm.s32 @p1 $0x1  }
0x15: {  	[smem:$0x3FB7] =	sst s0;
	s0 =	simm.s32 @!p2 $0x0  }
0x16: {  	s3 =	sld [smem:$0x3FDB];
	s0 =	simm.s32 @p2 $0x1  }
0x17: {  	s4 =	simm.s32 $0x1BF5;
	[smem:$0x3FB9] =	sst s0  }
0x18: {  	s0 =	sld [smem:$0x3F9C];
	_ =	swait.ge [sflag:s4], $0x0  }
0x19: {  	s7 =	sld [smem:$0x3F9D]  }
0x1a: {  	s8 =	sadd.s32 $0xFFFFE003, lr  }
0x1b: {  	s9 =	sadd.s32 $0xFFFFFEF7, lr;
	s5 =	simm.s32 $0xFFFFFFFF;
	p2 =	slt.u32 s8, $0xFFFFF086  }
0x1c: {  	p1 =	slt.u32 s9, $0xF7A;
	s5 =	simm.s32 @!p2 $0x0  }
0x1d: {  	s5 =	simm.s32 @p1 $0x1;
	p0 =	seq.s32 s7, s2  }
0x1e: {  	s7 =	smul.u32 @!p0 $0xF7A, s2;
	p2 =	seq.s32 @!p0 s5, $0x0  }
0x1f: {  	s9 =	smul.u32 $0xF7A, s1;
	s8 =	simm.s32 @!p0 $0x1BF5;
	p2 =	por !p2, p0  }
0x20: {  	[sflag:s8] =	ssyncset.s32 @!p0 $0xFFFFF086;
	s6 =	sadd.s32 @!p0 s3, s7;
	s7 =	simm.s32 @!p0 $0x108  }
0x21: {  	s3 =	sadd.s32 s3, s9;
	s6 =	sadd.s32 @!p0 $0x88, s6;
	s7 =	simm.s32 @p2 $0x1082  }
0x22: {  	[simem:s7], [sflag:s8] =	dma.local @!p0 [hbm:s6], $0xF7A  }
0x23: {  	s9 =	sor.u32 $0xD0000000, s2;
	s6 =	simm.s32 $0x108;
	_ =	swait.ge @!p0 [sflag:s8], $0x0  }
0x24: {  	s3 =	sadd.s32 $0x88, s3;
	s6 =	simm.s32 @!p1 $0x1082;
	[sflag:s4] =	ssyncset.s32 $0xFFFFF086  }
0x25: {  	[simem:s6], [sflag:s4] =	dma.local [hbm:s3], $0xF7A  }
0x26: {  	[smem:$0x3F9D] =	sst s1;
	(tag) =	ssettag s2;
	_ =	strace s9  }
0x27: {  	s1 =	sld [smem:$0x3FAD]  }
0x28: {  	s2 =	sld [smem:$0x3FAE]  }
0x29: {  	s4 =	sld [smem:$0x3FB0]  }
0x2a: {  	p0 =	seq.s32 s5, $0x0;
	s5 =	sld [smem:$0x3FB1]  }
0x2b: {  	s6 =	sld [smem:$0x3FB2]  }
0x2c: {  	s7 =	sld [smem:$0x3FB3]  }
0x2d: {  	s3 =	simm.s32 $0x108;
	s8 =	sld [smem:$0x3FB4]  }
0x2e: {  	s3 =	simm.s32 @!p0 $0x1082;
	s9 =	sld [smem:$0x3FB5]  }
0x2f: {  	lr =	sadd.s32 s0, s3;
	s0 =	sld [smem:$0x3FAC]  }
0x30: {  	s3 =	sld [smem:$0x3FAF]  }
0x31: {  	[smem:$0x3FB8] =	sst s10  }
0x32: {  	s10 =	sld [smem:$0x3FB6];
	_ =	sdelay $0x3  }
0x33: {  	p0 =	seq.s32 s10, $0x1;
	s10 =	sld [smem:$0x3FB8];
	_ =	sdelay $0x3  }
0x34: {  	[smem:$0x3FB8] =	sst s10  }
0x35: {  	s10 =	sld [smem:$0x3FB7];
	_ =	sdelay $0x3  }
0x36: {  	p1 =	seq.s32 s10, $0x1;
	s10 =	sld [smem:$0x3FB8];
	_ =	sdelay $0x3  }
0x37: {  	[smem:$0x3FB8] =	sst s10  }
0x38: {  	s10 =	sld [smem:$0x3FB9]  }
0x39: {  	_ = 	snop;
	(pc) =	sbr.ind lr, $3  }
0x3a: {  	_ = 	snop  }
0x3b: {  	_ = 	snop  }
0x3c: {  	p2 =	seq.s32 s10, $0x1;
	s10 =	sld [smem:$0x3FB8]  }
0x3d: {  	_ =	shalt  }
0x3e: {  	_ =	shalt  }
0x3f: {  	_ =	shalt  }
0x40: {  	_ =	shalt  }
0x41: {  	_ =	shalt  }
0x42: {  	_ =	shalt  }
0x43: {  	_ =	shalt  }
0x44: {  	_ =	shalt  }
0x45: {  	_ =	shalt  }
0x46: {  	_ =	shalt  }
0x47: {  	_ =	shalt  }
0x48: {  	_ =	shalt  }
0x49: {  	_ =	shalt  }
0x4a: {  	_ =	shalt  }
0x4b: {  	_ =	shalt  }
0x4c: {  	_ =	shalt  }
0x4d: {  	_ =	shalt  }
0x4e: {  	_ =	shalt  }
0x4f: {  	_ =	shalt  }
0x50: {  	_ =	shalt  }
0x51: {  	_ =	shalt  }
0x52: {  	_ =	shalt  }
0x53: {  	_ =	shalt  }
0x54: {  	_ =	shalt  }
0x55: {  	_ =	shalt  }
0x56: {  	_ =	shalt  }
0x57: {  	_ =	shalt  }
0x58: {  	_ =	shalt  }
0x59: {  	_ =	shalt  }
0x5a: {  	_ =	shalt  }
0x5b: {  	_ =	shalt  }
0x5c: {  	_ =	shalt  }
0x5d: {  	_ =	shalt  }
0x5e: {  	_ =	shalt  }
0x5f: {  	_ =	shalt  }
0x60: {  	_ =	shalt  }
0x61: {  	_ =	shalt  }
0x62: {  	_ =	shalt  }
0x63: {  	_ =	shalt  }
0x64: {  	_ =	shalt  }
0x65: {  	_ =	shalt  }
0x66: {  	_ =	shalt  }
0x67: {  	_ =	shalt  }
0x68: {  	_ =	shalt  }
0x69: {  	_ =	shalt  }
0x6a: {  	_ =	shalt  }
0x6b: {  	_ =	shalt  }
0x6c: {  	_ =	shalt  }
0x6d: {  	_ =	shalt  }
0x6e: {  	_ =	shalt  }
0x6f: {  	_ =	shalt  }
0x70: {  	_ =	shalt  }
0x71: {  	_ =	shalt  }
0x72: {  	_ =	shalt  }
0x73: {  	_ =	shalt  }
0x74: {  	_ =	shalt  }
0x75: {  	_ =	shalt  }
0x76: {  	_ =	shalt  }
0x77: {  	_ =	shalt  }
0x78: {  	_ =	shalt  }
0x79: {  	_ =	shalt  }
0x7a: {  	_ =	shalt  }
0x7b: {  	_ =	shalt  }
0x7c: {  	_ =	shalt  }
0x7d: {  	_ =	shalt  }
0x7e: {  	_ =	shalt  }
0x7f: {  	_ =	shalt  }
0x80: {  	_ =	shalt  }
0x81: {  	_ =	shalt  }
0x82: {  	_ =	shalt  }
0x83: {  	_ =	shalt  }
0x84: {  	_ =	shalt  }
0x85: {  	_ =	shalt  }
0x86: {  	_ =	shalt  }
0x87: {  	_ =	shalt  }
.Lfunc_end0:
.L_simem_size_0:
called_computation.2_lowered:
.L_overlay_start_0:
0x88: {  	s2 =	sld [smem:$0x3FD9]  }
0x89: {  	s3 =	sld [smem:$0x3FFE];
	_ =	sdelay $0x1  }
0x8a: {  	s1 =	srdreg.scid  }
0x8b: {  	s0 =	sand.u32 $0x1, s1  }
0x8c: {  	s17 =	sshll.u32 s0, $0xA;
	s2 =	sadd.s32 s3, s2  }
0x8d: {  	s2 =	sadd.s32 s2, s17  }
0x8e: {  	[smem:$0x3FC4] =	sst s2  }
0x8f: {  	_ = 	snop  }
0x90: {  	(tm) =	ssettm $0x1  }
0x91: {  	s18 =	sld [smem:$0x3FFB];
	_ =	sdelay $0x3  }
0x92: {  	_ =	strace s18  }
0x93: {  	s2 =	sld [smem:$0x3FFC];
	_ =	sdelay $0x3  }
0x94: {  	_ =	strace s2  }
0x95: {  	s2 =	sld [smem:$0x3FFD];
	_ =	sdelay $0x3  }
0x96: {  	_ =	strace s2  }
0x97: {  	_ =	strace $0x8FFFFFFF  }
0x98: {  	s19 =	sld [smem:$0x3FDB];
	_ =	sdelay $0x1  }
0x99: {  	s20 =	simm.s32 $_scs_section_size  }
0x9a: {  	s4 =	simm.s32 $_size__tile_overlayer_lowered;
	s5 =	simm.s32 $_tile_overlayer_lowered  }
0x9b: {  	s6 =	simm.s32 $0x1BFF;
	s21 =	sshll.u32 s5, $0x1;
	s3 =	sadd.s32 s20, s19  }
0x9c: {  	s22 =	simm.s32 $0x0;
	s4 =	sshll.u32 s4, $0x1;
	s5 =	sadd.s32 s21, s3  }
0x9d: {  	[timem:s22], [sflag:s6] =	dma.local [hbm:s5], s4  }
0x9e: {  	_ =	swait.ge [sflag:s6], s4  }
0x9f: {  	s4 =	ssub.s32 $0x0, s4;
	[sflag:s6] =	ssyncset.done $0x0  }
0xa0: {  	[sflag:s6] =	ssyncadd.s32 s4;
	_ =	sdelay $0x1  }
0xa1: {  	s23 =	simm.s32 $0x1B8B  }
0xa2: {  	_ =	swait.ge [sflag:s23], $0x1  }
0xa3: {  	[sflag:s23] =	ssyncset.done $0x0  }
0xa4: {  	[sflag:s23] =	ssyncadd.s32 $0xFFFFFFFF  }
0xa5: {  	s4 =	sld [smem:$0x0]  }
0xa6: {  	s5 =	sand.u32 $0xFFFFFFFE, s1  }
0xa7: {  	p0 =	sne.s32 s1, s5  }
0xa8: {  	s5 =	sshll.u32 @p0 s5, $0xE  }
0xa9: {  	s5 =	sadd.s32 @p0 $0x11B8D, s5;
	s6 =	sshll.u32 @p0 s4, $0x11  }
0xaa: {  	s5 =	sor.u32 @p0 s6, s5  }
0xab: {  	[sflag:s5] =	ssyncadd.remote.s32 @p0 $0x1;
	_ =	sdelay $0x1  }
0xac: {  	s5 =	simm.s32 @p0 $0x1B8D  }
0xad: {  	_ =	swait.eq @p0 [sflag:s5], $0x1  }
0xae: {  	[sflag:s5] =	ssyncadd.s32 @p0 $0xFFFFFFFF  }
0xaf: {  	s6 =	sshll.u32 @!p0 s1, $0xE  }
0xb0: {  	s6 =	sor.u32 @!p0 $0x4000, s6;
	s5 =	simm.s32 @!p0 $0x1B8D  }
0xb1: {  	s4 =	sshll.u32 @!p0 s4, $0x11;
	s6 =	sadd.s32 @!p0 $0x11B8D, s6;
	_ =	swait.eq @!p0 [sflag:s5], $0x1  }
0xb2: {  	s4 =	sor.u32 @!p0 s4, s6;
	[sflag:s5] =	ssyncadd.s32 @!p0 $0xFFFFFFFF  }
0xb3: {  	s25 =	simm.s32 $0x1B8E;
	s24 =	sld [smem:$0x3FFE];
	[sflag:s4] =	ssyncadd.remote.s32 @!p0 $0x1  }
0xb4: {  	s26 =	simm.s32 $execute0_lowered;
	[smem:$0x3FD2] =	sst s25  }
0xb5: {  	s5 =	sshll.u32 s26, $0x1;
	_ =	strace $0x8000004C;
	[dreg:$0x1] =	wrdreg $0xFFFFFFFF  }
0xb6: {  	s28 =	simm.s32 $_size_execute0_lowered;
	s3 =	sadd.s32 s3, s5;
	[dreg:$0x0] =	wrdreg $0x0  }
0xb7: {  	s5 =	sshll.u32 s28, $0x1;
	[dreg:$0x2] =	wrdreg s3  }
0xb8: {  	[dreg:$0x3] =	wrdreg s5  }
0xb9: {  	[dreg:$0x4] =	wrdreg $0xC0  }
0xba: {  	_ =	task [dreg:s22], $0x5FFFF  }
0xbb: {  	[dreg:$0x1] =	wrdreg $0xFFFFFFFF  }
0xbc: {  	[dreg:$0x0] =	wrdreg $0x60  }
0xbd: {  	[dreg:$0x2] =	wrdreg s24  }
0xbe: {  	[dreg:$0x3] =	wrdreg $0xB  }
0xbf: {  	_ =	task.clear_ibuf [dreg:s22], $0x4FFFF;
	_ =	strace $0x9000004C  }
0xc0: {  	s29 =	simm.s32 $0xB;
	_ =	strace $0x8000004E  }
0xc1: {  	_ =	swait.ge [sflag:s29], $0x1  }
0xc2: {  	[sflag:s29] =	ssyncadd.s32 $0xFFFFFFFF  }
0xc3: {  	_ =	strace $0x9000004E  }
0xc4: {  	_ =	sfence  }
0xc5: {  	s30 =	sld [smem:$0x0];
	_ =	sdelay $0x2  }
0xc6: {  	s31 =	sshll.u32 s1, $0xD;
	s1 =	sshrl.u32 s1, $0x2  }
0xc7: {  	s4 =	sand.u32 $0x4000, s31;
	s1 =	sadd.s32 s1, s30  }
0xc8: {  	s0 =	sor.u32 s4, s0;
	s1 =	sshll.u32 s1, $0x11  }
0xc9: {  	s0 =	sor.u32 s1, s0  }
0xca: {  	s0 =	sadd.s32 $0x8F2B, s0  }
0xcb: {  	[sflag:s0] =	ssyncadd.remote.s32 $0x1  }
0xcc: {  	_ =	sfence.sel $0xFFFF  }
0xcd: {  	[dreg:$0x0] =	wrdreg $0xFFFFFFFF;
	(pc) =	sbr.abs _section_cstart, $3  }
0xce: {  	[dreg:$0x1] =	wrdreg $0xFFFFFFFF  }
0xcf: {  	_ =	task.clear_ibuf [dreg:s22], $0x2FFFF;
	_ =	strace $0x9FFFFFFF  }
0xd0: {  	(tm) =	ssettm $0x7FFFFFFF  }
0xd1: {  	_ =	shalt  }
tec
execute0_lowered:
.L_overlay_start_1:
0x0: {  	(tag) =	ssettag $0x1  }
0x1: {  	s0 =	rddreg [dreg:$0x0];
	s1 =	simm.s32 $0x0  }
0x2: {  	s2 =	srdreg.scid;
	s9 =	stileid.u32;
	s16 =	simm.s32 $0x80  }
0x3: {  	s17 =	simm.s32 $0x280;
	s18 =	simm.s32 $0x100;
	s19 =	simm.s32 $0x300  }
0x4: {  	s20 =	simm.s32 $0x180;
	s28 =	simm.s32 $0x4400;
	s29 =	simm.s32 $0xC400  }
0x5: {  	s30 =	simm.s32 $0x6400;
	s31 =	simm.s32 $0xE400;
	[smem:$0x7FF] =	sst s1  }
0x6: {  	s3 =	sadd.s32 $0x15E00, s0;
	s4 =	sadd.s32 $0xC000, s0;
	s2 =	sand.u32 $0x1, s2  }
0x7: {  	s11 =	sadd.s32 $0x2200, s0;
	s5 =	sshll.u32 s9, $0xA;
	s7 =	sshll.u32 s9, $0xE  }
0x8: {  	s13 =	sshll.u32 s9, $0x1;
	_ =	strace $0x8000004D;
	s6 =	sshll.u32 s2, $0x9  }
0x9: {  	s8 =	ssub.s32 $0x2, s2;
	s0 =	sadd.s32 s7, s0;
	s15 =	sshll.u32 s2, $0xD  }
0xa: {  	s26 =	sor.u32 s2, s13;
	s2 =	simm.s32 $0x40;
	s10 =	sor.u32 s6, s5  }
0xb: {  	s21 =	sshrl.u32 s8, $0x1;
	s0 =	sadd.s32 s15, s0;
	[dreg:$0x4] =	wrdreg s26  }
0xc: {  	s15 =	simm.s32 $0x200;
	s6 =	sadd.s32 $0x1F400, s10;
	s5 =	ssub.s32 s8, s21  }
0xd: {  	s22 =	sadd.s32 $0x1F480, s10;
	s24 =	sadd.s32 $0x1F500, s10;
	s14 =	sadd.s32 $0x1F580, s10  }
0xe: {  	s0 =	sadd.s32 $0x21D808, s0;
	s21 =	simm.s32 $0x380;
	s6 =	sshrl.u32 s6, $0x3  }
0xf: {  	s5 =	smax.u32 s5, $0x1;
	s23 =	sshrl.u32 s22, $0x3;
	s12 =	sshrl.u32 s24, $0x3  }
0x10: {  	s25 =	sshrl.u32 s14, $0x3;
	[dreg:$0x3] =	wrdreg s0;
	s22 =	simm.s32 $0x1  }
.Ltmp0:
0x11: {  	s24 =	simm.s32 $0x8400;
	s0 =	simm.s32 $0x2;
	(pc) =	sbr.rel .LBB2_1-.Ltmp0, $4  }
0x12: {  	s14 =	simm.s32 $0x0;
	[dreg:$0x2] =	wrdreg s5;
	s5 =	sadd.s32 s6, s11  }
0x13: {  	s6 =	sadd.s32 s6, s4;
	s7 =	sadd.s32 s23, s11;
	s8 =	sadd.s32 s23, s4  }
0x14: {  	s9 =	sadd.s32 s12, s11;
	s10 =	sadd.s32 s12, s4;
	s11 =	sadd.s32 s25, s11  }
0x15: {  	s12 =	sadd.s32 s25, s4;
	s23 =	simm.s32 $0x400;
	s4 =	simm.s32 $0x3  }
.LBB2_5:
0x16: {  	s14 =	rddreg [dreg:$0x5]  }
0x17: {  	s13 =	rddreg [dreg:$0x2];
	s14 =	sadd.s32 $0x1, s14  }
0x18: {  	p0 =	sne.s32 s14, s13  }
.Ltmp1:
0x19: {  	_ = 	snop;
	(pc) =	sbr.rel @!p0 .LBB2_6-.Ltmp1, $1  }
0x1a: {  	_ =	sdelay $0x3  }
.LBB2_1:
.Ltmp2:
0x1b: {  	(pc) =	sbr.rel .LBB2_2-.Ltmp2, $4  }
0x1c: {  	_ = 	snop  }
0x1d: {  	[dreg:$0x5] =	wrdreg s14  }
0x1e: {  	s14 =	rddreg [dreg:$0x4]  }
0x1f: {  	s13 =	rddreg [dreg:$0x3];
	s25 =	simm.s32 $0x0  }
.LBB2_4:
0x20: {  	s25 =	sadd.s32 $0x800, s25  }
0x21: {  	p0 =	sne.s32 s25, $0x2000  }
.Ltmp3:
0x22: {  	_ = 	snop;
	(pc) =	sbr.rel @!p0 .LBB2_5-.Ltmp3, $2  }
0x23: {  	_ =	sdelay $0x2  }
0x24: {  	s13 =	sadd.s32 $0x40000, s13;
	s14 =	sadd.s32 $0x20, s14  }
.LBB2_2:
0x25: {  	p0 =	sgt.u32 s14, $0x7C  }
.Ltmp4:
0x26: {  	_ = 	snop;
	(pc) =	sbr.rel @p0 .LBB2_4-.Ltmp4, $1  }
0x27: {  	_ =	sdelay $0x3  }
0x28: {  	s26 =	sadd.s32 s25, s6  }
0x29: {  	[tilespmem:s1], [sflag:$0x1] =	stream.linear.gather [hbm4b:s26+s1], $0x80, $0x38;
	[tilespmem:$0x10400] =	vst v63  }
0x2a: {  	s26 =	sadd.s32 s25, s5  }
0x2b: {  	[tilespmem:s15], [sflag:$0x1] =	stream.linear.gather [hbm4b:s26+s1], $0x80, $0x38;
	[tilespmem:$0x10400] =	vst v63  }
0x2c: {  	s26 =	sadd.s32 s25, s8  }
0x2d: {  	[tilespmem:s16], [sflag:$0x1] =	stream.linear.gather [hbm4b:s26+s1], $0x80, $0x38;
	[tilespmem:$0x10400] =	vst v63  }
0x2e: {  	s26 =	sadd.s32 s25, s7  }
0x2f: {  	[tilespmem:s17], [sflag:$0x1] =	stream.linear.gather [hbm4b:s26+s1], $0x80, $0x38;
	[tilespmem:$0x10400] =	vst v63  }
0x30: {  	s26 =	sadd.s32 s25, s10  }
0x31: {  	[tilespmem:s18], [sflag:$0x1] =	stream.linear.gather [hbm4b:s26+s1], $0x80, $0x38;
	[tilespmem:$0x10400] =	vst v63  }
0x32: {  	s26 =	sadd.s32 s25, s9  }
0x33: {  	[tilespmem:s19], [sflag:$0x1] =	stream.linear.gather [hbm4b:s26+s1], $0x80, $0x38;
	[tilespmem:$0x10400] =	vst v63  }
0x34: {  	s26 =	sadd.s32 s25, s12  }
0x35: {  	[tilespmem:s20], [sflag:$0x1] =	stream.linear.gather [hbm4b:s26+s1], $0x80, $0x38;
	[tilespmem:$0x10400] =	vst v63  }
0x36: {  	s26 =	sadd.s32 s25, s11  }
0x37: {  	[tilespmem:s21], [sflag:$0x1] =	stream.linear.gather [hbm4b:s26+s1], $0x80, $0x38;
	[tilespmem:$0x10400] =	vst v63  }
0x38: {  	_ =	swait.ge [sflag:s22], $0x80  }
0x39: {  	[sflag:s22] =	ssyncset.done $0x0  }
0x3a: {  	[sflag:s22] =	ssyncadd.s32 $0xFFFFFF80  }
0x3b: {  	_ =	swait.ge [sflag:s22], $0x80  }
0x3c: {  	[sflag:s22] =	ssyncset.done $0x0  }
0x3d: {  	[sflag:s22] =	ssyncadd.s32 $0xFFFFFF80  }
0x3e: {  	_ =	swait.ge [sflag:s22], $0x80  }
0x3f: {  	[sflag:s22] =	ssyncset.done $0x0  }
0x40: {  	[sflag:s22] =	ssyncadd.s32 $0xFFFFFF80  }
0x41: {  	_ =	swait.ge [sflag:s22], $0x80  }
0x42: {  	[sflag:s22] =	ssyncset.done $0x0  }
0x43: {  	[sflag:s22] =	ssyncadd.s32 $0xFFFFFF80  }
0x44: {  	_ =	swait.ge [sflag:s22], $0x80  }
0x45: {  	[sflag:s22] =	ssyncset.done $0x0  }
0x46: {  	[sflag:s22] =	ssyncadd.s32 $0xFFFFFF80  }
0x47: {  	_ =	swait.ge [sflag:s22], $0x80  }
0x48: {  	[sflag:s22] =	ssyncset.done $0x0  }
0x49: {  	[sflag:s22] =	ssyncadd.s32 $0xFFFFFF80  }
0x4a: {  	_ =	swait.ge [sflag:s22], $0x80  }
0x4b: {  	[sflag:s22] =	ssyncset.done $0x0  }
0x4c: {  	[sflag:s22] =	ssyncadd.s32 $0xFFFFFF80  }
0x4d: {  	_ =	swait.ge [sflag:s22], $0x80  }
0x4e: {  	[sflag:s22] =	ssyncset.done $0x0  }
0x4f: {  	[sflag:s22] =	ssyncadd.s32 $0xFFFFFF80  }
0x50: {  	[tilespmem:s23], [sflag:$0x2] =	stream.indirect.gather [hbm4b:s3+s16], $0x40, s1, s16, $0xb8;
	[tilespmem:$0x10400] =	vst v63  }
0x51: {  	_ = 	snop  }
0x52: {  	[tilespmem:s24], [sflag:$0x2] =	stream.indirect.gather [hbm4b:s3+s16], $0x40, s15, s16, $0xb8;
	[tilespmem:$0x10400] =	vst v63  }
0x53: {  	s26 =	simm.s32 $0x2400  }
0x54: {  	[tilespmem:s26], [sflag:$0x2] =	stream.indirect.gather [hbm4b:s3+s16], $0x40, s16, s16, $0xb8;
	[tilespmem:$0x10400] =	vst v63  }
0x55: {  	s26 =	simm.s32 $0xA400  }
0x56: {  	[tilespmem:s26], [sflag:$0x2] =	stream.indirect.gather [hbm4b:s3+s16], $0x40, s17, s16, $0xb8;
	[tilespmem:$0x10400] =	vst v63  }
0x57: {  	_ = 	snop  }
0x58: {  	[tilespmem:s28], [sflag:$0x2] =	stream.indirect.gather [hbm4b:s3+s16], $0x40, s18, s16, $0xb8;
	[tilespmem:$0x10400] =	vst v63  }
0x59: {  	_ = 	snop  }
0x5a: {  	[tilespmem:s29], [sflag:$0x2] =	stream.indirect.gather [hbm4b:s3+s16], $0x40, s19, s16, $0xb8;
	[tilespmem:$0x10400] =	vst v63  }
0x5b: {  	_ = 	snop  }
0x5c: {  	[tilespmem:s30], [sflag:$0x2] =	stream.indirect.gather [hbm4b:s3+s16], $0x40, s20, s16, $0xb8;
	[tilespmem:$0x10400] =	vst v63  }
0x5d: {  	_ = 	snop  }
0x5e: {  	[tilespmem:s31], [sflag:$0x2] =	stream.indirect.gather [hbm4b:s3+s16], $0x40, s21, s16, $0xb8;
	[tilespmem:$0x10400] =	vst v63  }
0x5f: {  	_ =	swait.ge [sflag:s0], $0x2000  }
0x60: {  	[sflag:s0] =	ssyncset.done $0x0  }
0x61: {  	[sflag:s0] =	ssyncadd.s32 $0xFFFFE000  }
0x62: {  	_ =	swait.ge [sflag:s0], $0x2000  }
0x63: {  	[sflag:s0] =	ssyncset.done $0x0  }
0x64: {  	[sflag:s0] =	ssyncadd.s32 $0xFFFFE000  }
0x65: {  	_ =	swait.ge [sflag:s0], $0x2000  }
0x66: {  	[sflag:s0] =	ssyncset.done $0x0  }
0x67: {  	[sflag:s0] =	ssyncadd.s32 $0xFFFFE000  }
0x68: {  	_ =	swait.ge [sflag:s0], $0x2000  }
0x69: {  	[sflag:s0] =	ssyncset.done $0x0  }
0x6a: {  	[sflag:s0] =	ssyncadd.s32 $0xFFFFE000  }
0x6b: {  	_ =	swait.ge [sflag:s0], $0x2000  }
0x6c: {  	[sflag:s0] =	ssyncset.done $0x0  }
0x6d: {  	[sflag:s0] =	ssyncadd.s32 $0xFFFFE000  }
0x6e: {  	_ =	swait.ge [sflag:s0], $0x2000  }
0x6f: {  	[sflag:s0] =	ssyncset.done $0x0  }
0x70: {  	[sflag:s0] =	ssyncadd.s32 $0xFFFFE000  }
0x71: {  	_ =	swait.ge [sflag:s0], $0x2000  }
0x72: {  	[sflag:s0] =	ssyncset.done $0x0  }
0x73: {  	[sflag:s0] =	ssyncadd.s32 $0xFFFFE000  }
0x74: {  	_ =	swait.ge [sflag:s0], $0x2000  }
0x75: {  	[sflag:s0] =	ssyncset.done $0x0  }
0x76: {  	s26 =	sadd.s32 $0xFFFFFFF8, s13;
	[sflag:s0] =	ssyncadd.s32 $0xFFFFE000  }
0x77: {  	[hbm4b:s26+s2] =	stream.strided.scatter [tilespmem:s23], [sflag:$0x3], $0x8000, s16, s2, $0x38;
	[tilespmem:$0x10400] =	vst v63  }
0x78: {  	_ = 	snop  }
0x79: {  	[hbm4b:s13+s2] =	stream.strided.scatter [tilespmem:s24], [sflag:$0x3], $0x8000, s16, s2, $0x38;
	[tilespmem:$0x10400] =	vst v63  }
0x7a: {  	_ =	swait.ge [sflag:s4], $0x8000  }
.Ltmp5:
0x7b: {  	[sflag:s4] =	ssyncset.done $0x0;
	(pc) =	sbr.rel .LBB2_4-.Ltmp5, $4  }
0x7c: {  	[sflag:s4] =	ssyncadd.s32 $0xFFFF8000  }
0x7d: {  	_ =	swait.ge [sflag:s4], $0x8000  }
0x7e: {  	[sflag:s4] =	ssyncset.done $0x0  }
0x7f: {  	[sflag:s4] =	ssyncadd.s32 $0xFFFF8000  }
.LBB2_6:
0x80: {  	_ =	sfence.sel $0x180000  }
0x81: {  	[bflag:$0x0] =	sbarrier.arrive $0xFFFF  }
0x82: {  	_ =	strace $0x9000004D  }
0x83: {  	s0 =	stileid.u32;
	[bflag:$0x2] =	sbarrier.arrive $0xFFFF  }
0x84: {  	p0 =	sne.s32 s0, $0x0;
	s0 =	rddreg [dreg:$0x1]  }
0x85: {  	s0 =	sadd.s32 @!p0 $0x100000, s0  }
0x86: {  	[sflag:s0] =	ssyncadd.tile.s32 @!p0 $0x1;
	_ =	shalt  }
.Lfunc_end2:
_tile_overlayer_lowered:
.L_overlay_start_2:
0x87: {  	(tag) =	ssettag $0x2  }
0x88: {  	s0 =	rddreg [dreg:$0x0];
	s2 =	stileid.u32  }
0x89: {  	s1 =	rddreg [dreg:$0x1];
	p0 =	sne.s32 s2, $0x0  }
0x8a: {  	s3 =	rddreg [dreg:$0x2];
	[bflag:$0x3] =	sbarrier.arrive $0xFFFF;
	s2 =	simm.s32 @!p0 $0x1C04  }
0x8b: {  	[timem:s3], [sflag:s2] =	dma.local @!p0 [hbm:s0], s1  }
0x8c: {  	s0 =	simm.s32 @!p0 $0x4  }
0x8d: {  	_ =	swait.ge @!p0 [sflag:s0], s1  }
0x8e: {  	s1 =	ssub.s32 @!p0 $0x0, s1;
	[sflag:s0] =	ssyncset.done @!p0 $0x0  }
0x8f: {  	[sflag:s0] =	ssyncadd.s32 @!p0 s1  }
0x90: {  	[bflag:$0x3] =	sbarrier.arrive $0xFFFF  }
0x91: {  	_ =	shalt  }

// kernel: kernel.22.cloned.1.call-start
scs
__scs_entry_jumppad:
0x0: {  	(pc) =	sbr.rel $0x88, $3  }
0x1: {  	(tag) =	ssettag $0x0;
	lr =	simm.s32 $0x1  }
0x2: {  	[smem:$0x3F9D] =	sst lr;
	_ =	strace $0xD0000000  }
0x3: {  	_ = 	snop  }
0x4: {  	_ = 	snop  }
0x5: {  	_ = 	snop  }
0x6: {  	_ = 	snop  }
0x7: {  	_ = 	snop  }
__scs_overlays_trampoline_lowered:
0x8: {  	[smem:$0x3FAC] =	sst s0  }
0x9: {  	[smem:$0x3FAD] =	sst s1  }
0xa: {  	[smem:$0x3FAE] =	sst s2  }
0xb: {  	[smem:$0x3FAF] =	sst s3  }
0xc: {  	[smem:$0x3FB0] =	sst s4  }
0xd: {  	[smem:$0x3FB1] =	sst s5  }
0xe: {  	[smem:$0x3FB2] =	sst s6  }
0xf: {  	[smem:$0x3FB3] =	sst s7  }
0x10: {  	[smem:$0x3FB4] =	sst s8  }
0x11: {  	[smem:$0x3FB5] =	sst s9;
	s0 =	simm.s32 @!p0 $0x0  }
0x12: {  	s1 =	sld [smem:$0x3F9B];
	s0 =	simm.s32 @p0 $0x1  }
0x13: {  	[smem:$0x3FB6] =	sst s0;
	s0 =	simm.s32 @!p1 $0x0  }
0x14: {  	s2 =	sld [smem:$0x3F9A];
	s0 =	simm.s32 @p1 $0x1  }
0x15: {  	[smem:$0x3FB7] =	sst s0;
	s0 =	simm.s32 @!p2 $0x0  }
0x16: {  	s3 =	sld [smem:$0x3FDB];
	s0 =	simm.s32 @p2 $0x1  }
0x17: {  	s4 =	simm.s32 $0x1BF5;
	[smem:$0x3FB9] =	sst s0  }
0x18: {  	s0 =	sld [smem:$0x3F9C];
	_ =	swait.ge [sflag:s4], $0x0  }
0x19: {  	s7 =	sld [smem:$0x3F9D]  }
0x1a: {  	s8 =	sadd.s32 $0xFFFFE003, lr  }
0x1b: {  	s9 =	sadd.s32 $0xFFFFFEF7, lr;
	s5 =	simm.s32 $0xFFFFFFFF;
	p2 =	slt.u32 s8, $0xFFFFF086  }
0x1c: {  	p1 =	slt.u32 s9, $0xF7A;
	s5 =	simm.s32 @!p2 $0x0  }
0x1d: {  	s5 =	simm.s32 @p1 $0x1;
	p0 =	seq.s32 s7, s2  }
0x1e: {  	s7 =	smul.u32 @!p0 $0xF7A, s2;
	p2 =	seq.s32 @!p0 s5, $0x0  }
0x1f: {  	s9 =	smul.u32 $0xF7A, s1;
	s8 =	simm.s32 @!p0 $0x1BF5;
	p2 =	por !p2, p0  }
0x20: {  	[sflag:s8] =	ssyncset.s32 @!p0 $0xFFFFF086;
	s6 =	sadd.s32 @!p0 s3, s7;
	s7 =	simm.s32 @!p0 $0x108  }
0x21: {  	s3 =	sadd.s32 s3, s9;
	s6 =	sadd.s32 @!p0 $0x88, s6;
	s7 =	simm.s32 @p2 $0x1082  }
0x22: {  	[simem:s7], [sflag:s8] =	dma.local @!p0 [hbm:s6], $0xF7A  }
0x23: {  	s9 =	sor.u32 $0xD0000000, s2;
	s6 =	simm.s32 $0x108;
	_ =	swait.ge @!p0 [sflag:s8], $0x0  }
0x24: {  	s3 =	sadd.s32 $0x88, s3;
	s6 =	simm.s32 @!p1 $0x1082;
	[sflag:s4] =	ssyncset.s32 $0xFFFFF086  }
0x25: {  	[simem:s6], [sflag:s4] =	dma.local [hbm:s3], $0xF7A  }
0x26: {  	[smem:$0x3F9D] =	sst s1;
	(tag) =	ssettag s2;
	_ =	strace s9  }
0x27: {  	s1 =	sld [smem:$0x3FAD]  }
0x28: {  	s2 =	sld [smem:$0x3FAE]  }
0x29: {  	s4 =	sld [smem:$0x3FB0]  }
0x2a: {  	p0 =	seq.s32 s5, $0x0;
	s5 =	sld [smem:$0x3FB1]  }
0x2b: {  	s6 =	sld [smem:$0x3FB2]  }
0x2c: {  	s7 =	sld [smem:$0x3FB3]  }
0x2d: {  	s3 =	simm.s32 $0x108;
	s8 =	sld [smem:$0x3FB4]  }
0x2e: {  	s3 =	simm.s32 @!p0 $0x1082;
	s9 =	sld [smem:$0x3FB5]  }
0x2f: {  	lr =	sadd.s32 s0, s3;
	s0 =	sld [smem:$0x3FAC]  }
0x30: {  	s3 =	sld [smem:$0x3FAF]  }
0x31: {  	[smem:$0x3FB8] =	sst s10  }
0x32: {  	s10 =	sld [smem:$0x3FB6];
	_ =	sdelay $0x3  }
0x33: {  	p0 =	seq.s32 s10, $0x1;
	s10 =	sld [smem:$0x3FB8];
	_ =	sdelay $0x3  }
0x34: {  	[smem:$0x3FB8] =	sst s10  }
0x35: {  	s10 =	sld [smem:$0x3FB7];
	_ =	sdelay $0x3  }
0x36: {  	p1 =	seq.s32 s10, $0x1;
	s10 =	sld [smem:$0x3FB8];
	_ =	sdelay $0x3  }
0x37: {  	[smem:$0x3FB8] =	sst s10  }
0x38: {  	s10 =	sld [smem:$0x3FB9]  }
0x39: {  	_ = 	snop;
	(pc) =	sbr.ind lr, $3  }
0x3a: {  	_ = 	snop  }
0x3b: {  	_ = 	snop  }
0x3c: {  	p2 =	seq.s32 s10, $0x1;
	s10 =	sld [smem:$0x3FB8]  }
0x3d: {  	_ =	shalt  }
0x3e: {  	_ =	shalt  }
0x3f: {  	_ =	shalt  }
0x40: {  	_ =	shalt  }
0x41: {  	_ =	shalt  }
0x42: {  	_ =	shalt  }
0x43: {  	_ =	shalt  }
0x44: {  	_ =	shalt  }
0x45: {  	_ =	shalt  }
0x46: {  	_ =	shalt  }
0x47: {  	_ =	shalt  }
0x48: {  	_ =	shalt  }
0x49: {  	_ =	shalt  }
0x4a: {  	_ =	shalt  }
0x4b: {  	_ =	shalt  }
0x4c: {  	_ =	shalt  }
0x4d: {  	_ =	shalt  }
0x4e: {  	_ =	shalt  }
0x4f: {  	_ =	shalt  }
0x50: {  	_ =	shalt  }
0x51: {  	_ =	shalt  }
0x52: {  	_ =	shalt  }
0x53: {  	_ =	shalt  }
0x54: {  	_ =	shalt  }
0x55: {  	_ =	shalt  }
0x56: {  	_ =	shalt  }
0x57: {  	_ =	shalt  }
0x58: {  	_ =	shalt  }
0x59: {  	_ =	shalt  }
0x5a: {  	_ =	shalt  }
0x5b: {  	_ =	shalt  }
0x5c: {  	_ =	shalt  }
0x5d: {  	_ =	shalt  }
0x5e: {  	_ =	shalt  }
0x5f: {  	_ =	shalt  }
0x60: {  	_ =	shalt  }
0x61: {  	_ =	shalt  }
0x62: {  	_ =	shalt  }
0x63: {  	_ =	shalt  }
0x64: {  	_ =	shalt  }
0x65: {  	_ =	shalt  }
0x66: {  	_ =	shalt  }
0x67: {  	_ =	shalt  }
0x68: {  	_ =	shalt  }
0x69: {  	_ =	shalt  }
0x6a: {  	_ =	shalt  }
0x6b: {  	_ =	shalt  }
0x6c: {  	_ =	shalt  }
0x6d: {  	_ =	shalt  }
0x6e: {  	_ =	shalt  }
0x6f: {  	_ =	shalt  }
0x70: {  	_ =	shalt  }
0x71: {  	_ =	shalt  }
0x72: {  	_ =	shalt  }
0x73: {  	_ =	shalt  }
0x74: {  	_ =	shalt  }
0x75: {  	_ =	shalt  }
0x76: {  	_ =	shalt  }
0x77: {  	_ =	shalt  }
0x78: {  	_ =	shalt  }
0x79: {  	_ =	shalt  }
0x7a: {  	_ =	shalt  }
0x7b: {  	_ =	shalt  }
0x7c: {  	_ =	shalt  }
0x7d: {  	_ =	shalt  }
0x7e: {  	_ =	shalt  }
0x7f: {  	_ =	shalt  }
0x80: {  	_ =	shalt  }
0x81: {  	_ =	shalt  }
0x82: {  	_ =	shalt  }
0x83: {  	_ =	shalt  }
0x84: {  	_ =	shalt  }
0x85: {  	_ =	shalt  }
0x86: {  	_ =	shalt  }
0x87: {  	_ =	shalt  }
.Lfunc_end0:
.L_simem_size_0:
called_computation.3_lowered:
.L_overlay_start_0:
0x88: {  	s2 =	sld [smem:$0x3FD9]  }
0x89: {  	s3 =	sld [smem:$0x3FFE];
	_ =	sdelay $0x1  }
0x8a: {  	s1 =	srdreg.scid  }
0x8b: {  	s0 =	sand.u32 $0x1, s1  }
0x8c: {  	s17 =	sshll.u32 s0, $0xA;
	s2 =	sadd.s32 s3, s2  }
0x8d: {  	s2 =	sadd.s32 s2, s17  }
0x8e: {  	[smem:$0x3FC4] =	sst s2  }
0x8f: {  	_ = 	snop  }
0x90: {  	(tm) =	ssettm $0x1  }
0x91: {  	s18 =	sld [smem:$0x3FFB];
	_ =	sdelay $0x3  }
0x92: {  	_ =	strace s18  }
0x93: {  	s2 =	sld [smem:$0x3FFC];
	_ =	sdelay $0x3  }
0x94: {  	_ =	strace s2  }
0x95: {  	s2 =	sld [smem:$0x3FFD];
	_ =	sdelay $0x3  }
0x96: {  	_ =	strace s2  }
0x97: {  	_ =	strace $0x8FFFFFFF  }
0x98: {  	s19 =	sld [smem:$0x3FDB];
	_ =	sdelay $0x1  }
0x99: {  	s20 =	simm.s32 $_scs_section_size  }
0x9a: {  	s4 =	simm.s32 $_size__tile_overlayer_lowered;
	s5 =	simm.s32 $_tile_overlayer_lowered  }
0x9b: {  	s6 =	simm.s32 $0x1BFF;
	s21 =	sshll.u32 s5, $0x1;
	s3 =	sadd.s32 s20, s19  }
0x9c: {  	s22 =	simm.s32 $0x0;
	s4 =	sshll.u32 s4, $0x1;
	s5 =	sadd.s32 s21, s3  }
0x9d: {  	[timem:s22], [sflag:s6] =	dma.local [hbm:s5], s4  }
0x9e: {  	_ =	swait.ge [sflag:s6], s4  }
0x9f: {  	s4 =	ssub.s32 $0x0, s4;
	[sflag:s6] =	ssyncset.done $0x0  }
0xa0: {  	[sflag:s6] =	ssyncadd.s32 s4;
	_ =	sdelay $0x1  }
0xa1: {  	s23 =	simm.s32 $0x1B8B  }
0xa2: {  	_ =	swait.ge [sflag:s23], $0x1  }
0xa3: {  	[sflag:s23] =	ssyncset.done $0x0  }
0xa4: {  	[sflag:s23] =	ssyncadd.s32 $0xFFFFFFFF  }
0xa5: {  	s4 =	sld [smem:$0x0]  }
0xa6: {  	s5 =	sand.u32 $0xFFFFFFFE, s1  }
0xa7: {  	p0 =	sne.s32 s1, s5  }
0xa8: {  	s5 =	sshll.u32 @p0 s5, $0xE  }
0xa9: {  	s5 =	sadd.s32 @p0 $0x11B8D, s5;
	s6 =	sshll.u32 @p0 s4, $0x11  }
0xaa: {  	s5 =	sor.u32 @p0 s6, s5  }
0xab: {  	[sflag:s5] =	ssyncadd.remote.s32 @p0 $0x1;
	_ =	sdelay $0x1  }
0xac: {  	s5 =	simm.s32 @p0 $0x1B8D  }
0xad: {  	_ =	swait.eq @p0 [sflag:s5], $0x1  }
0xae: {  	[sflag:s5] =	ssyncadd.s32 @p0 $0xFFFFFFFF  }
0xaf: {  	s6 =	sshll.u32 @!p0 s1, $0xE  }
0xb0: {  	s6 =	sor.u32 @!p0 $0x4000, s6;
	s5 =	simm.s32 @!p0 $0x1B8D  }
0xb1: {  	s4 =	sshll.u32 @!p0 s4, $0x11;
	s6 =	sadd.s32 @!p0 $0x11B8D, s6;
	_ =	swait.eq @!p0 [sflag:s5], $0x1  }
0xb2: {  	s4 =	sor.u32 @!p0 s4, s6;
	[sflag:s5] =	ssyncadd.s32 @!p0 $0xFFFFFFFF  }
0xb3: {  	s25 =	simm.s32 $0x1B8E;
	s24 =	sld [smem:$0x3FFE];
	[sflag:s4] =	ssyncadd.remote.s32 @!p0 $0x1  }
0xb4: {  	s26 =	simm.s32 $execute0_lowered;
	[smem:$0x3FD2] =	sst s25  }
0xb5: {  	s5 =	sshll.u32 s26, $0x1;
	_ =	strace $0x8000004F;
	[dreg:$0x1] =	wrdreg $0xFFFFFFFF  }
0xb6: {  	s28 =	simm.s32 $_size_execute0_lowered;
	s3 =	sadd.s32 s3, s5;
	[dreg:$0x0] =	wrdreg $0x0  }
0xb7: {  	s5 =	sshll.u32 s28, $0x1;
	[dreg:$0x2] =	wrdreg s3  }
0xb8: {  	[dreg:$0x3] =	wrdreg s5  }
0xb9: {  	[dreg:$0x4] =	wrdreg $0xC0  }
0xba: {  	_ =	task [dreg:s22], $0x5FFFF  }
0xbb: {  	[dreg:$0x1] =	wrdreg $0xFFFFFFFF  }
0xbc: {  	[dreg:$0x0] =	wrdreg $0x60  }
0xbd: {  	[dreg:$0x2] =	wrdreg s24  }
0xbe: {  	[dreg:$0x3] =	wrdreg $0xC  }
0xbf: {  	_ =	task.clear_ibuf [dreg:s22], $0x4FFFF;
	_ =	strace $0x9000004F  }
0xc0: {  	s29 =	simm.s32 $0xC;
	_ =	strace $0x80000051  }
0xc1: {  	_ =	swait.ge [sflag:s29], $0x1  }
0xc2: {  	[sflag:s29] =	ssyncadd.s32 $0xFFFFFFFF  }
0xc3: {  	_ =	strace $0x90000051  }
0xc4: {  	_ =	sfence  }
0xc5: {  	s30 =	sld [smem:$0x0];
	_ =	sdelay $0x2  }
0xc6: {  	s31 =	sshll.u32 s1, $0xD;
	s1 =	sshrl.u32 s1, $0x2  }
0xc7: {  	s4 =	sand.u32 $0x4000, s31;
	s1 =	sadd.s32 s1, s30  }
0xc8: {  	s0 =	sor.u32 s4, s0;
	s1 =	sshll.u32 s1, $0x11  }
0xc9: {  	s0 =	sor.u32 s1, s0  }
0xca: {  	s0 =	sadd.s32 $0x8F2B, s0  }
0xcb: {  	[sflag:s0] =	ssyncadd.remote.s32 $0x1  }
0xcc: {  	_ =	sfence.sel $0xFFFF  }
0xcd: {  	[dreg:$0x0] =	wrdreg $0xFFFFFFFF;
	(pc) =	sbr.abs _section_cstart, $3  }
0xce: {  	[dreg:$0x1] =	wrdreg $0xFFFFFFFF  }
0xcf: {  	_ =	task.clear_ibuf [dreg:s22], $0x2FFFF;
	_ =	strace $0x9FFFFFFF  }
0xd0: {  	(tm) =	ssettm $0x7FFFFFFF  }
0xd1: {  	_ =	shalt  }
tec
execute0_lowered:
.L_overlay_start_1:
0x0: {  	(tag) =	ssettag $0x1  }
0x1: {  	s0 =	rddreg [dreg:$0x0];
	s1 =	simm.s32 $0x0  }
0x2: {  	s2 =	srdreg.scid;
	s9 =	stileid.u32;
	s16 =	simm.s32 $0x80  }
0x3: {  	s17 =	simm.s32 $0x280;
	s18 =	simm.s32 $0x100;
	s19 =	simm.s32 $0x300  }
0x4: {  	s20 =	simm.s32 $0x180;
	s28 =	simm.s32 $0x4400;
	s29 =	simm.s32 $0xC400  }
0x5: {  	s30 =	simm.s32 $0x6400;
	s31 =	simm.s32 $0xE400;
	[smem:$0x7FF] =	sst s1  }
0x6: {  	s3 =	sadd.s32 $0x15E00, s0;
	s4 =	sadd.s32 $0xC000, s0;
	s2 =	sand.u32 $0x1, s2  }
0x7: {  	s11 =	sadd.s32 $0x2200, s0;
	s5 =	sshll.u32 s9, $0xA;
	s7 =	sshll.u32 s9, $0xE  }
0x8: {  	s13 =	sshll.u32 s9, $0x1;
	_ =	strace $0x80000050;
	s6 =	sshll.u32 s2, $0x9  }
0x9: {  	s8 =	ssub.s32 $0x2, s2;
	s0 =	sadd.s32 s7, s0;
	s15 =	sshll.u32 s2, $0xD  }
0xa: {  	s26 =	sor.u32 s2, s13;
	s2 =	simm.s32 $0x40;
	s10 =	sor.u32 s6, s5  }
0xb: {  	s21 =	sshrl.u32 s8, $0x1;
	s0 =	sadd.s32 s15, s0;
	[dreg:$0x4] =	wrdreg s26  }
0xc: {  	s15 =	simm.s32 $0x200;
	s6 =	sadd.s32 $0x2EE00, s10;
	s5 =	ssub.s32 s8, s21  }
0xd: {  	s22 =	sadd.s32 $0x2EE80, s10;
	s24 =	sadd.s32 $0x2EF00, s10;
	s14 =	sadd.s32 $0x2EF80, s10  }
0xe: {  	s0 =	sadd.s32 $0x317808, s0;
	s21 =	simm.s32 $0x380;
	s6 =	sshrl.u32 s6, $0x3  }
0xf: {  	s5 =	smax.u32 s5, $0x1;
	s23 =	sshrl.u32 s22, $0x3;
	s12 =	sshrl.u32 s24, $0x3  }
0x10: {  	s25 =	sshrl.u32 s14, $0x3;
	[dreg:$0x3] =	wrdreg s0;
	s22 =	simm.s32 $0x1  }
.Ltmp0:
0x11: {  	s24 =	simm.s32 $0x8400;
	s0 =	simm.s32 $0x2;
	(pc) =	sbr.rel .LBB2_1-.Ltmp0, $4  }
0x12: {  	s14 =	simm.s32 $0x0;
	[dreg:$0x2] =	wrdreg s5;
	s5 =	sadd.s32 s6, s11  }
0x13: {  	s6 =	sadd.s32 s6, s4;
	s7 =	sadd.s32 s23, s11;
	s8 =	sadd.s32 s23, s4  }
0x14: {  	s9 =	sadd.s32 s12, s11;
	s10 =	sadd.s32 s12, s4;
	s11 =	sadd.s32 s25, s11  }
0x15: {  	s12 =	sadd.s32 s25, s4;
	s23 =	simm.s32 $0x400;
	s4 =	simm.s32 $0x3  }
.LBB2_5:
0x16: {  	s14 =	rddreg [dreg:$0x5]  }
0x17: {  	s13 =	rddreg [dreg:$0x2];
	s14 =	sadd.s32 $0x1, s14  }
0x18: {  	p0 =	sne.s32 s14, s13  }
.Ltmp1:
0x19: {  	_ = 	snop;
	(pc) =	sbr.rel @!p0 .LBB2_6-.Ltmp1, $1  }
0x1a: {  	_ =	sdelay $0x3  }
.LBB2_1:
.Ltmp2:
0x1b: {  	(pc) =	sbr.rel .LBB2_2-.Ltmp2, $4  }
0x1c: {  	_ = 	snop  }
0x1d: {  	[dreg:$0x5] =	wrdreg s14  }
0x1e: {  	s14 =	rddreg [dreg:$0x4]  }
0x1f: {  	s13 =	rddreg [dreg:$0x3];
	s25 =	simm.s32 $0x0  }
.LBB2_4:
0x20: {  	s25 =	sadd.s32 $0x800, s25  }
0x21: {  	p0 =	sne.s32 s25, $0x2000  }
.Ltmp3:
0x22: {  	_ = 	snop;
	(pc) =	sbr.rel @!p0 .LBB2_5-.Ltmp3, $2  }
0x23: {  	_ =	sdelay $0x2  }
0x24: {  	s13 =	sadd.s32 $0x40000, s13;
	s14 =	sadd.s32 $0x20, s14  }
.LBB2_2:
0x25: {  	p0 =	sgt.u32 s14, $0x7C  }
.Ltmp4:
0x26: {  	_ = 	snop;
	(pc) =	sbr.rel @p0 .LBB2_4-.Ltmp4, $1  }
0x27: {  	_ =	sdelay $0x3  }
0x28: {  	s26 =	sadd.s32 s25, s6  }
0x29: {  	[tilespmem:s1], [sflag:$0x1] =	stream.linear.gather [hbm4b:s26+s1], $0x80, $0x38;
	[tilespmem:$0x10400] =	vst v63  }
0x2a: {  	s26 =	sadd.s32 s25, s5  }
0x2b: {  	[tilespmem:s15], [sflag:$0x1] =	stream.linear.gather [hbm4b:s26+s1], $0x80, $0x38;
	[tilespmem:$0x10400] =	vst v63  }
0x2c: {  	s26 =	sadd.s32 s25, s8  }
0x2d: {  	[tilespmem:s16], [sflag:$0x1] =	stream.linear.gather [hbm4b:s26+s1], $0x80, $0x38;
	[tilespmem:$0x10400] =	vst v63  }
0x2e: {  	s26 =	sadd.s32 s25, s7  }
0x2f: {  	[tilespmem:s17], [sflag:$0x1] =	stream.linear.gather [hbm4b:s26+s1], $0x80, $0x38;
	[tilespmem:$0x10400] =	vst v63  }
0x30: {  	s26 =	sadd.s32 s25, s10  }
0x31: {  	[tilespmem:s18], [sflag:$0x1] =	stream.linear.gather [hbm4b:s26+s1], $0x80, $0x38;
	[tilespmem:$0x10400] =	vst v63  }
0x32: {  	s26 =	sadd.s32 s25, s9  }
0x33: {  	[tilespmem:s19], [sflag:$0x1] =	stream.linear.gather [hbm4b:s26+s1], $0x80, $0x38;
	[tilespmem:$0x10400] =	vst v63  }
0x34: {  	s26 =	sadd.s32 s25, s12  }
0x35: {  	[tilespmem:s20], [sflag:$0x1] =	stream.linear.gather [hbm4b:s26+s1], $0x80, $0x38;
	[tilespmem:$0x10400] =	vst v63  }
0x36: {  	s26 =	sadd.s32 s25, s11  }
0x37: {  	[tilespmem:s21], [sflag:$0x1] =	stream.linear.gather [hbm4b:s26+s1], $0x80, $0x38;
	[tilespmem:$0x10400] =	vst v63  }
0x38: {  	_ =	swait.ge [sflag:s22], $0x80  }
0x39: {  	[sflag:s22] =	ssyncset.done $0x0  }
0x3a: {  	[sflag:s22] =	ssyncadd.s32 $0xFFFFFF80  }
0x3b: {  	_ =	swait.ge [sflag:s22], $0x80  }
0x3c: {  	[sflag:s22] =	ssyncset.done $0x0  }
0x3d: {  	[sflag:s22] =	ssyncadd.s32 $0xFFFFFF80  }
0x3e: {  	_ =	swait.ge [sflag:s22], $0x80  }
0x3f: {  	[sflag:s22] =	ssyncset.done $0x0  }
0x40: {  	[sflag:s22] =	ssyncadd.s32 $0xFFFFFF80  }
0x41: {  	_ =	swait.ge [sflag:s22], $0x80  }
0x42: {  	[sflag:s22] =	ssyncset.done $0x0  }
0x43: {  	[sflag:s22] =	ssyncadd.s32 $0xFFFFFF80  }
0x44: {  	_ =	swait.ge [sflag:s22], $0x80  }
0x45: {  	[sflag:s22] =	ssyncset.done $0x0  }
0x46: {  	[sflag:s22] =	ssyncadd.s32 $0xFFFFFF80  }
0x47: {  	_ =	swait.ge [sflag:s22], $0x80  }
0x48: {  	[sflag:s22] =	ssyncset.done $0x0  }
0x49: {  	[sflag:s22] =	ssyncadd.s32 $0xFFFFFF80  }
0x4a: {  	_ =	swait.ge [sflag:s22], $0x80  }
0x4b: {  	[sflag:s22] =	ssyncset.done $0x0  }
0x4c: {  	[sflag:s22] =	ssyncadd.s32 $0xFFFFFF80  }
0x4d: {  	_ =	swait.ge [sflag:s22], $0x80  }
0x4e: {  	[sflag:s22] =	ssyncset.done $0x0  }
0x4f: {  	[sflag:s22] =	ssyncadd.s32 $0xFFFFFF80  }
0x50: {  	[tilespmem:s23], [sflag:$0x2] =	stream.indirect.gather [hbm4b:s3+s16], $0x40, s1, s16, $0xb8;
	[tilespmem:$0x10400] =	vst v63  }
0x51: {  	_ = 	snop  }
0x52: {  	[tilespmem:s24], [sflag:$0x2] =	stream.indirect.gather [hbm4b:s3+s16], $0x40, s15, s16, $0xb8;
	[tilespmem:$0x10400] =	vst v63  }
0x53: {  	s26 =	simm.s32 $0x2400  }
0x54: {  	[tilespmem:s26], [sflag:$0x2] =	stream.indirect.gather [hbm4b:s3+s16], $0x40, s16, s16, $0xb8;
	[tilespmem:$0x10400] =	vst v63  }
0x55: {  	s26 =	simm.s32 $0xA400  }
0x56: {  	[tilespmem:s26], [sflag:$0x2] =	stream.indirect.gather [hbm4b:s3+s16], $0x40, s17, s16, $0xb8;
	[tilespmem:$0x10400] =	vst v63  }
0x57: {  	_ = 	snop  }
0x58: {  	[tilespmem:s28], [sflag:$0x2] =	stream.indirect.gather [hbm4b:s3+s16], $0x40, s18, s16, $0xb8;
	[tilespmem:$0x10400] =	vst v63  }
0x59: {  	_ = 	snop  }
0x5a: {  	[tilespmem:s29], [sflag:$0x2] =	stream.indirect.gather [hbm4b:s3+s16], $0x40, s19, s16, $0xb8;
	[tilespmem:$0x10400] =	vst v63  }
0x5b: {  	_ = 	snop  }
0x5c: {  	[tilespmem:s30], [sflag:$0x2] =	stream.indirect.gather [hbm4b:s3+s16], $0x40, s20, s16, $0xb8;
	[tilespmem:$0x10400] =	vst v63  }
0x5d: {  	_ = 	snop  }
0x5e: {  	[tilespmem:s31], [sflag:$0x2] =	stream.indirect.gather [hbm4b:s3+s16], $0x40, s21, s16, $0xb8;
	[tilespmem:$0x10400] =	vst v63  }
0x5f: {  	_ =	swait.ge [sflag:s0], $0x2000  }
0x60: {  	[sflag:s0] =	ssyncset.done $0x0  }
0x61: {  	[sflag:s0] =	ssyncadd.s32 $0xFFFFE000  }
0x62: {  	_ =	swait.ge [sflag:s0], $0x2000  }
0x63: {  	[sflag:s0] =	ssyncset.done $0x0  }
0x64: {  	[sflag:s0] =	ssyncadd.s32 $0xFFFFE000  }
0x65: {  	_ =	swait.ge [sflag:s0], $0x2000  }
0x66: {  	[sflag:s0] =	ssyncset.done $0x0  }
0x67: {  	[sflag:s0] =	ssyncadd.s32 $0xFFFFE000  }
0x68: {  	_ =	swait.ge [sflag:s0], $0x2000  }
0x69: {  	[sflag:s0] =	ssyncset.done $0x0  }
0x6a: {  	[sflag:s0] =	ssyncadd.s32 $0xFFFFE000  }
0x6b: {  	_ =	swait.ge [sflag:s0], $0x2000  }
0x6c: {  	[sflag:s0] =	ssyncset.done $0x0  }
0x6d: {  	[sflag:s0] =	ssyncadd.s32 $0xFFFFE000  }
0x6e: {  	_ =	swait.ge [sflag:s0], $0x2000  }
0x6f: {  	[sflag:s0] =	ssyncset.done $0x0  }
0x70: {  	[sflag:s0] =	ssyncadd.s32 $0xFFFFE000  }
0x71: {  	_ =	swait.ge [sflag:s0], $0x2000  }
0x72: {  	[sflag:s0] =	ssyncset.done $0x0  }
0x73: {  	[sflag:s0] =	ssyncadd.s32 $0xFFFFE000  }
0x74: {  	_ =	swait.ge [sflag:s0], $0x2000  }
0x75: {  	[sflag:s0] =	ssyncset.done $0x0  }
0x76: {  	s26 =	sadd.s32 $0xFFFFFFF8, s13;
	[sflag:s0] =	ssyncadd.s32 $0xFFFFE000  }
0x77: {  	[hbm4b:s26+s2] =	stream.strided.scatter [tilespmem:s23], [sflag:$0x3], $0x8000, s16, s2, $0x38;
	[tilespmem:$0x10400] =	vst v63  }
0x78: {  	_ = 	snop  }
0x79: {  	[hbm4b:s13+s2] =	stream.strided.scatter [tilespmem:s24], [sflag:$0x3], $0x8000, s16, s2, $0x38;
	[tilespmem:$0x10400] =	vst v63  }
0x7a: {  	_ =	swait.ge [sflag:s4], $0x8000  }
.Ltmp5:
0x7b: {  	[sflag:s4] =	ssyncset.done $0x0;
	(pc) =	sbr.rel .LBB2_4-.Ltmp5, $4  }
0x7c: {  	[sflag:s4] =	ssyncadd.s32 $0xFFFF8000  }
0x7d: {  	_ =	swait.ge [sflag:s4], $0x8000  }
0x7e: {  	[sflag:s4] =	ssyncset.done $0x0  }
0x7f: {  	[sflag:s4] =	ssyncadd.s32 $0xFFFF8000  }
.LBB2_6:
0x80: {  	_ =	sfence.sel $0x180000  }
0x81: {  	[bflag:$0x0] =	sbarrier.arrive $0xFFFF  }
0x82: {  	_ =	strace $0x90000050  }
0x83: {  	s0 =	stileid.u32;
	[bflag:$0x2] =	sbarrier.arrive $0xFFFF  }
0x84: {  	p0 =	sne.s32 s0, $0x0;
	s0 =	rddreg [dreg:$0x1]  }
0x85: {  	s0 =	sadd.s32 @!p0 $0x100000, s0  }
0x86: {  	[sflag:s0] =	ssyncadd.tile.s32 @!p0 $0x1;
	_ =	shalt  }
.Lfunc_end2:
_tile_overlayer_lowered:
.L_overlay_start_2:
0x87: {  	(tag) =	ssettag $0x2  }
0x88: {  	s0 =	rddreg [dreg:$0x0];
	s2 =	stileid.u32  }
0x89: {  	s1 =	rddreg [dreg:$0x1];
	p0 =	sne.s32 s2, $0x0  }
0x8a: {  	s3 =	rddreg [dreg:$0x2];
	[bflag:$0x3] =	sbarrier.arrive $0xFFFF;
	s2 =	simm.s32 @!p0 $0x1C04  }
0x8b: {  	[timem:s3], [sflag:s2] =	dma.local @!p0 [hbm:s0], s1  }
0x8c: {  	s0 =	simm.s32 @!p0 $0x4  }
0x8d: {  	_ =	swait.ge @!p0 [sflag:s0], s1  }
0x8e: {  	s1 =	ssub.s32 @!p0 $0x0, s1;
	[sflag:s0] =	ssyncset.done @!p0 $0x0  }
0x8f: {  	[sflag:s0] =	ssyncadd.s32 @!p0 s1  }
0x90: {  	[bflag:$0x3] =	sbarrier.arrive $0xFFFF  }
0x91: {  	_ =	shalt  }

// kernel: kernel.25.cloned.1.call-start
scs
__scs_entry_jumppad:
0x0: {  	(pc) =	sbr.rel $0x88, $3  }
0x1: {  	(tag) =	ssettag $0x0;
	lr =	simm.s32 $0x1  }
0x2: {  	[smem:$0x3F9D] =	sst lr;
	_ =	strace $0xD0000000  }
0x3: {  	_ = 	snop  }
0x4: {  	_ = 	snop  }
0x5: {  	_ = 	snop  }
0x6: {  	_ = 	snop  }
0x7: {  	_ = 	snop  }
__scs_overlays_trampoline_lowered:
0x8: {  	[smem:$0x3FAC] =	sst s0  }
0x9: {  	[smem:$0x3FAD] =	sst s1  }
0xa: {  	[smem:$0x3FAE] =	sst s2  }
0xb: {  	[smem:$0x3FAF] =	sst s3  }
0xc: {  	[smem:$0x3FB0] =	sst s4  }
0xd: {  	[smem:$0x3FB1] =	sst s5  }
0xe: {  	[smem:$0x3FB2] =	sst s6  }
0xf: {  	[smem:$0x3FB3] =	sst s7  }
0x10: {  	[smem:$0x3FB4] =	sst s8  }
0x11: {  	[smem:$0x3FB5] =	sst s9;
	s0 =	simm.s32 @!p0 $0x0  }
0x12: {  	s1 =	sld [smem:$0x3F9B];
	s0 =	simm.s32 @p0 $0x1  }
0x13: {  	[smem:$0x3FB6] =	sst s0;
	s0 =	simm.s32 @!p1 $0x0  }
0x14: {  	s2 =	sld [smem:$0x3F9A];
	s0 =	simm.s32 @p1 $0x1  }
0x15: {  	[smem:$0x3FB7] =	sst s0;
	s0 =	simm.s32 @!p2 $0x0  }
0x16: {  	s3 =	sld [smem:$0x3FDB];
	s0 =	simm.s32 @p2 $0x1  }
0x17: {  	s4 =	simm.s32 $0x1BF5;
	[smem:$0x3FB9] =	sst s0  }
0x18: {  	s0 =	sld [smem:$0x3F9C];
	_ =	swait.ge [sflag:s4], $0x0  }
0x19: {  	s7 =	sld [smem:$0x3F9D]  }
0x1a: {  	s8 =	sadd.s32 $0xFFFFE003, lr  }
0x1b: {  	s9 =	sadd.s32 $0xFFFFFEF7, lr;
	s5 =	simm.s32 $0xFFFFFFFF;
	p2 =	slt.u32 s8, $0xFFFFF086  }
0x1c: {  	p1 =	slt.u32 s9, $0xF7A;
	s5 =	simm.s32 @!p2 $0x0  }
0x1d: {  	s5 =	simm.s32 @p1 $0x1;
	p0 =	seq.s32 s7, s2  }
0x1e: {  	s7 =	smul.u32 @!p0 $0xF7A, s2;
	p2 =	seq.s32 @!p0 s5, $0x0  }
0x1f: {  	s9 =	smul.u32 $0xF7A, s1;
	s8 =	simm.s32 @!p0 $0x1BF5;
	p2 =	por !p2, p0  }
0x20: {  	[sflag:s8] =	ssyncset.s32 @!p0 $0xFFFFF086;
	s6 =	sadd.s32 @!p0 s3, s7;
	s7 =	simm.s32 @!p0 $0x108  }
0x21: {  	s3 =	sadd.s32 s3, s9;
	s6 =	sadd.s32 @!p0 $0x88, s6;
	s7 =	simm.s32 @p2 $0x1082  }
0x22: {  	[simem:s7], [sflag:s8] =	dma.local @!p0 [hbm:s6], $0xF7A  }
0x23: {  	s9 =	sor.u32 $0xD0000000, s2;
	s6 =	simm.s32 $0x108;
	_ =	swait.ge @!p0 [sflag:s8], $0x0  }
0x24: {  	s3 =	sadd.s32 $0x88, s3;
	s6 =	simm.s32 @!p1 $0x1082;
	[sflag:s4] =	ssyncset.s32 $0xFFFFF086  }
0x25: {  	[simem:s6], [sflag:s4] =	dma.local [hbm:s3], $0xF7A  }
0x26: {  	[smem:$0x3F9D] =	sst s1;
	(tag) =	ssettag s2;
	_ =	strace s9  }
0x27: {  	s1 =	sld [smem:$0x3FAD]  }
0x28: {  	s2 =	sld [smem:$0x3FAE]  }
0x29: {  	s4 =	sld [smem:$0x3FB0]  }
0x2a: {  	p0 =	seq.s32 s5, $0x0;
	s5 =	sld [smem:$0x3FB1]  }
0x2b: {  	s6 =	sld [smem:$0x3FB2]  }
0x2c: {  	s7 =	sld [smem:$0x3FB3]  }
0x2d: {  	s3 =	simm.s32 $0x108;
	s8 =	sld [smem:$0x3FB4]  }
0x2e: {  	s3 =	simm.s32 @!p0 $0x1082;
	s9 =	sld [smem:$0x3FB5]  }
0x2f: {  	lr =	sadd.s32 s0, s3;
	s0 =	sld [smem:$0x3FAC]  }
0x30: {  	s3 =	sld [smem:$0x3FAF]  }
0x31: {  	[smem:$0x3FB8] =	sst s10  }
0x32: {  	s10 =	sld [smem:$0x3FB6];
	_ =	sdelay $0x3  }
0x33: {  	p0 =	seq.s32 s10, $0x1;
	s10 =	sld [smem:$0x3FB8];
	_ =	sdelay $0x3  }
0x34: {  	[smem:$0x3FB8] =	sst s10  }
0x35: {  	s10 =	sld [smem:$0x3FB7];
	_ =	sdelay $0x3  }
0x36: {  	p1 =	seq.s32 s10, $0x1;
	s10 =	sld [smem:$0x3FB8];
	_ =	sdelay $0x3  }
0x37: {  	[smem:$0x3FB8] =	sst s10  }
0x38: {  	s10 =	sld [smem:$0x3FB9]  }
0x39: {  	_ = 	snop;
	(pc) =	sbr.ind lr, $3  }
0x3a: {  	_ = 	snop  }
0x3b: {  	_ = 	snop  }
0x3c: {  	p2 =	seq.s32 s10, $0x1;
	s10 =	sld [smem:$0x3FB8]  }
0x3d: {  	_ =	shalt  }
0x3e: {  	_ =	shalt  }
0x3f: {  	_ =	shalt  }
0x40: {  	_ =	shalt  }
0x41: {  	_ =	shalt  }
0x42: {  	_ =	shalt  }
0x43: {  	_ =	shalt  }
0x44: {  	_ =	shalt  }
0x45: {  	_ =	shalt  }
0x46: {  	_ =	shalt  }
0x47: {  	_ =	shalt  }
0x48: {  	_ =	shalt  }
0x49: {  	_ =	shalt  }
0x4a: {  	_ =	shalt  }
0x4b: {  	_ =	shalt  }
0x4c: {  	_ =	shalt  }
0x4d: {  	_ =	shalt  }
0x4e: {  	_ =	shalt  }
0x4f: {  	_ =	shalt  }
0x50: {  	_ =	shalt  }
0x51: {  	_ =	shalt  }
0x52: {  	_ =	shalt  }
0x53: {  	_ =	shalt  }
0x54: {  	_ =	shalt  }
0x55: {  	_ =	shalt  }
0x56: {  	_ =	shalt  }
0x57: {  	_ =	shalt  }
0x58: {  	_ =	shalt  }
0x59: {  	_ =	shalt  }
0x5a: {  	_ =	shalt  }
0x5b: {  	_ =	shalt  }
0x5c: {  	_ =	shalt  }
0x5d: {  	_ =	shalt  }
0x5e: {  	_ =	shalt  }
0x5f: {  	_ =	shalt  }
0x60: {  	_ =	shalt  }
0x61: {  	_ =	shalt  }
0x62: {  	_ =	shalt  }
0x63: {  	_ =	shalt  }
0x64: {  	_ =	shalt  }
0x65: {  	_ =	shalt  }
0x66: {  	_ =	shalt  }
0x67: {  	_ =	shalt  }
0x68: {  	_ =	shalt  }
0x69: {  	_ =	shalt  }
0x6a: {  	_ =	shalt  }
0x6b: {  	_ =	shalt  }
0x6c: {  	_ =	shalt  }
0x6d: {  	_ =	shalt  }
0x6e: {  	_ =	shalt  }
0x6f: {  	_ =	shalt  }
0x70: {  	_ =	shalt  }
0x71: {  	_ =	shalt  }
0x72: {  	_ =	shalt  }
0x73: {  	_ =	shalt  }
0x74: {  	_ =	shalt  }
0x75: {  	_ =	shalt  }
0x76: {  	_ =	shalt  }
0x77: {  	_ =	shalt  }
0x78: {  	_ =	shalt  }
0x79: {  	_ =	shalt  }
0x7a: {  	_ =	shalt  }
0x7b: {  	_ =	shalt  }
0x7c: {  	_ =	shalt  }
0x7d: {  	_ =	shalt  }
0x7e: {  	_ =	shalt  }
0x7f: {  	_ =	shalt  }
0x80: {  	_ =	shalt  }
0x81: {  	_ =	shalt  }
0x82: {  	_ =	shalt  }
0x83: {  	_ =	shalt  }
0x84: {  	_ =	shalt  }
0x85: {  	_ =	shalt  }
0x86: {  	_ =	shalt  }
0x87: {  	_ =	shalt  }
.Lfunc_end0:
.L_simem_size_0:
called_computation.4_lowered:
.L_overlay_start_0:
0x88: {  	s2 =	sld [smem:$0x3FD9]  }
0x89: {  	s3 =	sld [smem:$0x3FFE];
	_ =	sdelay $0x1  }
0x8a: {  	s1 =	srdreg.scid  }
0x8b: {  	s0 =	sand.u32 $0x1, s1  }
0x8c: {  	s17 =	sshll.u32 s0, $0xA;
	s2 =	sadd.s32 s3, s2  }
0x8d: {  	s2 =	sadd.s32 s2, s17  }
0x8e: {  	[smem:$0x3FC4] =	sst s2  }
0x8f: {  	_ = 	snop  }
0x90: {  	(tm) =	ssettm $0x1  }
0x91: {  	s18 =	sld [smem:$0x3FFB];
	_ =	sdelay $0x3  }
0x92: {  	_ =	strace s18  }
0x93: {  	s2 =	sld [smem:$0x3FFC];
	_ =	sdelay $0x3  }
0x94: {  	_ =	strace s2  }
0x95: {  	s2 =	sld [smem:$0x3FFD];
	_ =	sdelay $0x3  }
0x96: {  	_ =	strace s2  }
0x97: {  	_ =	strace $0x8FFFFFFF  }
0x98: {  	s19 =	sld [smem:$0x3FDB];
	_ =	sdelay $0x1  }
0x99: {  	s20 =	simm.s32 $_scs_section_size  }
0x9a: {  	s4 =	simm.s32 $_size__tile_overlayer_lowered;
	s5 =	simm.s32 $_tile_overlayer_lowered  }
0x9b: {  	s6 =	simm.s32 $0x1BFF;
	s21 =	sshll.u32 s5, $0x1;
	s3 =	sadd.s32 s20, s19  }
0x9c: {  	s22 =	simm.s32 $0x0;
	s4 =	sshll.u32 s4, $0x1;
	s5 =	sadd.s32 s21, s3  }
0x9d: {  	[timem:s22], [sflag:s6] =	dma.local [hbm:s5], s4  }
0x9e: {  	_ =	swait.ge [sflag:s6], s4  }
0x9f: {  	s4 =	ssub.s32 $0x0, s4;
	[sflag:s6] =	ssyncset.done $0x0  }
0xa0: {  	[sflag:s6] =	ssyncadd.s32 s4;
	_ =	sdelay $0x1  }
0xa1: {  	s23 =	simm.s32 $0x1B8B  }
0xa2: {  	_ =	swait.ge [sflag:s23], $0x1  }
0xa3: {  	[sflag:s23] =	ssyncset.done $0x0  }
0xa4: {  	[sflag:s23] =	ssyncadd.s32 $0xFFFFFFFF  }
0xa5: {  	s4 =	sld [smem:$0x0]  }
0xa6: {  	s5 =	sand.u32 $0xFFFFFFFE, s1  }
0xa7: {  	p0 =	sne.s32 s1, s5  }
0xa8: {  	s5 =	sshll.u32 @p0 s5, $0xE  }
0xa9: {  	s5 =	sadd.s32 @p0 $0x11B8D, s5;
	s6 =	sshll.u32 @p0 s4, $0x11  }
0xaa: {  	s5 =	sor.u32 @p0 s6, s5  }
0xab: {  	[sflag:s5] =	ssyncadd.remote.s32 @p0 $0x1;
	_ =	sdelay $0x1  }
0xac: {  	s5 =	simm.s32 @p0 $0x1B8D  }
0xad: {  	_ =	swait.eq @p0 [sflag:s5], $0x1  }
0xae: {  	[sflag:s5] =	ssyncadd.s32 @p0 $0xFFFFFFFF  }
0xaf: {  	s6 =	sshll.u32 @!p0 s1, $0xE  }
0xb0: {  	s6 =	sor.u32 @!p0 $0x4000, s6;
	s5 =	simm.s32 @!p0 $0x1B8D  }
0xb1: {  	s4 =	sshll.u32 @!p0 s4, $0x11;
	s6 =	sadd.s32 @!p0 $0x11B8D, s6;
	_ =	swait.eq @!p0 [sflag:s5], $0x1  }
0xb2: {  	s4 =	sor.u32 @!p0 s4, s6;
	[sflag:s5] =	ssyncadd.s32 @!p0 $0xFFFFFFFF  }
0xb3: {  	s25 =	simm.s32 $0x1B8E;
	s24 =	sld [smem:$0x3FFE];
	[sflag:s4] =	ssyncadd.remote.s32 @!p0 $0x1  }
0xb4: {  	s26 =	simm.s32 $execute0_lowered;
	[smem:$0x3FD2] =	sst s25  }
0xb5: {  	s5 =	sshll.u32 s26, $0x1;
	_ =	strace $0x80000052;
	[dreg:$0x1] =	wrdreg $0xFFFFFFFF  }
0xb6: {  	s28 =	simm.s32 $_size_execute0_lowered;
	s3 =	sadd.s32 s3, s5;
	[dreg:$0x0] =	wrdreg $0x0  }
0xb7: {  	s5 =	sshll.u32 s28, $0x1;
	[dreg:$0x2] =	wrdreg s3  }
0xb8: {  	[dreg:$0x3] =	wrdreg s5  }
0xb9: {  	[dreg:$0x4] =	wrdreg $0xC0  }
0xba: {  	_ =	task [dreg:s22], $0x5FFFF  }
0xbb: {  	[dreg:$0x1] =	wrdreg $0xFFFFFFFF  }
0xbc: {  	[dreg:$0x0] =	wrdreg $0x60  }
0xbd: {  	[dreg:$0x2] =	wrdreg s24  }
0xbe: {  	[dreg:$0x3] =	wrdreg $0xD  }
0xbf: {  	_ =	task.clear_ibuf [dreg:s22], $0x4FFFF;
	_ =	strace $0x90000052  }
0xc0: {  	s29 =	simm.s32 $0xD;
	_ =	strace $0x80000054  }
0xc1: {  	_ =	swait.ge [sflag:s29], $0x1  }
0xc2: {  	[sflag:s29] =	ssyncadd.s32 $0xFFFFFFFF  }
0xc3: {  	_ =	strace $0x90000054  }
0xc4: {  	_ =	sfence  }
0xc5: {  	s30 =	sld [smem:$0x0];
	_ =	sdelay $0x2  }
0xc6: {  	s31 =	sshll.u32 s1, $0xD;
	s1 =	sshrl.u32 s1, $0x2  }
0xc7: {  	s4 =	sand.u32 $0x4000, s31;
	s1 =	sadd.s32 s1, s30  }
0xc8: {  	s0 =	sor.u32 s4, s0;
	s1 =	sshll.u32 s1, $0x11  }
0xc9: {  	s0 =	sor.u32 s1, s0  }
0xca: {  	s0 =	sadd.s32 $0x8F2B, s0  }
0xcb: {  	[sflag:s0] =	ssyncadd.remote.s32 $0x1  }
0xcc: {  	_ =	sfence.sel $0xFFFF  }
0xcd: {  	[dreg:$0x0] =	wrdreg $0xFFFFFFFF;
	(pc) =	sbr.abs _section_cstart, $3  }
0xce: {  	[dreg:$0x1] =	wrdreg $0xFFFFFFFF  }
0xcf: {  	_ =	task.clear_ibuf [dreg:s22], $0x2FFFF;
	_ =	strace $0x9FFFFFFF  }
0xd0: {  	(tm) =	ssettm $0x7FFFFFFF  }
0xd1: {  	_ =	shalt  }
tec
execute0_lowered:
.L_overlay_start_1:
0x0: {  	(tag) =	ssettag $0x1  }
0x1: {  	s0 =	rddreg [dreg:$0x0];
	s1 =	simm.s32 $0x0  }
0x2: {  	s2 =	srdreg.scid;
	s9 =	stileid.u32;
	s16 =	simm.s32 $0x80  }
0x3: {  	s17 =	simm.s32 $0x280;
	s18 =	simm.s32 $0x100;
	s19 =	simm.s32 $0x300  }
0x4: {  	s20 =	simm.s32 $0x180;
	s28 =	simm.s32 $0x4400;
	s29 =	simm.s32 $0xC400  }
0x5: {  	s30 =	simm.s32 $0x6400;
	s31 =	simm.s32 $0xE400;
	[smem:$0x7FF] =	sst s1  }
0x6: {  	s3 =	sadd.s32 $0x15E00, s0;
	s4 =	sadd.s32 $0xC000, s0;
	s2 =	sand.u32 $0x1, s2  }
0x7: {  	s11 =	sadd.s32 $0x2200, s0;
	s5 =	sshll.u32 s9, $0xA;
	s7 =	sshll.u32 s9, $0xE  }
0x8: {  	s13 =	sshll.u32 s9, $0x1;
	_ =	strace $0x80000053;
	s6 =	sshll.u32 s2, $0x9  }
0x9: {  	s8 =	ssub.s32 $0x2, s2;
	s0 =	sadd.s32 s7, s0;
	s15 =	sshll.u32 s2, $0xD  }
0xa: {  	s26 =	sor.u32 s2, s13;
	s2 =	simm.s32 $0x40;
	s10 =	sor.u32 s6, s5  }
0xb: {  	s21 =	sshrl.u32 s8, $0x1;
	s0 =	sadd.s32 s15, s0;
	[dreg:$0x4] =	wrdreg s26  }
0xc: {  	s15 =	simm.s32 $0x200;
	s6 =	sadd.s32 $0x3E800, s10;
	s5 =	ssub.s32 s8, s21  }
0xd: {  	s22 =	sadd.s32 $0x3E880, s10;
	s24 =	sadd.s32 $0x3E900, s10;
	s14 =	sadd.s32 $0x3E980, s10  }
0xe: {  	s0 =	sadd.s32 $0x411808, s0;
	s21 =	simm.s32 $0x380;
	s6 =	sshrl.u32 s6, $0x3  }
0xf: {  	s5 =	smax.u32 s5, $0x1;
	s23 =	sshrl.u32 s22, $0x3;
	s12 =	sshrl.u32 s24, $0x3  }
0x10: {  	s25 =	sshrl.u32 s14, $0x3;
	[dreg:$0x3] =	wrdreg s0;
	s22 =	simm.s32 $0x1  }
.Ltmp0:
0x11: {  	s24 =	simm.s32 $0x8400;
	s0 =	simm.s32 $0x2;
	(pc) =	sbr.rel .LBB2_1-.Ltmp0, $4  }
0x12: {  	s14 =	simm.s32 $0x0;
	[dreg:$0x2] =	wrdreg s5;
	s5 =	sadd.s32 s6, s11  }
0x13: {  	s6 =	sadd.s32 s6, s4;
	s7 =	sadd.s32 s23, s11;
	s8 =	sadd.s32 s23, s4  }
0x14: {  	s9 =	sadd.s32 s12, s11;
	s10 =	sadd.s32 s12, s4;
	s11 =	sadd.s32 s25, s11  }
0x15: {  	s12 =	sadd.s32 s25, s4;
	s23 =	simm.s32 $0x400;
	s4 =	simm.s32 $0x3  }
.LBB2_5:
0x16: {  	s14 =	rddreg [dreg:$0x5]  }
0x17: {  	s13 =	rddreg [dreg:$0x2];
	s14 =	sadd.s32 $0x1, s14  }
0x18: {  	p0 =	sne.s32 s14, s13  }
.Ltmp1:
0x19: {  	_ = 	snop;
	(pc) =	sbr.rel @!p0 .LBB2_6-.Ltmp1, $1  }
0x1a: {  	_ =	sdelay $0x3  }
.LBB2_1:
.Ltmp2:
0x1b: {  	(pc) =	sbr.rel .LBB2_2-.Ltmp2, $4  }
0x1c: {  	_ = 	snop  }
0x1d: {  	[dreg:$0x5] =	wrdreg s14  }
0x1e: {  	s14 =	rddreg [dreg:$0x4]  }
0x1f: {  	s13 =	rddreg [dreg:$0x3];
	s25 =	simm.s32 $0x0  }
.LBB2_4:
0x20: {  	s25 =	sadd.s32 $0x800, s25  }
0x21: {  	p0 =	sne.s32 s25, $0x2000  }
.Ltmp3:
0x22: {  	_ = 	snop;
	(pc) =	sbr.rel @!p0 .LBB2_5-.Ltmp3, $2  }
0x23: {  	_ =	sdelay $0x2  }
0x24: {  	s13 =	sadd.s32 $0x40000, s13;
	s14 =	sadd.s32 $0x20, s14  }
.LBB2_2:
0x25: {  	p0 =	sgt.u32 s14, $0x7C  }
.Ltmp4:
0x26: {  	_ = 	snop;
	(pc) =	sbr.rel @p0 .LBB2_4-.Ltmp4, $1  }
0x27: {  	_ =	sdelay $0x3  }
0x28: {  	s26 =	sadd.s32 s25, s6  }
0x29: {  	[tilespmem:s1], [sflag:$0x1] =	stream.linear.gather [hbm4b:s26+s1], $0x80, $0x38;
	[tilespmem:$0x10400] =	vst v63  }
0x2a: {  	s26 =	sadd.s32 s25, s5  }
0x2b: {  	[tilespmem:s15], [sflag:$0x1] =	stream.linear.gather [hbm4b:s26+s1], $0x80, $0x38;
	[tilespmem:$0x10400] =	vst v63  }
0x2c: {  	s26 =	sadd.s32 s25, s8  }
0x2d: {  	[tilespmem:s16], [sflag:$0x1] =	stream.linear.gather [hbm4b:s26+s1], $0x80, $0x38;
	[tilespmem:$0x10400] =	vst v63  }
0x2e: {  	s26 =	sadd.s32 s25, s7  }
0x2f: {  	[tilespmem:s17], [sflag:$0x1] =	stream.linear.gather [hbm4b:s26+s1], $0x80, $0x38;
	[tilespmem:$0x10400] =	vst v63  }
0x30: {  	s26 =	sadd.s32 s25, s10  }
0x31: {  	[tilespmem:s18], [sflag:$0x1] =	stream.linear.gather [hbm4b:s26+s1], $0x80, $0x38;
	[tilespmem:$0x10400] =	vst v63  }
0x32: {  	s26 =	sadd.s32 s25, s9  }
0x33: {  	[tilespmem:s19], [sflag:$0x1] =	stream.linear.gather [hbm4b:s26+s1], $0x80, $0x38;
	[tilespmem:$0x10400] =	vst v63  }
0x34: {  	s26 =	sadd.s32 s25, s12  }
0x35: {  	[tilespmem:s20], [sflag:$0x1] =	stream.linear.gather [hbm4b:s26+s1], $0x80, $0x38;
	[tilespmem:$0x10400] =	vst v63  }
0x36: {  	s26 =	sadd.s32 s25, s11  }
0x37: {  	[tilespmem:s21], [sflag:$0x1] =	stream.linear.gather [hbm4b:s26+s1], $0x80, $0x38;
	[tilespmem:$0x10400] =	vst v63  }
0x38: {  	_ =	swait.ge [sflag:s22], $0x80  }
0x39: {  	[sflag:s22] =	ssyncset.done $0x0  }
0x3a: {  	[sflag:s22] =	ssyncadd.s32 $0xFFFFFF80  }
0x3b: {  	_ =	swait.ge [sflag:s22], $0x80  }
0x3c: {  	[sflag:s22] =	ssyncset.done $0x0  }
0x3d: {  	[sflag:s22] =	ssyncadd.s32 $0xFFFFFF80  }
0x3e: {  	_ =	swait.ge [sflag:s22], $0x80  }
0x3f: {  	[sflag:s22] =	ssyncset.done $0x0  }
0x40: {  	[sflag:s22] =	ssyncadd.s32 $0xFFFFFF80  }
0x41: {  	_ =	swait.ge [sflag:s22], $0x80  }
0x42: {  	[sflag:s22] =	ssyncset.done $0x0  }
0x43: {  	[sflag:s22] =	ssyncadd.s32 $0xFFFFFF80  }
0x44: {  	_ =	swait.ge [sflag:s22], $0x80  }
0x45: {  	[sflag:s22] =	ssyncset.done $0x0  }
0x46: {  	[sflag:s22] =	ssyncadd.s32 $0xFFFFFF80  }
0x47: {  	_ =	swait.ge [sflag:s22], $0x80  }
0x48: {  	[sflag:s22] =	ssyncset.done $0x0  }
0x49: {  	[sflag:s22] =	ssyncadd.s32 $0xFFFFFF80  }
0x4a: {  	_ =	swait.ge [sflag:s22], $0x80  }
0x4b: {  	[sflag:s22] =	ssyncset.done $0x0  }
0x4c: {  	[sflag:s22] =	ssyncadd.s32 $0xFFFFFF80  }
0x4d: {  	_ =	swait.ge [sflag:s22], $0x80  }
0x4e: {  	[sflag:s22] =	ssyncset.done $0x0  }
0x4f: {  	[sflag:s22] =	ssyncadd.s32 $0xFFFFFF80  }
0x50: {  	[tilespmem:s23], [sflag:$0x2] =	stream.indirect.gather [hbm4b:s3+s16], $0x40, s1, s16, $0xb8;
	[tilespmem:$0x10400] =	vst v63  }
0x51: {  	_ = 	snop  }
0x52: {  	[tilespmem:s24], [sflag:$0x2] =	stream.indirect.gather [hbm4b:s3+s16], $0x40, s15, s16, $0xb8;
	[tilespmem:$0x10400] =	vst v63  }
0x53: {  	s26 =	simm.s32 $0x2400  }
0x54: {  	[tilespmem:s26], [sflag:$0x2] =	stream.indirect.gather [hbm4b:s3+s16], $0x40, s16, s16, $0xb8;
	[tilespmem:$0x10400] =	vst v63  }
0x55: {  	s26 =	simm.s32 $0xA400  }
0x56: {  	[tilespmem:s26], [sflag:$0x2] =	stream.indirect.gather [hbm4b:s3+s16], $0x40, s17, s16, $0xb8;
	[tilespmem:$0x10400] =	vst v63  }
0x57: {  	_ = 	snop  }
0x58: {  	[tilespmem:s28], [sflag:$0x2] =	stream.indirect.gather [hbm4b:s3+s16], $0x40, s18, s16, $0xb8;
	[tilespmem:$0x10400] =	vst v63  }
0x59: {  	_ = 	snop  }
0x5a: {  	[tilespmem:s29], [sflag:$0x2] =	stream.indirect.gather [hbm4b:s3+s16], $0x40, s19, s16, $0xb8;
	[tilespmem:$0x10400] =	vst v63  }
0x5b: {  	_ = 	snop  }
0x5c: {  	[tilespmem:s30], [sflag:$0x2] =	stream.indirect.gather [hbm4b:s3+s16], $0x40, s20, s16, $0xb8;
	[tilespmem:$0x10400] =	vst v63  }
0x5d: {  	_ = 	snop  }
0x5e: {  	[tilespmem:s31], [sflag:$0x2] =	stream.indirect.gather [hbm4b:s3+s16], $0x40, s21, s16, $0xb8;
	[tilespmem:$0x10400] =	vst v63  }
0x5f: {  	_ =	swait.ge [sflag:s0], $0x2000  }
0x60: {  	[sflag:s0] =	ssyncset.done $0x0  }
0x61: {  	[sflag:s0] =	ssyncadd.s32 $0xFFFFE000  }
0x62: {  	_ =	swait.ge [sflag:s0], $0x2000  }
0x63: {  	[sflag:s0] =	ssyncset.done $0x0  }
0x64: {  	[sflag:s0] =	ssyncadd.s32 $0xFFFFE000  }
0x65: {  	_ =	swait.ge [sflag:s0], $0x2000  }
0x66: {  	[sflag:s0] =	ssyncset.done $0x0  }
0x67: {  	[sflag:s0] =	ssyncadd.s32 $0xFFFFE000  }
0x68: {  	_ =	swait.ge [sflag:s0], $0x2000  }
0x69: {  	[sflag:s0] =	ssyncset.done $0x0  }
0x6a: {  	[sflag:s0] =	ssyncadd.s32 $0xFFFFE000  }
0x6b: {  	_ =	swait.ge [sflag:s0], $0x2000  }
0x6c: {  	[sflag:s0] =	ssyncset.done $0x0  }
0x6d: {  	[sflag:s0] =	ssyncadd.s32 $0xFFFFE000  }
0x6e: {  	_ =	swait.ge [sflag:s0], $0x2000  }
0x6f: {  	[sflag:s0] =	ssyncset.done $0x0  }
0x70: {  	[sflag:s0] =	ssyncadd.s32 $0xFFFFE000  }
0x71: {  	_ =	swait.ge [sflag:s0], $0x2000  }
0x72: {  	[sflag:s0] =	ssyncset.done $0x0  }
0x73: {  	[sflag:s0] =	ssyncadd.s32 $0xFFFFE000  }
0x74: {  	_ =	swait.ge [sflag:s0], $0x2000  }
0x75: {  	[sflag:s0] =	ssyncset.done $0x0  }
0x76: {  	s26 =	sadd.s32 $0xFFFFFFF8, s13;
	[sflag:s0] =	ssyncadd.s32 $0xFFFFE000  }
0x77: {  	[hbm4b:s26+s2] =	stream.strided.scatter [tilespmem:s23], [sflag:$0x3], $0x8000, s16, s2, $0x38;
	[tilespmem:$0x10400] =	vst v63  }
0x78: {  	_ = 	snop  }
0x79: {  	[hbm4b:s13+s2] =	stream.strided.scatter [tilespmem:s24], [sflag:$0x3], $0x8000, s16, s2, $0x38;
	[tilespmem:$0x10400] =	vst v63  }
0x7a: {  	_ =	swait.ge [sflag:s4], $0x8000  }
.Ltmp5:
0x7b: {  	[sflag:s4] =	ssyncset.done $0x0;
	(pc) =	sbr.rel .LBB2_4-.Ltmp5, $4  }
0x7c: {  	[sflag:s4] =	ssyncadd.s32 $0xFFFF8000  }
0x7d: {  	_ =	swait.ge [sflag:s4], $0x8000  }
0x7e: {  	[sflag:s4] =	ssyncset.done $0x0  }
0x7f: {  	[sflag:s4] =	ssyncadd.s32 $0xFFFF8000  }
.LBB2_6:
0x80: {  	_ =	sfence.sel $0x180000  }
0x81: {  	[bflag:$0x0] =	sbarrier.arrive $0xFFFF  }
0x82: {  	_ =	strace $0x90000053  }
0x83: {  	s0 =	stileid.u32;
	[bflag:$0x2] =	sbarrier.arrive $0xFFFF  }
0x84: {  	p0 =	sne.s32 s0, $0x0;
	s0 =	rddreg [dreg:$0x1]  }
0x85: {  	s0 =	sadd.s32 @!p0 $0x100000, s0  }
0x86: {  	[sflag:s0] =	ssyncadd.tile.s32 @!p0 $0x1;
	_ =	shalt  }
.Lfunc_end2:
_tile_overlayer_lowered:
.L_overlay_start_2:
0x87: {  	(tag) =	ssettag $0x2  }
0x88: {  	s0 =	rddreg [dreg:$0x0];
	s2 =	stileid.u32  }
0x89: {  	s1 =	rddreg [dreg:$0x1];
	p0 =	sne.s32 s2, $0x0  }
0x8a: {  	s3 =	rddreg [dreg:$0x2];
	[bflag:$0x3] =	sbarrier.arrive $0xFFFF;
	s2 =	simm.s32 @!p0 $0x1C04  }
0x8b: {  	[timem:s3], [sflag:s2] =	dma.local @!p0 [hbm:s0], s1  }
0x8c: {  	s0 =	simm.s32 @!p0 $0x4  }
0x8d: {  	_ =	swait.ge @!p0 [sflag:s0], s1  }
0x8e: {  	s1 =	ssub.s32 @!p0 $0x0, s1;
	[sflag:s0] =	ssyncset.done @!p0 $0x0  }
0x8f: {  	[sflag:s0] =	ssyncadd.s32 @!p0 s1  }
0x90: {  	[bflag:$0x3] =	sbarrier.arrive $0xFFFF  }
0x91: {  	_ =	shalt  }

</sc_bundles>
